<compile_context>
chip_gen: v7x
topology: tpu7x:2x2x1
jax: 0.10.2.dev20260603
libtpu: 0.0.44.dev20260713+nightly
codegen_flags: <defaults>
</compile_context>

<pallas_src>
import functools

import jax
import jax.numpy as jnp
from jax.experimental import pallas as pl
from jax.experimental.pallas import tpu as pltpu
from jax.experimental.pallas import tpu_sc as plsc

_B, _T, _D = 2, 2048, 1024
_E, _TOPK, _HID = 8, 2, 2048
_N = _B * _T
_NP = _N * _TOPK
_TM = 256
_NTILES = _NP // _TM + _E
_NROWS = _NTILES * _TM
_NW = 32


def _router_kernel(x_ref, wr_ref, br_ref, noise_ref, i_ref, s_ref):
    logits = jnp.dot(x_ref[...], wr_ref[...], preferred_element_type=jnp.float32)
    logits = logits + br_ref[...] + noise_ref[...]
    m = jnp.max(logits, axis=-1, keepdims=True)
    ex = jnp.exp(logits - m)
    sm = ex / jnp.sum(ex, axis=-1, keepdims=True)
    e_iota = jax.lax.broadcasted_iota(jnp.int32, sm.shape, 1)
    m1 = jnp.max(sm, axis=-1, keepdims=True)
    i1 = jnp.min(jnp.where(sm == m1, e_iota, _E), axis=-1, keepdims=True)
    sm2 = jnp.where(e_iota == i1, -jnp.inf, sm)
    m2 = jnp.max(sm2, axis=-1, keepdims=True)
    i2 = jnp.min(jnp.where(sm2 == m2, e_iota, _E), axis=-1, keepdims=True)
    i_ref[...] = jnp.concatenate([i1, i2], axis=1)
    s_ref[...] = jnp.concatenate([m1, m2], axis=1)


_SQRT_HALF = 0.7071067811865476


def _gelu(v):
    return 0.5 * v * (1.0 + jax.lax.erf(v * _SQRT_HALF))


def _ffn_kernel(eref, x_ref, w1_ref, b1_ref, w2_ref, b2_ref, o_ref):
    del eref
    h = jnp.dot(x_ref[...].astype(jnp.bfloat16), w1_ref[0].astype(jnp.bfloat16),
                preferred_element_type=jnp.float32)
    h = _gelu(h + b1_ref[0])
    o = jnp.dot(h.astype(jnp.bfloat16), w2_ref[0].astype(jnp.bfloat16),
                preferred_element_type=jnp.float32)
    o_ref[...] = o + b2_ref[0]


def _ln_kernel(c_ref, s_ref, x_ref, g_ref, b_ref, o_ref):
    c = c_ref[...].astype(jnp.float32)
    s = s_ref[...]
    y = c[:, :_D] * s[:, 0:1] + c[:, _D:] * s[:, 1:2] + x_ref[...]
    mu = jnp.mean(y, axis=-1, keepdims=True)
    yc = y - mu
    var = jnp.mean(yc * yc, axis=-1, keepdims=True)
    o_ref[...] = yc * jax.lax.rsqrt(var + 1e-5) * g_ref[...] + b_ref[...]


def _meta_kernel(idx_ref, slot_ref, eot_ref):
    n_chunks = _N // _TM
    erow = jax.lax.broadcasted_iota(jnp.int32, (1, _E), 1)
    r_i = jax.lax.broadcasted_iota(jnp.int32, (_TM, _TM), 0)
    c_i = jax.lax.broadcasted_iota(jnp.int32, (_TM, _TM), 1)
    ltri = (r_i > c_i).astype(jnp.float32)
    base = jnp.zeros((1, _E), jnp.float32)
    ranks = []
    ohs = []
    for c in range(n_chunks):
        blk = idx_ref[c * _TM:(c + 1) * _TM, :]
        oh1 = (blk[:, 0:1] == erow).astype(jnp.float32)
        oh2 = (blk[:, 1:2] == erow).astype(jnp.float32)
        before = jnp.dot(ltri, oh1 + oh2, preferred_element_type=jnp.float32)
        r1 = before + base
        r2 = r1 + oh1
        rank1 = jnp.sum(r1 * oh1, axis=1, keepdims=True)
        rank2 = jnp.sum(r2 * oh2, axis=1, keepdims=True)
        ranks.append((rank1, rank2))
        ohs.append((oh1, oh2))
        base = base + jnp.sum(oh1 + oh2, axis=0, keepdims=True)
    tiles_per_e = jnp.ceil(base / _TM)
    l8 = (jax.lax.broadcasted_iota(jnp.int32, (_E, _E), 0)
          < jax.lax.broadcasted_iota(jnp.int32, (_E, _E), 1)).astype(jnp.float32)
    tile_start = jnp.dot(tiles_per_e, l8, preferred_element_type=jnp.float32)
    offset = tile_start * _TM
    tile_end = tile_start + tiles_per_e
    j40 = jax.lax.broadcasted_iota(jnp.int32, (_NTILES, _E), 0).astype(jnp.float32)
    eot = jnp.sum((j40 >= tile_end).astype(jnp.int32), axis=1, keepdims=True)
    eot_ref[...] = jnp.minimum(eot, _E - 1)
    for c in range(n_chunks):
        oh1, oh2 = ohs[c]
        rank1, rank2 = ranks[c]
        off1 = jnp.sum(offset * oh1, axis=1, keepdims=True)
        off2 = jnp.sum(offset * oh2, axis=1, keepdims=True)
        s1 = (off1 + rank1).astype(jnp.int32)
        s2 = (off2 + rank2).astype(jnp.int32)
        slot_ref[c * _TM:(c + 1) * _TM, :] = jnp.concatenate([s1, s2], axis=1)


def _sc_gather(table, idx, nrows):
    ncols = table.shape[1]
    b_per_w = nrows // _NW
    ch = 16
    nbuf = 4
    n_chunks = b_per_w // ch
    mesh = plsc.VectorSubcoreMesh(core_axis_name="c", subcore_axis_name="s")

    @functools.partial(
        pl.kernel, mesh=mesh,
        out_type=jax.ShapeDtypeStruct((nrows, ncols), table.dtype),
        scratch_types=(
            [pltpu.VMEM((b_per_w,), jnp.int32)]
            + [pltpu.VMEM((ch, ncols), table.dtype)] * nbuf
            + [pltpu.SemaphoreType.DMA] * nbuf
        ),
    )
    def k(table_hbm, idx_hbm, out_hbm, idx_v, *bufsem):
        bufs = bufsem[:nbuf]
        sems = bufsem[nbuf:]
        wid = jax.lax.axis_index("s") * 2 + jax.lax.axis_index("c")
        base = wid * b_per_w
        pltpu.sync_copy(idx_hbm.at[pl.ds(base, b_per_w)], idx_v)
        handles = [None] * nbuf
        for c in range(min(nbuf, n_chunks)):
            handles[c] = pltpu.async_copy(
                table_hbm.at[idx_v.at[pl.ds(c * ch, ch)]], bufs[c], sems[c])
        for c in range(n_chunks):
            nxt = c + nbuf
            handles[c % nbuf].wait()
            pltpu.sync_copy(bufs[c % nbuf], out_hbm.at[pl.ds(base + c * ch, ch)])
            if nxt < n_chunks:
                handles[nxt % nbuf] = pltpu.async_copy(
                    table_hbm.at[idx_v.at[pl.ds(nxt * ch, ch)]],
                    bufs[nxt % nbuf], sems[nxt % nbuf])

    return k(table, idx)


def kernel(x, Wr, br, W1, b1, W2, b2, gamma, beta):
    xf = x.reshape(_N, _D)
    noise = jax.random.normal(jax.random.key(42), (_N, _E), jnp.float32) / 10.0

    topk_idx, topk_scores = pl.pallas_call(
        _router_kernel,
        grid=(_N // _TM,),
        in_specs=[
            pl.BlockSpec((_TM, _D), lambda t: (t, 0)),
            pl.BlockSpec((_D, _E), lambda t: (0, 0)),
            pl.BlockSpec((1, _E), lambda t: (0, 0)),
            pl.BlockSpec((_TM, _E), lambda t: (t, 0)),
        ],
        out_specs=[
            pl.BlockSpec((_TM, _TOPK), lambda t: (t, 0)),
            pl.BlockSpec((_TM, _TOPK), lambda t: (t, 0)),
        ],
        out_shape=[
            jax.ShapeDtypeStruct((_N, _TOPK), jnp.int32),
            jax.ShapeDtypeStruct((_N, _TOPK), jnp.float32),
        ],
    )(xf, Wr, br.reshape(1, _E), noise)

    slot2, eot2 = pl.pallas_call(
        _meta_kernel,
        in_specs=[pl.BlockSpec((_N, _TOPK), lambda: (0, 0))],
        out_specs=[
            pl.BlockSpec((_N, _TOPK), lambda: (0, 0)),
            pl.BlockSpec((_NTILES, 1), lambda: (0, 0)),
        ],
        out_shape=[
            jax.ShapeDtypeStruct((_N, _TOPK), jnp.int32),
            jax.ShapeDtypeStruct((_NTILES, 1), jnp.int32),
        ],
    )(topk_idx)
    slot = slot2.reshape(-1)
    expert_of_tile = eot2.reshape(-1)
    row_token = jnp.zeros((_NROWS,), jnp.int32).at[slot].set(
        jnp.arange(_NP, dtype=jnp.int32) // _TOPK)

    x_sorted = _sc_gather(xf, row_token, _NROWS)

    ffn_out = pl.pallas_call(
        _ffn_kernel,
        grid_spec=pltpu.PrefetchScalarGridSpec(
            num_scalar_prefetch=1,
            grid=(_NTILES,),
            in_specs=[
                pl.BlockSpec((_TM, _D), lambda j, eref: (j, 0)),
                pl.BlockSpec((1, _D, _HID), lambda j, eref: (eref[j], 0, 0)),
                pl.BlockSpec((1, 1, _HID), lambda j, eref: (eref[j], 0, 0)),
                pl.BlockSpec((1, _HID, _D), lambda j, eref: (eref[j], 0, 0)),
                pl.BlockSpec((1, 1, _D), lambda j, eref: (eref[j], 0, 0)),
            ],
            out_specs=pl.BlockSpec((_TM, _D), lambda j, eref: (j, 0)),
        ),
        out_shape=jax.ShapeDtypeStruct((_NROWS, _D), jnp.float32),
        compiler_params=pltpu.CompilerParams(
            vmem_limit_bytes=100 * 1024 * 1024,
        ),
    )(expert_of_tile, x_sorted, W1, b1.reshape(_E, 1, _HID), W2,
      b2.reshape(_E, 1, _D))

    contrib = _sc_gather(ffn_out, slot, _NP).reshape(_N, _TOPK * _D)

    y = pl.pallas_call(
        _ln_kernel,
        grid=(_N // _TM,),
        in_specs=[
            pl.BlockSpec((_TM, _TOPK * _D), lambda t: (t, 0)),
            pl.BlockSpec((_TM, _TOPK), lambda t: (t, 0)),
            pl.BlockSpec((_TM, _D), lambda t: (t, 0)),
            pl.BlockSpec((1, _D), lambda t: (0, 0)),
            pl.BlockSpec((1, _D), lambda t: (0, 0)),
        ],
        out_specs=pl.BlockSpec((_TM, _D), lambda t: (t, 0)),
        out_shape=jax.ShapeDtypeStruct((_N, _D), jnp.float32),
    )(contrib, topk_scores, xf, gamma.reshape(1, _D), beta.reshape(1, _D))

    return y.reshape(_B, _T, _D)

# --- scband reference (transcript-rebuilt; emitter-appended) ---
"""Pipeline reference for scband-mo-eblock-51883204935735 (READ-ONLY COPY).

The authoritative reference and input builder live on the scoring server;
editing this copy changes nothing except your own understanding.
"""

import jax, jax.numpy as jnp
import numpy as np

B, T, D = 2, 2048, 1024
E, TOPK, HID = 8, 2, 2048

def setup_inputs(seed: int = 0) -> dict:
    key = jax.random.key(seed)
    ks = jax.random.split(key, 8)
    x = jax.random.normal(ks[0], (B, T, D), dtype=jnp.float32)
    s1 = 1.0 / np.sqrt(D)
    s2 = 1.0 / np.sqrt(HID)
    Wr = jax.random.uniform(ks[1], (D, E), jnp.float32, -s1, s1)
    br = jax.random.uniform(ks[2], (E,), jnp.float32, -s1, s1)
    W1 = jax.random.uniform(ks[3], (E, D, HID), jnp.float32, -s1, s1)
    b1 = jax.random.uniform(ks[4], (E, HID), jnp.float32, -s1, s1)
    W2 = jax.random.uniform(ks[5], (E, HID, D), jnp.float32, -s2, s2)
    b2 = jax.random.uniform(ks[6], (E, D), jnp.float32, -s2, s2)
    gamma = jnp.ones((D,), jnp.float32)
    beta = jnp.zeros((D,), jnp.float32)
    return {"x": x, "Wr": Wr, "br": br, "W1": W1, "b1": b1, "W2": W2, "b2": b2, "gamma": gamma, "beta": beta}

def reference(x, Wr, br, W1, b1, W2, b2, gamma, beta):
    xf = x.reshape(B * T, D)
    logits = xf @ Wr + br
    # noisy gating (fixed key for determinism), matches torch.randn_like(logits)/10
    noise = jax.random.normal(jax.random.key(42), logits.shape, logits.dtype) / 10.0
    logits = logits + noise
    scores = jax.nn.softmax(logits, axis=-1)
    topk_scores, topk_idx = jax.lax.top_k(scores, TOPK)
    output = jnp.zeros((B * T, D), jnp.float32)
    for i in range(TOPK):
        for eid in range(E):
            mask = topk_idx[:, i] == eid
            h = jax.nn.gelu(xf @ W1[eid] + b1[eid], approximate=False)
            out = h @ W2[eid] + b2[eid]
            w = jnp.where(mask, topk_scores[:, i], 0.0)[:, None]
            output = output + w * out
    y = output.reshape(B, T, D) + x
    mu = jnp.mean(y, axis=-1, keepdims=True)
    var = jnp.var(y, axis=-1, keepdims=True)
    return (y - mu) / jnp.sqrt(var + 1e-5) * gamma + beta

if __name__ == "__main__":
    import jax
    _d = setup_inputs()
    print(jax.jit(kernel)(*tuple(_d.values())))

</pallas_src>

<mosaic_0001>
#map = affine_map<(d0, d1) -> (0, 0)>
#map1 = affine_map<(d0, d1) -> (0)>
module attributes {stable_mosaic.version = 14 : i64} {
  func.func @k(%arg0: i32, %arg1: i32, %arg2: memref<10240x1024xf32, #tpu.memory_space<hbm>>, %arg3: memref<8192xi32, #tpu.memory_space<hbm>>, %arg4: memref<8192x1024xf32, #tpu.memory_space<hbm>>, %arg5: memref<256xi32, #tpu.memory_space<vmem>>, %arg6: memref<16x1024xf32, #tpu.memory_space<vmem>>, %arg7: memref<16x1024xf32, #tpu.memory_space<vmem>>, %arg8: memref<16x1024xf32, #tpu.memory_space<vmem>>, %arg9: memref<16x1024xf32, #tpu.memory_space<vmem>>, %arg10: memref<!tpu.dma_semaphore, #tpu.memory_space<semaphore_mem>>, %arg11: memref<!tpu.dma_semaphore, #tpu.memory_space<semaphore_mem>>, %arg12: memref<!tpu.dma_semaphore, #tpu.memory_space<semaphore_mem>>, %arg13: memref<!tpu.dma_semaphore, #tpu.memory_space<semaphore_mem>>) attributes {dimension_semantics = [#tpu.dimension_semantics<core_parallel>, #tpu.dimension_semantics<subcore_parallel>], iteration_bounds = array<i64: 2, 16>, scalar_prefetch = 0 : i64, scratch_operands = 9 : i64, tpu.core_type = #tpu.core_type<sc_vector_subcore>, window_params = [{transform_indices = #map}, {transform_indices = #map1}, {transform_indices = #map}]} {
    %mul3A = arith.constant 2 : i32
    %mul3A_0 = arith.muli %arg1, %mul3A : i32
    %add3A = arith.addi %mul3A_0, %arg0 : i32
    %mul3A_1 = arith.constant 256 : i32
    %mul3A_2 = arith.muli %add3A, %mul3A_1 : i32
    "tpu.region"() ({
      %run_scoped3A = tpu.sem_alloc : memref<!tpu.dma_semaphore, #tpu.memory_space<semaphore_mem>>
      %dma_start3A_193 = tpu.memref_slice %arg3[%mul3A_2] : memref<8192xi32, #tpu.memory_space<hbm>> -> memref<256xi32, #tpu.memory_space<hbm>>
      %dma_start3A_194 = tpu.memref_slice %arg3[%mul3A_2] : memref<8192xi32, #tpu.memory_space<hbm>> -> memref<256xi32, #tpu.memory_space<hbm>>
      tpu.enqueue_dma source(%dma_start3A_194 : memref<256xi32, #tpu.memory_space<hbm>>) target(%arg5 : memref<256xi32, #tpu.memory_space<vmem>>) target_semaphore(%run_scoped3A : memref<!tpu.dma_semaphore, #tpu.memory_space<semaphore_mem>>)
      %dma_wait3A_195 = tpu.memref_slice %arg3[%mul3A_2] : memref<8192xi32, #tpu.memory_space<hbm>> -> memref<256xi32, #tpu.memory_space<hbm>>
      %dma_wait3A_196 = tpu.memref_slice %arg3[%mul3A_2] : memref<8192xi32, #tpu.memory_space<hbm>> -> memref<256xi32, #tpu.memory_space<hbm>>
      tpu.wait_dma2 semaphore(%run_scoped3A : memref<!tpu.dma_semaphore, #tpu.memory_space<semaphore_mem>>) src(%dma_wait3A_196 : memref<256xi32, #tpu.memory_space<hbm>>) dst(%arg5 : memref<256xi32, #tpu.memory_space<vmem>>)
      tpu.yield
    }) : () -> ()
    %dma_start3A = arith.constant 0 : i32
    %dma_start3A_3 = tpu.memref_slice %arg5[%dma_start3A] : memref<256xi32, #tpu.memory_space<vmem>> -> memref<16xi32, #tpu.memory_space<vmem>>
    %dma_start3A_4 = arith.constant 0 : i32
    %dma_start3A_5 = arith.constant 0 : i32
    %dma_start3A_6 = tpu.memref_slice %arg2[%dma_start3A_4, %dma_start3A_5] : memref<10240x1024xf32, #tpu.memory_space<hbm>> -> memref<10240x1024xf32, #tpu.memory_space<hbm>>
    tpu.enqueue_indirect_dma source(%dma_start3A_6 : memref<10240x1024xf32, #tpu.memory_space<hbm>>) target(%arg6 : memref<16x1024xf32, #tpu.memory_space<vmem>>) offsets(%dma_start3A_3 : memref<16xi32, #tpu.memory_space<vmem>>) semaphore(%arg10 : memref<!tpu.dma_semaphore, #tpu.memory_space<semaphore_mem>>)
    %dma_start3A_7 = arith.constant 16 : i32
    %dma_start3A_8 = tpu.memref_slice %arg5[%dma_start3A_7] : memref<256xi32, #tpu.memory_space<vmem>> -> memref<16xi32, #tpu.memory_space<vmem>>
    %dma_start3A_9 = arith.constant 0 : i32
    %dma_start3A_10 = arith.constant 0 : i32
    %dma_start3A_11 = tpu.memref_slice %arg2[%dma_start3A_9, %dma_start3A_10] : memref<10240x1024xf32, #tpu.memory_space<hbm>> -> memref<10240x1024xf32, #tpu.memory_space<hbm>>
    tpu.enqueue_indirect_dma source(%dma_start3A_11 : memref<10240x1024xf32, #tpu.memory_space<hbm>>) target(%arg7 : memref<16x1024xf32, #tpu.memory_space<vmem>>) offsets(%dma_start3A_8 : memref<16xi32, #tpu.memory_space<vmem>>) semaphore(%arg11 : memref<!tpu.dma_semaphore, #tpu.memory_space<semaphore_mem>>)
    %dma_start3A_12 = arith.constant 32 : i32
    %dma_start3A_13 = tpu.memref_slice %arg5[%dma_start3A_12] : memref<256xi32, #tpu.memory_space<vmem>> -> memref<16xi32, #tpu.memory_space<vmem>>
    %dma_start3A_14 = arith.constant 0 : i32
    %dma_start3A_15 = arith.constant 0 : i32
    %dma_start3A_16 = tpu.memref_slice %arg2[%dma_start3A_14, %dma_start3A_15] : memref<10240x1024xf32, #tpu.memory_space<hbm>> -> memref<10240x1024xf32, #tpu.memory_space<hbm>>
    tpu.enqueue_indirect_dma source(%dma_start3A_16 : memref<10240x1024xf32, #tpu.memory_space<hbm>>) target(%arg8 : memref<16x1024xf32, #tpu.memory_space<vmem>>) offsets(%dma_start3A_13 : memref<16xi32, #tpu.memory_space<vmem>>) semaphore(%arg12 : memref<!tpu.dma_semaphore, #tpu.memory_space<semaphore_mem>>)
    %dma_start3A_17 = arith.constant 48 : i32
    %dma_start3A_18 = tpu.memref_slice %arg5[%dma_start3A_17] : memref<256xi32, #tpu.memory_space<vmem>> -> memref<16xi32, #tpu.memory_space<vmem>>
    %dma_start3A_19 = arith.constant 0 : i32
    %dma_start3A_20 = arith.constant 0 : i32
    %dma_start3A_21 = tpu.memref_slice %arg2[%dma_start3A_19, %dma_start3A_20] : memref<10240x1024xf32, #tpu.memory_space<hbm>> -> memref<10240x1024xf32, #tpu.memory_space<hbm>>
    tpu.enqueue_indirect_dma source(%dma_start3A_21 : memref<10240x1024xf32, #tpu.memory_space<hbm>>) target(%arg9 : memref<16x1024xf32, #tpu.memory_space<vmem>>) offsets(%dma_start3A_18 : memref<16xi32, #tpu.memory_space<vmem>>) semaphore(%arg13 : memref<!tpu.dma_semaphore, #tpu.memory_space<semaphore_mem>>)
    %dma_wait3A = arith.constant 0 : i32
    %dma_wait3A_22 = tpu.memref_slice %arg5[%dma_wait3A] : memref<256xi32, #tpu.memory_space<vmem>> -> memref<16xi32, #tpu.memory_space<vmem>>
    %dma_wait3A_23 = arith.constant 0 : i32
    %dma_wait3A_24 = arith.constant 0 : i32
    %dma_wait3A_25 = tpu.memref_slice %arg2[%dma_wait3A_23, %dma_wait3A_24] : memref<10240x1024xf32, #tpu.memory_space<hbm>> -> memref<10240x1024xf32, #tpu.memory_space<hbm>>
    tpu.wait_indirect_dma semaphore(%arg10 : memref<!tpu.dma_semaphore, #tpu.memory_space<semaphore_mem>>) src(%dma_wait3A_25 : memref<10240x1024xf32, #tpu.memory_space<hbm>>) dst(%arg6 : memref<16x1024xf32, #tpu.memory_space<vmem>>)
    %add3A_26 = arith.constant 0 : i32
    %add3A_27 = arith.addi %mul3A_2, %add3A_26 : i32
    "tpu.region"() ({
      %run_scoped3A = tpu.sem_alloc : memref<!tpu.dma_semaphore, #tpu.memory_space<semaphore_mem>>
      %dma_start3A_193 = arith.constant 0 : i32
      %dma_start3A_194 = tpu.memref_slice %arg4[%add3A_27, %dma_start3A_193] : memref<8192x1024xf32, #tpu.memory_space<hbm>> -> memref<16x1024xf32, #tpu.memory_space<hbm>>
      %dma_start3A_195 = arith.constant 0 : i32
      %dma_start3A_196 = tpu.memref_slice %arg4[%add3A_27, %dma_start3A_195] : memref<8192x1024xf32, #tpu.memory_space<hbm>> -> memref<16x1024xf32, #tpu.memory_space<hbm>>
      tpu.enqueue_dma source(%arg6 : memref<16x1024xf32, #tpu.memory_space<vmem>>) target(%dma_start3A_196 : memref<16x1024xf32, #tpu.memory_space<hbm>>) target_semaphore(%run_scoped3A : memref<!tpu.dma_semaphore, #tpu.memory_space<semaphore_mem>>)
      %dma_wait3A_197 = arith.constant 0 : i32
      %dma_wait3A_198 = tpu.memref_slice %arg4[%add3A_27, %dma_wait3A_197] : memref<8192x1024xf32, #tpu.memory_space<hbm>> -> memref<16x1024xf32, #tpu.memory_space<hbm>>
      %dma_wait3A_199 = arith.constant 0 : i32
      %dma_wait3A_200 = tpu.memref_slice %arg4[%add3A_27, %dma_wait3A_199] : memref<8192x1024xf32, #tpu.memory_space<hbm>> -> memref<16x1024xf32, #tpu.memory_space<hbm>>
      tpu.wait_dma2 semaphore(%run_scoped3A : memref<!tpu.dma_semaphore, #tpu.memory_space<semaphore_mem>>) src(%arg6 : memref<16x1024xf32, #tpu.memory_space<vmem>>) dst(%dma_wait3A_200 : memref<16x1024xf32, #tpu.memory_space<hbm>>)
      tpu.yield
    }) : () -> ()
    %dma_start3A_28 = arith.constant 64 : i32
    %dma_start3A_29 = tpu.memref_slice %arg5[%dma_start3A_28] : memref<256xi32, #tpu.memory_space<vmem>> -> memref<16xi32, #tpu.memory_space<vmem>>
    %dma_start3A_30 = arith.constant 0 : i32
    %dma_start3A_31 = arith.constant 0 : i32
    %dma_start3A_32 = tpu.memref_slice %arg2[%dma_start3A_30, %dma_start3A_31] : memref<10240x1024xf32, #tpu.memory_space<hbm>> -> memref<10240x1024xf32, #tpu.memory_space<hbm>>
    tpu.enqueue_indirect_dma source(%dma_start3A_32 : memref<10240x1024xf32, #tpu.memory_space<hbm>>) target(%arg6 : memref<16x1024xf32, #tpu.memory_space<vmem>>) offsets(%dma_start3A_29 : memref<16xi32, #tpu.memory_space<vmem>>) semaphore(%arg10 : memref<!tpu.dma_semaphore, #tpu.memory_space<semaphore_mem>>)
    %dma_wait3A_33 = arith.constant 16 : i32
    %dma_wait3A_34 = tpu.memref_slice %arg5[%dma_wait3A_33] : memref<256xi32, #tpu.memory_space<vmem>> -> memref<16xi32, #tpu.memory_space<vmem>>
    %dma_wait3A_35 = arith.constant 0 : i32
    %dma_wait3A_36 = arith.constant 0 : i32
    %dma_wait3A_37 = tpu.memref_slice %arg2[%dma_wait3A_35, %dma_wait3A_36] : memref<10240x1024xf32, #tpu.memory_space<hbm>> -> memref<10240x1024xf32, #tpu.memory_space<hbm>>
    tpu.wait_indirect_dma semaphore(%arg11 : memref<!tpu.dma_semaphore, #tpu.memory_space<semaphore_mem>>) src(%dma_wait3A_37 : memref<10240x1024xf32, #tpu.memory_space<hbm>>) dst(%arg7 : memref<16x1024xf32, #tpu.memory_space<vmem>>)
    %add3A_38 = arith.constant 16 : i32
    %add3A_39 = arith.addi %mul3A_2, %add3A_38 : i32
    "tpu.region"() ({
      %run_scoped3A = tpu.sem_alloc : memref<!tpu.dma_semaphore, #tpu.memory_space<semaphore_mem>>
      %dma_start3A_193 = arith.constant 0 : i32
      %dma_start3A_194 = tpu.memref_slice %arg4[%add3A_39, %dma_start3A_193] : memref<8192x1024xf32, #tpu.memory_space<hbm>> -> memref<16x1024xf32, #tpu.memory_space<hbm>>
      %dma_start3A_195 = arith.constant 0 : i32
      %dma_start3A_196 = tpu.memref_slice %arg4[%add3A_39, %dma_start3A_195] : memref<8192x1024xf32, #tpu.memory_space<hbm>> -> memref<16x1024xf32, #tpu.memory_space<hbm>>
      tpu.enqueue_dma source(%arg7 : memref<16x1024xf32, #tpu.memory_space<vmem>>) target(%dma_start3A_196 : memref<16x1024xf32, #tpu.memory_space<hbm>>) target_semaphore(%run_scoped3A : memref<!tpu.dma_semaphore, #tpu.memory_space<semaphore_mem>>)
      %dma_wait3A_197 = arith.constant 0 : i32
      %dma_wait3A_198 = tpu.memref_slice %arg4[%add3A_39, %dma_wait3A_197] : memref<8192x1024xf32, #tpu.memory_space<hbm>> -> memref<16x1024xf32, #tpu.memory_space<hbm>>
      %dma_wait3A_199 = arith.constant 0 : i32
      %dma_wait3A_200 = tpu.memref_slice %arg4[%add3A_39, %dma_wait3A_199] : memref<8192x1024xf32, #tpu.memory_space<hbm>> -> memref<16x1024xf32, #tpu.memory_space<hbm>>
      tpu.wait_dma2 semaphore(%run_scoped3A : memref<!tpu.dma_semaphore, #tpu.memory_space<semaphore_mem>>) src(%arg7 : memref<16x1024xf32, #tpu.memory_space<vmem>>) dst(%dma_wait3A_200 : memref<16x1024xf32, #tpu.memory_space<hbm>>)
      tpu.yield
    }) : () -> ()
    %dma_start3A_40 = arith.constant 80 : i32
    %dma_start3A_41 = tpu.memref_slice %arg5[%dma_start3A_40] : memref<256xi32, #tpu.memory_space<vmem>> -> memref<16xi32, #tpu.memory_space<vmem>>
    %dma_start3A_42 = arith.constant 0 : i32
    %dma_start3A_43 = arith.constant 0 : i32
    %dma_start3A_44 = tpu.memref_slice %arg2[%dma_start3A_42, %dma_start3A_43] : memref<10240x1024xf32, #tpu.memory_space<hbm>> -> memref<10240x1024xf32, #tpu.memory_space<hbm>>
    tpu.enqueue_indirect_dma source(%dma_start3A_44 : memref<10240x1024xf32, #tpu.memory_space<hbm>>) target(%arg7 : memref<16x1024xf32, #tpu.memory_space<vmem>>) offsets(%dma_start3A_41 : memref<16xi32, #tpu.memory_space<vmem>>) semaphore(%arg11 : memref<!tpu.dma_semaphore, #tpu.memory_space<semaphore_mem>>)
    %dma_wait3A_45 = arith.constant 32 : i32
    %dma_wait3A_46 = tpu.memref_slice %arg5[%dma_wait3A_45] : memref<256xi32, #tpu.memory_space<vmem>> -> memref<16xi32, #tpu.memory_space<vmem>>
    %dma_wait3A_47 = arith.constant 0 : i32
    %dma_wait3A_48 = arith.constant 0 : i32
    %dma_wait3A_49 = tpu.memref_slice %arg2[%dma_wait3A_47, %dma_wait3A_48] : memref<10240x1024xf32, #tpu.memory_space<hbm>> -> memref<10240x1024xf32, #tpu.memory_space<hbm>>
    tpu.wait_indirect_dma semaphore(%arg12 : memref<!tpu.dma_semaphore, #tpu.memory_space<semaphore_mem>>) src(%dma_wait3A_49 : memref<10240x1024xf32, #tpu.memory_space<hbm>>) dst(%arg8 : memref<16x1024xf32, #tpu.memory_space<vmem>>)
    %add3A_50 = arith.constant 32 : i32
    %add3A_51 = arith.addi %mul3A_2, %add3A_50 : i32
    "tpu.region"() ({
      %run_scoped3A = tpu.sem_alloc : memref<!tpu.dma_semaphore, #tpu.memory_space<semaphore_mem>>
      %dma_start3A_193 = arith.constant 0 : i32
      %dma_start3A_194 = tpu.memref_slice %arg4[%add3A_51, %dma_start3A_193] : memref<8192x1024xf32, #tpu.memory_space<hbm>> -> memref<16x1024xf32, #tpu.memory_space<hbm>>
      %dma_start3A_195 = arith.constant 0 : i32
      %dma_start3A_196 = tpu.memref_slice %arg4[%add3A_51, %dma_start3A_195] : memref<8192x1024xf32, #tpu.memory_space<hbm>> -> memref<16x1024xf32, #tpu.memory_space<hbm>>
      tpu.enqueue_dma source(%arg8 : memref<16x1024xf32, #tpu.memory_space<vmem>>) target(%dma_start3A_196 : memref<16x1024xf32, #tpu.memory_space<hbm>>) target_semaphore(%run_scoped3A : memref<!tpu.dma_semaphore, #tpu.memory_space<semaphore_mem>>)
      %dma_wait3A_197 = arith.constant 0 : i32
      %dma_wait3A_198 = tpu.memref_slice %arg4[%add3A_51, %dma_wait3A_197] : memref<8192x1024xf32, #tpu.memory_space<hbm>> -> memref<16x1024xf32, #tpu.memory_space<hbm>>
      %dma_wait3A_199 = arith.constant 0 : i32
      %dma_wait3A_200 = tpu.memref_slice %arg4[%add3A_51, %dma_wait3A_199] : memref<8192x1024xf32, #tpu.memory_space<hbm>> -> memref<16x1024xf32, #tpu.memory_space<hbm>>
      tpu.wait_dma2 semaphore(%run_scoped3A : memref<!tpu.dma_semaphore, #tpu.memory_space<semaphore_mem>>) src(%arg8 : memref<16x1024xf32, #tpu.memory_space<vmem>>) dst(%dma_wait3A_200 : memref<16x1024xf32, #tpu.memory_space<hbm>>)
      tpu.yield
    }) : () -> ()
    %dma_start3A_52 = arith.constant 96 : i32
    %dma_start3A_53 = tpu.memref_slice %arg5[%dma_start3A_52] : memref<256xi32, #tpu.memory_space<vmem>> -> memref<16xi32, #tpu.memory_space<vmem>>
    %dma_start3A_54 = arith.constant 0 : i32
    %dma_start3A_55 = arith.constant 0 : i32
    %dma_start3A_56 = tpu.memref_slice %arg2[%dma_start3A_54, %dma_start3A_55] : memref<10240x1024xf32, #tpu.memory_space<hbm>> -> memref<10240x1024xf32, #tpu.memory_space<hbm>>
    tpu.enqueue_indirect_dma source(%dma_start3A_56 : memref<10240x1024xf32, #tpu.memory_space<hbm>>) target(%arg8 : memref<16x1024xf32, #tpu.memory_space<vmem>>) offsets(%dma_start3A_53 : memref<16xi32, #tpu.memory_space<vmem>>) semaphore(%arg12 : memref<!tpu.dma_semaphore, #tpu.memory_space<semaphore_mem>>)
    %dma_wait3A_57 = arith.constant 48 : i32
    %dma_wait3A_58 = tpu.memref_slice %arg5[%dma_wait3A_57] : memref<256xi32, #tpu.memory_space<vmem>> -> memref<16xi32, #tpu.memory_space<vmem>>
    %dma_wait3A_59 = arith.constant 0 : i32
    %dma_wait3A_60 = arith.constant 0 : i32
    %dma_wait3A_61 = tpu.memref_slice %arg2[%dma_wait3A_59, %dma_wait3A_60] : memref<10240x1024xf32, #tpu.memory_space<hbm>> -> memref<10240x1024xf32, #tpu.memory_space<hbm>>
    tpu.wait_indirect_dma semaphore(%arg13 : memref<!tpu.dma_semaphore, #tpu.memory_space<semaphore_mem>>) src(%dma_wait3A_61 : memref<10240x1024xf32, #tpu.memory_space<hbm>>) dst(%arg9 : memref<16x1024xf32, #tpu.memory_space<vmem>>)
    %add3A_62 = arith.constant 48 : i32
    %add3A_63 = arith.addi %mul3A_2, %add3A_62 : i32
    "tpu.region"() ({
      %run_scoped3A = tpu.sem_alloc : memref<!tpu.dma_semaphore, #tpu.memory_space<semaphore_mem>>
      %dma_start3A_193 = arith.constant 0 : i32
      %dma_start3A_194 = tpu.memref_slice %arg4[%add3A_63, %dma_start3A_193] : memref<8192x1024xf32, #tpu.memory_space<hbm>> -> memref<16x1024xf32, #tpu.memory_space<hbm>>
      %dma_start3A_195 = arith.constant 0 : i32
      %dma_start3A_196 = tpu.memref_slice %arg4[%add3A_63, %dma_start3A_195] : memref<8192x1024xf32, #tpu.memory_space<hbm>> -> memref<16x1024xf32, #tpu.memory_space<hbm>>
      tpu.enqueue_dma source(%arg9 : memref<16x1024xf32, #tpu.memory_space<vmem>>) target(%dma_start3A_196 : memref<16x1024xf32, #tpu.memory_space<hbm>>) target_semaphore(%run_scoped3A : memref<!tpu.dma_semaphore, #tpu.memory_space<semaphore_mem>>)
      %dma_wait3A_197 = arith.constant 0 : i32
      %dma_wait3A_198 = tpu.memref_slice %arg4[%add3A_63, %dma_wait3A_197] : memref<8192x1024xf32, #tpu.memory_space<hbm>> -> memref<16x1024xf32, #tpu.memory_space<hbm>>
      %dma_wait3A_199 = arith.constant 0 : i32
      %dma_wait3A_200 = tpu.memref_slice %arg4[%add3A_63, %dma_wait3A_199] : memref<8192x1024xf32, #tpu.memory_space<hbm>> -> memref<16x1024xf32, #tpu.memory_space<hbm>>
      tpu.wait_dma2 semaphore(%run_scoped3A : memref<!tpu.dma_semaphore, #tpu.memory_space<semaphore_mem>>) src(%arg9 : memref<16x1024xf32, #tpu.memory_space<vmem>>) dst(%dma_wait3A_200 : memref<16x1024xf32, #tpu.memory_space<hbm>>)
      tpu.yield
    }) : () -> ()
    %dma_start3A_64 = arith.constant 112 : i32
    %dma_start3A_65 = tpu.memref_slice %arg5[%dma_start3A_64] : memref<256xi32, #tpu.memory_space<vmem>> -> memref<16xi32, #tpu.memory_space<vmem>>
    %dma_start3A_66 = arith.constant 0 : i32
    %dma_start3A_67 = arith.constant 0 : i32
    %dma_start3A_68 = tpu.memref_slice %arg2[%dma_start3A_66, %dma_start3A_67] : memref<10240x1024xf32, #tpu.memory_space<hbm>> -> memref<10240x1024xf32, #tpu.memory_space<hbm>>
    tpu.enqueue_indirect_dma source(%dma_start3A_68 : memref<10240x1024xf32, #tpu.memory_space<hbm>>) target(%arg9 : memref<16x1024xf32, #tpu.memory_space<vmem>>) offsets(%dma_start3A_65 : memref<16xi32, #tpu.memory_space<vmem>>) semaphore(%arg13 : memref<!tpu.dma_semaphore, #tpu.memory_space<semaphore_mem>>)
    %dma_wait3A_69 = arith.constant 64 : i32
    %dma_wait3A_70 = tpu.memref_slice %arg5[%dma_wait3A_69] : memref<256xi32, #tpu.memory_space<vmem>> -> memref<16xi32, #tpu.memory_space<vmem>>
    %dma_wait3A_71 = arith.constant 0 : i32
    %dma_wait3A_72 = arith.constant 0 : i32
    %dma_wait3A_73 = tpu.memref_slice %arg2[%dma_wait3A_71, %dma_wait3A_72] : memref<10240x1024xf32, #tpu.memory_space<hbm>> -> memref<10240x1024xf32, #tpu.memory_space<hbm>>
    tpu.wait_indirect_dma semaphore(%arg10 : memref<!tpu.dma_semaphore, #tpu.memory_space<semaphore_mem>>) src(%dma_wait3A_73 : memref<10240x1024xf32, #tpu.memory_space<hbm>>) dst(%arg6 : memref<16x1024xf32, #tpu.memory_space<vmem>>)
    %add3A_74 = arith.constant 64 : i32
    %add3A_75 = arith.addi %mul3A_2, %add3A_74 : i32
    "tpu.region"() ({
      %run_scoped3A = tpu.sem_alloc : memref<!tpu.dma_semaphore, #tpu.memory_space<semaphore_mem>>
      %dma_start3A_193 = arith.constant 0 : i32
      %dma_start3A_194 = tpu.memref_slice %arg4[%add3A_75, %dma_start3A_193] : memref<8192x1024xf32, #tpu.memory_space<hbm>> -> memref<16x1024xf32, #tpu.memory_space<hbm>>
      %dma_start3A_195 = arith.constant 0 : i32
      %dma_start3A_196 = tpu.memref_slice %arg4[%add3A_75, %dma_start3A_195] : memref<8192x1024xf32, #tpu.memory_space<hbm>> -> memref<16x1024xf32, #tpu.memory_space<hbm>>
      tpu.enqueue_dma source(%arg6 : memref<16x1024xf32, #tpu.memory_space<vmem>>) target(%dma_start3A_196 : memref<16x1024xf32, #tpu.memory_space<hbm>>) target_semaphore(%run_scoped3A : memref<!tpu.dma_semaphore, #tpu.memory_space<semaphore_mem>>)
      %dma_wait3A_197 = arith.constant 0 : i32
      %dma_wait3A_198 = tpu.memref_slice %arg4[%add3A_75, %dma_wait3A_197] : memref<8192x1024xf32, #tpu.memory_space<hbm>> -> memref<16x1024xf32, #tpu.memory_space<hbm>>
      %dma_wait3A_199 = arith.constant 0 : i32
      %dma_wait3A_200 = tpu.memref_slice %arg4[%add3A_75, %dma_wait3A_199] : memref<8192x1024xf32, #tpu.memory_space<hbm>> -> memref<16x1024xf32, #tpu.memory_space<hbm>>
      tpu.wait_dma2 semaphore(%run_scoped3A : memref<!tpu.dma_semaphore, #tpu.memory_space<semaphore_mem>>) src(%arg6 : memref<16x1024xf32, #tpu.memory_space<vmem>>) dst(%dma_wait3A_200 : memref<16x1024xf32, #tpu.memory_space<hbm>>)
      tpu.yield
    }) : () -> ()
    %dma_start3A_76 = arith.constant 128 : i32
    %dma_start3A_77 = tpu.memref_slice %arg5[%dma_start3A_76] : memref<256xi32, #tpu.memory_space<vmem>> -> memref<16xi32, #tpu.memory_space<vmem>>
    %dma_start3A_78 = arith.constant 0 : i32
    %dma_start3A_79 = arith.constant 0 : i32
    %dma_start3A_80 = tpu.memref_slice %arg2[%dma_start3A_78, %dma_start3A_79] : memref<10240x1024xf32, #tpu.memory_space<hbm>> -> memref<10240x1024xf32, #tpu.memory_space<hbm>>
    tpu.enqueue_indirect_dma source(%dma_start3A_80 : memref<10240x1024xf32, #tpu.memory_space<hbm>>) target(%arg6 : memref<16x1024xf32, #tpu.memory_space<vmem>>) offsets(%dma_start3A_77 : memref<16xi32, #tpu.memory_space<vmem>>) semaphore(%arg10 : memref<!tpu.dma_semaphore, #tpu.memory_space<semaphore_mem>>)
    %dma_wait3A_81 = arith.constant 80 : i32
    %dma_wait3A_82 = tpu.memref_slice %arg5[%dma_wait3A_81] : memref<256xi32, #tpu.memory_space<vmem>> -> memref<16xi32, #tpu.memory_space<vmem>>
    %dma_wait3A_83 = arith.constant 0 : i32
    %dma_wait3A_84 = arith.constant 0 : i32
    %dma_wait3A_85 = tpu.memref_slice %arg2[%dma_wait3A_83, %dma_wait3A_84] : memref<10240x1024xf32, #tpu.memory_space<hbm>> -> memref<10240x1024xf32, #tpu.memory_space<hbm>>
    tpu.wait_indirect_dma semaphore(%arg11 : memref<!tpu.dma_semaphore, #tpu.memory_space<semaphore_mem>>) src(%dma_wait3A_85 : memref<10240x1024xf32, #tpu.memory_space<hbm>>) dst(%arg7 : memref<16x1024xf32, #tpu.memory_space<vmem>>)
    %add3A_86 = arith.constant 80 : i32
    %add3A_87 = arith.addi %mul3A_2, %add3A_86 : i32
    "tpu.region"() ({
      %run_scoped3A = tpu.sem_alloc : memref<!tpu.dma_semaphore, #tpu.memory_space<semaphore_mem>>
      %dma_start3A_193 = arith.constant 0 : i32
      %dma_start3A_194 = tpu.memref_slice %arg4[%add3A_87, %dma_start3A_193] : memref<8192x1024xf32, #tpu.memory_space<hbm>> -> memref<16x1024xf32, #tpu.memory_space<hbm>>
      %dma_start3A_195 = arith.constant 0 : i32
      %dma_start3A_196 = tpu.memref_slice %arg4[%add3A_87, %dma_start3A_195] : memref<8192x1024xf32, #tpu.memory_space<hbm>> -> memref<16x1024xf32, #tpu.memory_space<hbm>>
      tpu.enqueue_dma source(%arg7 : memref<16x1024xf32, #tpu.memory_space<vmem>>) target(%dma_start3A_196 : memref<16x1024xf32, #tpu.memory_space<hbm>>) target_semaphore(%run_scoped3A : memref<!tpu.dma_semaphore, #tpu.memory_space<semaphore_mem>>)
      %dma_wait3A_197 = arith.constant 0 : i32
      %dma_wait3A_198 = tpu.memref_slice %arg4[%add3A_87, %dma_wait3A_197] : memref<8192x1024xf32, #tpu.memory_space<hbm>> -> memref<16x1024xf32, #tpu.memory_space<hbm>>
      %dma_wait3A_199 = arith.constant 0 : i32
      %dma_wait3A_200 = tpu.memref_slice %arg4[%add3A_87, %dma_wait3A_199] : memref<8192x1024xf32, #tpu.memory_space<hbm>> -> memref<16x1024xf32, #tpu.memory_space<hbm>>
      tpu.wait_dma2 semaphore(%run_scoped3A : memref<!tpu.dma_semaphore, #tpu.memory_space<semaphore_mem>>) src(%arg7 : memref<16x1024xf32, #tpu.memory_space<vmem>>) dst(%dma_wait3A_200 : memref<16x1024xf32, #tpu.memory_space<hbm>>)
      tpu.yield
    }) : () -> ()
    %dma_start3A_88 = arith.constant 144 : i32
    %dma_start3A_89 = tpu.memref_slice %arg5[%dma_start3A_88] : memref<256xi32, #tpu.memory_space<vmem>> -> memref<16xi32, #tpu.memory_space<vmem>>
    %dma_start3A_90 = arith.constant 0 : i32
    %dma_start3A_91 = arith.constant 0 : i32
    %dma_start3A_92 = tpu.memref_slice %arg2[%dma_start3A_90, %dma_start3A_91] : memref<10240x1024xf32, #tpu.memory_space<hbm>> -> memref<10240x1024xf32, #tpu.memory_space<hbm>>
    tpu.enqueue_indirect_dma source(%dma_start3A_92 : memref<10240x1024xf32, #tpu.memory_space<hbm>>) target(%arg7 : memref<16x1024xf32, #tpu.memory_space<vmem>>) offsets(%dma_start3A_89 : memref<16xi32, #tpu.memory_space<vmem>>) semaphore(%arg11 : memref<!tpu.dma_semaphore, #tpu.memory_space<semaphore_mem>>)
    %dma_wait3A_93 = arith.constant 96 : i32
    %dma_wait3A_94 = tpu.memref_slice %arg5[%dma_wait3A_93] : memref<256xi32, #tpu.memory_space<vmem>> -> memref<16xi32, #tpu.memory_space<vmem>>
    %dma_wait3A_95 = arith.constant 0 : i32
    %dma_wait3A_96 = arith.constant 0 : i32
    %dma_wait3A_97 = tpu.memref_slice %arg2[%dma_wait3A_95, %dma_wait3A_96] : memref<10240x1024xf32, #tpu.memory_space<hbm>> -> memref<10240x1024xf32, #tpu.memory_space<hbm>>
    tpu.wait_indirect_dma semaphore(%arg12 : memref<!tpu.dma_semaphore, #tpu.memory_space<semaphore_mem>>) src(%dma_wait3A_97 : memref<10240x1024xf32, #tpu.memory_space<hbm>>) dst(%arg8 : memref<16x1024xf32, #tpu.memory_space<vmem>>)
    %add3A_98 = arith.constant 96 : i32
    %add3A_99 = arith.addi %mul3A_2, %add3A_98 : i32
    "tpu.region"() ({
      %run_scoped3A = tpu.sem_alloc : memref<!tpu.dma_semaphore, #tpu.memory_space<semaphore_mem>>
      %dma_start3A_193 = arith.constant 0 : i32
      %dma_start3A_194 = tpu.memref_slice %arg4[%add3A_99, %dma_start3A_193] : memref<8192x1024xf32, #tpu.memory_space<hbm>> -> memref<16x1024xf32, #tpu.memory_space<hbm>>
      %dma_start3A_195 = arith.constant 0 : i32
      %dma_start3A_196 = tpu.memref_slice %arg4[%add3A_99, %dma_start3A_195] : memref<8192x1024xf32, #tpu.memory_space<hbm>> -> memref<16x1024xf32, #tpu.memory_space<hbm>>
      tpu.enqueue_dma source(%arg8 : memref<16x1024xf32, #tpu.memory_space<vmem>>) target(%dma_start3A_196 : memref<16x1024xf32, #tpu.memory_space<hbm>>) target_semaphore(%run_scoped3A : memref<!tpu.dma_semaphore, #tpu.memory_space<semaphore_mem>>)
      %dma_wait3A_197 = arith.constant 0 : i32
      %dma_wait3A_198 = tpu.memref_slice %arg4[%add3A_99, %dma_wait3A_197] : memref<8192x1024xf32, #tpu.memory_space<hbm>> -> memref<16x1024xf32, #tpu.memory_space<hbm>>
      %dma_wait3A_199 = arith.constant 0 : i32
      %dma_wait3A_200 = tpu.memref_slice %arg4[%add3A_99, %dma_wait3A_199] : memref<8192x1024xf32, #tpu.memory_space<hbm>> -> memref<16x1024xf32, #tpu.memory_space<hbm>>
      tpu.wait_dma2 semaphore(%run_scoped3A : memref<!tpu.dma_semaphore, #tpu.memory_space<semaphore_mem>>) src(%arg8 : memref<16x1024xf32, #tpu.memory_space<vmem>>) dst(%dma_wait3A_200 : memref<16x1024xf32, #tpu.memory_space<hbm>>)
      tpu.yield
    }) : () -> ()
    %dma_start3A_100 = arith.constant 160 : i32
    %dma_start3A_101 = tpu.memref_slice %arg5[%dma_start3A_100] : memref<256xi32, #tpu.memory_space<vmem>> -> memref<16xi32, #tpu.memory_space<vmem>>
    %dma_start3A_102 = arith.constant 0 : i32
    %dma_start3A_103 = arith.constant 0 : i32
    %dma_start3A_104 = tpu.memref_slice %arg2[%dma_start3A_102, %dma_start3A_103] : memref<10240x1024xf32, #tpu.memory_space<hbm>> -> memref<10240x1024xf32, #tpu.memory_space<hbm>>
    tpu.enqueue_indirect_dma source(%dma_start3A_104 : memref<10240x1024xf32, #tpu.memory_space<hbm>>) target(%arg8 : memref<16x1024xf32, #tpu.memory_space<vmem>>) offsets(%dma_start3A_101 : memref<16xi32, #tpu.memory_space<vmem>>) semaphore(%arg12 : memref<!tpu.dma_semaphore, #tpu.memory_space<semaphore_mem>>)
    %dma_wait3A_105 = arith.constant 112 : i32
    %dma_wait3A_106 = tpu.memref_slice %arg5[%dma_wait3A_105] : memref<256xi32, #tpu.memory_space<vmem>> -> memref<16xi32, #tpu.memory_space<vmem>>
    %dma_wait3A_107 = arith.constant 0 : i32
    %dma_wait3A_108 = arith.constant 0 : i32
    %dma_wait3A_109 = tpu.memref_slice %arg2[%dma_wait3A_107, %dma_wait3A_108] : memref<10240x1024xf32, #tpu.memory_space<hbm>> -> memref<10240x1024xf32, #tpu.memory_space<hbm>>
    tpu.wait_indirect_dma semaphore(%arg13 : memref<!tpu.dma_semaphore, #tpu.memory_space<semaphore_mem>>) src(%dma_wait3A_109 : memref<10240x1024xf32, #tpu.memory_space<hbm>>) dst(%arg9 : memref<16x1024xf32, #tpu.memory_space<vmem>>)
    %add3A_110 = arith.constant 112 : i32
    %add3A_111 = arith.addi %mul3A_2, %add3A_110 : i32
    "tpu.region"() ({
      %run_scoped3A = tpu.sem_alloc : memref<!tpu.dma_semaphore, #tpu.memory_space<semaphore_mem>>
      %dma_start3A_193 = arith.constant 0 : i32
      %dma_start3A_194 = tpu.memref_slice %arg4[%add3A_111, %dma_start3A_193] : memref<8192x1024xf32, #tpu.memory_space<hbm>> -> memref<16x1024xf32, #tpu.memory_space<hbm>>
      %dma_start3A_195 = arith.constant 0 : i32
      %dma_start3A_196 = tpu.memref_slice %arg4[%add3A_111, %dma_start3A_195] : memref<8192x1024xf32, #tpu.memory_space<hbm>> -> memref<16x1024xf32, #tpu.memory_space<hbm>>
      tpu.enqueue_dma source(%arg9 : memref<16x1024xf32, #tpu.memory_space<vmem>>) target(%dma_start3A_196 : memref<16x1024xf32, #tpu.memory_space<hbm>>) target_semaphore(%run_scoped3A : memref<!tpu.dma_semaphore, #tpu.memory_space<semaphore_mem>>)
      %dma_wait3A_197 = arith.constant 0 : i32
      %dma_wait3A_198 = tpu.memref_slice %arg4[%add3A_111, %dma_wait3A_197] : memref<8192x1024xf32, #tpu.memory_space<hbm>> -> memref<16x1024xf32, #tpu.memory_space<hbm>>
      %dma_wait3A_199 = arith.constant 0 : i32
      %dma_wait3A_200 = tpu.memref_slice %arg4[%add3A_111, %dma_wait3A_199] : memref<8192x1024xf32, #tpu.memory_space<hbm>> -> memref<16x1024xf32, #tpu.memory_space<hbm>>
      tpu.wait_dma2 semaphore(%run_scoped3A : memref<!tpu.dma_semaphore, #tpu.memory_space<semaphore_mem>>) src(%arg9 : memref<16x1024xf32, #tpu.memory_space<vmem>>) dst(%dma_wait3A_200 : memref<16x1024xf32, #tpu.memory_space<hbm>>)
      tpu.yield
    }) : () -> ()
    %dma_start3A_112 = arith.constant 176 : i32
    %dma_start3A_113 = tpu.memref_slice %arg5[%dma_start3A_112] : memref<256xi32, #tpu.memory_space<vmem>> -> memref<16xi32, #tpu.memory_space<vmem>>
    %dma_start3A_114 = arith.constant 0 : i32
    %dma_start3A_115 = arith.constant 0 : i32
    %dma_start3A_116 = tpu.memref_slice %arg2[%dma_start3A_114, %dma_start3A_115] : memref<10240x1024xf32, #tpu.memory_space<hbm>> -> memref<10240x1024xf32, #tpu.memory_space<hbm>>
    tpu.enqueue_indirect_dma source(%dma_start3A_116 : memref<10240x1024xf32, #tpu.memory_space<hbm>>) target(%arg9 : memref<16x1024xf32, #tpu.memory_space<vmem>>) offsets(%dma_start3A_113 : memref<16xi32, #tpu.memory_space<vmem>>) semaphore(%arg13 : memref<!tpu.dma_semaphore, #tpu.memory_space<semaphore_mem>>)
    %dma_wait3A_117 = arith.constant 128 : i32
    %dma_wait3A_118 = tpu.memref_slice %arg5[%dma_wait3A_117] : memref<256xi32, #tpu.memory_space<vmem>> -> memref<16xi32, #tpu.memory_space<vmem>>
    %dma_wait3A_119 = arith.constant 0 : i32
    %dma_wait3A_120 = arith.constant 0 : i32
    %dma_wait3A_121 = tpu.memref_slice %arg2[%dma_wait3A_119, %dma_wait3A_120] : memref<10240x1024xf32, #tpu.memory_space<hbm>> -> memref<10240x1024xf32, #tpu.memory_space<hbm>>
    tpu.wait_indirect_dma semaphore(%arg10 : memref<!tpu.dma_semaphore, #tpu.memory_space<semaphore_mem>>) src(%dma_wait3A_121 : memref<10240x1024xf32, #tpu.memory_space<hbm>>) dst(%arg6 : memref<16x1024xf32, #tpu.memory_space<vmem>>)
    %add3A_122 = arith.constant 128 : i32
    %add3A_123 = arith.addi %mul3A_2, %add3A_122 : i32
    "tpu.region"() ({
      %run_scoped3A = tpu.sem_alloc : memref<!tpu.dma_semaphore, #tpu.memory_space<semaphore_mem>>
      %dma_start3A_193 = arith.constant 0 : i32
      %dma_start3A_194 = tpu.memref_slice %arg4[%add3A_123, %dma_start3A_193] : memref<8192x1024xf32, #tpu.memory_space<hbm>> -> memref<16x1024xf32, #tpu.memory_space<hbm>>
      %dma_start3A_195 = arith.constant 0 : i32
      %dma_start3A_196 = tpu.memref_slice %arg4[%add3A_123, %dma_start3A_195] : memref<8192x1024xf32, #tpu.memory_space<hbm>> -> memref<16x1024xf32, #tpu.memory_space<hbm>>
      tpu.enqueue_dma source(%arg6 : memref<16x1024xf32, #tpu.memory_space<vmem>>) target(%dma_start3A_196 : memref<16x1024xf32, #tpu.memory_space<hbm>>) target_semaphore(%run_scoped3A : memref<!tpu.dma_semaphore, #tpu.memory_space<semaphore_mem>>)
      %dma_wait3A_197 = arith.constant 0 : i32
      %dma_wait3A_198 = tpu.memref_slice %arg4[%add3A_123, %dma_wait3A_197] : memref<8192x1024xf32, #tpu.memory_space<hbm>> -> memref<16x1024xf32, #tpu.memory_space<hbm>>
      %dma_wait3A_199 = arith.constant 0 : i32
      %dma_wait3A_200 = tpu.memref_slice %arg4[%add3A_123, %dma_wait3A_199] : memref<8192x1024xf32, #tpu.memory_space<hbm>> -> memref<16x1024xf32, #tpu.memory_space<hbm>>
      tpu.wait_dma2 semaphore(%run_scoped3A : memref<!tpu.dma_semaphore, #tpu.memory_space<semaphore_mem>>) src(%arg6 : memref<16x1024xf32, #tpu.memory_space<vmem>>) dst(%dma_wait3A_200 : memref<16x1024xf32, #tpu.memory_space<hbm>>)
      tpu.yield
    }) : () -> ()
    %dma_start3A_124 = arith.constant 192 : i32
    %dma_start3A_125 = tpu.memref_slice %arg5[%dma_start3A_124] : memref<256xi32, #tpu.memory_space<vmem>> -> memref<16xi32, #tpu.memory_space<vmem>>
    %dma_start3A_126 = arith.constant 0 : i32
    %dma_start3A_127 = arith.constant 0 : i32
    %dma_start3A_128 = tpu.memref_slice %arg2[%dma_start3A_126, %dma_start3A_127] : memref<10240x1024xf32, #tpu.memory_space<hbm>> -> memref<10240x1024xf32, #tpu.memory_space<hbm>>
    tpu.enqueue_indirect_dma source(%dma_start3A_128 : memref<10240x1024xf32, #tpu.memory_space<hbm>>) target(%arg6 : memref<16x1024xf32, #tpu.memory_space<vmem>>) offsets(%dma_start3A_125 : memref<16xi32, #tpu.memory_space<vmem>>) semaphore(%arg10 : memref<!tpu.dma_semaphore, #tpu.memory_space<semaphore_mem>>)
    %dma_wait3A_129 = arith.constant 144 : i32
    %dma_wait3A_130 = tpu.memref_slice %arg5[%dma_wait3A_129] : memref<256xi32, #tpu.memory_space<vmem>> -> memref<16xi32, #tpu.memory_space<vmem>>
    %dma_wait3A_131 = arith.constant 0 : i32
    %dma_wait3A_132 = arith.constant 0 : i32
    %dma_wait3A_133 = tpu.memref_slice %arg2[%dma_wait3A_131, %dma_wait3A_132] : memref<10240x1024xf32, #tpu.memory_space<hbm>> -> memref<10240x1024xf32, #tpu.memory_space<hbm>>
    tpu.wait_indirect_dma semaphore(%arg11 : memref<!tpu.dma_semaphore, #tpu.memory_space<semaphore_mem>>) src(%dma_wait3A_133 : memref<10240x1024xf32, #tpu.memory_space<hbm>>) dst(%arg7 : memref<16x1024xf32, #tpu.memory_space<vmem>>)
    %add3A_134 = arith.constant 144 : i32
    %add3A_135 = arith.addi %mul3A_2, %add3A_134 : i32
    "tpu.region"() ({
      %run_scoped3A = tpu.sem_alloc : memref<!tpu.dma_semaphore, #tpu.memory_space<semaphore_mem>>
      %dma_start3A_193 = arith.constant 0 : i32
      %dma_start3A_194 = tpu.memref_slice %arg4[%add3A_135, %dma_start3A_193] : memref<8192x1024xf32, #tpu.memory_space<hbm>> -> memref<16x1024xf32, #tpu.memory_space<hbm>>
      %dma_start3A_195 = arith.constant 0 : i32
      %dma_start3A_196 = tpu.memref_slice %arg4[%add3A_135, %dma_start3A_195] : memref<8192x1024xf32, #tpu.memory_space<hbm>> -> memref<16x1024xf32, #tpu.memory_space<hbm>>
      tpu.enqueue_dma source(%arg7 : memref<16x1024xf32, #tpu.memory_space<vmem>>) target(%dma_start3A_196 : memref<16x1024xf32, #tpu.memory_space<hbm>>) target_semaphore(%run_scoped3A : memref<!tpu.dma_semaphore, #tpu.memory_space<semaphore_mem>>)
      %dma_wait3A_197 = arith.constant 0 : i32
      %dma_wait3A_198 = tpu.memref_slice %arg4[%add3A_135, %dma_wait3A_197] : memref<8192x1024xf32, #tpu.memory_space<hbm>> -> memref<16x1024xf32, #tpu.memory_space<hbm>>
      %dma_wait3A_199 = arith.constant 0 : i32
      %dma_wait3A_200 = tpu.memref_slice %arg4[%add3A_135, %dma_wait3A_199] : memref<8192x1024xf32, #tpu.memory_space<hbm>> -> memref<16x1024xf32, #tpu.memory_space<hbm>>
      tpu.wait_dma2 semaphore(%run_scoped3A : memref<!tpu.dma_semaphore, #tpu.memory_space<semaphore_mem>>) src(%arg7 : memref<16x1024xf32, #tpu.memory_space<vmem>>) dst(%dma_wait3A_200 : memref<16x1024xf32, #tpu.memory_space<hbm>>)
      tpu.yield
    }) : () -> ()
    %dma_start3A_136 = arith.constant 208 : i32
    %dma_start3A_137 = tpu.memref_slice %arg5[%dma_start3A_136] : memref<256xi32, #tpu.memory_space<vmem>> -> memref<16xi32, #tpu.memory_space<vmem>>
    %dma_start3A_138 = arith.constant 0 : i32
    %dma_start3A_139 = arith.constant 0 : i32
    %dma_start3A_140 = tpu.memref_slice %arg2[%dma_start3A_138, %dma_start3A_139] : memref<10240x1024xf32, #tpu.memory_space<hbm>> -> memref<10240x1024xf32, #tpu.memory_space<hbm>>
    tpu.enqueue_indirect_dma source(%dma_start3A_140 : memref<10240x1024xf32, #tpu.memory_space<hbm>>) target(%arg7 : memref<16x1024xf32, #tpu.memory_space<vmem>>) offsets(%dma_start3A_137 : memref<16xi32, #tpu.memory_space<vmem>>) semaphore(%arg11 : memref<!tpu.dma_semaphore, #tpu.memory_space<semaphore_mem>>)
    %dma_wait3A_141 = arith.constant 160 : i32
    %dma_wait3A_142 = tpu.memref_slice %arg5[%dma_wait3A_141] : memref<256xi32, #tpu.memory_space<vmem>> -> memref<16xi32, #tpu.memory_space<vmem>>
    %dma_wait3A_143 = arith.constant 0 : i32
    %dma_wait3A_144 = arith.constant 0 : i32
    %dma_wait3A_145 = tpu.memref_slice %arg2[%dma_wait3A_143, %dma_wait3A_144] : memref<10240x1024xf32, #tpu.memory_space<hbm>> -> memref<10240x1024xf32, #tpu.memory_space<hbm>>
    tpu.wait_indirect_dma semaphore(%arg12 : memref<!tpu.dma_semaphore, #tpu.memory_space<semaphore_mem>>) src(%dma_wait3A_145 : memref<10240x1024xf32, #tpu.memory_space<hbm>>) dst(%arg8 : memref<16x1024xf32, #tpu.memory_space<vmem>>)
    %add3A_146 = arith.constant 160 : i32
    %add3A_147 = arith.addi %mul3A_2, %add3A_146 : i32
    "tpu.region"() ({
      %run_scoped3A = tpu.sem_alloc : memref<!tpu.dma_semaphore, #tpu.memory_space<semaphore_mem>>
      %dma_start3A_193 = arith.constant 0 : i32
      %dma_start3A_194 = tpu.memref_slice %arg4[%add3A_147, %dma_start3A_193] : memref<8192x1024xf32, #tpu.memory_space<hbm>> -> memref<16x1024xf32, #tpu.memory_space<hbm>>
      %dma_start3A_195 = arith.constant 0 : i32
      %dma_start3A_196 = tpu.memref_slice %arg4[%add3A_147, %dma_start3A_195] : memref<8192x1024xf32, #tpu.memory_space<hbm>> -> memref<16x1024xf32, #tpu.memory_space<hbm>>
      tpu.enqueue_dma source(%arg8 : memref<16x1024xf32, #tpu.memory_space<vmem>>) target(%dma_start3A_196 : memref<16x1024xf32, #tpu.memory_space<hbm>>) target_semaphore(%run_scoped3A : memref<!tpu.dma_semaphore, #tpu.memory_space<semaphore_mem>>)
      %dma_wait3A_197 = arith.constant 0 : i32
      %dma_wait3A_198 = tpu.memref_slice %arg4[%add3A_147, %dma_wait3A_197] : memref<8192x1024xf32, #tpu.memory_space<hbm>> -> memref<16x1024xf32, #tpu.memory_space<hbm>>
      %dma_wait3A_199 = arith.constant 0 : i32
      %dma_wait3A_200 = tpu.memref_slice %arg4[%add3A_147, %dma_wait3A_199] : memref<8192x1024xf32, #tpu.memory_space<hbm>> -> memref<16x1024xf32, #tpu.memory_space<hbm>>
      tpu.wait_dma2 semaphore(%run_scoped3A : memref<!tpu.dma_semaphore, #tpu.memory_space<semaphore_mem>>) src(%arg8 : memref<16x1024xf32, #tpu.memory_space<vmem>>) dst(%dma_wait3A_200 : memref<16x1024xf32, #tpu.memory_space<hbm>>)
      tpu.yield
    }) : () -> ()
    %dma_start3A_148 = arith.constant 224 : i32
    %dma_start3A_149 = tpu.memref_slice %arg5[%dma_start3A_148] : memref<256xi32, #tpu.memory_space<vmem>> -> memref<16xi32, #tpu.memory_space<vmem>>
    %dma_start3A_150 = arith.constant 0 : i32
    %dma_start3A_151 = arith.constant 0 : i32
    %dma_start3A_152 = tpu.memref_slice %arg2[%dma_start3A_150, %dma_start3A_151] : memref<10240x1024xf32, #tpu.memory_space<hbm>> -> memref<10240x1024xf32, #tpu.memory_space<hbm>>
    tpu.enqueue_indirect_dma source(%dma_start3A_152 : memref<10240x1024xf32, #tpu.memory_space<hbm>>) target(%arg8 : memref<16x1024xf32, #tpu.memory_space<vmem>>) offsets(%dma_start3A_149 : memref<16xi32, #tpu.memory_space<vmem>>) semaphore(%arg12 : memref<!tpu.dma_semaphore, #tpu.memory_space<semaphore_mem>>)
    %dma_wait3A_153 = arith.constant 176 : i32
    %dma_wait3A_154 = tpu.memref_slice %arg5[%dma_wait3A_153] : memref<256xi32, #tpu.memory_space<vmem>> -> memref<16xi32, #tpu.memory_space<vmem>>
    %dma_wait3A_155 = arith.constant 0 : i32
    %dma_wait3A_156 = arith.constant 0 : i32
    %dma_wait3A_157 = tpu.memref_slice %arg2[%dma_wait3A_155, %dma_wait3A_156] : memref<10240x1024xf32, #tpu.memory_space<hbm>> -> memref<10240x1024xf32, #tpu.memory_space<hbm>>
    tpu.wait_indirect_dma semaphore(%arg13 : memref<!tpu.dma_semaphore, #tpu.memory_space<semaphore_mem>>) src(%dma_wait3A_157 : memref<10240x1024xf32, #tpu.memory_space<hbm>>) dst(%arg9 : memref<16x1024xf32, #tpu.memory_space<vmem>>)
    %add3A_158 = arith.constant 176 : i32
    %add3A_159 = arith.addi %mul3A_2, %add3A_158 : i32
    "tpu.region"() ({
      %run_scoped3A = tpu.sem_alloc : memref<!tpu.dma_semaphore, #tpu.memory_space<semaphore_mem>>
      %dma_start3A_193 = arith.constant 0 : i32
      %dma_start3A_194 = tpu.memref_slice %arg4[%add3A_159, %dma_start3A_193] : memref<8192x1024xf32, #tpu.memory_space<hbm>> -> memref<16x1024xf32, #tpu.memory_space<hbm>>
      %dma_start3A_195 = arith.constant 0 : i32
      %dma_start3A_196 = tpu.memref_slice %arg4[%add3A_159, %dma_start3A_195] : memref<8192x1024xf32, #tpu.memory_space<hbm>> -> memref<16x1024xf32, #tpu.memory_space<hbm>>
      tpu.enqueue_dma source(%arg9 : memref<16x1024xf32, #tpu.memory_space<vmem>>) target(%dma_start3A_196 : memref<16x1024xf32, #tpu.memory_space<hbm>>) target_semaphore(%run_scoped3A : memref<!tpu.dma_semaphore, #tpu.memory_space<semaphore_mem>>)
      %dma_wait3A_197 = arith.constant 0 : i32
      %dma_wait3A_198 = tpu.memref_slice %arg4[%add3A_159, %dma_wait3A_197] : memref<8192x1024xf32, #tpu.memory_space<hbm>> -> memref<16x1024xf32, #tpu.memory_space<hbm>>
      %dma_wait3A_199 = arith.constant 0 : i32
      %dma_wait3A_200 = tpu.memref_slice %arg4[%add3A_159, %dma_wait3A_199] : memref<8192x1024xf32, #tpu.memory_space<hbm>> -> memref<16x1024xf32, #tpu.memory_space<hbm>>
      tpu.wait_dma2 semaphore(%run_scoped3A : memref<!tpu.dma_semaphore, #tpu.memory_space<semaphore_mem>>) src(%arg9 : memref<16x1024xf32, #tpu.memory_space<vmem>>) dst(%dma_wait3A_200 : memref<16x1024xf32, #tpu.memory_space<hbm>>)
      tpu.yield
    }) : () -> ()
    %dma_start3A_160 = arith.constant 240 : i32
    %dma_start3A_161 = tpu.memref_slice %arg5[%dma_start3A_160] : memref<256xi32, #tpu.memory_space<vmem>> -> memref<16xi32, #tpu.memory_space<vmem>>
    %dma_start3A_162 = arith.constant 0 : i32
    %dma_start3A_163 = arith.constant 0 : i32
    %dma_start3A_164 = tpu.memref_slice %arg2[%dma_start3A_162, %dma_start3A_163] : memref<10240x1024xf32, #tpu.memory_space<hbm>> -> memref<10240x1024xf32, #tpu.memory_space<hbm>>
    tpu.enqueue_indirect_dma source(%dma_start3A_164 : memref<10240x1024xf32, #tpu.memory_space<hbm>>) target(%arg9 : memref<16x1024xf32, #tpu.memory_space<vmem>>) offsets(%dma_start3A_161 : memref<16xi32, #tpu.memory_space<vmem>>) semaphore(%arg13 : memref<!tpu.dma_semaphore, #tpu.memory_space<semaphore_mem>>)
    %dma_wait3A_165 = arith.constant 192 : i32
    %dma_wait3A_166 = tpu.memref_slice %arg5[%dma_wait3A_165] : memref<256xi32, #tpu.memory_space<vmem>> -> memref<16xi32, #tpu.memory_space<vmem>>
    %dma_wait3A_167 = arith.constant 0 : i32
    %dma_wait3A_168 = arith.constant 0 : i32
    %dma_wait3A_169 = tpu.memref_slice %arg2[%dma_wait3A_167, %dma_wait3A_168] : memref<10240x1024xf32, #tpu.memory_space<hbm>> -> memref<10240x1024xf32, #tpu.memory_space<hbm>>
    tpu.wait_indirect_dma semaphore(%arg10 : memref<!tpu.dma_semaphore, #tpu.memory_space<semaphore_mem>>) src(%dma_wait3A_169 : memref<10240x1024xf32, #tpu.memory_space<hbm>>) dst(%arg6 : memref<16x1024xf32, #tpu.memory_space<vmem>>)
    %add3A_170 = arith.constant 192 : i32
    %add3A_171 = arith.addi %mul3A_2, %add3A_170 : i32
    "tpu.region"() ({
      %run_scoped3A = tpu.sem_alloc : memref<!tpu.dma_semaphore, #tpu.memory_space<semaphore_mem>>
      %dma_start3A_193 = arith.constant 0 : i32
      %dma_start3A_194 = tpu.memref_slice %arg4[%add3A_171, %dma_start3A_193] : memref<8192x1024xf32, #tpu.memory_space<hbm>> -> memref<16x1024xf32, #tpu.memory_space<hbm>>
      %dma_start3A_195 = arith.constant 0 : i32
      %dma_start3A_196 = tpu.memref_slice %arg4[%add3A_171, %dma_start3A_195] : memref<8192x1024xf32, #tpu.memory_space<hbm>> -> memref<16x1024xf32, #tpu.memory_space<hbm>>
      tpu.enqueue_dma source(%arg6 : memref<16x1024xf32, #tpu.memory_space<vmem>>) target(%dma_start3A_196 : memref<16x1024xf32, #tpu.memory_space<hbm>>) target_semaphore(%run_scoped3A : memref<!tpu.dma_semaphore, #tpu.memory_space<semaphore_mem>>)
      %dma_wait3A_197 = arith.constant 0 : i32
      %dma_wait3A_198 = tpu.memref_slice %arg4[%add3A_171, %dma_wait3A_197] : memref<8192x1024xf32, #tpu.memory_space<hbm>> -> memref<16x1024xf32, #tpu.memory_space<hbm>>
      %dma_wait3A_199 = arith.constant 0 : i32
      %dma_wait3A_200 = tpu.memref_slice %arg4[%add3A_171, %dma_wait3A_199] : memref<8192x1024xf32, #tpu.memory_space<hbm>> -> memref<16x1024xf32, #tpu.memory_space<hbm>>
      tpu.wait_dma2 semaphore(%run_scoped3A : memref<!tpu.dma_semaphore, #tpu.memory_space<semaphore_mem>>) src(%arg6 : memref<16x1024xf32, #tpu.memory_space<vmem>>) dst(%dma_wait3A_200 : memref<16x1024xf32, #tpu.memory_space<hbm>>)
      tpu.yield
    }) : () -> ()
    %dma_wait3A_172 = arith.constant 208 : i32
    %dma_wait3A_173 = tpu.memref_slice %arg5[%dma_wait3A_172] : memref<256xi32, #tpu.memory_space<vmem>> -> memref<16xi32, #tpu.memory_space<vmem>>
    %dma_wait3A_174 = arith.constant 0 : i32
    %dma_wait3A_175 = arith.constant 0 : i32
    %dma_wait3A_176 = tpu.memref_slice %arg2[%dma_wait3A_174, %dma_wait3A_175] : memref<10240x1024xf32, #tpu.memory_space<hbm>> -> memref<10240x1024xf32, #tpu.memory_space<hbm>>
    tpu.wait_indirect_dma semaphore(%arg11 : memref<!tpu.dma_semaphore, #tpu.memory_space<semaphore_mem>>) src(%dma_wait3A_176 : memref<10240x1024xf32, #tpu.memory_space<hbm>>) dst(%arg7 : memref<16x1024xf32, #tpu.memory_space<vmem>>)
    %add3A_177 = arith.constant 208 : i32
    %add3A_178 = arith.addi %mul3A_2, %add3A_177 : i32
    "tpu.region"() ({
      %run_scoped3A = tpu.sem_alloc : memref<!tpu.dma_semaphore, #tpu.memory_space<semaphore_mem>>
      %dma_start3A_193 = arith.constant 0 : i32
      %dma_start3A_194 = tpu.memref_slice %arg4[%add3A_178, %dma_start3A_193] : memref<8192x1024xf32, #tpu.memory_space<hbm>> -> memref<16x1024xf32, #tpu.memory_space<hbm>>
      %dma_start3A_195 = arith.constant 0 : i32
      %dma_start3A_196 = tpu.memref_slice %arg4[%add3A_178, %dma_start3A_195] : memref<8192x1024xf32, #tpu.memory_space<hbm>> -> memref<16x1024xf32, #tpu.memory_space<hbm>>
      tpu.enqueue_dma source(%arg7 : memref<16x1024xf32, #tpu.memory_space<vmem>>) target(%dma_start3A_196 : memref<16x1024xf32, #tpu.memory_space<hbm>>) target_semaphore(%run_scoped3A : memref<!tpu.dma_semaphore, #tpu.memory_space<semaphore_mem>>)
      %dma_wait3A_197 = arith.constant 0 : i32
      %dma_wait3A_198 = tpu.memref_slice %arg4[%add3A_178, %dma_wait3A_197] : memref<8192x1024xf32, #tpu.memory_space<hbm>> -> memref<16x1024xf32, #tpu.memory_space<hbm>>
      %dma_wait3A_199 = arith.constant 0 : i32
      %dma_wait3A_200 = tpu.memref_slice %arg4[%add3A_178, %dma_wait3A_199] : memref<8192x1024xf32, #tpu.memory_space<hbm>> -> memref<16x1024xf32, #tpu.memory_space<hbm>>
      tpu.wait_dma2 semaphore(%run_scoped3A : memref<!tpu.dma_semaphore, #tpu.memory_space<semaphore_mem>>) src(%arg7 : memref<16x1024xf32, #tpu.memory_space<vmem>>) dst(%dma_wait3A_200 : memref<16x1024xf32, #tpu.memory_space<hbm>>)
      tpu.yield
    }) : () -> ()
    %dma_wait3A_179 = arith.constant 224 : i32
    %dma_wait3A_180 = tpu.memref_slice %arg5[%dma_wait3A_179] : memref<256xi32, #tpu.memory_space<vmem>> -> memref<16xi32, #tpu.memory_space<vmem>>
    %dma_wait3A_181 = arith.constant 0 : i32
    %dma_wait3A_182 = arith.constant 0 : i32
    %dma_wait3A_183 = tpu.memref_slice %arg2[%dma_wait3A_181, %dma_wait3A_182] : memref<10240x1024xf32, #tpu.memory_space<hbm>> -> memref<10240x1024xf32, #tpu.memory_space<hbm>>
    tpu.wait_indirect_dma semaphore(%arg12 : memref<!tpu.dma_semaphore, #tpu.memory_space<semaphore_mem>>) src(%dma_wait3A_183 : memref<10240x1024xf32, #tpu.memory_space<hbm>>) dst(%arg8 : memref<16x1024xf32, #tpu.memory_space<vmem>>)
    %add3A_184 = arith.constant 224 : i32
    %add3A_185 = arith.addi %mul3A_2, %add3A_184 : i32
    "tpu.region"() ({
      %run_scoped3A = tpu.sem_alloc : memref<!tpu.dma_semaphore, #tpu.memory_space<semaphore_mem>>
      %dma_start3A_193 = arith.constant 0 : i32
      %dma_start3A_194 = tpu.memref_slice %arg4[%add3A_185, %dma_start3A_193] : memref<8192x1024xf32, #tpu.memory_space<hbm>> -> memref<16x1024xf32, #tpu.memory_space<hbm>>
      %dma_start3A_195 = arith.constant 0 : i32
      %dma_start3A_196 = tpu.memref_slice %arg4[%add3A_185, %dma_start3A_195] : memref<8192x1024xf32, #tpu.memory_space<hbm>> -> memref<16x1024xf32, #tpu.memory_space<hbm>>
      tpu.enqueue_dma source(%arg8 : memref<16x1024xf32, #tpu.memory_space<vmem>>) target(%dma_start3A_196 : memref<16x1024xf32, #tpu.memory_space<hbm>>) target_semaphore(%run_scoped3A : memref<!tpu.dma_semaphore, #tpu.memory_space<semaphore_mem>>)
      %dma_wait3A_197 = arith.constant 0 : i32
      %dma_wait3A_198 = tpu.memref_slice %arg4[%add3A_185, %dma_wait3A_197] : memref<8192x1024xf32, #tpu.memory_space<hbm>> -> memref<16x1024xf32, #tpu.memory_space<hbm>>
      %dma_wait3A_199 = arith.constant 0 : i32
      %dma_wait3A_200 = tpu.memref_slice %arg4[%add3A_185, %dma_wait3A_199] : memref<8192x1024xf32, #tpu.memory_space<hbm>> -> memref<16x1024xf32, #tpu.memory_space<hbm>>
      tpu.wait_dma2 semaphore(%run_scoped3A : memref<!tpu.dma_semaphore, #tpu.memory_space<semaphore_mem>>) src(%arg8 : memref<16x1024xf32, #tpu.memory_space<vmem>>) dst(%dma_wait3A_200 : memref<16x1024xf32, #tpu.memory_space<hbm>>)
      tpu.yield
    }) : () -> ()
    %dma_wait3A_186 = arith.constant 240 : i32
    %dma_wait3A_187 = tpu.memref_slice %arg5[%dma_wait3A_186] : memref<256xi32, #tpu.memory_space<vmem>> -> memref<16xi32, #tpu.memory_space<vmem>>
    %dma_wait3A_188 = arith.constant 0 : i32
    %dma_wait3A_189 = arith.constant 0 : i32
    %dma_wait3A_190 = tpu.memref_slice %arg2[%dma_wait3A_188, %dma_wait3A_189] : memref<10240x1024xf32, #tpu.memory_space<hbm>> -> memref<10240x1024xf32, #tpu.memory_space<hbm>>
    tpu.wait_indirect_dma semaphore(%arg13 : memref<!tpu.dma_semaphore, #tpu.memory_space<semaphore_mem>>) src(%dma_wait3A_190 : memref<10240x1024xf32, #tpu.memory_space<hbm>>) dst(%arg9 : memref<16x1024xf32, #tpu.memory_space<vmem>>)
    %add3A_191 = arith.constant 240 : i32
    %add3A_192 = arith.addi %mul3A_2, %add3A_191 : i32
    "tpu.region"() ({
      %run_scoped3A = tpu.sem_alloc : memref<!tpu.dma_semaphore, #tpu.memory_space<semaphore_mem>>
      %dma_start3A_193 = arith.constant 0 : i32
      %dma_start3A_194 = tpu.memref_slice %arg4[%add3A_192, %dma_start3A_193] : memref<8192x1024xf32, #tpu.memory_space<hbm>> -> memref<16x1024xf32, #tpu.memory_space<hbm>>
      %dma_start3A_195 = arith.constant 0 : i32
      %dma_start3A_196 = tpu.memref_slice %arg4[%add3A_192, %dma_start3A_195] : memref<8192x1024xf32, #tpu.memory_space<hbm>> -> memref<16x1024xf32, #tpu.memory_space<hbm>>
      tpu.enqueue_dma source(%arg9 : memref<16x1024xf32, #tpu.memory_space<vmem>>) target(%dma_start3A_196 : memref<16x1024xf32, #tpu.memory_space<hbm>>) target_semaphore(%run_scoped3A : memref<!tpu.dma_semaphore, #tpu.memory_space<semaphore_mem>>)
      %dma_wait3A_197 = arith.constant 0 : i32
      %dma_wait3A_198 = tpu.memref_slice %arg4[%add3A_192, %dma_wait3A_197] : memref<8192x1024xf32, #tpu.memory_space<hbm>> -> memref<16x1024xf32, #tpu.memory_space<hbm>>
      %dma_wait3A_199 = arith.constant 0 : i32
      %dma_wait3A_200 = tpu.memref_slice %arg4[%add3A_192, %dma_wait3A_199] : memref<8192x1024xf32, #tpu.memory_space<hbm>> -> memref<16x1024xf32, #tpu.memory_space<hbm>>
      tpu.wait_dma2 semaphore(%run_scoped3A : memref<!tpu.dma_semaphore, #tpu.memory_space<semaphore_mem>>) src(%arg9 : memref<16x1024xf32, #tpu.memory_space<vmem>>) dst(%dma_wait3A_200 : memref<16x1024xf32, #tpu.memory_space<hbm>>)
      tpu.yield
    }) : () -> ()
    return
  }
}

#map = affine_map<(d0, d1) -> (0, 0)>
#map1 = affine_map<(d0, d1) -> (0)>
module attributes {stable_mosaic.version = 14 : i64} {
  func.func @k(%arg0: i32, %arg1: i32, %arg2: memref<4096x1024xf32, #tpu.memory_space<hbm>>, %arg3: memref<10240xi32, #tpu.memory_space<hbm>>, %arg4: memref<10240x1024xf32, #tpu.memory_space<hbm>>, %arg5: memref<320xi32, #tpu.memory_space<vmem>>, %arg6: memref<16x1024xf32, #tpu.memory_space<vmem>>, %arg7: memref<16x1024xf32, #tpu.memory_space<vmem>>, %arg8: memref<16x1024xf32, #tpu.memory_space<vmem>>, %arg9: memref<16x1024xf32, #tpu.memory_space<vmem>>, %arg10: memref<!tpu.dma_semaphore, #tpu.memory_space<semaphore_mem>>, %arg11: memref<!tpu.dma_semaphore, #tpu.memory_space<semaphore_mem>>, %arg12: memref<!tpu.dma_semaphore, #tpu.memory_space<semaphore_mem>>, %arg13: memref<!tpu.dma_semaphore, #tpu.memory_space<semaphore_mem>>) attributes {dimension_semantics = [#tpu.dimension_semantics<core_parallel>, #tpu.dimension_semantics<subcore_parallel>], iteration_bounds = array<i64: 2, 16>, scalar_prefetch = 0 : i64, scratch_operands = 9 : i64, tpu.core_type = #tpu.core_type<sc_vector_subcore>, window_params = [{transform_indices = #map}, {transform_indices = #map1}, {transform_indices = #map}]} {
    %mul3A = arith.constant 2 : i32
    %mul3A_0 = arith.muli %arg1, %mul3A : i32
    %add3A = arith.addi %mul3A_0, %arg0 : i32
    %mul3A_1 = arith.constant 320 : i32
    %mul3A_2 = arith.muli %add3A, %mul3A_1 : i32
    "tpu.region"() ({
      %run_scoped3A = tpu.sem_alloc : memref<!tpu.dma_semaphore, #tpu.memory_space<semaphore_mem>>
      %dma_start3A_241 = tpu.memref_slice %arg3[%mul3A_2] : memref<10240xi32, #tpu.memory_space<hbm>> -> memref<320xi32, #tpu.memory_space<hbm>>
      %dma_start3A_242 = tpu.memref_slice %arg3[%mul3A_2] : memref<10240xi32, #tpu.memory_space<hbm>> -> memref<320xi32, #tpu.memory_space<hbm>>
      tpu.enqueue_dma source(%dma_start3A_242 : memref<320xi32, #tpu.memory_space<hbm>>) target(%arg5 : memref<320xi32, #tpu.memory_space<vmem>>) target_semaphore(%run_scoped3A : memref<!tpu.dma_semaphore, #tpu.memory_space<semaphore_mem>>)
      %dma_wait3A_243 = tpu.memref_slice %arg3[%mul3A_2] : memref<10240xi32, #tpu.memory_space<hbm>> -> memref<320xi32, #tpu.memory_space<hbm>>
      %dma_wait3A_244 = tpu.memref_slice %arg3[%mul3A_2] : memref<10240xi32, #tpu.memory_space<hbm>> -> memref<320xi32, #tpu.memory_space<hbm>>
      tpu.wait_dma2 semaphore(%run_scoped3A : memref<!tpu.dma_semaphore, #tpu.memory_space<semaphore_mem>>) src(%dma_wait3A_244 : memref<320xi32, #tpu.memory_space<hbm>>) dst(%arg5 : memref<320xi32, #tpu.memory_space<vmem>>)
      tpu.yield
    }) : () -> ()
    %dma_start3A = arith.constant 0 : i32
    %dma_start3A_3 = tpu.memref_slice %arg5[%dma_start3A] : memref<320xi32, #tpu.memory_space<vmem>> -> memref<16xi32, #tpu.memory_space<vmem>>
    %dma_start3A_4 = arith.constant 0 : i32
    %dma_start3A_5 = arith.constant 0 : i32
    %dma_start3A_6 = tpu.memref_slice %arg2[%dma_start3A_4, %dma_start3A_5] : memref<4096x1024xf32, #tpu.memory_space<hbm>> -> memref<4096x1024xf32, #tpu.memory_space<hbm>>
    tpu.enqueue_indirect_dma source(%dma_start3A_6 : memref<4096x1024xf32, #tpu.memory_space<hbm>>) target(%arg6 : memref<16x1024xf32, #tpu.memory_space<vmem>>) offsets(%dma_start3A_3 : memref<16xi32, #tpu.memory_space<vmem>>) semaphore(%arg10 : memref<!tpu.dma_semaphore, #tpu.memory_space<semaphore_mem>>)
    %dma_start3A_7 = arith.constant 16 : i32
    %dma_start3A_8 = tpu.memref_slice %arg5[%dma_start3A_7] : memref<320xi32, #tpu.memory_space<vmem>> -> memref<16xi32, #tpu.memory_space<vmem>>
    %dma_start3A_9 = arith.constant 0 : i32
    %dma_start3A_10 = arith.constant 0 : i32
    %dma_start3A_11 = tpu.memref_slice %arg2[%dma_start3A_9, %dma_start3A_10] : memref<4096x1024xf32, #tpu.memory_space<hbm>> -> memref<4096x1024xf32, #tpu.memory_space<hbm>>
    tpu.enqueue_indirect_dma source(%dma_start3A_11 : memref<4096x1024xf32, #tpu.memory_space<hbm>>) target(%arg7 : memref<16x1024xf32, #tpu.memory_space<vmem>>) offsets(%dma_start3A_8 : memref<16xi32, #tpu.memory_space<vmem>>) semaphore(%arg11 : memref<!tpu.dma_semaphore, #tpu.memory_space<semaphore_mem>>)
    %dma_start3A_12 = arith.constant 32 : i32
    %dma_start3A_13 = tpu.memref_slice %arg5[%dma_start3A_12] : memref<320xi32, #tpu.memory_space<vmem>> -> memref<16xi32, #tpu.memory_space<vmem>>
    %dma_start3A_14 = arith.constant 0 : i32
    %dma_start3A_15 = arith.constant 0 : i32
    %dma_start3A_16 = tpu.memref_slice %arg2[%dma_start3A_14, %dma_start3A_15] : memref<4096x1024xf32, #tpu.memory_space<hbm>> -> memref<4096x1024xf32, #tpu.memory_space<hbm>>
    tpu.enqueue_indirect_dma source(%dma_start3A_16 : memref<4096x1024xf32, #tpu.memory_space<hbm>>) target(%arg8 : memref<16x1024xf32, #tpu.memory_space<vmem>>) offsets(%dma_start3A_13 : memref<16xi32, #tpu.memory_space<vmem>>) semaphore(%arg12 : memref<!tpu.dma_semaphore, #tpu.memory_space<semaphore_mem>>)
    %dma_start3A_17 = arith.constant 48 : i32
    %dma_start3A_18 = tpu.memref_slice %arg5[%dma_start3A_17] : memref<320xi32, #tpu.memory_space<vmem>> -> memref<16xi32, #tpu.memory_space<vmem>>
    %dma_start3A_19 = arith.constant 0 : i32
    %dma_start3A_20 = arith.constant 0 : i32
    %dma_start3A_21 = tpu.memref_slice %arg2[%dma_start3A_19, %dma_start3A_20] : memref<4096x1024xf32, #tpu.memory_space<hbm>> -> memref<4096x1024xf32, #tpu.memory_space<hbm>>
    tpu.enqueue_indirect_dma source(%dma_start3A_21 : memref<4096x1024xf32, #tpu.memory_space<hbm>>) target(%arg9 : memref<16x1024xf32, #tpu.memory_space<vmem>>) offsets(%dma_start3A_18 : memref<16xi32, #tpu.memory_space<vmem>>) semaphore(%arg13 : memref<!tpu.dma_semaphore, #tpu.memory_space<semaphore_mem>>)
    %dma_wait3A = arith.constant 0 : i32
    %dma_wait3A_22 = tpu.memref_slice %arg5[%dma_wait3A] : memref<320xi32, #tpu.memory_space<vmem>> -> memref<16xi32, #tpu.memory_space<vmem>>
    %dma_wait3A_23 = arith.constant 0 : i32
    %dma_wait3A_24 = arith.constant 0 : i32
    %dma_wait3A_25 = tpu.memref_slice %arg2[%dma_wait3A_23, %dma_wait3A_24] : memref<4096x1024xf32, #tpu.memory_space<hbm>> -> memref<4096x1024xf32, #tpu.memory_space<hbm>>
    tpu.wait_indirect_dma semaphore(%arg10 : memref<!tpu.dma_semaphore, #tpu.memory_space<semaphore_mem>>) src(%dma_wait3A_25 : memref<4096x1024xf32, #tpu.memory_space<hbm>>) dst(%arg6 : memref<16x1024xf32, #tpu.memory_space<vmem>>)
    %add3A_26 = arith.constant 0 : i32
    %add3A_27 = arith.addi %mul3A_2, %add3A_26 : i32
    "tpu.region"() ({
      %run_scoped3A = tpu.sem_alloc : memref<!tpu.dma_semaphore, #tpu.memory_space<semaphore_mem>>
      %dma_start3A_241 = arith.constant 0 : i32
      %dma_start3A_242 = tpu.memref_slice %arg4[%add3A_27, %dma_start3A_241] : memref<10240x1024xf32, #tpu.memory_space<hbm>> -> memref<16x1024xf32, #tpu.memory_space<hbm>>
      %dma_start3A_243 = arith.constant 0 : i32
      %dma_start3A_244 = tpu.memref_slice %arg4[%add3A_27, %dma_start3A_243] : memref<10240x1024xf32, #tpu.memory_space<hbm>> -> memref<16x1024xf32, #tpu.memory_space<hbm>>
      tpu.enqueue_dma source(%arg6 : memref<16x1024xf32, #tpu.memory_space<vmem>>) target(%dma_start3A_244 : memref<16x1024xf32, #tpu.memory_space<hbm>>) target_semaphore(%run_scoped3A : memref<!tpu.dma_semaphore, #tpu.memory_space<semaphore_mem>>)
      %dma_wait3A_245 = arith.constant 0 : i32
      %dma_wait3A_246 = tpu.memref_slice %arg4[%add3A_27, %dma_wait3A_245] : memref<10240x1024xf32, #tpu.memory_space<hbm>> -> memref<16x1024xf32, #tpu.memory_space<hbm>>
      %dma_wait3A_247 = arith.constant 0 : i32
      %dma_wait3A_248 = tpu.memref_slice %arg4[%add3A_27, %dma_wait3A_247] : memref<10240x1024xf32, #tpu.memory_space<hbm>> -> memref<16x1024xf32, #tpu.memory_space<hbm>>
      tpu.wait_dma2 semaphore(%run_scoped3A : memref<!tpu.dma_semaphore, #tpu.memory_space<semaphore_mem>>) src(%arg6 : memref<16x1024xf32, #tpu.memory_space<vmem>>) dst(%dma_wait3A_248 : memref<16x1024xf32, #tpu.memory_space<hbm>>)
      tpu.yield
    }) : () -> ()
    %dma_start3A_28 = arith.constant 64 : i32
    %dma_start3A_29 = tpu.memref_slice %arg5[%dma_start3A_28] : memref<320xi32, #tpu.memory_space<vmem>> -> memref<16xi32, #tpu.memory_space<vmem>>
    %dma_start3A_30 = arith.constant 0 : i32
    %dma_start3A_31 = arith.constant 0 : i32
    %dma_start3A_32 = tpu.memref_slice %arg2[%dma_start3A_30, %dma_start3A_31] : memref<4096x1024xf32, #tpu.memory_space<hbm>> -> memref<4096x1024xf32, #tpu.memory_space<hbm>>
    tpu.enqueue_indirect_dma source(%dma_start3A_32 : memref<4096x1024xf32, #tpu.memory_space<hbm>>) target(%arg6 : memref<16x1024xf32, #tpu.memory_space<vmem>>) offsets(%dma_start3A_29 : memref<16xi32, #tpu.memory_space<vmem>>) semaphore(%arg10 : memref<!tpu.dma_semaphore, #tpu.memory_space<semaphore_mem>>)
    %dma_wait3A_33 = arith.constant 16 : i32
    %dma_wait3A_34 = tpu.memref_slice %arg5[%dma_wait3A_33] : memref<320xi32, #tpu.memory_space<vmem>> -> memref<16xi32, #tpu.memory_space<vmem>>
    %dma_wait3A_35 = arith.constant 0 : i32
    %dma_wait3A_36 = arith.constant 0 : i32
    %dma_wait3A_37 = tpu.memref_slice %arg2[%dma_wait3A_35, %dma_wait3A_36] : memref<4096x1024xf32, #tpu.memory_space<hbm>> -> memref<4096x1024xf32, #tpu.memory_space<hbm>>
    tpu.wait_indirect_dma semaphore(%arg11 : memref<!tpu.dma_semaphore, #tpu.memory_space<semaphore_mem>>) src(%dma_wait3A_37 : memref<4096x1024xf32, #tpu.memory_space<hbm>>) dst(%arg7 : memref<16x1024xf32, #tpu.memory_space<vmem>>)
    %add3A_38 = arith.constant 16 : i32
    %add3A_39 = arith.addi %mul3A_2, %add3A_38 : i32
    "tpu.region"() ({
      %run_scoped3A = tpu.sem_alloc : memref<!tpu.dma_semaphore, #tpu.memory_space<semaphore_mem>>
      %dma_start3A_241 = arith.constant 0 : i32
      %dma_start3A_242 = tpu.memref_slice %arg4[%add3A_39, %dma_start3A_241] : memref<10240x1024xf32, #tpu.memory_space<hbm>> -> memref<16x1024xf32, #tpu.memory_space<hbm>>
      %dma_start3A_243 = arith.constant 0 : i32
      %dma_start3A_244 = tpu.memref_slice %arg4[%add3A_39, %dma_start3A_243] : memref<10240x1024xf32, #tpu.memory_space<hbm>> -> memref<16x1024xf32, #tpu.memory_space<hbm>>
      tpu.enqueue_dma source(%arg7 : memref<16x1024xf32, #tpu.memory_space<vmem>>) target(%dma_start3A_244 : memref<16x1024xf32, #tpu.memory_space<hbm>>) target_semaphore(%run_scoped3A : memref<!tpu.dma_semaphore, #tpu.memory_space<semaphore_mem>>)
      %dma_wait3A_245 = arith.constant 0 : i32
      %dma_wait3A_246 = tpu.memref_slice %arg4[%add3A_39, %dma_wait3A_245] : memref<10240x1024xf32, #tpu.memory_space<hbm>> -> memref<16x1024xf32, #tpu.memory_space<hbm>>
      %dma_wait3A_247 = arith.constant 0 : i32
      %dma_wait3A_248 = tpu.memref_slice %arg4[%add3A_39, %dma_wait3A_247] : memref<10240x1024xf32, #tpu.memory_space<hbm>> -> memref<16x1024xf32, #tpu.memory_space<hbm>>
      tpu.wait_dma2 semaphore(%run_scoped3A : memref<!tpu.dma_semaphore, #tpu.memory_space<semaphore_mem>>) src(%arg7 : memref<16x1024xf32, #tpu.memory_space<vmem>>) dst(%dma_wait3A_248 : memref<16x1024xf32, #tpu.memory_space<hbm>>)
      tpu.yield
    }) : () -> ()
    %dma_start3A_40 = arith.constant 80 : i32
    %dma_start3A_41 = tpu.memref_slice %arg5[%dma_start3A_40] : memref<320xi32, #tpu.memory_space<vmem>> -> memref<16xi32, #tpu.memory_space<vmem>>
    %dma_start3A_42 = arith.constant 0 : i32
    %dma_start3A_43 = arith.constant 0 : i32
    %dma_start3A_44 = tpu.memref_slice %arg2[%dma_start3A_42, %dma_start3A_43] : memref<4096x1024xf32, #tpu.memory_space<hbm>> -> memref<4096x1024xf32, #tpu.memory_space<hbm>>
    tpu.enqueue_indirect_dma source(%dma_start3A_44 : memref<4096x1024xf32, #tpu.memory_space<hbm>>) target(%arg7 : memref<16x1024xf32, #tpu.memory_space<vmem>>) offsets(%dma_start3A_41 : memref<16xi32, #tpu.memory_space<vmem>>) semaphore(%arg11 : memref<!tpu.dma_semaphore, #tpu.memory_space<semaphore_mem>>)
    %dma_wait3A_45 = arith.constant 32 : i32
    %dma_wait3A_46 = tpu.memref_slice %arg5[%dma_wait3A_45] : memref<320xi32, #tpu.memory_space<vmem>> -> memref<16xi32, #tpu.memory_space<vmem>>
    %dma_wait3A_47 = arith.constant 0 : i32
    %dma_wait3A_48 = arith.constant 0 : i32
    %dma_wait3A_49 = tpu.memref_slice %arg2[%dma_wait3A_47, %dma_wait3A_48] : memref<4096x1024xf32, #tpu.memory_space<hbm>> -> memref<4096x1024xf32, #tpu.memory_space<hbm>>
    tpu.wait_indirect_dma semaphore(%arg12 : memref<!tpu.dma_semaphore, #tpu.memory_space<semaphore_mem>>) src(%dma_wait3A_49 : memref<4096x1024xf32, #tpu.memory_space<hbm>>) dst(%arg8 : memref<16x1024xf32, #tpu.memory_space<vmem>>)
    %add3A_50 = arith.constant 32 : i32
    %add3A_51 = arith.addi %mul3A_2, %add3A_50 : i32
    "tpu.region"() ({
      %run_scoped3A = tpu.sem_alloc : memref<!tpu.dma_semaphore, #tpu.memory_space<semaphore_mem>>
      %dma_start3A_241 = arith.constant 0 : i32
      %dma_start3A_242 = tpu.memref_slice %arg4[%add3A_51, %dma_start3A_241] : memref<10240x1024xf32, #tpu.memory_space<hbm>> -> memref<16x1024xf32, #tpu.memory_space<hbm>>
      %dma_start3A_243 = arith.constant 0 : i32
      %dma_start3A_244 = tpu.memref_slice %arg4[%add3A_51, %dma_start3A_243] : memref<10240x1024xf32, #tpu.memory_space<hbm>> -> memref<16x1024xf32, #tpu.memory_space<hbm>>
      tpu.enqueue_dma source(%arg8 : memref<16x1024xf32, #tpu.memory_space<vmem>>) target(%dma_start3A_244 : memref<16x1024xf32, #tpu.memory_space<hbm>>) target_semaphore(%run_scoped3A : memref<!tpu.dma_semaphore, #tpu.memory_space<semaphore_mem>>)
      %dma_wait3A_245 = arith.constant 0 : i32
      %dma_wait3A_246 = tpu.memref_slice %arg4[%add3A_51, %dma_wait3A_245] : memref<10240x1024xf32, #tpu.memory_space<hbm>> -> memref<16x1024xf32, #tpu.memory_space<hbm>>
      %dma_wait3A_247 = arith.constant 0 : i32
      %dma_wait3A_248 = tpu.memref_slice %arg4[%add3A_51, %dma_wait3A_247] : memref<10240x1024xf32, #tpu.memory_space<hbm>> -> memref<16x1024xf32, #tpu.memory_space<hbm>>
      tpu.wait_dma2 semaphore(%run_scoped3A : memref<!tpu.dma_semaphore, #tpu.memory_space<semaphore_mem>>) src(%arg8 : memref<16x1024xf32, #tpu.memory_space<vmem>>) dst(%dma_wait3A_248 : memref<16x1024xf32, #tpu.memory_space<hbm>>)
      tpu.yield
    }) : () -> ()
    %dma_start3A_52 = arith.constant 96 : i32
    %dma_start3A_53 = tpu.memref_slice %arg5[%dma_start3A_52] : memref<320xi32, #tpu.memory_space<vmem>> -> memref<16xi32, #tpu.memory_space<vmem>>
    %dma_start3A_54 = arith.constant 0 : i32
    %dma_start3A_55 = arith.constant 0 : i32
    %dma_start3A_56 = tpu.memref_slice %arg2[%dma_start3A_54, %dma_start3A_55] : memref<4096x1024xf32, #tpu.memory_space<hbm>> -> memref<4096x1024xf32, #tpu.memory_space<hbm>>
    tpu.enqueue_indirect_dma source(%dma_start3A_56 : memref<4096x1024xf32, #tpu.memory_space<hbm>>) target(%arg8 : memref<16x1024xf32, #tpu.memory_space<vmem>>) offsets(%dma_start3A_53 : memref<16xi32, #tpu.memory_space<vmem>>) semaphore(%arg12 : memref<!tpu.dma_semaphore, #tpu.memory_space<semaphore_mem>>)
    %dma_wait3A_57 = arith.constant 48 : i32
    %dma_wait3A_58 = tpu.memref_slice %arg5[%dma_wait3A_57] : memref<320xi32, #tpu.memory_space<vmem>> -> memref<16xi32, #tpu.memory_space<vmem>>
    %dma_wait3A_59 = arith.constant 0 : i32
    %dma_wait3A_60 = arith.constant 0 : i32
    %dma_wait3A_61 = tpu.memref_slice %arg2[%dma_wait3A_59, %dma_wait3A_60] : memref<4096x1024xf32, #tpu.memory_space<hbm>> -> memref<4096x1024xf32, #tpu.memory_space<hbm>>
    tpu.wait_indirect_dma semaphore(%arg13 : memref<!tpu.dma_semaphore, #tpu.memory_space<semaphore_mem>>) src(%dma_wait3A_61 : memref<4096x1024xf32, #tpu.memory_space<hbm>>) dst(%arg9 : memref<16x1024xf32, #tpu.memory_space<vmem>>)
    %add3A_62 = arith.constant 48 : i32
    %add3A_63 = arith.addi %mul3A_2, %add3A_62 : i32
    "tpu.region"() ({
      %run_scoped3A = tpu.sem_alloc : memref<!tpu.dma_semaphore, #tpu.memory_space<semaphore_mem>>
      %dma_start3A_241 = arith.constant 0 : i32
      %dma_start3A_242 = tpu.memref_slice %arg4[%add3A_63, %dma_start3A_241] : memref<10240x1024xf32, #tpu.memory_space<hbm>> -> memref<16x1024xf32, #tpu.memory_space<hbm>>
      %dma_start3A_243 = arith.constant 0 : i32
      %dma_start3A_244 = tpu.memref_slice %arg4[%add3A_63, %dma_start3A_243] : memref<10240x1024xf32, #tpu.memory_space<hbm>> -> memref<16x1024xf32, #tpu.memory_space<hbm>>
      tpu.enqueue_dma source(%arg9 : memref<16x1024xf32, #tpu.memory_space<vmem>>) target(%dma_start3A_244 : memref<16x1024xf32, #tpu.memory_space<hbm>>) target_semaphore(%run_scoped3A : memref<!tpu.dma_semaphore, #tpu.memory_space<semaphore_mem>>)
      %dma_wait3A_245 = arith.constant 0 : i32
      %dma_wait3A_246 = tpu.memref_slice %arg4[%add3A_63, %dma_wait3A_245] : memref<10240x1024xf32, #tpu.memory_space<hbm>> -> memref<16x1024xf32, #tpu.memory_space<hbm>>
      %dma_wait3A_247 = arith.constant 0 : i32
      %dma_wait3A_248 = tpu.memref_slice %arg4[%add3A_63, %dma_wait3A_247] : memref<10240x1024xf32, #tpu.memory_space<hbm>> -> memref<16x1024xf32, #tpu.memory_space<hbm>>
      tpu.wait_dma2 semaphore(%run_scoped3A : memref<!tpu.dma_semaphore, #tpu.memory_space<semaphore_mem>>) src(%arg9 : memref<16x1024xf32, #tpu.memory_space<vmem>>) dst(%dma_wait3A_248 : memref<16x1024xf32, #tpu.memory_space<hbm>>)
      tpu.yield
    }) : () -> ()
    %dma_start3A_64 = arith.constant 112 : i32
    %dma_start3A_65 = tpu.memref_slice %arg5[%dma_start3A_64] : memref<320xi32, #tpu.memory_space<vmem>> -> memref<16xi32, #tpu.memory_space<vmem>>
    %dma_start3A_66 = arith.constant 0 : i32
    %dma_start3A_67 = arith.constant 0 : i32
    %dma_start3A_68 = tpu.memref_slice %arg2[%dma_start3A_66, %dma_start3A_67] : memref<4096x1024xf32, #tpu.memory_space<hbm>> -> memref<4096x1024xf32, #tpu.memory_space<hbm>>
    tpu.enqueue_indirect_dma source(%dma_start3A_68 : memref<4096x1024xf32, #tpu.memory_space<hbm>>) target(%arg9 : memref<16x1024xf32, #tpu.memory_space<vmem>>) offsets(%dma_start3A_65 : memref<16xi32, #tpu.memory_space<vmem>>) semaphore(%arg13 : memref<!tpu.dma_semaphore, #tpu.memory_space<semaphore_mem>>)
    %dma_wait3A_69 = arith.constant 64 : i32
    %dma_wait3A_70 = tpu.memref_slice %arg5[%dma_wait3A_69] : memref<320xi32, #tpu.memory_space<vmem>> -> memref<16xi32, #tpu.memory_space<vmem>>
    %dma_wait3A_71 = arith.constant 0 : i32
    %dma_wait3A_72 = arith.constant 0 : i32
    %dma_wait3A_73 = tpu.memref_slice %arg2[%dma_wait3A_71, %dma_wait3A_72] : memref<4096x1024xf32, #tpu.memory_space<hbm>> -> memref<4096x1024xf32, #tpu.memory_space<hbm>>
    tpu.wait_indirect_dma semaphore(%arg10 : memref<!tpu.dma_semaphore, #tpu.memory_space<semaphore_mem>>) src(%dma_wait3A_73 : memref<4096x1024xf32, #tpu.memory_space<hbm>>) dst(%arg6 : memref<16x1024xf32, #tpu.memory_space<vmem>>)
    %add3A_74 = arith.constant 64 : i32
    %add3A_75 = arith.addi %mul3A_2, %add3A_74 : i32
    "tpu.region"() ({
      %run_scoped3A = tpu.sem_alloc : memref<!tpu.dma_semaphore, #tpu.memory_space<semaphore_mem>>
      %dma_start3A_241 = arith.constant 0 : i32
      %dma_start3A_242 = tpu.memref_slice %arg4[%add3A_75, %dma_start3A_241] : memref<10240x1024xf32, #tpu.memory_space<hbm>> -> memref<16x1024xf32, #tpu.memory_space<hbm>>
      %dma_start3A_243 = arith.constant 0 : i32
      %dma_start3A_244 = tpu.memref_slice %arg4[%add3A_75, %dma_start3A_243] : memref<10240x1024xf32, #tpu.memory_space<hbm>> -> memref<16x1024xf32, #tpu.memory_space<hbm>>
      tpu.enqueue_dma source(%arg6 : memref<16x1024xf32, #tpu.memory_space<vmem>>) target(%dma_start3A_244 : memref<16x1024xf32, #tpu.memory_space<hbm>>) target_semaphore(%run_scoped3A : memref<!tpu.dma_semaphore, #tpu.memory_space<semaphore_mem>>)
      %dma_wait3A_245 = arith.constant 0 : i32
      %dma_wait3A_246 = tpu.memref_slice %arg4[%add3A_75, %dma_wait3A_245] : memref<10240x1024xf32, #tpu.memory_space<hbm>> -> memref<16x1024xf32, #tpu.memory_space<hbm>>
      %dma_wait3A_247 = arith.constant 0 : i32
      %dma_wait3A_248 = tpu.memref_slice %arg4[%add3A_75, %dma_wait3A_247] : memref<10240x1024xf32, #tpu.memory_space<hbm>> -> memref<16x1024xf32, #tpu.memory_space<hbm>>
      tpu.wait_dma2 semaphore(%run_scoped3A : memref<!tpu.dma_semaphore, #tpu.memory_space<semaphore_mem>>) src(%arg6 : memref<16x1024xf32, #tpu.memory_space<vmem>>) dst(%dma_wait3A_248 : memref<16x1024xf32, #tpu.memory_space<hbm>>)
      tpu.yield
    }) : () -> ()
    %dma_start3A_76 = arith.constant 128 : i32
    %dma_start3A_77 = tpu.memref_slice %arg5[%dma_start3A_76] : memref<320xi32, #tpu.memory_space<vmem>> -> memref<16xi32, #tpu.memory_space<vmem>>
    %dma_start3A_78 = arith.constant 0 : i32
    %dma_start3A_79 = arith.constant 0 : i32
    %dma_start3A_80 = tpu.memref_slice %arg2[%dma_start3A_78, %dma_start3A_79] : memref<4096x1024xf32, #tpu.memory_space<hbm>> -> memref<4096x1024xf32, #tpu.memory_space<hbm>>
    tpu.enqueue_indirect_dma source(%dma_start3A_80 : memref<4096x1024xf32, #tpu.memory_space<hbm>>) target(%arg6 : memref<16x1024xf32, #tpu.memory_space<vmem>>) offsets(%dma_start3A_77 : memref<16xi32, #tpu.memory_space<vmem>>) semaphore(%arg10 : memref<!tpu.dma_semaphore, #tpu.memory_space<semaphore_mem>>)
    %dma_wait3A_81 = arith.constant 80 : i32
    %dma_wait3A_82 = tpu.memref_slice %arg5[%dma_wait3A_81] : memref<320xi32, #tpu.memory_space<vmem>> -> memref<16xi32, #tpu.memory_space<vmem>>
    %dma_wait3A_83 = arith.constant 0 : i32
    %dma_wait3A_84 = arith.constant 0 : i32
    %dma_wait3A_85 = tpu.memref_slice %arg2[%dma_wait3A_83, %dma_wait3A_84] : memref<4096x1024xf32, #tpu.memory_space<hbm>> -> memref<4096x1024xf32, #tpu.memory_space<hbm>>
    tpu.wait_indirect_dma semaphore(%arg11 : memref<!tpu.dma_semaphore, #tpu.memory_space<semaphore_mem>>) src(%dma_wait3A_85 : memref<4096x1024xf32, #tpu.memory_space<hbm>>) dst(%arg7 : memref<16x1024xf32, #tpu.memory_space<vmem>>)
    %add3A_86 = arith.constant 80 : i32
    %add3A_87 = arith.addi %mul3A_2, %add3A_86 : i32
    "tpu.region"() ({
      %run_scoped3A = tpu.sem_alloc : memref<!tpu.dma_semaphore, #tpu.memory_space<semaphore_mem>>
      %dma_start3A_241 = arith.constant 0 : i32
      %dma_start3A_242 = tpu.memref_slice %arg4[%add3A_87, %dma_start3A_241] : memref<10240x1024xf32, #tpu.memory_space<hbm>> -> memref<16x1024xf32, #tpu.memory_space<hbm>>
      %dma_start3A_243 = arith.constant 0 : i32
      %dma_start3A_244 = tpu.memref_slice %arg4[%add3A_87, %dma_start3A_243] : memref<10240x1024xf32, #tpu.memory_space<hbm>> -> memref<16x1024xf32, #tpu.memory_space<hbm>>
      tpu.enqueue_dma source(%arg7 : memref<16x1024xf32, #tpu.memory_space<vmem>>) target(%dma_start3A_244 : memref<16x1024xf32, #tpu.memory_space<hbm>>) target_semaphore(%run_scoped3A : memref<!tpu.dma_semaphore, #tpu.memory_space<semaphore_mem>>)
      %dma_wait3A_245 = arith.constant 0 : i32
      %dma_wait3A_246 = tpu.memref_slice %arg4[%add3A_87, %dma_wait3A_245] : memref<10240x1024xf32, #tpu.memory_space<hbm>> -> memref<16x1024xf32, #tpu.memory_space<hbm>>
      %dma_wait3A_247 = arith.constant 0 : i32
      %dma_wait3A_248 = tpu.memref_slice %arg4[%add3A_87, %dma_wait3A_247] : memref<10240x1024xf32, #tpu.memory_space<hbm>> -> memref<16x1024xf32, #tpu.memory_space<hbm>>
      tpu.wait_dma2 semaphore(%run_scoped3A : memref<!tpu.dma_semaphore, #tpu.memory_space<semaphore_mem>>) src(%arg7 : memref<16x1024xf32, #tpu.memory_space<vmem>>) dst(%dma_wait3A_248 : memref<16x1024xf32, #tpu.memory_space<hbm>>)
      tpu.yield
    }) : () -> ()
    %dma_start3A_88 = arith.constant 144 : i32
    %dma_start3A_89 = tpu.memref_slice %arg5[%dma_start3A_88] : memref<320xi32, #tpu.memory_space<vmem>> -> memref<16xi32, #tpu.memory_space<vmem>>
    %dma_start3A_90 = arith.constant 0 : i32
    %dma_start3A_91 = arith.constant 0 : i32
    %dma_start3A_92 = tpu.memref_slice %arg2[%dma_start3A_90, %dma_start3A_91] : memref<4096x1024xf32, #tpu.memory_space<hbm>> -> memref<4096x1024xf32, #tpu.memory_space<hbm>>
    tpu.enqueue_indirect_dma source(%dma_start3A_92 : memref<4096x1024xf32, #tpu.memory_space<hbm>>) target(%arg7 : memref<16x1024xf32, #tpu.memory_space<vmem>>) offsets(%dma_start3A_89 : memref<16xi32, #tpu.memory_space<vmem>>) semaphore(%arg11 : memref<!tpu.dma_semaphore, #tpu.memory_space<semaphore_mem>>)
    %dma_wait3A_93 = arith.constant 96 : i32
    %dma_wait3A_94 = tpu.memref_slice %arg5[%dma_wait3A_93] : memref<320xi32, #tpu.memory_space<vmem>> -> memref<16xi32, #tpu.memory_space<vmem>>
    %dma_wait3A_95 = arith.constant 0 : i32
    %dma_wait3A_96 = arith.constant 0 : i32
    %dma_wait3A_97 = tpu.memref_slice %arg2[%dma_wait3A_95, %dma_wait3A_96] : memref<4096x1024xf32, #tpu.memory_space<hbm>> -> memref<4096x1024xf32, #tpu.memory_space<hbm>>
    tpu.wait_indirect_dma semaphore(%arg12 : memref<!tpu.dma_semaphore, #tpu.memory_space<semaphore_mem>>) src(%dma_wait3A_97 : memref<4096x1024xf32, #tpu.memory_space<hbm>>) dst(%arg8 : memref<16x1024xf32, #tpu.memory_space<vmem>>)
    %add3A_98 = arith.constant 96 : i32
    %add3A_99 = arith.addi %mul3A_2, %add3A_98 : i32
    "tpu.region"() ({
      %run_scoped3A = tpu.sem_alloc : memref<!tpu.dma_semaphore, #tpu.memory_space<semaphore_mem>>
      %dma_start3A_241 = arith.constant 0 : i32
      %dma_start3A_242 = tpu.memref_slice %arg4[%add3A_99, %dma_start3A_241] : memref<10240x1024xf32, #tpu.memory_space<hbm>> -> memref<16x1024xf32, #tpu.memory_space<hbm>>
      %dma_start3A_243 = arith.constant 0 : i32
      %dma_start3A_244 = tpu.memref_slice %arg4[%add3A_99, %dma_start3A_243] : memref<10240x1024xf32, #tpu.memory_space<hbm>> -> memref<16x1024xf32, #tpu.memory_space<hbm>>
      tpu.enqueue_dma source(%arg8 : memref<16x1024xf32, #tpu.memory_space<vmem>>) target(%dma_start3A_244 : memref<16x1024xf32, #tpu.memory_space<hbm>>) target_semaphore(%run_scoped3A : memref<!tpu.dma_semaphore, #tpu.memory_space<semaphore_mem>>)
      %dma_wait3A_245 = arith.constant 0 : i32
      %dma_wait3A_246 = tpu.memref_slice %arg4[%add3A_99, %dma_wait3A_245] : memref<10240x1024xf32, #tpu.memory_space<hbm>> -> memref<16x1024xf32, #tpu.memory_space<hbm>>
      %dma_wait3A_247 = arith.constant 0 : i32
      %dma_wait3A_248 = tpu.memref_slice %arg4[%add3A_99, %dma_wait3A_247] : memref<10240x1024xf32, #tpu.memory_space<hbm>> -> memref<16x1024xf32, #tpu.memory_space<hbm>>
      tpu.wait_dma2 semaphore(%run_scoped3A : memref<!tpu.dma_semaphore, #tpu.memory_space<semaphore_mem>>) src(%arg8 : memref<16x1024xf32, #tpu.memory_space<vmem>>) dst(%dma_wait3A_248 : memref<16x1024xf32, #tpu.memory_space<hbm>>)
      tpu.yield
    }) : () -> ()
    %dma_start3A_100 = arith.constant 160 : i32
    %dma_start3A_101 = tpu.memref_slice %arg5[%dma_start3A_100] : memref<320xi32, #tpu.memory_space<vmem>> -> memref<16xi32, #tpu.memory_space<vmem>>
    %dma_start3A_102 = arith.constant 0 : i32
    %dma_start3A_103 = arith.constant 0 : i32
    %dma_start3A_104 = tpu.memref_slice %arg2[%dma_start3A_102, %dma_start3A_103] : memref<4096x1024xf32, #tpu.memory_space<hbm>> -> memref<4096x1024xf32, #tpu.memory_space<hbm>>
    tpu.enqueue_indirect_dma source(%dma_start3A_104 : memref<4096x1024xf32, #tpu.memory_space<hbm>>) target(%arg8 : memref<16x1024xf32, #tpu.memory_space<vmem>>) offsets(%dma_start3A_101 : memref<16xi32, #tpu.memory_space<vmem>>) semaphore(%arg12 : memref<!tpu.dma_semaphore, #tpu.memory_space<semaphore_mem>>)
    %dma_wait3A_105 = arith.constant 112 : i32
    %dma_wait3A_106 = tpu.memref_slice %arg5[%dma_wait3A_105] : memref<320xi32, #tpu.memory_space<vmem>> -> memref<16xi32, #tpu.memory_space<vmem>>
    %dma_wait3A_107 = arith.constant 0 : i32
    %dma_wait3A_108 = arith.constant 0 : i32
    %dma_wait3A_109 = tpu.memref_slice %arg2[%dma_wait3A_107, %dma_wait3A_108] : memref<4096x1024xf32, #tpu.memory_space<hbm>> -> memref<4096x1024xf32, #tpu.memory_space<hbm>>
    tpu.wait_indirect_dma semaphore(%arg13 : memref<!tpu.dma_semaphore, #tpu.memory_space<semaphore_mem>>) src(%dma_wait3A_109 : memref<4096x1024xf32, #tpu.memory_space<hbm>>) dst(%arg9 : memref<16x1024xf32, #tpu.memory_space<vmem>>)
    %add3A_110 = arith.constant 112 : i32
    %add3A_111 = arith.addi %mul3A_2, %add3A_110 : i32
    "tpu.region"() ({
      %run_scoped3A = tpu.sem_alloc : memref<!tpu.dma_semaphore, #tpu.memory_space<semaphore_mem>>
      %dma_start3A_241 = arith.constant 0 : i32
      %dma_start3A_242 = tpu.memref_slice %arg4[%add3A_111, %dma_start3A_241] : memref<10240x1024xf32, #tpu.memory_space<hbm>> -> memref<16x1024xf32, #tpu.memory_space<hbm>>
      %dma_start3A_243 = arith.constant 0 : i32
      %dma_start3A_244 = tpu.memref_slice %arg4[%add3A_111, %dma_start3A_243] : memref<10240x1024xf32, #tpu.memory_space<hbm>> -> memref<16x1024xf32, #tpu.memory_space<hbm>>
      tpu.enqueue_dma source(%arg9 : memref<16x1024xf32, #tpu.memory_space<vmem>>) target(%dma_start3A_244 : memref<16x1024xf32, #tpu.memory_space<hbm>>) target_semaphore(%run_scoped3A : memref<!tpu.dma_semaphore, #tpu.memory_space<semaphore_mem>>)
      %dma_wait3A_245 = arith.constant 0 : i32
      %dma_wait3A_246 = tpu.memref_slice %arg4[%add3A_111, %dma_wait3A_245] : memref<10240x1024xf32, #tpu.memory_space<hbm>> -> memref<16x1024xf32, #tpu.memory_space<hbm>>
      %dma_wait3A_247 = arith.constant 0 : i32
      %dma_wait3A_248 = tpu.memref_slice %arg4[%add3A_111, %dma_wait3A_247] : memref<10240x1024xf32, #tpu.memory_space<hbm>> -> memref<16x1024xf32, #tpu.memory_space<hbm>>
      tpu.wait_dma2 semaphore(%run_scoped3A : memref<!tpu.dma_semaphore, #tpu.memory_space<semaphore_mem>>) src(%arg9 : memref<16x1024xf32, #tpu.memory_space<vmem>>) dst(%dma_wait3A_248 : memref<16x1024xf32, #tpu.memory_space<hbm>>)
      tpu.yield
    }) : () -> ()
    %dma_start3A_112 = arith.constant 176 : i32
    %dma_start3A_113 = tpu.memref_slice %arg5[%dma_start3A_112] : memref<320xi32, #tpu.memory_space<vmem>> -> memref<16xi32, #tpu.memory_space<vmem>>
    %dma_start3A_114 = arith.constant 0 : i32
    %dma_start3A_115 = arith.constant 0 : i32
    %dma_start3A_116 = tpu.memref_slice %arg2[%dma_start3A_114, %dma_start3A_115] : memref<4096x1024xf32, #tpu.memory_space<hbm>> -> memref<4096x1024xf32, #tpu.memory_space<hbm>>
    tpu.enqueue_indirect_dma source(%dma_start3A_116 : memref<4096x1024xf32, #tpu.memory_space<hbm>>) target(%arg9 : memref<16x1024xf32, #tpu.memory_space<vmem>>) offsets(%dma_start3A_113 : memref<16xi32, #tpu.memory_space<vmem>>) semaphore(%arg13 : memref<!tpu.dma_semaphore, #tpu.memory_space<semaphore_mem>>)
    %dma_wait3A_117 = arith.constant 128 : i32
    %dma_wait3A_118 = tpu.memref_slice %arg5[%dma_wait3A_117] : memref<320xi32, #tpu.memory_space<vmem>> -> memref<16xi32, #tpu.memory_space<vmem>>
    %dma_wait3A_119 = arith.constant 0 : i32
    %dma_wait3A_120 = arith.constant 0 : i32
    %dma_wait3A_121 = tpu.memref_slice %arg2[%dma_wait3A_119, %dma_wait3A_120] : memref<4096x1024xf32, #tpu.memory_space<hbm>> -> memref<4096x1024xf32, #tpu.memory_space<hbm>>
    tpu.wait_indirect_dma semaphore(%arg10 : memref<!tpu.dma_semaphore, #tpu.memory_space<semaphore_mem>>) src(%dma_wait3A_121 : memref<4096x1024xf32, #tpu.memory_space<hbm>>) dst(%arg6 : memref<16x1024xf32, #tpu.memory_space<vmem>>)
    %add3A_122 = arith.constant 128 : i32
    %add3A_123 = arith.addi %mul3A_2, %add3A_122 : i32
    "tpu.region"() ({
      %run_scoped3A = tpu.sem_alloc : memref<!tpu.dma_semaphore, #tpu.memory_space<semaphore_mem>>
      %dma_start3A_241 = arith.constant 0 : i32
      %dma_start3A_242 = tpu.memref_slice %arg4[%add3A_123, %dma_start3A_241] : memref<10240x1024xf32, #tpu.memory_space<hbm>> -> memref<16x1024xf32, #tpu.memory_space<hbm>>
      %dma_start3A_243 = arith.constant 0 : i32
      %dma_start3A_244 = tpu.memref_slice %arg4[%add3A_123, %dma_start3A_243] : memref<10240x1024xf32, #tpu.memory_space<hbm>> -> memref<16x1024xf32, #tpu.memory_space<hbm>>
      tpu.enqueue_dma source(%arg6 : memref<16x1024xf32, #tpu.memory_space<vmem>>) target(%dma_start3A_244 : memref<16x1024xf32, #tpu.memory_space<hbm>>) target_semaphore(%run_scoped3A : memref<!tpu.dma_semaphore, #tpu.memory_space<semaphore_mem>>)
      %dma_wait3A_245 = arith.constant 0 : i32
      %dma_wait3A_246 = tpu.memref_slice %arg4[%add3A_123, %dma_wait3A_245] : memref<10240x1024xf32, #tpu.memory_space<hbm>> -> memref<16x1024xf32, #tpu.memory_space<hbm>>
      %dma_wait3A_247 = arith.constant 0 : i32
      %dma_wait3A_248 = tpu.memref_slice %arg4[%add3A_123, %dma_wait3A_247] : memref<10240x1024xf32, #tpu.memory_space<hbm>> -> memref<16x1024xf32, #tpu.memory_space<hbm>>
      tpu.wait_dma2 semaphore(%run_scoped3A : memref<!tpu.dma_semaphore, #tpu.memory_space<semaphore_mem>>) src(%arg6 : memref<16x1024xf32, #tpu.memory_space<vmem>>) dst(%dma_wait3A_248 : memref<16x1024xf32, #tpu.memory_space<hbm>>)
      tpu.yield
    }) : () -> ()
    %dma_start3A_124 = arith.constant 192 : i32
    %dma_start3A_125 = tpu.memref_slice %arg5[%dma_start3A_124] : memref<320xi32, #tpu.memory_space<vmem>> -> memref<16xi32, #tpu.memory_space<vmem>>
    %dma_start3A_126 = arith.constant 0 : i32
    %dma_start3A_127 = arith.constant 0 : i32
    %dma_start3A_128 = tpu.memref_slice %arg2[%dma_start3A_126, %dma_start3A_127] : memref<4096x1024xf32, #tpu.memory_space<hbm>> -> memref<4096x1024xf32, #tpu.memory_space<hbm>>
    tpu.enqueue_indirect_dma source(%dma_start3A_128 : memref<4096x1024xf32, #tpu.memory_space<hbm>>) target(%arg6 : memref<16x1024xf32, #tpu.memory_space<vmem>>) offsets(%dma_start3A_125 : memref<16xi32, #tpu.memory_space<vmem>>) semaphore(%arg10 : memref<!tpu.dma_semaphore, #tpu.memory_space<semaphore_mem>>)
    %dma_wait3A_129 = arith.constant 144 : i32
    %dma_wait3A_130 = tpu.memref_slice %arg5[%dma_wait3A_129] : memref<320xi32, #tpu.memory_space<vmem>> -> memref<16xi32, #tpu.memory_space<vmem>>
    %dma_wait3A_131 = arith.constant 0 : i32
    %dma_wait3A_132 = arith.constant 0 : i32
    %dma_wait3A_133 = tpu.memref_slice %arg2[%dma_wait3A_131, %dma_wait3A_132] : memref<4096x1024xf32, #tpu.memory_space<hbm>> -> memref<4096x1024xf32, #tpu.memory_space<hbm>>
    tpu.wait_indirect_dma semaphore(%arg11 : memref<!tpu.dma_semaphore, #tpu.memory_space<semaphore_mem>>) src(%dma_wait3A_133 : memref<4096x1024xf32, #tpu.memory_space<hbm>>) dst(%arg7 : memref<16x1024xf32, #tpu.memory_space<vmem>>)
    %add3A_134 = arith.constant 144 : i32
    %add3A_135 = arith.addi %mul3A_2, %add3A_134 : i32
    "tpu.region"() ({
      %run_scoped3A = tpu.sem_alloc : memref<!tpu.dma_semaphore, #tpu.memory_space<semaphore_mem>>
      %dma_start3A_241 = arith.constant 0 : i32
      %dma_start3A_242 = tpu.memref_slice %arg4[%add3A_135, %dma_start3A_241] : memref<10240x1024xf32, #tpu.memory_space<hbm>> -> memref<16x1024xf32, #tpu.memory_space<hbm>>
      %dma_start3A_243 = arith.constant 0 : i32
      %dma_start3A_244 = tpu.memref_slice %arg4[%add3A_135, %dma_start3A_243] : memref<10240x1024xf32, #tpu.memory_space<hbm>> -> memref<16x1024xf32, #tpu.memory_space<hbm>>
      tpu.enqueue_dma source(%arg7 : memref<16x1024xf32, #tpu.memory_space<vmem>>) target(%dma_start3A_244 : memref<16x1024xf32, #tpu.memory_space<hbm>>) target_semaphore(%run_scoped3A : memref<!tpu.dma_semaphore, #tpu.memory_space<semaphore_mem>>)
      %dma_wait3A_245 = arith.constant 0 : i32
      %dma_wait3A_246 = tpu.memref_slice %arg4[%add3A_135, %dma_wait3A_245] : memref<10240x1024xf32, #tpu.memory_space<hbm>> -> memref<16x1024xf32, #tpu.memory_space<hbm>>
      %dma_wait3A_247 = arith.constant 0 : i32
      %dma_wait3A_248 = tpu.memref_slice %arg4[%add3A_135, %dma_wait3A_247] : memref<10240x1024xf32, #tpu.memory_space<hbm>> -> memref<16x1024xf32, #tpu.memory_space<hbm>>
      tpu.wait_dma2 semaphore(%run_scoped3A : memref<!tpu.dma_semaphore, #tpu.memory_space<semaphore_mem>>) src(%arg7 : memref<16x1024xf32, #tpu.memory_space<vmem>>) dst(%dma_wait3A_248 : memref<16x1024xf32, #tpu.memory_space<hbm>>)
      tpu.yield
    }) : () -> ()
    %dma_start3A_136 = arith.constant 208 : i32
    %dma_start3A_137 = tpu.memref_slice %arg5[%dma_start3A_136] : memref<320xi32, #tpu.memory_space<vmem>> -> memref<16xi32, #tpu.memory_space<vmem>>
    %dma_start3A_138 = arith.constant 0 : i32
    %dma_start3A_139 = arith.constant 0 : i32
    %dma_start3A_140 = tpu.memref_slice %arg2[%dma_start3A_138, %dma_start3A_139] : memref<4096x1024xf32, #tpu.memory_space<hbm>> -> memref<4096x1024xf32, #tpu.memory_space<hbm>>
    tpu.enqueue_indirect_dma source(%dma_start3A_140 : memref<4096x1024xf32, #tpu.memory_space<hbm>>) target(%arg7 : memref<16x1024xf32, #tpu.memory_space<vmem>>) offsets(%dma_start3A_137 : memref<16xi32, #tpu.memory_space<vmem>>) semaphore(%arg11 : memref<!tpu.dma_semaphore, #tpu.memory_space<semaphore_mem>>)
    %dma_wait3A_141 = arith.constant 160 : i32
    %dma_wait3A_142 = tpu.memref_slice %arg5[%dma_wait3A_141] : memref<320xi32, #tpu.memory_space<vmem>> -> memref<16xi32, #tpu.memory_space<vmem>>
    %dma_wait3A_143 = arith.constant 0 : i32
    %dma_wait3A_144 = arith.constant 0 : i32
    %dma_wait3A_145 = tpu.memref_slice %arg2[%dma_wait3A_143, %dma_wait3A_144] : memref<4096x1024xf32, #tpu.memory_space<hbm>> -> memref<4096x1024xf32, #tpu.memory_space<hbm>>
    tpu.wait_indirect_dma semaphore(%arg12 : memref<!tpu.dma_semaphore, #tpu.memory_space<semaphore_mem>>) src(%dma_wait3A_145 : memref<4096x1024xf32, #tpu.memory_space<hbm>>) dst(%arg8 : memref<16x1024xf32, #tpu.memory_space<vmem>>)
    %add3A_146 = arith.constant 160 : i32
    %add3A_147 = arith.addi %mul3A_2, %add3A_146 : i32
    "tpu.region"() ({
      %run_scoped3A = tpu.sem_alloc : memref<!tpu.dma_semaphore, #tpu.memory_space<semaphore_mem>>
      %dma_start3A_241 = arith.constant 0 : i32
      %dma_start3A_242 = tpu.memref_slice %arg4[%add3A_147, %dma_start3A_241] : memref<10240x1024xf32, #tpu.memory_space<hbm>> -> memref<16x1024xf32, #tpu.memory_space<hbm>>
      %dma_start3A_243 = arith.constant 0 : i32
      %dma_start3A_244 = tpu.memref_slice %arg4[%add3A_147, %dma_start3A_243] : memref<10240x1024xf32, #tpu.memory_space<hbm>> -> memref<16x1024xf32, #tpu.memory_space<hbm>>
      tpu.enqueue_dma source(%arg8 : memref<16x1024xf32, #tpu.memory_space<vmem>>) target(%dma_start3A_244 : memref<16x1024xf32, #tpu.memory_space<hbm>>) target_semaphore(%run_scoped3A : memref<!tpu.dma_semaphore, #tpu.memory_space<semaphore_mem>>)
      %dma_wait3A_245 = arith.constant 0 : i32
      %dma_wait3A_246 = tpu.memref_slice %arg4[%add3A_147, %dma_wait3A_245] : memref<10240x1024xf32, #tpu.memory_space<hbm>> -> memref<16x1024xf32, #tpu.memory_space<hbm>>
      %dma_wait3A_247 = arith.constant 0 : i32
      %dma_wait3A_248 = tpu.memref_slice %arg4[%add3A_147, %dma_wait3A_247] : memref<10240x1024xf32, #tpu.memory_space<hbm>> -> memref<16x1024xf32, #tpu.memory_space<hbm>>
      tpu.wait_dma2 semaphore(%run_scoped3A : memref<!tpu.dma_semaphore, #tpu.memory_space<semaphore_mem>>) src(%arg8 : memref<16x1024xf32, #tpu.memory_space<vmem>>) dst(%dma_wait3A_248 : memref<16x1024xf32, #tpu.memory_space<hbm>>)
      tpu.yield
    }) : () -> ()
    %dma_start3A_148 = arith.constant 224 : i32
    %dma_start3A_149 = tpu.memref_slice %arg5[%dma_start3A_148] : memref<320xi32, #tpu.memory_space<vmem>> -> memref<16xi32, #tpu.memory_space<vmem>>
    %dma_start3A_150 = arith.constant 0 : i32
    %dma_start3A_151 = arith.constant 0 : i32
    %dma_start3A_152 = tpu.memref_slice %arg2[%dma_start3A_150, %dma_start3A_151] : memref<4096x1024xf32, #tpu.memory_space<hbm>> -> memref<4096x1024xf32, #tpu.memory_space<hbm>>
    tpu.enqueue_indirect_dma source(%dma_start3A_152 : memref<4096x1024xf32, #tpu.memory_space<hbm>>) target(%arg8 : memref<16x1024xf32, #tpu.memory_space<vmem>>) offsets(%dma_start3A_149 : memref<16xi32, #tpu.memory_space<vmem>>) semaphore(%arg12 : memref<!tpu.dma_semaphore, #tpu.memory_space<semaphore_mem>>)
    %dma_wait3A_153 = arith.constant 176 : i32
    %dma_wait3A_154 = tpu.memref_slice %arg5[%dma_wait3A_153] : memref<320xi32, #tpu.memory_space<vmem>> -> memref<16xi32, #tpu.memory_space<vmem>>
    %dma_wait3A_155 = arith.constant 0 : i32
    %dma_wait3A_156 = arith.constant 0 : i32
    %dma_wait3A_157 = tpu.memref_slice %arg2[%dma_wait3A_155, %dma_wait3A_156] : memref<4096x1024xf32, #tpu.memory_space<hbm>> -> memref<4096x1024xf32, #tpu.memory_space<hbm>>
    tpu.wait_indirect_dma semaphore(%arg13 : memref<!tpu.dma_semaphore, #tpu.memory_space<semaphore_mem>>) src(%dma_wait3A_157 : memref<4096x1024xf32, #tpu.memory_space<hbm>>) dst(%arg9 : memref<16x1024xf32, #tpu.memory_space<vmem>>)
    %add3A_158 = arith.constant 176 : i32
    %add3A_159 = arith.addi %mul3A_2, %add3A_158 : i32
    "tpu.region"() ({
      %run_scoped3A = tpu.sem_alloc : memref<!tpu.dma_semaphore, #tpu.memory_space<semaphore_mem>>
      %dma_start3A_241 = arith.constant 0 : i32
      %dma_start3A_242 = tpu.memref_slice %arg4[%add3A_159, %dma_start3A_241] : memref<10240x1024xf32, #tpu.memory_space<hbm>> -> memref<16x1024xf32, #tpu.memory_space<hbm>>
      %dma_start3A_243 = arith.constant 0 : i32
      %dma_start3A_244 = tpu.memref_slice %arg4[%add3A_159, %dma_start3A_243] : memref<10240x1024xf32, #tpu.memory_space<hbm>> -> memref<16x1024xf32, #tpu.memory_space<hbm>>
      tpu.enqueue_dma source(%arg9 : memref<16x1024xf32, #tpu.memory_space<vmem>>) target(%dma_start3A_244 : memref<16x1024xf32, #tpu.memory_space<hbm>>) target_semaphore(%run_scoped3A : memref<!tpu.dma_semaphore, #tpu.memory_space<semaphore_mem>>)
      %dma_wait3A_245 = arith.constant 0 : i32
      %dma_wait3A_246 = tpu.memref_slice %arg4[%add3A_159, %dma_wait3A_245] : memref<10240x1024xf32, #tpu.memory_space<hbm>> -> memref<16x1024xf32, #tpu.memory_space<hbm>>
      %dma_wait3A_247 = arith.constant 0 : i32
      %dma_wait3A_248 = tpu.memref_slice %arg4[%add3A_159, %dma_wait3A_247] : memref<10240x1024xf32, #tpu.memory_space<hbm>> -> memref<16x1024xf32, #tpu.memory_space<hbm>>
      tpu.wait_dma2 semaphore(%run_scoped3A : memref<!tpu.dma_semaphore, #tpu.memory_space<semaphore_mem>>) src(%arg9 : memref<16x1024xf32, #tpu.memory_space<vmem>>) dst(%dma_wait3A_248 : memref<16x1024xf32, #tpu.memory_space<hbm>>)
      tpu.yield
    }) : () -> ()
    %dma_start3A_160 = arith.constant 240 : i32
    %dma_start3A_161 = tpu.memref_slice %arg5[%dma_start3A_160] : memref<320xi32, #tpu.memory_space<vmem>> -> memref<16xi32, #tpu.memory_space<vmem>>
    %dma_start3A_162 = arith.constant 0 : i32
    %dma_start3A_163 = arith.constant 0 : i32
    %dma_start3A_164 = tpu.memref_slice %arg2[%dma_start3A_162, %dma_start3A_163] : memref<4096x1024xf32, #tpu.memory_space<hbm>> -> memref<4096x1024xf32, #tpu.memory_space<hbm>>
    tpu.enqueue_indirect_dma source(%dma_start3A_164 : memref<4096x1024xf32, #tpu.memory_space<hbm>>) target(%arg9 : memref<16x1024xf32, #tpu.memory_space<vmem>>) offsets(%dma_start3A_161 : memref<16xi32, #tpu.memory_space<vmem>>) semaphore(%arg13 : memref<!tpu.dma_semaphore, #tpu.memory_space<semaphore_mem>>)
    %dma_wait3A_165 = arith.constant 192 : i32
    %dma_wait3A_166 = tpu.memref_slice %arg5[%dma_wait3A_165] : memref<320xi32, #tpu.memory_space<vmem>> -> memref<16xi32, #tpu.memory_space<vmem>>
    %dma_wait3A_167 = arith.constant 0 : i32
    %dma_wait3A_168 = arith.constant 0 : i32
    %dma_wait3A_169 = tpu.memref_slice %arg2[%dma_wait3A_167, %dma_wait3A_168] : memref<4096x1024xf32, #tpu.memory_space<hbm>> -> memref<4096x1024xf32, #tpu.memory_space<hbm>>
    tpu.wait_indirect_dma semaphore(%arg10 : memref<!tpu.dma_semaphore, #tpu.memory_space<semaphore_mem>>) src(%dma_wait3A_169 : memref<4096x1024xf32, #tpu.memory_space<hbm>>) dst(%arg6 : memref<16x1024xf32, #tpu.memory_space<vmem>>)
    %add3A_170 = arith.constant 192 : i32
    %add3A_171 = arith.addi %mul3A_2, %add3A_170 : i32
    "tpu.region"() ({
      %run_scoped3A = tpu.sem_alloc : memref<!tpu.dma_semaphore, #tpu.memory_space<semaphore_mem>>
      %dma_start3A_241 = arith.constant 0 : i32
      %dma_start3A_242 = tpu.memref_slice %arg4[%add3A_171, %dma_start3A_241] : memref<10240x1024xf32, #tpu.memory_space<hbm>> -> memref<16x1024xf32, #tpu.memory_space<hbm>>
      %dma_start3A_243 = arith.constant 0 : i32
      %dma_start3A_244 = tpu.memref_slice %arg4[%add3A_171, %dma_start3A_243] : memref<10240x1024xf32, #tpu.memory_space<hbm>> -> memref<16x1024xf32, #tpu.memory_space<hbm>>
      tpu.enqueue_dma source(%arg6 : memref<16x1024xf32, #tpu.memory_space<vmem>>) target(%dma_start3A_244 : memref<16x1024xf32, #tpu.memory_space<hbm>>) target_semaphore(%run_scoped3A : memref<!tpu.dma_semaphore, #tpu.memory_space<semaphore_mem>>)
      %dma_wait3A_245 = arith.constant 0 : i32
      %dma_wait3A_246 = tpu.memref_slice %arg4[%add3A_171, %dma_wait3A_245] : memref<10240x1024xf32, #tpu.memory_space<hbm>> -> memref<16x1024xf32, #tpu.memory_space<hbm>>
      %dma_wait3A_247 = arith.constant 0 : i32
      %dma_wait3A_248 = tpu.memref_slice %arg4[%add3A_171, %dma_wait3A_247] : memref<10240x1024xf32, #tpu.memory_space<hbm>> -> memref<16x1024xf32, #tpu.memory_space<hbm>>
      tpu.wait_dma2 semaphore(%run_scoped3A : memref<!tpu.dma_semaphore, #tpu.memory_space<semaphore_mem>>) src(%arg6 : memref<16x1024xf32, #tpu.memory_space<vmem>>) dst(%dma_wait3A_248 : memref<16x1024xf32, #tpu.memory_space<hbm>>)
      tpu.yield
    }) : () -> ()
    %dma_start3A_172 = arith.constant 256 : i32
    %dma_start3A_173 = tpu.memref_slice %arg5[%dma_start3A_172] : memref<320xi32, #tpu.memory_space<vmem>> -> memref<16xi32, #tpu.memory_space<vmem>>
    %dma_start3A_174 = arith.constant 0 : i32
    %dma_start3A_175 = arith.constant 0 : i32
    %dma_start3A_176 = tpu.memref_slice %arg2[%dma_start3A_174, %dma_start3A_175] : memref<4096x1024xf32, #tpu.memory_space<hbm>> -> memref<4096x1024xf32, #tpu.memory_space<hbm>>
    tpu.enqueue_indirect_dma source(%dma_start3A_176 : memref<4096x1024xf32, #tpu.memory_space<hbm>>) target(%arg6 : memref<16x1024xf32, #tpu.memory_space<vmem>>) offsets(%dma_start3A_173 : memref<16xi32, #tpu.memory_space<vmem>>) semaphore(%arg10 : memref<!tpu.dma_semaphore, #tpu.memory_space<semaphore_mem>>)
    %dma_wait3A_177 = arith.constant 208 : i32
    %dma_wait3A_178 = tpu.memref_slice %arg5[%dma_wait3A_177] : memref<320xi32, #tpu.memory_space<vmem>> -> memref<16xi32, #tpu.memory_space<vmem>>
    %dma_wait3A_179 = arith.constant 0 : i32
    %dma_wait3A_180 = arith.constant 0 : i32
    %dma_wait3A_181 = tpu.memref_slice %arg2[%dma_wait3A_179, %dma_wait3A_180] : memref<4096x1024xf32, #tpu.memory_space<hbm>> -> memref<4096x1024xf32, #tpu.memory_space<hbm>>
    tpu.wait_indirect_dma semaphore(%arg11 : memref<!tpu.dma_semaphore, #tpu.memory_space<semaphore_mem>>) src(%dma_wait3A_181 : memref<4096x1024xf32, #tpu.memory_space<hbm>>) dst(%arg7 : memref<16x1024xf32, #tpu.memory_space<vmem>>)
    %add3A_182 = arith.constant 208 : i32
    %add3A_183 = arith.addi %mul3A_2, %add3A_182 : i32
    "tpu.region"() ({
      %run_scoped3A = tpu.sem_alloc : memref<!tpu.dma_semaphore, #tpu.memory_space<semaphore_mem>>
      %dma_start3A_241 = arith.constant 0 : i32
      %dma_start3A_242 = tpu.memref_slice %arg4[%add3A_183, %dma_start3A_241] : memref<10240x1024xf32, #tpu.memory_space<hbm>> -> memref<16x1024xf32, #tpu.memory_space<hbm>>
      %dma_start3A_243 = arith.constant 0 : i32
      %dma_start3A_244 = tpu.memref_slice %arg4[%add3A_183, %dma_start3A_243] : memref<10240x1024xf32, #tpu.memory_space<hbm>> -> memref<16x1024xf32, #tpu.memory_space<hbm>>
      tpu.enqueue_dma source(%arg7 : memref<16x1024xf32, #tpu.memory_space<vmem>>) target(%dma_start3A_244 : memref<16x1024xf32, #tpu.memory_space<hbm>>) target_semaphore(%run_scoped3A : memref<!tpu.dma_semaphore, #tpu.memory_space<semaphore_mem>>)
      %dma_wait3A_245 = arith.constant 0 : i32
      %dma_wait3A_246 = tpu.memref_slice %arg4[%add3A_183, %dma_wait3A_245] : memref<10240x1024xf32, #tpu.memory_space<hbm>> -> memref<16x1024xf32, #tpu.memory_space<hbm>>
      %dma_wait3A_247 = arith.constant 0 : i32
      %dma_wait3A_248 = tpu.memref_slice %arg4[%add3A_183, %dma_wait3A_247] : memref<10240x1024xf32, #tpu.memory_space<hbm>> -> memref<16x1024xf32, #tpu.memory_space<hbm>>
      tpu.wait_dma2 semaphore(%run_scoped3A : memref<!tpu.dma_semaphore, #tpu.memory_space<semaphore_mem>>) src(%arg7 : memref<16x1024xf32, #tpu.memory_space<vmem>>) dst(%dma_wait3A_248 : memref<16x1024xf32, #tpu.memory_space<hbm>>)
      tpu.yield
    }) : () -> ()
    %dma_start3A_184 = arith.constant 272 : i32
    %dma_start3A_185 = tpu.memref_slice %arg5[%dma_start3A_184] : memref<320xi32, #tpu.memory_space<vmem>> -> memref<16xi32, #tpu.memory_space<vmem>>
    %dma_start3A_186 = arith.constant 0 : i32
    %dma_start3A_187 = arith.constant 0 : i32
    %dma_start3A_188 = tpu.memref_slice %arg2[%dma_start3A_186, %dma_start3A_187] : memref<4096x1024xf32, #tpu.memory_space<hbm>> -> memref<4096x1024xf32, #tpu.memory_space<hbm>>
    tpu.enqueue_indirect_dma source(%dma_start3A_188 : memref<4096x1024xf32, #tpu.memory_space<hbm>>) target(%arg7 : memref<16x1024xf32, #tpu.memory_space<vmem>>) offsets(%dma_start3A_185 : memref<16xi32, #tpu.memory_space<vmem>>) semaphore(%arg11 : memref<!tpu.dma_semaphore, #tpu.memory_space<semaphore_mem>>)
    %dma_wait3A_189 = arith.constant 224 : i32
    %dma_wait3A_190 = tpu.memref_slice %arg5[%dma_wait3A_189] : memref<320xi32, #tpu.memory_space<vmem>> -> memref<16xi32, #tpu.memory_space<vmem>>
    %dma_wait3A_191 = arith.constant 0 : i32
    %dma_wait3A_192 = arith.constant 0 : i32
    %dma_wait3A_193 = tpu.memref_slice %arg2[%dma_wait3A_191, %dma_wait3A_192] : memref<4096x1024xf32, #tpu.memory_space<hbm>> -> memref<4096x1024xf32, #tpu.memory_space<hbm>>
    tpu.wait_indirect_dma semaphore(%arg12 : memref<!tpu.dma_semaphore, #tpu.memory_space<semaphore_mem>>) src(%dma_wait3A_193 : memref<4096x1024xf32, #tpu.memory_space<hbm>>) dst(%arg8 : memref<16x1024xf32, #tpu.memory_space<vmem>>)
    %add3A_194 = arith.constant 224 : i32
    %add3A_195 = arith.addi %mul3A_2, %add3A_194 : i32
    "tpu.region"() ({
      %run_scoped3A = tpu.sem_alloc : memref<!tpu.dma_semaphore, #tpu.memory_space<semaphore_mem>>
      %dma_start3A_241 = arith.constant 0 : i32
      %dma_start3A_242 = tpu.memref_slice %arg4[%add3A_195, %dma_start3A_241] : memref<10240x1024xf32, #tpu.memory_space<hbm>> -> memref<16x1024xf32, #tpu.memory_space<hbm>>
      %dma_start3A_243 = arith.constant 0 : i32
      %dma_start3A_244 = tpu.memref_slice %arg4[%add3A_195, %dma_start3A_243] : memref<10240x1024xf32, #tpu.memory_space<hbm>> -> memref<16x1024xf32, #tpu.memory_space<hbm>>
      tpu.enqueue_dma source(%arg8 : memref<16x1024xf32, #tpu.memory_space<vmem>>) target(%dma_start3A_244 : memref<16x1024xf32, #tpu.memory_space<hbm>>) target_semaphore(%run_scoped3A : memref<!tpu.dma_semaphore, #tpu.memory_space<semaphore_mem>>)
      %dma_wait3A_245 = arith.constant 0 : i32
      %dma_wait3A_246 = tpu.memref_slice %arg4[%add3A_195, %dma_wait3A_245] : memref<10240x1024xf32, #tpu.memory_space<hbm>> -> memref<16x1024xf32, #tpu.memory_space<hbm>>
      %dma_wait3A_247 = arith.constant 0 : i32
      %dma_wait3A_248 = tpu.memref_slice %arg4[%add3A_195, %dma_wait3A_247] : memref<10240x1024xf32, #tpu.memory_space<hbm>> -> memref<16x1024xf32, #tpu.memory_space<hbm>>
      tpu.wait_dma2 semaphore(%run_scoped3A : memref<!tpu.dma_semaphore, #tpu.memory_space<semaphore_mem>>) src(%arg8 : memref<16x1024xf32, #tpu.memory_space<vmem>>) dst(%dma_wait3A_248 : memref<16x1024xf32, #tpu.memory_space<hbm>>)
      tpu.yield
    }) : () -> ()
    %dma_start3A_196 = arith.constant 288 : i32
    %dma_start3A_197 = tpu.memref_slice %arg5[%dma_start3A_196] : memref<320xi32, #tpu.memory_space<vmem>> -> memref<16xi32, #tpu.memory_space<vmem>>
    %dma_start3A_198 = arith.constant 0 : i32
    %dma_start3A_199 = arith.constant 0 : i32
    %dma_start3A_200 = tpu.memref_slice %arg2[%dma_start3A_198, %dma_start3A_199] : memref<4096x1024xf32, #tpu.memory_space<hbm>> -> memref<4096x1024xf32, #tpu.memory_space<hbm>>
    tpu.enqueue_indirect_dma source(%dma_start3A_200 : memref<4096x1024xf32, #tpu.memory_space<hbm>>) target(%arg8 : memref<16x1024xf32, #tpu.memory_space<vmem>>) offsets(%dma_start3A_197 : memref<16xi32, #tpu.memory_space<vmem>>) semaphore(%arg12 : memref<!tpu.dma_semaphore, #tpu.memory_space<semaphore_mem>>)
    %dma_wait3A_201 = arith.constant 240 : i32
    %dma_wait3A_202 = tpu.memref_slice %arg5[%dma_wait3A_201] : memref<320xi32, #tpu.memory_space<vmem>> -> memref<16xi32, #tpu.memory_space<vmem>>
    %dma_wait3A_203 = arith.constant 0 : i32
    %dma_wait3A_204 = arith.constant 0 : i32
    %dma_wait3A_205 = tpu.memref_slice %arg2[%dma_wait3A_203, %dma_wait3A_204] : memref<4096x1024xf32, #tpu.memory_space<hbm>> -> memref<4096x1024xf32, #tpu.memory_space<hbm>>
    tpu.wait_indirect_dma semaphore(%arg13 : memref<!tpu.dma_semaphore, #tpu.memory_space<semaphore_mem>>) src(%dma_wait3A_205 : memref<4096x1024xf32, #tpu.memory_space<hbm>>) dst(%arg9 : memref<16x1024xf32, #tpu.memory_space<vmem>>)
    %add3A_206 = arith.constant 240 : i32
    %add3A_207 = arith.addi %mul3A_2, %add3A_206 : i32
    "tpu.region"() ({
      %run_scoped3A = tpu.sem_alloc : memref<!tpu.dma_semaphore, #tpu.memory_space<semaphore_mem>>
      %dma_start3A_241 = arith.constant 0 : i32
      %dma_start3A_242 = tpu.memref_slice %arg4[%add3A_207, %dma_start3A_241] : memref<10240x1024xf32, #tpu.memory_space<hbm>> -> memref<16x1024xf32, #tpu.memory_space<hbm>>
      %dma_start3A_243 = arith.constant 0 : i32
      %dma_start3A_244 = tpu.memref_slice %arg4[%add3A_207, %dma_start3A_243] : memref<10240x1024xf32, #tpu.memory_space<hbm>> -> memref<16x1024xf32, #tpu.memory_space<hbm>>
      tpu.enqueue_dma source(%arg9 : memref<16x1024xf32, #tpu.memory_space<vmem>>) target(%dma_start3A_244 : memref<16x1024xf32, #tpu.memory_space<hbm>>) target_semaphore(%run_scoped3A : memref<!tpu.dma_semaphore, #tpu.memory_space<semaphore_mem>>)
      %dma_wait3A_245 = arith.constant 0 : i32
      %dma_wait3A_246 = tpu.memref_slice %arg4[%add3A_207, %dma_wait3A_245] : memref<10240x1024xf32, #tpu.memory_space<hbm>> -> memref<16x1024xf32, #tpu.memory_space<hbm>>
      %dma_wait3A_247 = arith.constant 0 : i32
      %dma_wait3A_248 = tpu.memref_slice %arg4[%add3A_207, %dma_wait3A_247] : memref<10240x1024xf32, #tpu.memory_space<hbm>> -> memref<16x1024xf32, #tpu.memory_space<hbm>>
      tpu.wait_dma2 semaphore(%run_scoped3A : memref<!tpu.dma_semaphore, #tpu.memory_space<semaphore_mem>>) src(%arg9 : memref<16x1024xf32, #tpu.memory_space<vmem>>) dst(%dma_wait3A_248 : memref<16x1024xf32, #tpu.memory_space<hbm>>)
      tpu.yield
    }) : () -> ()
    %dma_start3A_208 = arith.constant 304 : i32
    %dma_start3A_209 = tpu.memref_slice %arg5[%dma_start3A_208] : memref<320xi32, #tpu.memory_space<vmem>> -> memref<16xi32, #tpu.memory_space<vmem>>
    %dma_start3A_210 = arith.constant 0 : i32
    %dma_start3A_211 = arith.constant 0 : i32
    %dma_start3A_212 = tpu.memref_slice %arg2[%dma_start3A_210, %dma_start3A_211] : memref<4096x1024xf32, #tpu.memory_space<hbm>> -> memref<4096x1024xf32, #tpu.memory_space<hbm>>
    tpu.enqueue_indirect_dma source(%dma_start3A_212 : memref<4096x1024xf32, #tpu.memory_space<hbm>>) target(%arg9 : memref<16x1024xf32, #tpu.memory_space<vmem>>) offsets(%dma_start3A_209 : memref<16xi32, #tpu.memory_space<vmem>>) semaphore(%arg13 : memref<!tpu.dma_semaphore, #tpu.memory_space<semaphore_mem>>)
    %dma_wait3A_213 = arith.constant 256 : i32
    %dma_wait3A_214 = tpu.memref_slice %arg5[%dma_wait3A_213] : memref<320xi32, #tpu.memory_space<vmem>> -> memref<16xi32, #tpu.memory_space<vmem>>
    %dma_wait3A_215 = arith.constant 0 : i32
    %dma_wait3A_216 = arith.constant 0 : i32
    %dma_wait3A_217 = tpu.memref_slice %arg2[%dma_wait3A_215, %dma_wait3A_216] : memref<4096x1024xf32, #tpu.memory_space<hbm>> -> memref<4096x1024xf32, #tpu.memory_space<hbm>>
    tpu.wait_indirect_dma semaphore(%arg10 : memref<!tpu.dma_semaphore, #tpu.memory_space<semaphore_mem>>) src(%dma_wait3A_217 : memref<4096x1024xf32, #tpu.memory_space<hbm>>) dst(%arg6 : memref<16x1024xf32, #tpu.memory_space<vmem>>)
    %add3A_218 = arith.constant 256 : i32
    %add3A_219 = arith.addi %mul3A_2, %add3A_218 : i32
    "tpu.region"() ({
      %run_scoped3A = tpu.sem_alloc : memref<!tpu.dma_semaphore, #tpu.memory_space<semaphore_mem>>
      %dma_start3A_241 = arith.constant 0 : i32
      %dma_start3A_242 = tpu.memref_slice %arg4[%add3A_219, %dma_start3A_241] : memref<10240x1024xf32, #tpu.memory_space<hbm>> -> memref<16x1024xf32, #tpu.memory_space<hbm>>
      %dma_start3A_243 = arith.constant 0 : i32
      %dma_start3A_244 = tpu.memref_slice %arg4[%add3A_219, %dma_start3A_243] : memref<10240x1024xf32, #tpu.memory_space<hbm>> -> memref<16x1024xf32, #tpu.memory_space<hbm>>
      tpu.enqueue_dma source(%arg6 : memref<16x1024xf32, #tpu.memory_space<vmem>>) target(%dma_start3A_244 : memref<16x1024xf32, #tpu.memory_space<hbm>>) target_semaphore(%run_scoped3A : memref<!tpu.dma_semaphore, #tpu.memory_space<semaphore_mem>>)
      %dma_wait3A_245 = arith.constant 0 : i32
      %dma_wait3A_246 = tpu.memref_slice %arg4[%add3A_219, %dma_wait3A_245] : memref<10240x1024xf32, #tpu.memory_space<hbm>> -> memref<16x1024xf32, #tpu.memory_space<hbm>>
      %dma_wait3A_247 = arith.constant 0 : i32
      %dma_wait3A_248 = tpu.memref_slice %arg4[%add3A_219, %dma_wait3A_247] : memref<10240x1024xf32, #tpu.memory_space<hbm>> -> memref<16x1024xf32, #tpu.memory_space<hbm>>
      tpu.wait_dma2 semaphore(%run_scoped3A : memref<!tpu.dma_semaphore, #tpu.memory_space<semaphore_mem>>) src(%arg6 : memref<16x1024xf32, #tpu.memory_space<vmem>>) dst(%dma_wait3A_248 : memref<16x1024xf32, #tpu.memory_space<hbm>>)
      tpu.yield
    }) : () -> ()
    %dma_wait3A_220 = arith.constant 272 : i32
    %dma_wait3A_221 = tpu.memref_slice %arg5[%dma_wait3A_220] : memref<320xi32, #tpu.memory_space<vmem>> -> memref<16xi32, #tpu.memory_space<vmem>>
    %dma_wait3A_222 = arith.constant 0 : i32
    %dma_wait3A_223 = arith.constant 0 : i32
    %dma_wait3A_224 = tpu.memref_slice %arg2[%dma_wait3A_222, %dma_wait3A_223] : memref<4096x1024xf32, #tpu.memory_space<hbm>> -> memref<4096x1024xf32, #tpu.memory_space<hbm>>
    tpu.wait_indirect_dma semaphore(%arg11 : memref<!tpu.dma_semaphore, #tpu.memory_space<semaphore_mem>>) src(%dma_wait3A_224 : memref<4096x1024xf32, #tpu.memory_space<hbm>>) dst(%arg7 : memref<16x1024xf32, #tpu.memory_space<vmem>>)
    %add3A_225 = arith.constant 272 : i32
    %add3A_226 = arith.addi %mul3A_2, %add3A_225 : i32
    "tpu.region"() ({
      %run_scoped3A = tpu.sem_alloc : memref<!tpu.dma_semaphore, #tpu.memory_space<semaphore_mem>>
      %dma_start3A_241 = arith.constant 0 : i32
      %dma_start3A_242 = tpu.memref_slice %arg4[%add3A_226, %dma_start3A_241] : memref<10240x1024xf32, #tpu.memory_space<hbm>> -> memref<16x1024xf32, #tpu.memory_space<hbm>>
      %dma_start3A_243 = arith.constant 0 : i32
      %dma_start3A_244 = tpu.memref_slice %arg4[%add3A_226, %dma_start3A_243] : memref<10240x1024xf32, #tpu.memory_space<hbm>> -> memref<16x1024xf32, #tpu.memory_space<hbm>>
      tpu.enqueue_dma source(%arg7 : memref<16x1024xf32, #tpu.memory_space<vmem>>) target(%dma_start3A_244 : memref<16x1024xf32, #tpu.memory_space<hbm>>) target_semaphore(%run_scoped3A : memref<!tpu.dma_semaphore, #tpu.memory_space<semaphore_mem>>)
      %dma_wait3A_245 = arith.constant 0 : i32
      %dma_wait3A_246 = tpu.memref_slice %arg4[%add3A_226, %dma_wait3A_245] : memref<10240x1024xf32, #tpu.memory_space<hbm>> -> memref<16x1024xf32, #tpu.memory_space<hbm>>
      %dma_wait3A_247 = arith.constant 0 : i32
      %dma_wait3A_248 = tpu.memref_slice %arg4[%add3A_226, %dma_wait3A_247] : memref<10240x1024xf32, #tpu.memory_space<hbm>> -> memref<16x1024xf32, #tpu.memory_space<hbm>>
      tpu.wait_dma2 semaphore(%run_scoped3A : memref<!tpu.dma_semaphore, #tpu.memory_space<semaphore_mem>>) src(%arg7 : memref<16x1024xf32, #tpu.memory_space<vmem>>) dst(%dma_wait3A_248 : memref<16x1024xf32, #tpu.memory_space<hbm>>)
      tpu.yield
    }) : () -> ()
    %dma_wait3A_227 = arith.constant 288 : i32
    %dma_wait3A_228 = tpu.memref_slice %arg5[%dma_wait3A_227] : memref<320xi32, #tpu.memory_space<vmem>> -> memref<16xi32, #tpu.memory_space<vmem>>
    %dma_wait3A_229 = arith.constant 0 : i32
    %dma_wait3A_230 = arith.constant 0 : i32
    %dma_wait3A_231 = tpu.memref_slice %arg2[%dma_wait3A_229, %dma_wait3A_230] : memref<4096x1024xf32, #tpu.memory_space<hbm>> -> memref<4096x1024xf32, #tpu.memory_space<hbm>>
    tpu.wait_indirect_dma semaphore(%arg12 : memref<!tpu.dma_semaphore, #tpu.memory_space<semaphore_mem>>) src(%dma_wait3A_231 : memref<4096x1024xf32, #tpu.memory_space<hbm>>) dst(%arg8 : memref<16x1024xf32, #tpu.memory_space<vmem>>)
    %add3A_232 = arith.constant 288 : i32
    %add3A_233 = arith.addi %mul3A_2, %add3A_232 : i32
    "tpu.region"() ({
      %run_scoped3A = tpu.sem_alloc : memref<!tpu.dma_semaphore, #tpu.memory_space<semaphore_mem>>
      %dma_start3A_241 = arith.constant 0 : i32
      %dma_start3A_242 = tpu.memref_slice %arg4[%add3A_233, %dma_start3A_241] : memref<10240x1024xf32, #tpu.memory_space<hbm>> -> memref<16x1024xf32, #tpu.memory_space<hbm>>
      %dma_start3A_243 = arith.constant 0 : i32
      %dma_start3A_244 = tpu.memref_slice %arg4[%add3A_233, %dma_start3A_243] : memref<10240x1024xf32, #tpu.memory_space<hbm>> -> memref<16x1024xf32, #tpu.memory_space<hbm>>
      tpu.enqueue_dma source(%arg8 : memref<16x1024xf32, #tpu.memory_space<vmem>>) target(%dma_start3A_244 : memref<16x1024xf32, #tpu.memory_space<hbm>>) target_semaphore(%run_scoped3A : memref<!tpu.dma_semaphore, #tpu.memory_space<semaphore_mem>>)
      %dma_wait3A_245 = arith.constant 0 : i32
      %dma_wait3A_246 = tpu.memref_slice %arg4[%add3A_233, %dma_wait3A_245] : memref<10240x1024xf32, #tpu.memory_space<hbm>> -> memref<16x1024xf32, #tpu.memory_space<hbm>>
      %dma_wait3A_247 = arith.constant 0 : i32
      %dma_wait3A_248 = tpu.memref_slice %arg4[%add3A_233, %dma_wait3A_247] : memref<10240x1024xf32, #tpu.memory_space<hbm>> -> memref<16x1024xf32, #tpu.memory_space<hbm>>
      tpu.wait_dma2 semaphore(%run_scoped3A : memref<!tpu.dma_semaphore, #tpu.memory_space<semaphore_mem>>) src(%arg8 : memref<16x1024xf32, #tpu.memory_space<vmem>>) dst(%dma_wait3A_248 : memref<16x1024xf32, #tpu.memory_space<hbm>>)
      tpu.yield
    }) : () -> ()
    %dma_wait3A_234 = arith.constant 304 : i32
    %dma_wait3A_235 = tpu.memref_slice %arg5[%dma_wait3A_234] : memref<320xi32, #tpu.memory_space<vmem>> -> memref<16xi32, #tpu.memory_space<vmem>>
    %dma_wait3A_236 = arith.constant 0 : i32
    %dma_wait3A_237 = arith.constant 0 : i32
    %dma_wait3A_238 = tpu.memref_slice %arg2[%dma_wait3A_236, %dma_wait3A_237] : memref<4096x1024xf32, #tpu.memory_space<hbm>> -> memref<4096x1024xf32, #tpu.memory_space<hbm>>
    tpu.wait_indirect_dma semaphore(%arg13 : memref<!tpu.dma_semaphore, #tpu.memory_space<semaphore_mem>>) src(%dma_wait3A_238 : memref<4096x1024xf32, #tpu.memory_space<hbm>>) dst(%arg9 : memref<16x1024xf32, #tpu.memory_space<vmem>>)
    %add3A_239 = arith.constant 304 : i32
    %add3A_240 = arith.addi %mul3A_2, %add3A_239 : i32
    "tpu.region"() ({
      %run_scoped3A = tpu.sem_alloc : memref<!tpu.dma_semaphore, #tpu.memory_space<semaphore_mem>>
      %dma_start3A_241 = arith.constant 0 : i32
      %dma_start3A_242 = tpu.memref_slice %arg4[%add3A_240, %dma_start3A_241] : memref<10240x1024xf32, #tpu.memory_space<hbm>> -> memref<16x1024xf32, #tpu.memory_space<hbm>>
      %dma_start3A_243 = arith.constant 0 : i32
      %dma_start3A_244 = tpu.memref_slice %arg4[%add3A_240, %dma_start3A_243] : memref<10240x1024xf32, #tpu.memory_space<hbm>> -> memref<16x1024xf32, #tpu.memory_space<hbm>>
      tpu.enqueue_dma source(%arg9 : memref<16x1024xf32, #tpu.memory_space<vmem>>) target(%dma_start3A_244 : memref<16x1024xf32, #tpu.memory_space<hbm>>) target_semaphore(%run_scoped3A : memref<!tpu.dma_semaphore, #tpu.memory_space<semaphore_mem>>)
      %dma_wait3A_245 = arith.constant 0 : i32
      %dma_wait3A_246 = tpu.memref_slice %arg4[%add3A_240, %dma_wait3A_245] : memref<10240x1024xf32, #tpu.memory_space<hbm>> -> memref<16x1024xf32, #tpu.memory_space<hbm>>
      %dma_wait3A_247 = arith.constant 0 : i32
      %dma_wait3A_248 = tpu.memref_slice %arg4[%add3A_240, %dma_wait3A_247] : memref<10240x1024xf32, #tpu.memory_space<hbm>> -> memref<16x1024xf32, #tpu.memory_space<hbm>>
      tpu.wait_dma2 semaphore(%run_scoped3A : memref<!tpu.dma_semaphore, #tpu.memory_space<semaphore_mem>>) src(%arg9 : memref<16x1024xf32, #tpu.memory_space<vmem>>) dst(%dma_wait3A_248 : memref<16x1024xf32, #tpu.memory_space<hbm>>)
      tpu.yield
    }) : () -> ()
    return
  }
}

module attributes {stable_mosaic.version = 14 : i64} {
  func.func @_meta_kernel(%arg0: memref<4096x2xi32, #tpu.memory_space<vmem>>, %arg1: memref<4096x2xi32, #tpu.memory_space<vmem>>, %arg2: memref<40x1xi32, #tpu.memory_space<vmem>>) attributes {dimension_semantics = [], scalar_prefetch = 0 : i64, scratch_operands = 0 : i64, tpu.core_type = #tpu.core_type<tc>} {
    %iota3A = tpu.iota {dimensions = array<i32: 1>} : vector<1x8xi32>
    %iota3A_0 = tpu.iota {dimensions = array<i32: 0>} : vector<256x256xi32>
    %iota3A_1 = tpu.iota {dimensions = array<i32: 1>} : vector<256x256xi32>
    %gt3A = arith.cmpi sgt, %iota3A_0, %iota3A_1 : vector<256x256xi32>
    %convert_element_type3A = arith.extui %gt3A : vector<256x256xi1> to vector<256x256xi32>
    %convert_element_type3A_2 = arith.sitofp %convert_element_type3A : vector<256x256xi32> to vector<256x256xf32>
    %broadcast_in_dim3A = arith.constant 0.000000e+00 : f32
    %broadcast_in_dim3A_3 = vector.broadcast %broadcast_in_dim3A : f32 to vector<1x8xf32>
    %get3A = arith.constant 0 : index
    %get3A_4 = arith.constant 0 : index
    %get3A_5 = vector.load %arg0[%get3A, %get3A_4] : memref<4096x2xi32, #tpu.memory_space<vmem>>, vector<256x2xi32>
    %slice3A = vector.extract_strided_slice %get3A_5 {offsets = [0, 0], sizes = [256, 1], strides = [1, 1]} : vector<256x2xi32> to vector<256x1xi32>
    %eq3A = vector.broadcast %slice3A : vector<256x1xi32> to vector<256x8xi32>
    %eq3A_6 = vector.broadcast %iota3A : vector<1x8xi32> to vector<256x8xi32>
    %eq3A_7 = arith.cmpi eq, %eq3A, %eq3A_6 : vector<256x8xi32>
    %convert_element_type3A_8 = arith.extui %eq3A_7 : vector<256x8xi1> to vector<256x8xi32>
    %convert_element_type3A_9 = arith.sitofp %convert_element_type3A_8 : vector<256x8xi32> to vector<256x8xf32>
    %slice3A_10 = vector.extract_strided_slice %get3A_5 {offsets = [0, 1], sizes = [256, 1], strides = [1, 1]} : vector<256x2xi32> to vector<256x1xi32>
    %eq3A_11 = vector.broadcast %slice3A_10 : vector<256x1xi32> to vector<256x8xi32>
    %eq3A_12 = vector.broadcast %iota3A : vector<1x8xi32> to vector<256x8xi32>
    %eq3A_13 = arith.cmpi eq, %eq3A_11, %eq3A_12 : vector<256x8xi32>
    %convert_element_type3A_14 = arith.extui %eq3A_13 : vector<256x8xi1> to vector<256x8xi32>
    %convert_element_type3A_15 = arith.sitofp %convert_element_type3A_14 : vector<256x8xi32> to vector<256x8xf32>
    %add3A = arith.addf %convert_element_type3A_9, %convert_element_type3A_15 : vector<256x8xf32>
    %dot_general3A = arith.constant dense<0.000000e+00> : vector<256x8xf32>
    %dot_general3A_16 = tpu.matmul %convert_element_type3A_2, %add3A, %dot_general3A {dimension_numbers = #tpu.dot_dimension_numbers<[1], [0], [0], [1], [0, 0, 1, 1], [], []>, transpose_lhs_hint = false} : vector<256x256xf32>, vector<256x8xf32>, vector<256x8xf32> -> vector<256x8xf32>
    %add3A_17 = vector.broadcast %broadcast_in_dim3A_3 : vector<1x8xf32> to vector<256x8xf32>
    %add3A_18 = arith.addf %dot_general3A_16, %add3A_17 : vector<256x8xf32>
    %add3A_19 = arith.addf %add3A_18, %convert_element_type3A_9 : vector<256x8xf32>
    %mul3A = arith.mulf %add3A_18, %convert_element_type3A_9 : vector<256x8xf32>
    %reduce_sum3A = arith.constant dense<0.000000e+00> : vector<256xf32>
    %reduce_sum3A_20 = vector.multi_reduction <add>, %mul3A, %reduce_sum3A [1] : vector<256x8xf32> to vector<256xf32>
    %broadcast_in_dim3A_21 = vector.shape_cast %reduce_sum3A_20 : vector<256xf32> to vector<256x1xf32>
    %mul3A_22 = arith.mulf %add3A_19, %convert_element_type3A_15 : vector<256x8xf32>
    %reduce_sum3A_23 = arith.constant dense<0.000000e+00> : vector<256xf32>
    %reduce_sum3A_24 = vector.multi_reduction <add>, %mul3A_22, %reduce_sum3A_23 [1] : vector<256x8xf32> to vector<256xf32>
    %broadcast_in_dim3A_25 = vector.shape_cast %reduce_sum3A_24 : vector<256xf32> to vector<256x1xf32>
    %add3A_26 = arith.addf %convert_element_type3A_9, %convert_element_type3A_15 : vector<256x8xf32>
    %reduce_sum3A_27 = arith.constant dense<0.000000e+00> : vector<8xf32>
    %reduce_sum3A_28 = vector.multi_reduction <add>, %add3A_26, %reduce_sum3A_27 [0] : vector<256x8xf32> to vector<8xf32>
    %broadcast_in_dim3A_29 = vector.shape_cast %reduce_sum3A_28 : vector<8xf32> to vector<1x8xf32>
    %add3A_30 = arith.addf %broadcast_in_dim3A_3, %broadcast_in_dim3A_29 : vector<1x8xf32>
    %get3A_31 = arith.constant 256 : index
    %get3A_32 = arith.constant 0 : index
    %get3A_33 = vector.load %arg0[%get3A_31, %get3A_32] : memref<4096x2xi32, #tpu.memory_space<vmem>>, vector<256x2xi32>
    %slice3A_34 = vector.extract_strided_slice %get3A_33 {offsets = [0, 0], sizes = [256, 1], strides = [1, 1]} : vector<256x2xi32> to vector<256x1xi32>
    %eq3A_35 = vector.broadcast %slice3A_34 : vector<256x1xi32> to vector<256x8xi32>
    %eq3A_36 = vector.broadcast %iota3A : vector<1x8xi32> to vector<256x8xi32>
    %eq3A_37 = arith.cmpi eq, %eq3A_35, %eq3A_36 : vector<256x8xi32>
    %convert_element_type3A_38 = arith.extui %eq3A_37 : vector<256x8xi1> to vector<256x8xi32>
    %convert_element_type3A_39 = arith.sitofp %convert_element_type3A_38 : vector<256x8xi32> to vector<256x8xf32>
    %slice3A_40 = vector.extract_strided_slice %get3A_33 {offsets = [0, 1], sizes = [256, 1], strides = [1, 1]} : vector<256x2xi32> to vector<256x1xi32>
    %eq3A_41 = vector.broadcast %slice3A_40 : vector<256x1xi32> to vector<256x8xi32>
    %eq3A_42 = vector.broadcast %iota3A : vector<1x8xi32> to vector<256x8xi32>
    %eq3A_43 = arith.cmpi eq, %eq3A_41, %eq3A_42 : vector<256x8xi32>
    %convert_element_type3A_44 = arith.extui %eq3A_43 : vector<256x8xi1> to vector<256x8xi32>
    %convert_element_type3A_45 = arith.sitofp %convert_element_type3A_44 : vector<256x8xi32> to vector<256x8xf32>
    %add3A_46 = arith.addf %convert_element_type3A_39, %convert_element_type3A_45 : vector<256x8xf32>
    %dot_general3A_47 = arith.constant dense<0.000000e+00> : vector<256x8xf32>
    %dot_general3A_48 = tpu.matmul %convert_element_type3A_2, %add3A_46, %dot_general3A_47 {dimension_numbers = #tpu.dot_dimension_numbers<[1], [0], [0], [1], [0, 0, 1, 1], [], []>, transpose_lhs_hint = false} : vector<256x256xf32>, vector<256x8xf32>, vector<256x8xf32> -> vector<256x8xf32>
    %add3A_49 = vector.broadcast %add3A_30 : vector<1x8xf32> to vector<256x8xf32>
    %add3A_50 = arith.addf %dot_general3A_48, %add3A_49 : vector<256x8xf32>
    %add3A_51 = arith.addf %add3A_50, %convert_element_type3A_39 : vector<256x8xf32>
    %mul3A_52 = arith.mulf %add3A_50, %convert_element_type3A_39 : vector<256x8xf32>
    %reduce_sum3A_53 = arith.constant dense<0.000000e+00> : vector<256xf32>
    %reduce_sum3A_54 = vector.multi_reduction <add>, %mul3A_52, %reduce_sum3A_53 [1] : vector<256x8xf32> to vector<256xf32>
    %broadcast_in_dim3A_55 = vector.shape_cast %reduce_sum3A_54 : vector<256xf32> to vector<256x1xf32>
    %mul3A_56 = arith.mulf %add3A_51, %convert_element_type3A_45 : vector<256x8xf32>
    %reduce_sum3A_57 = arith.constant dense<0.000000e+00> : vector<256xf32>
    %reduce_sum3A_58 = vector.multi_reduction <add>, %mul3A_56, %reduce_sum3A_57 [1] : vector<256x8xf32> to vector<256xf32>
    %broadcast_in_dim3A_59 = vector.shape_cast %reduce_sum3A_58 : vector<256xf32> to vector<256x1xf32>
    %add3A_60 = arith.addf %convert_element_type3A_39, %convert_element_type3A_45 : vector<256x8xf32>
    %reduce_sum3A_61 = arith.constant dense<0.000000e+00> : vector<8xf32>
    %reduce_sum3A_62 = vector.multi_reduction <add>, %add3A_60, %reduce_sum3A_61 [0] : vector<256x8xf32> to vector<8xf32>
    %broadcast_in_dim3A_63 = vector.shape_cast %reduce_sum3A_62 : vector<8xf32> to vector<1x8xf32>
    %add3A_64 = arith.addf %add3A_30, %broadcast_in_dim3A_63 : vector<1x8xf32>
    %get3A_65 = arith.constant 512 : index
    %get3A_66 = arith.constant 0 : index
    %get3A_67 = vector.load %arg0[%get3A_65, %get3A_66] : memref<4096x2xi32, #tpu.memory_space<vmem>>, vector<256x2xi32>
    %slice3A_68 = vector.extract_strided_slice %get3A_67 {offsets = [0, 0], sizes = [256, 1], strides = [1, 1]} : vector<256x2xi32> to vector<256x1xi32>
    %eq3A_69 = vector.broadcast %slice3A_68 : vector<256x1xi32> to vector<256x8xi32>
    %eq3A_70 = vector.broadcast %iota3A : vector<1x8xi32> to vector<256x8xi32>
    %eq3A_71 = arith.cmpi eq, %eq3A_69, %eq3A_70 : vector<256x8xi32>
    %convert_element_type3A_72 = arith.extui %eq3A_71 : vector<256x8xi1> to vector<256x8xi32>
    %convert_element_type3A_73 = arith.sitofp %convert_element_type3A_72 : vector<256x8xi32> to vector<256x8xf32>
    %slice3A_74 = vector.extract_strided_slice %get3A_67 {offsets = [0, 1], sizes = [256, 1], strides = [1, 1]} : vector<256x2xi32> to vector<256x1xi32>
    %eq3A_75 = vector.broadcast %slice3A_74 : vector<256x1xi32> to vector<256x8xi32>
    %eq3A_76 = vector.broadcast %iota3A : vector<1x8xi32> to vector<256x8xi32>
    %eq3A_77 = arith.cmpi eq, %eq3A_75, %eq3A_76 : vector<256x8xi32>
    %convert_element_type3A_78 = arith.extui %eq3A_77 : vector<256x8xi1> to vector<256x8xi32>
    %convert_element_type3A_79 = arith.sitofp %convert_element_type3A_78 : vector<256x8xi32> to vector<256x8xf32>
    %add3A_80 = arith.addf %convert_element_type3A_73, %convert_element_type3A_79 : vector<256x8xf32>
    %dot_general3A_81 = arith.constant dense<0.000000e+00> : vector<256x8xf32>
    %dot_general3A_82 = tpu.matmul %convert_element_type3A_2, %add3A_80, %dot_general3A_81 {dimension_numbers = #tpu.dot_dimension_numbers<[1], [0], [0], [1], [0, 0, 1, 1], [], []>, transpose_lhs_hint = false} : vector<256x256xf32>, vector<256x8xf32>, vector<256x8xf32> -> vector<256x8xf32>
    %add3A_83 = vector.broadcast %add3A_64 : vector<1x8xf32> to vector<256x8xf32>
    %add3A_84 = arith.addf %dot_general3A_82, %add3A_83 : vector<256x8xf32>
    %add3A_85 = arith.addf %add3A_84, %convert_element_type3A_73 : vector<256x8xf32>
    %mul3A_86 = arith.mulf %add3A_84, %convert_element_type3A_73 : vector<256x8xf32>
    %reduce_sum3A_87 = arith.constant dense<0.000000e+00> : vector<256xf32>
    %reduce_sum3A_88 = vector.multi_reduction <add>, %mul3A_86, %reduce_sum3A_87 [1] : vector<256x8xf32> to vector<256xf32>
    %broadcast_in_dim3A_89 = vector.shape_cast %reduce_sum3A_88 : vector<256xf32> to vector<256x1xf32>
    %mul3A_90 = arith.mulf %add3A_85, %convert_element_type3A_79 : vector<256x8xf32>
    %reduce_sum3A_91 = arith.constant dense<0.000000e+00> : vector<256xf32>
    %reduce_sum3A_92 = vector.multi_reduction <add>, %mul3A_90, %reduce_sum3A_91 [1] : vector<256x8xf32> to vector<256xf32>
    %broadcast_in_dim3A_93 = vector.shape_cast %reduce_sum3A_92 : vector<256xf32> to vector<256x1xf32>
    %add3A_94 = arith.addf %convert_element_type3A_73, %convert_element_type3A_79 : vector<256x8xf32>
    %reduce_sum3A_95 = arith.constant dense<0.000000e+00> : vector<8xf32>
    %reduce_sum3A_96 = vector.multi_reduction <add>, %add3A_94, %reduce_sum3A_95 [0] : vector<256x8xf32> to vector<8xf32>
    %broadcast_in_dim3A_97 = vector.shape_cast %reduce_sum3A_96 : vector<8xf32> to vector<1x8xf32>
    %add3A_98 = arith.addf %add3A_64, %broadcast_in_dim3A_97 : vector<1x8xf32>
    %get3A_99 = arith.constant 768 : index
    %get3A_100 = arith.constant 0 : index
    %get3A_101 = vector.load %arg0[%get3A_99, %get3A_100] : memref<4096x2xi32, #tpu.memory_space<vmem>>, vector<256x2xi32>
    %slice3A_102 = vector.extract_strided_slice %get3A_101 {offsets = [0, 0], sizes = [256, 1], strides = [1, 1]} : vector<256x2xi32> to vector<256x1xi32>
    %eq3A_103 = vector.broadcast %slice3A_102 : vector<256x1xi32> to vector<256x8xi32>
    %eq3A_104 = vector.broadcast %iota3A : vector<1x8xi32> to vector<256x8xi32>
    %eq3A_105 = arith.cmpi eq, %eq3A_103, %eq3A_104 : vector<256x8xi32>
    %convert_element_type3A_106 = arith.extui %eq3A_105 : vector<256x8xi1> to vector<256x8xi32>
    %convert_element_type3A_107 = arith.sitofp %convert_element_type3A_106 : vector<256x8xi32> to vector<256x8xf32>
    %slice3A_108 = vector.extract_strided_slice %get3A_101 {offsets = [0, 1], sizes = [256, 1], strides = [1, 1]} : vector<256x2xi32> to vector<256x1xi32>
    %eq3A_109 = vector.broadcast %slice3A_108 : vector<256x1xi32> to vector<256x8xi32>
    %eq3A_110 = vector.broadcast %iota3A : vector<1x8xi32> to vector<256x8xi32>
    %eq3A_111 = arith.cmpi eq, %eq3A_109, %eq3A_110 : vector<256x8xi32>
    %convert_element_type3A_112 = arith.extui %eq3A_111 : vector<256x8xi1> to vector<256x8xi32>
    %convert_element_type3A_113 = arith.sitofp %convert_element_type3A_112 : vector<256x8xi32> to vector<256x8xf32>
    %add3A_114 = arith.addf %convert_element_type3A_107, %convert_element_type3A_113 : vector<256x8xf32>
    %dot_general3A_115 = arith.constant dense<0.000000e+00> : vector<256x8xf32>
    %dot_general3A_116 = tpu.matmul %convert_element_type3A_2, %add3A_114, %dot_general3A_115 {dimension_numbers = #tpu.dot_dimension_numbers<[1], [0], [0], [1], [0, 0, 1, 1], [], []>, transpose_lhs_hint = false} : vector<256x256xf32>, vector<256x8xf32>, vector<256x8xf32> -> vector<256x8xf32>
    %add3A_117 = vector.broadcast %add3A_98 : vector<1x8xf32> to vector<256x8xf32>
    %add3A_118 = arith.addf %dot_general3A_116, %add3A_117 : vector<256x8xf32>
    %add3A_119 = arith.addf %add3A_118, %convert_element_type3A_107 : vector<256x8xf32>
    %mul3A_120 = arith.mulf %add3A_118, %convert_element_type3A_107 : vector<256x8xf32>
    %reduce_sum3A_121 = arith.constant dense<0.000000e+00> : vector<256xf32>
    %reduce_sum3A_122 = vector.multi_reduction <add>, %mul3A_120, %reduce_sum3A_121 [1] : vector<256x8xf32> to vector<256xf32>
    %broadcast_in_dim3A_123 = vector.shape_cast %reduce_sum3A_122 : vector<256xf32> to vector<256x1xf32>
    %mul3A_124 = arith.mulf %add3A_119, %convert_element_type3A_113 : vector<256x8xf32>
    %reduce_sum3A_125 = arith.constant dense<0.000000e+00> : vector<256xf32>
    %reduce_sum3A_126 = vector.multi_reduction <add>, %mul3A_124, %reduce_sum3A_125 [1] : vector<256x8xf32> to vector<256xf32>
    %broadcast_in_dim3A_127 = vector.shape_cast %reduce_sum3A_126 : vector<256xf32> to vector<256x1xf32>
    %add3A_128 = arith.addf %convert_element_type3A_107, %convert_element_type3A_113 : vector<256x8xf32>
    %reduce_sum3A_129 = arith.constant dense<0.000000e+00> : vector<8xf32>
    %reduce_sum3A_130 = vector.multi_reduction <add>, %add3A_128, %reduce_sum3A_129 [0] : vector<256x8xf32> to vector<8xf32>
    %broadcast_in_dim3A_131 = vector.shape_cast %reduce_sum3A_130 : vector<8xf32> to vector<1x8xf32>
    %add3A_132 = arith.addf %add3A_98, %broadcast_in_dim3A_131 : vector<1x8xf32>
    %get3A_133 = arith.constant 1024 : index
    %get3A_134 = arith.constant 0 : index
    %get3A_135 = vector.load %arg0[%get3A_133, %get3A_134] : memref<4096x2xi32, #tpu.memory_space<vmem>>, vector<256x2xi32>
    %slice3A_136 = vector.extract_strided_slice %get3A_135 {offsets = [0, 0], sizes = [256, 1], strides = [1, 1]} : vector<256x2xi32> to vector<256x1xi32>
    %eq3A_137 = vector.broadcast %slice3A_136 : vector<256x1xi32> to vector<256x8xi32>
    %eq3A_138 = vector.broadcast %iota3A : vector<1x8xi32> to vector<256x8xi32>
    %eq3A_139 = arith.cmpi eq, %eq3A_137, %eq3A_138 : vector<256x8xi32>
    %convert_element_type3A_140 = arith.extui %eq3A_139 : vector<256x8xi1> to vector<256x8xi32>
    %convert_element_type3A_141 = arith.sitofp %convert_element_type3A_140 : vector<256x8xi32> to vector<256x8xf32>
    %slice3A_142 = vector.extract_strided_slice %get3A_135 {offsets = [0, 1], sizes = [256, 1], strides = [1, 1]} : vector<256x2xi32> to vector<256x1xi32>
    %eq3A_143 = vector.broadcast %slice3A_142 : vector<256x1xi32> to vector<256x8xi32>
    %eq3A_144 = vector.broadcast %iota3A : vector<1x8xi32> to vector<256x8xi32>
    %eq3A_145 = arith.cmpi eq, %eq3A_143, %eq3A_144 : vector<256x8xi32>
    %convert_element_type3A_146 = arith.extui %eq3A_145 : vector<256x8xi1> to vector<256x8xi32>
    %convert_element_type3A_147 = arith.sitofp %convert_element_type3A_146 : vector<256x8xi32> to vector<256x8xf32>
    %add3A_148 = arith.addf %convert_element_type3A_141, %convert_element_type3A_147 : vector<256x8xf32>
    %dot_general3A_149 = arith.constant dense<0.000000e+00> : vector<256x8xf32>
    %dot_general3A_150 = tpu.matmul %convert_element_type3A_2, %add3A_148, %dot_general3A_149 {dimension_numbers = #tpu.dot_dimension_numbers<[1], [0], [0], [1], [0, 0, 1, 1], [], []>, transpose_lhs_hint = false} : vector<256x256xf32>, vector<256x8xf32>, vector<256x8xf32> -> vector<256x8xf32>
    %add3A_151 = vector.broadcast %add3A_132 : vector<1x8xf32> to vector<256x8xf32>
    %add3A_152 = arith.addf %dot_general3A_150, %add3A_151 : vector<256x8xf32>
    %add3A_153 = arith.addf %add3A_152, %convert_element_type3A_141 : vector<256x8xf32>
    %mul3A_154 = arith.mulf %add3A_152, %convert_element_type3A_141 : vector<256x8xf32>
    %reduce_sum3A_155 = arith.constant dense<0.000000e+00> : vector<256xf32>
    %reduce_sum3A_156 = vector.multi_reduction <add>, %mul3A_154, %reduce_sum3A_155 [1] : vector<256x8xf32> to vector<256xf32>
    %broadcast_in_dim3A_157 = vector.shape_cast %reduce_sum3A_156 : vector<256xf32> to vector<256x1xf32>
    %mul3A_158 = arith.mulf %add3A_153, %convert_element_type3A_147 : vector<256x8xf32>
    %reduce_sum3A_159 = arith.constant dense<0.000000e+00> : vector<256xf32>
    %reduce_sum3A_160 = vector.multi_reduction <add>, %mul3A_158, %reduce_sum3A_159 [1] : vector<256x8xf32> to vector<256xf32>
    %broadcast_in_dim3A_161 = vector.shape_cast %reduce_sum3A_160 : vector<256xf32> to vector<256x1xf32>
    %add3A_162 = arith.addf %convert_element_type3A_141, %convert_element_type3A_147 : vector<256x8xf32>
    %reduce_sum3A_163 = arith.constant dense<0.000000e+00> : vector<8xf32>
    %reduce_sum3A_164 = vector.multi_reduction <add>, %add3A_162, %reduce_sum3A_163 [0] : vector<256x8xf32> to vector<8xf32>
    %broadcast_in_dim3A_165 = vector.shape_cast %reduce_sum3A_164 : vector<8xf32> to vector<1x8xf32>
    %add3A_166 = arith.addf %add3A_132, %broadcast_in_dim3A_165 : vector<1x8xf32>
    %get3A_167 = arith.constant 1280 : index
    %get3A_168 = arith.constant 0 : index
    %get3A_169 = vector.load %arg0[%get3A_167, %get3A_168] : memref<4096x2xi32, #tpu.memory_space<vmem>>, vector<256x2xi32>
    %slice3A_170 = vector.extract_strided_slice %get3A_169 {offsets = [0, 0], sizes = [256, 1], strides = [1, 1]} : vector<256x2xi32> to vector<256x1xi32>
    %eq3A_171 = vector.broadcast %slice3A_170 : vector<256x1xi32> to vector<256x8xi32>
    %eq3A_172 = vector.broadcast %iota3A : vector<1x8xi32> to vector<256x8xi32>
    %eq3A_173 = arith.cmpi eq, %eq3A_171, %eq3A_172 : vector<256x8xi32>
    %convert_element_type3A_174 = arith.extui %eq3A_173 : vector<256x8xi1> to vector<256x8xi32>
    %convert_element_type3A_175 = arith.sitofp %convert_element_type3A_174 : vector<256x8xi32> to vector<256x8xf32>
    %slice3A_176 = vector.extract_strided_slice %get3A_169 {offsets = [0, 1], sizes = [256, 1], strides = [1, 1]} : vector<256x2xi32> to vector<256x1xi32>
    %eq3A_177 = vector.broadcast %slice3A_176 : vector<256x1xi32> to vector<256x8xi32>
    %eq3A_178 = vector.broadcast %iota3A : vector<1x8xi32> to vector<256x8xi32>
    %eq3A_179 = arith.cmpi eq, %eq3A_177, %eq3A_178 : vector<256x8xi32>
    %convert_element_type3A_180 = arith.extui %eq3A_179 : vector<256x8xi1> to vector<256x8xi32>
    %convert_element_type3A_181 = arith.sitofp %convert_element_type3A_180 : vector<256x8xi32> to vector<256x8xf32>
    %add3A_182 = arith.addf %convert_element_type3A_175, %convert_element_type3A_181 : vector<256x8xf32>
    %dot_general3A_183 = arith.constant dense<0.000000e+00> : vector<256x8xf32>
    %dot_general3A_184 = tpu.matmul %convert_element_type3A_2, %add3A_182, %dot_general3A_183 {dimension_numbers = #tpu.dot_dimension_numbers<[1], [0], [0], [1], [0, 0, 1, 1], [], []>, transpose_lhs_hint = false} : vector<256x256xf32>, vector<256x8xf32>, vector<256x8xf32> -> vector<256x8xf32>
    %add3A_185 = vector.broadcast %add3A_166 : vector<1x8xf32> to vector<256x8xf32>
    %add3A_186 = arith.addf %dot_general3A_184, %add3A_185 : vector<256x8xf32>
    %add3A_187 = arith.addf %add3A_186, %convert_element_type3A_175 : vector<256x8xf32>
    %mul3A_188 = arith.mulf %add3A_186, %convert_element_type3A_175 : vector<256x8xf32>
    %reduce_sum3A_189 = arith.constant dense<0.000000e+00> : vector<256xf32>
    %reduce_sum3A_190 = vector.multi_reduction <add>, %mul3A_188, %reduce_sum3A_189 [1] : vector<256x8xf32> to vector<256xf32>
    %broadcast_in_dim3A_191 = vector.shape_cast %reduce_sum3A_190 : vector<256xf32> to vector<256x1xf32>
    %mul3A_192 = arith.mulf %add3A_187, %convert_element_type3A_181 : vector<256x8xf32>
    %reduce_sum3A_193 = arith.constant dense<0.000000e+00> : vector<256xf32>
    %reduce_sum3A_194 = vector.multi_reduction <add>, %mul3A_192, %reduce_sum3A_193 [1] : vector<256x8xf32> to vector<256xf32>
    %broadcast_in_dim3A_195 = vector.shape_cast %reduce_sum3A_194 : vector<256xf32> to vector<256x1xf32>
    %add3A_196 = arith.addf %convert_element_type3A_175, %convert_element_type3A_181 : vector<256x8xf32>
    %reduce_sum3A_197 = arith.constant dense<0.000000e+00> : vector<8xf32>
    %reduce_sum3A_198 = vector.multi_reduction <add>, %add3A_196, %reduce_sum3A_197 [0] : vector<256x8xf32> to vector<8xf32>
    %broadcast_in_dim3A_199 = vector.shape_cast %reduce_sum3A_198 : vector<8xf32> to vector<1x8xf32>
    %add3A_200 = arith.addf %add3A_166, %broadcast_in_dim3A_199 : vector<1x8xf32>
    %get3A_201 = arith.constant 1536 : index
    %get3A_202 = arith.constant 0 : index
    %get3A_203 = vector.load %arg0[%get3A_201, %get3A_202] : memref<4096x2xi32, #tpu.memory_space<vmem>>, vector<256x2xi32>
    %slice3A_204 = vector.extract_strided_slice %get3A_203 {offsets = [0, 0], sizes = [256, 1], strides = [1, 1]} : vector<256x2xi32> to vector<256x1xi32>
    %eq3A_205 = vector.broadcast %slice3A_204 : vector<256x1xi32> to vector<256x8xi32>
    %eq3A_206 = vector.broadcast %iota3A : vector<1x8xi32> to vector<256x8xi32>
    %eq3A_207 = arith.cmpi eq, %eq3A_205, %eq3A_206 : vector<256x8xi32>
    %convert_element_type3A_208 = arith.extui %eq3A_207 : vector<256x8xi1> to vector<256x8xi32>
    %convert_element_type3A_209 = arith.sitofp %convert_element_type3A_208 : vector<256x8xi32> to vector<256x8xf32>
    %slice3A_210 = vector.extract_strided_slice %get3A_203 {offsets = [0, 1], sizes = [256, 1], strides = [1, 1]} : vector<256x2xi32> to vector<256x1xi32>
    %eq3A_211 = vector.broadcast %slice3A_210 : vector<256x1xi32> to vector<256x8xi32>
    %eq3A_212 = vector.broadcast %iota3A : vector<1x8xi32> to vector<256x8xi32>
    %eq3A_213 = arith.cmpi eq, %eq3A_211, %eq3A_212 : vector<256x8xi32>
    %convert_element_type3A_214 = arith.extui %eq3A_213 : vector<256x8xi1> to vector<256x8xi32>
    %convert_element_type3A_215 = arith.sitofp %convert_element_type3A_214 : vector<256x8xi32> to vector<256x8xf32>
    %add3A_216 = arith.addf %convert_element_type3A_209, %convert_element_type3A_215 : vector<256x8xf32>
    %dot_general3A_217 = arith.constant dense<0.000000e+00> : vector<256x8xf32>
    %dot_general3A_218 = tpu.matmul %convert_element_type3A_2, %add3A_216, %dot_general3A_217 {dimension_numbers = #tpu.dot_dimension_numbers<[1], [0], [0], [1], [0, 0, 1, 1], [], []>, transpose_lhs_hint = false} : vector<256x256xf32>, vector<256x8xf32>, vector<256x8xf32> -> vector<256x8xf32>
    %add3A_219 = vector.broadcast %add3A_200 : vector<1x8xf32> to vector<256x8xf32>
    %add3A_220 = arith.addf %dot_general3A_218, %add3A_219 : vector<256x8xf32>
    %add3A_221 = arith.addf %add3A_220, %convert_element_type3A_209 : vector<256x8xf32>
    %mul3A_222 = arith.mulf %add3A_220, %convert_element_type3A_209 : vector<256x8xf32>
    %reduce_sum3A_223 = arith.constant dense<0.000000e+00> : vector<256xf32>
    %reduce_sum3A_224 = vector.multi_reduction <add>, %mul3A_222, %reduce_sum3A_223 [1] : vector<256x8xf32> to vector<256xf32>
    %broadcast_in_dim3A_225 = vector.shape_cast %reduce_sum3A_224 : vector<256xf32> to vector<256x1xf32>
    %mul3A_226 = arith.mulf %add3A_221, %convert_element_type3A_215 : vector<256x8xf32>
    %reduce_sum3A_227 = arith.constant dense<0.000000e+00> : vector<256xf32>
    %reduce_sum3A_228 = vector.multi_reduction <add>, %mul3A_226, %reduce_sum3A_227 [1] : vector<256x8xf32> to vector<256xf32>
    %broadcast_in_dim3A_229 = vector.shape_cast %reduce_sum3A_228 : vector<256xf32> to vector<256x1xf32>
    %add3A_230 = arith.addf %convert_element_type3A_209, %convert_element_type3A_215 : vector<256x8xf32>
    %reduce_sum3A_231 = arith.constant dense<0.000000e+00> : vector<8xf32>
    %reduce_sum3A_232 = vector.multi_reduction <add>, %add3A_230, %reduce_sum3A_231 [0] : vector<256x8xf32> to vector<8xf32>
    %broadcast_in_dim3A_233 = vector.shape_cast %reduce_sum3A_232 : vector<8xf32> to vector<1x8xf32>
    %add3A_234 = arith.addf %add3A_200, %broadcast_in_dim3A_233 : vector<1x8xf32>
    %get3A_235 = arith.constant 1792 : index
    %get3A_236 = arith.constant 0 : index
    %get3A_237 = vector.load %arg0[%get3A_235, %get3A_236] : memref<4096x2xi32, #tpu.memory_space<vmem>>, vector<256x2xi32>
    %slice3A_238 = vector.extract_strided_slice %get3A_237 {offsets = [0, 0], sizes = [256, 1], strides = [1, 1]} : vector<256x2xi32> to vector<256x1xi32>
    %eq3A_239 = vector.broadcast %slice3A_238 : vector<256x1xi32> to vector<256x8xi32>
    %eq3A_240 = vector.broadcast %iota3A : vector<1x8xi32> to vector<256x8xi32>
    %eq3A_241 = arith.cmpi eq, %eq3A_239, %eq3A_240 : vector<256x8xi32>
    %convert_element_type3A_242 = arith.extui %eq3A_241 : vector<256x8xi1> to vector<256x8xi32>
    %convert_element_type3A_243 = arith.sitofp %convert_element_type3A_242 : vector<256x8xi32> to vector<256x8xf32>
    %slice3A_244 = vector.extract_strided_slice %get3A_237 {offsets = [0, 1], sizes = [256, 1], strides = [1, 1]} : vector<256x2xi32> to vector<256x1xi32>
    %eq3A_245 = vector.broadcast %slice3A_244 : vector<256x1xi32> to vector<256x8xi32>
    %eq3A_246 = vector.broadcast %iota3A : vector<1x8xi32> to vector<256x8xi32>
    %eq3A_247 = arith.cmpi eq, %eq3A_245, %eq3A_246 : vector<256x8xi32>
    %convert_element_type3A_248 = arith.extui %eq3A_247 : vector<256x8xi1> to vector<256x8xi32>
    %convert_element_type3A_249 = arith.sitofp %convert_element_type3A_248 : vector<256x8xi32> to vector<256x8xf32>
    %add3A_250 = arith.addf %convert_element_type3A_243, %convert_element_type3A_249 : vector<256x8xf32>
    %dot_general3A_251 = arith.constant dense<0.000000e+00> : vector<256x8xf32>
    %dot_general3A_252 = tpu.matmul %convert_element_type3A_2, %add3A_250, %dot_general3A_251 {dimension_numbers = #tpu.dot_dimension_numbers<[1], [0], [0], [1], [0, 0, 1, 1], [], []>, transpose_lhs_hint = false} : vector<256x256xf32>, vector<256x8xf32>, vector<256x8xf32> -> vector<256x8xf32>
    %add3A_253 = vector.broadcast %add3A_234 : vector<1x8xf32> to vector<256x8xf32>
    %add3A_254 = arith.addf %dot_general3A_252, %add3A_253 : vector<256x8xf32>
    %add3A_255 = arith.addf %add3A_254, %convert_element_type3A_243 : vector<256x8xf32>
    %mul3A_256 = arith.mulf %add3A_254, %convert_element_type3A_243 : vector<256x8xf32>
    %reduce_sum3A_257 = arith.constant dense<0.000000e+00> : vector<256xf32>
    %reduce_sum3A_258 = vector.multi_reduction <add>, %mul3A_256, %reduce_sum3A_257 [1] : vector<256x8xf32> to vector<256xf32>
    %broadcast_in_dim3A_259 = vector.shape_cast %reduce_sum3A_258 : vector<256xf32> to vector<256x1xf32>
    %mul3A_260 = arith.mulf %add3A_255, %convert_element_type3A_249 : vector<256x8xf32>
    %reduce_sum3A_261 = arith.constant dense<0.000000e+00> : vector<256xf32>
    %reduce_sum3A_262 = vector.multi_reduction <add>, %mul3A_260, %reduce_sum3A_261 [1] : vector<256x8xf32> to vector<256xf32>
    %broadcast_in_dim3A_263 = vector.shape_cast %reduce_sum3A_262 : vector<256xf32> to vector<256x1xf32>
    %add3A_264 = arith.addf %convert_element_type3A_243, %convert_element_type3A_249 : vector<256x8xf32>
    %reduce_sum3A_265 = arith.constant dense<0.000000e+00> : vector<8xf32>
    %reduce_sum3A_266 = vector.multi_reduction <add>, %add3A_264, %reduce_sum3A_265 [0] : vector<256x8xf32> to vector<8xf32>
    %broadcast_in_dim3A_267 = vector.shape_cast %reduce_sum3A_266 : vector<8xf32> to vector<1x8xf32>
    %add3A_268 = arith.addf %add3A_234, %broadcast_in_dim3A_267 : vector<1x8xf32>
    %get3A_269 = arith.constant 2048 : index
    %get3A_270 = arith.constant 0 : index
    %get3A_271 = vector.load %arg0[%get3A_269, %get3A_270] : memref<4096x2xi32, #tpu.memory_space<vmem>>, vector<256x2xi32>
    %slice3A_272 = vector.extract_strided_slice %get3A_271 {offsets = [0, 0], sizes = [256, 1], strides = [1, 1]} : vector<256x2xi32> to vector<256x1xi32>
    %eq3A_273 = vector.broadcast %slice3A_272 : vector<256x1xi32> to vector<256x8xi32>
    %eq3A_274 = vector.broadcast %iota3A : vector<1x8xi32> to vector<256x8xi32>
    %eq3A_275 = arith.cmpi eq, %eq3A_273, %eq3A_274 : vector<256x8xi32>
    %convert_element_type3A_276 = arith.extui %eq3A_275 : vector<256x8xi1> to vector<256x8xi32>
    %convert_element_type3A_277 = arith.sitofp %convert_element_type3A_276 : vector<256x8xi32> to vector<256x8xf32>
    %slice3A_278 = vector.extract_strided_slice %get3A_271 {offsets = [0, 1], sizes = [256, 1], strides = [1, 1]} : vector<256x2xi32> to vector<256x1xi32>
    %eq3A_279 = vector.broadcast %slice3A_278 : vector<256x1xi32> to vector<256x8xi32>
    %eq3A_280 = vector.broadcast %iota3A : vector<1x8xi32> to vector<256x8xi32>
    %eq3A_281 = arith.cmpi eq, %eq3A_279, %eq3A_280 : vector<256x8xi32>
    %convert_element_type3A_282 = arith.extui %eq3A_281 : vector<256x8xi1> to vector<256x8xi32>
    %convert_element_type3A_283 = arith.sitofp %convert_element_type3A_282 : vector<256x8xi32> to vector<256x8xf32>
    %add3A_284 = arith.addf %convert_element_type3A_277, %convert_element_type3A_283 : vector<256x8xf32>
    %dot_general3A_285 = arith.constant dense<0.000000e+00> : vector<256x8xf32>
    %dot_general3A_286 = tpu.matmul %convert_element_type3A_2, %add3A_284, %dot_general3A_285 {dimension_numbers = #tpu.dot_dimension_numbers<[1], [0], [0], [1], [0, 0, 1, 1], [], []>, transpose_lhs_hint = false} : vector<256x256xf32>, vector<256x8xf32>, vector<256x8xf32> -> vector<256x8xf32>
    %add3A_287 = vector.broadcast %add3A_268 : vector<1x8xf32> to vector<256x8xf32>
    %add3A_288 = arith.addf %dot_general3A_286, %add3A_287 : vector<256x8xf32>
    %add3A_289 = arith.addf %add3A_288, %convert_element_type3A_277 : vector<256x8xf32>
    %mul3A_290 = arith.mulf %add3A_288, %convert_element_type3A_277 : vector<256x8xf32>
    %reduce_sum3A_291 = arith.constant dense<0.000000e+00> : vector<256xf32>
    %reduce_sum3A_292 = vector.multi_reduction <add>, %mul3A_290, %reduce_sum3A_291 [1] : vector<256x8xf32> to vector<256xf32>
    %broadcast_in_dim3A_293 = vector.shape_cast %reduce_sum3A_292 : vector<256xf32> to vector<256x1xf32>
    %mul3A_294 = arith.mulf %add3A_289, %convert_element_type3A_283 : vector<256x8xf32>
    %reduce_sum3A_295 = arith.constant dense<0.000000e+00> : vector<256xf32>
    %reduce_sum3A_296 = vector.multi_reduction <add>, %mul3A_294, %reduce_sum3A_295 [1] : vector<256x8xf32> to vector<256xf32>
    %broadcast_in_dim3A_297 = vector.shape_cast %reduce_sum3A_296 : vector<256xf32> to vector<256x1xf32>
    %add3A_298 = arith.addf %convert_element_type3A_277, %convert_element_type3A_283 : vector<256x8xf32>
    %reduce_sum3A_299 = arith.constant dense<0.000000e+00> : vector<8xf32>
    %reduce_sum3A_300 = vector.multi_reduction <add>, %add3A_298, %reduce_sum3A_299 [0] : vector<256x8xf32> to vector<8xf32>
    %broadcast_in_dim3A_301 = vector.shape_cast %reduce_sum3A_300 : vector<8xf32> to vector<1x8xf32>
    %add3A_302 = arith.addf %add3A_268, %broadcast_in_dim3A_301 : vector<1x8xf32>
    %get3A_303 = arith.constant 2304 : index
    %get3A_304 = arith.constant 0 : index
    %get3A_305 = vector.load %arg0[%get3A_303, %get3A_304] : memref<4096x2xi32, #tpu.memory_space<vmem>>, vector<256x2xi32>
    %slice3A_306 = vector.extract_strided_slice %get3A_305 {offsets = [0, 0], sizes = [256, 1], strides = [1, 1]} : vector<256x2xi32> to vector<256x1xi32>
    %eq3A_307 = vector.broadcast %slice3A_306 : vector<256x1xi32> to vector<256x8xi32>
    %eq3A_308 = vector.broadcast %iota3A : vector<1x8xi32> to vector<256x8xi32>
    %eq3A_309 = arith.cmpi eq, %eq3A_307, %eq3A_308 : vector<256x8xi32>
    %convert_element_type3A_310 = arith.extui %eq3A_309 : vector<256x8xi1> to vector<256x8xi32>
    %convert_element_type3A_311 = arith.sitofp %convert_element_type3A_310 : vector<256x8xi32> to vector<256x8xf32>
    %slice3A_312 = vector.extract_strided_slice %get3A_305 {offsets = [0, 1], sizes = [256, 1], strides = [1, 1]} : vector<256x2xi32> to vector<256x1xi32>
    %eq3A_313 = vector.broadcast %slice3A_312 : vector<256x1xi32> to vector<256x8xi32>
    %eq3A_314 = vector.broadcast %iota3A : vector<1x8xi32> to vector<256x8xi32>
    %eq3A_315 = arith.cmpi eq, %eq3A_313, %eq3A_314 : vector<256x8xi32>
    %convert_element_type3A_316 = arith.extui %eq3A_315 : vector<256x8xi1> to vector<256x8xi32>
    %convert_element_type3A_317 = arith.sitofp %convert_element_type3A_316 : vector<256x8xi32> to vector<256x8xf32>
    %add3A_318 = arith.addf %convert_element_type3A_311, %convert_element_type3A_317 : vector<256x8xf32>
    %dot_general3A_319 = arith.constant dense<0.000000e+00> : vector<256x8xf32>
    %dot_general3A_320 = tpu.matmul %convert_element_type3A_2, %add3A_318, %dot_general3A_319 {dimension_numbers = #tpu.dot_dimension_numbers<[1], [0], [0], [1], [0, 0, 1, 1], [], []>, transpose_lhs_hint = false} : vector<256x256xf32>, vector<256x8xf32>, vector<256x8xf32> -> vector<256x8xf32>
    %add3A_321 = vector.broadcast %add3A_302 : vector<1x8xf32> to vector<256x8xf32>
    %add3A_322 = arith.addf %dot_general3A_320, %add3A_321 : vector<256x8xf32>
    %add3A_323 = arith.addf %add3A_322, %convert_element_type3A_311 : vector<256x8xf32>
    %mul3A_324 = arith.mulf %add3A_322, %convert_element_type3A_311 : vector<256x8xf32>
    %reduce_sum3A_325 = arith.constant dense<0.000000e+00> : vector<256xf32>
    %reduce_sum3A_326 = vector.multi_reduction <add>, %mul3A_324, %reduce_sum3A_325 [1] : vector<256x8xf32> to vector<256xf32>
    %broadcast_in_dim3A_327 = vector.shape_cast %reduce_sum3A_326 : vector<256xf32> to vector<256x1xf32>
    %mul3A_328 = arith.mulf %add3A_323, %convert_element_type3A_317 : vector<256x8xf32>
    %reduce_sum3A_329 = arith.constant dense<0.000000e+00> : vector<256xf32>
    %reduce_sum3A_330 = vector.multi_reduction <add>, %mul3A_328, %reduce_sum3A_329 [1] : vector<256x8xf32> to vector<256xf32>
    %broadcast_in_dim3A_331 = vector.shape_cast %reduce_sum3A_330 : vector<256xf32> to vector<256x1xf32>
    %add3A_332 = arith.addf %convert_element_type3A_311, %convert_element_type3A_317 : vector<256x8xf32>
    %reduce_sum3A_333 = arith.constant dense<0.000000e+00> : vector<8xf32>
    %reduce_sum3A_334 = vector.multi_reduction <add>, %add3A_332, %reduce_sum3A_333 [0] : vector<256x8xf32> to vector<8xf32>
    %broadcast_in_dim3A_335 = vector.shape_cast %reduce_sum3A_334 : vector<8xf32> to vector<1x8xf32>
    %add3A_336 = arith.addf %add3A_302, %broadcast_in_dim3A_335 : vector<1x8xf32>
    %get3A_337 = arith.constant 2560 : index
    %get3A_338 = arith.constant 0 : index
    %get3A_339 = vector.load %arg0[%get3A_337, %get3A_338] : memref<4096x2xi32, #tpu.memory_space<vmem>>, vector<256x2xi32>
    %slice3A_340 = vector.extract_strided_slice %get3A_339 {offsets = [0, 0], sizes = [256, 1], strides = [1, 1]} : vector<256x2xi32> to vector<256x1xi32>
    %eq3A_341 = vector.broadcast %slice3A_340 : vector<256x1xi32> to vector<256x8xi32>
    %eq3A_342 = vector.broadcast %iota3A : vector<1x8xi32> to vector<256x8xi32>
    %eq3A_343 = arith.cmpi eq, %eq3A_341, %eq3A_342 : vector<256x8xi32>
    %convert_element_type3A_344 = arith.extui %eq3A_343 : vector<256x8xi1> to vector<256x8xi32>
    %convert_element_type3A_345 = arith.sitofp %convert_element_type3A_344 : vector<256x8xi32> to vector<256x8xf32>
    %slice3A_346 = vector.extract_strided_slice %get3A_339 {offsets = [0, 1], sizes = [256, 1], strides = [1, 1]} : vector<256x2xi32> to vector<256x1xi32>
    %eq3A_347 = vector.broadcast %slice3A_346 : vector<256x1xi32> to vector<256x8xi32>
    %eq3A_348 = vector.broadcast %iota3A : vector<1x8xi32> to vector<256x8xi32>
    %eq3A_349 = arith.cmpi eq, %eq3A_347, %eq3A_348 : vector<256x8xi32>
    %convert_element_type3A_350 = arith.extui %eq3A_349 : vector<256x8xi1> to vector<256x8xi32>
    %convert_element_type3A_351 = arith.sitofp %convert_element_type3A_350 : vector<256x8xi32> to vector<256x8xf32>
    %add3A_352 = arith.addf %convert_element_type3A_345, %convert_element_type3A_351 : vector<256x8xf32>
    %dot_general3A_353 = arith.constant dense<0.000000e+00> : vector<256x8xf32>
    %dot_general3A_354 = tpu.matmul %convert_element_type3A_2, %add3A_352, %dot_general3A_353 {dimension_numbers = #tpu.dot_dimension_numbers<[1], [0], [0], [1], [0, 0, 1, 1], [], []>, transpose_lhs_hint = false} : vector<256x256xf32>, vector<256x8xf32>, vector<256x8xf32> -> vector<256x8xf32>
    %add3A_355 = vector.broadcast %add3A_336 : vector<1x8xf32> to vector<256x8xf32>
    %add3A_356 = arith.addf %dot_general3A_354, %add3A_355 : vector<256x8xf32>
    %add3A_357 = arith.addf %add3A_356, %convert_element_type3A_345 : vector<256x8xf32>
    %mul3A_358 = arith.mulf %add3A_356, %convert_element_type3A_345 : vector<256x8xf32>
    %reduce_sum3A_359 = arith.constant dense<0.000000e+00> : vector<256xf32>
    %reduce_sum3A_360 = vector.multi_reduction <add>, %mul3A_358, %reduce_sum3A_359 [1] : vector<256x8xf32> to vector<256xf32>
    %broadcast_in_dim3A_361 = vector.shape_cast %reduce_sum3A_360 : vector<256xf32> to vector<256x1xf32>
    %mul3A_362 = arith.mulf %add3A_357, %convert_element_type3A_351 : vector<256x8xf32>
    %reduce_sum3A_363 = arith.constant dense<0.000000e+00> : vector<256xf32>
    %reduce_sum3A_364 = vector.multi_reduction <add>, %mul3A_362, %reduce_sum3A_363 [1] : vector<256x8xf32> to vector<256xf32>
    %broadcast_in_dim3A_365 = vector.shape_cast %reduce_sum3A_364 : vector<256xf32> to vector<256x1xf32>
    %add3A_366 = arith.addf %convert_element_type3A_345, %convert_element_type3A_351 : vector<256x8xf32>
    %reduce_sum3A_367 = arith.constant dense<0.000000e+00> : vector<8xf32>
    %reduce_sum3A_368 = vector.multi_reduction <add>, %add3A_366, %reduce_sum3A_367 [0] : vector<256x8xf32> to vector<8xf32>
    %broadcast_in_dim3A_369 = vector.shape_cast %reduce_sum3A_368 : vector<8xf32> to vector<1x8xf32>
    %add3A_370 = arith.addf %add3A_336, %broadcast_in_dim3A_369 : vector<1x8xf32>
    %get3A_371 = arith.constant 2816 : index
    %get3A_372 = arith.constant 0 : index
    %get3A_373 = vector.load %arg0[%get3A_371, %get3A_372] : memref<4096x2xi32, #tpu.memory_space<vmem>>, vector<256x2xi32>
    %slice3A_374 = vector.extract_strided_slice %get3A_373 {offsets = [0, 0], sizes = [256, 1], strides = [1, 1]} : vector<256x2xi32> to vector<256x1xi32>
    %eq3A_375 = vector.broadcast %slice3A_374 : vector<256x1xi32> to vector<256x8xi32>
    %eq3A_376 = vector.broadcast %iota3A : vector<1x8xi32> to vector<256x8xi32>
    %eq3A_377 = arith.cmpi eq, %eq3A_375, %eq3A_376 : vector<256x8xi32>
    %convert_element_type3A_378 = arith.extui %eq3A_377 : vector<256x8xi1> to vector<256x8xi32>
    %convert_element_type3A_379 = arith.sitofp %convert_element_type3A_378 : vector<256x8xi32> to vector<256x8xf32>
    %slice3A_380 = vector.extract_strided_slice %get3A_373 {offsets = [0, 1], sizes = [256, 1], strides = [1, 1]} : vector<256x2xi32> to vector<256x1xi32>
    %eq3A_381 = vector.broadcast %slice3A_380 : vector<256x1xi32> to vector<256x8xi32>
    %eq3A_382 = vector.broadcast %iota3A : vector<1x8xi32> to vector<256x8xi32>
    %eq3A_383 = arith.cmpi eq, %eq3A_381, %eq3A_382 : vector<256x8xi32>
    %convert_element_type3A_384 = arith.extui %eq3A_383 : vector<256x8xi1> to vector<256x8xi32>
    %convert_element_type3A_385 = arith.sitofp %convert_element_type3A_384 : vector<256x8xi32> to vector<256x8xf32>
    %add3A_386 = arith.addf %convert_element_type3A_379, %convert_element_type3A_385 : vector<256x8xf32>
    %dot_general3A_387 = arith.constant dense<0.000000e+00> : vector<256x8xf32>
    %dot_general3A_388 = tpu.matmul %convert_element_type3A_2, %add3A_386, %dot_general3A_387 {dimension_numbers = #tpu.dot_dimension_numbers<[1], [0], [0], [1], [0, 0, 1, 1], [], []>, transpose_lhs_hint = false} : vector<256x256xf32>, vector<256x8xf32>, vector<256x8xf32> -> vector<256x8xf32>
    %add3A_389 = vector.broadcast %add3A_370 : vector<1x8xf32> to vector<256x8xf32>
    %add3A_390 = arith.addf %dot_general3A_388, %add3A_389 : vector<256x8xf32>
    %add3A_391 = arith.addf %add3A_390, %convert_element_type3A_379 : vector<256x8xf32>
    %mul3A_392 = arith.mulf %add3A_390, %convert_element_type3A_379 : vector<256x8xf32>
    %reduce_sum3A_393 = arith.constant dense<0.000000e+00> : vector<256xf32>
    %reduce_sum3A_394 = vector.multi_reduction <add>, %mul3A_392, %reduce_sum3A_393 [1] : vector<256x8xf32> to vector<256xf32>
    %broadcast_in_dim3A_395 = vector.shape_cast %reduce_sum3A_394 : vector<256xf32> to vector<256x1xf32>
    %mul3A_396 = arith.mulf %add3A_391, %convert_element_type3A_385 : vector<256x8xf32>
    %reduce_sum3A_397 = arith.constant dense<0.000000e+00> : vector<256xf32>
    %reduce_sum3A_398 = vector.multi_reduction <add>, %mul3A_396, %reduce_sum3A_397 [1] : vector<256x8xf32> to vector<256xf32>
    %broadcast_in_dim3A_399 = vector.shape_cast %reduce_sum3A_398 : vector<256xf32> to vector<256x1xf32>
    %add3A_400 = arith.addf %convert_element_type3A_379, %convert_element_type3A_385 : vector<256x8xf32>
    %reduce_sum3A_401 = arith.constant dense<0.000000e+00> : vector<8xf32>
    %reduce_sum3A_402 = vector.multi_reduction <add>, %add3A_400, %reduce_sum3A_401 [0] : vector<256x8xf32> to vector<8xf32>
    %broadcast_in_dim3A_403 = vector.shape_cast %reduce_sum3A_402 : vector<8xf32> to vector<1x8xf32>
    %add3A_404 = arith.addf %add3A_370, %broadcast_in_dim3A_403 : vector<1x8xf32>
    %get3A_405 = arith.constant 3072 : index
    %get3A_406 = arith.constant 0 : index
    %get3A_407 = vector.load %arg0[%get3A_405, %get3A_406] : memref<4096x2xi32, #tpu.memory_space<vmem>>, vector<256x2xi32>
    %slice3A_408 = vector.extract_strided_slice %get3A_407 {offsets = [0, 0], sizes = [256, 1], strides = [1, 1]} : vector<256x2xi32> to vector<256x1xi32>
    %eq3A_409 = vector.broadcast %slice3A_408 : vector<256x1xi32> to vector<256x8xi32>
    %eq3A_410 = vector.broadcast %iota3A : vector<1x8xi32> to vector<256x8xi32>
    %eq3A_411 = arith.cmpi eq, %eq3A_409, %eq3A_410 : vector<256x8xi32>
    %convert_element_type3A_412 = arith.extui %eq3A_411 : vector<256x8xi1> to vector<256x8xi32>
    %convert_element_type3A_413 = arith.sitofp %convert_element_type3A_412 : vector<256x8xi32> to vector<256x8xf32>
    %slice3A_414 = vector.extract_strided_slice %get3A_407 {offsets = [0, 1], sizes = [256, 1], strides = [1, 1]} : vector<256x2xi32> to vector<256x1xi32>
    %eq3A_415 = vector.broadcast %slice3A_414 : vector<256x1xi32> to vector<256x8xi32>
    %eq3A_416 = vector.broadcast %iota3A : vector<1x8xi32> to vector<256x8xi32>
    %eq3A_417 = arith.cmpi eq, %eq3A_415, %eq3A_416 : vector<256x8xi32>
    %convert_element_type3A_418 = arith.extui %eq3A_417 : vector<256x8xi1> to vector<256x8xi32>
    %convert_element_type3A_419 = arith.sitofp %convert_element_type3A_418 : vector<256x8xi32> to vector<256x8xf32>
    %add3A_420 = arith.addf %convert_element_type3A_413, %convert_element_type3A_419 : vector<256x8xf32>
    %dot_general3A_421 = arith.constant dense<0.000000e+00> : vector<256x8xf32>
    %dot_general3A_422 = tpu.matmul %convert_element_type3A_2, %add3A_420, %dot_general3A_421 {dimension_numbers = #tpu.dot_dimension_numbers<[1], [0], [0], [1], [0, 0, 1, 1], [], []>, transpose_lhs_hint = false} : vector<256x256xf32>, vector<256x8xf32>, vector<256x8xf32> -> vector<256x8xf32>
    %add3A_423 = vector.broadcast %add3A_404 : vector<1x8xf32> to vector<256x8xf32>
    %add3A_424 = arith.addf %dot_general3A_422, %add3A_423 : vector<256x8xf32>
    %add3A_425 = arith.addf %add3A_424, %convert_element_type3A_413 : vector<256x8xf32>
    %mul3A_426 = arith.mulf %add3A_424, %convert_element_type3A_413 : vector<256x8xf32>
    %reduce_sum3A_427 = arith.constant dense<0.000000e+00> : vector<256xf32>
    %reduce_sum3A_428 = vector.multi_reduction <add>, %mul3A_426, %reduce_sum3A_427 [1] : vector<256x8xf32> to vector<256xf32>
    %broadcast_in_dim3A_429 = vector.shape_cast %reduce_sum3A_428 : vector<256xf32> to vector<256x1xf32>
    %mul3A_430 = arith.mulf %add3A_425, %convert_element_type3A_419 : vector<256x8xf32>
    %reduce_sum3A_431 = arith.constant dense<0.000000e+00> : vector<256xf32>
    %reduce_sum3A_432 = vector.multi_reduction <add>, %mul3A_430, %reduce_sum3A_431 [1] : vector<256x8xf32> to vector<256xf32>
    %broadcast_in_dim3A_433 = vector.shape_cast %reduce_sum3A_432 : vector<256xf32> to vector<256x1xf32>
    %add3A_434 = arith.addf %convert_element_type3A_413, %convert_element_type3A_419 : vector<256x8xf32>
    %reduce_sum3A_435 = arith.constant dense<0.000000e+00> : vector<8xf32>
    %reduce_sum3A_436 = vector.multi_reduction <add>, %add3A_434, %reduce_sum3A_435 [0] : vector<256x8xf32> to vector<8xf32>
    %broadcast_in_dim3A_437 = vector.shape_cast %reduce_sum3A_436 : vector<8xf32> to vector<1x8xf32>
    %add3A_438 = arith.addf %add3A_404, %broadcast_in_dim3A_437 : vector<1x8xf32>
    %get3A_439 = arith.constant 3328 : index
    %get3A_440 = arith.constant 0 : index
    %get3A_441 = vector.load %arg0[%get3A_439, %get3A_440] : memref<4096x2xi32, #tpu.memory_space<vmem>>, vector<256x2xi32>
    %slice3A_442 = vector.extract_strided_slice %get3A_441 {offsets = [0, 0], sizes = [256, 1], strides = [1, 1]} : vector<256x2xi32> to vector<256x1xi32>
    %eq3A_443 = vector.broadcast %slice3A_442 : vector<256x1xi32> to vector<256x8xi32>
    %eq3A_444 = vector.broadcast %iota3A : vector<1x8xi32> to vector<256x8xi32>
    %eq3A_445 = arith.cmpi eq, %eq3A_443, %eq3A_444 : vector<256x8xi32>
    %convert_element_type3A_446 = arith.extui %eq3A_445 : vector<256x8xi1> to vector<256x8xi32>
    %convert_element_type3A_447 = arith.sitofp %convert_element_type3A_446 : vector<256x8xi32> to vector<256x8xf32>
    %slice3A_448 = vector.extract_strided_slice %get3A_441 {offsets = [0, 1], sizes = [256, 1], strides = [1, 1]} : vector<256x2xi32> to vector<256x1xi32>
    %eq3A_449 = vector.broadcast %slice3A_448 : vector<256x1xi32> to vector<256x8xi32>
    %eq3A_450 = vector.broadcast %iota3A : vector<1x8xi32> to vector<256x8xi32>
    %eq3A_451 = arith.cmpi eq, %eq3A_449, %eq3A_450 : vector<256x8xi32>
    %convert_element_type3A_452 = arith.extui %eq3A_451 : vector<256x8xi1> to vector<256x8xi32>
    %convert_element_type3A_453 = arith.sitofp %convert_element_type3A_452 : vector<256x8xi32> to vector<256x8xf32>
    %add3A_454 = arith.addf %convert_element_type3A_447, %convert_element_type3A_453 : vector<256x8xf32>
    %dot_general3A_455 = arith.constant dense<0.000000e+00> : vector<256x8xf32>
    %dot_general3A_456 = tpu.matmul %convert_element_type3A_2, %add3A_454, %dot_general3A_455 {dimension_numbers = #tpu.dot_dimension_numbers<[1], [0], [0], [1], [0, 0, 1, 1], [], []>, transpose_lhs_hint = false} : vector<256x256xf32>, vector<256x8xf32>, vector<256x8xf32> -> vector<256x8xf32>
    %add3A_457 = vector.broadcast %add3A_438 : vector<1x8xf32> to vector<256x8xf32>
    %add3A_458 = arith.addf %dot_general3A_456, %add3A_457 : vector<256x8xf32>
    %add3A_459 = arith.addf %add3A_458, %convert_element_type3A_447 : vector<256x8xf32>
    %mul3A_460 = arith.mulf %add3A_458, %convert_element_type3A_447 : vector<256x8xf32>
    %reduce_sum3A_461 = arith.constant dense<0.000000e+00> : vector<256xf32>
    %reduce_sum3A_462 = vector.multi_reduction <add>, %mul3A_460, %reduce_sum3A_461 [1] : vector<256x8xf32> to vector<256xf32>
    %broadcast_in_dim3A_463 = vector.shape_cast %reduce_sum3A_462 : vector<256xf32> to vector<256x1xf32>
    %mul3A_464 = arith.mulf %add3A_459, %convert_element_type3A_453 : vector<256x8xf32>
    %reduce_sum3A_465 = arith.constant dense<0.000000e+00> : vector<256xf32>
    %reduce_sum3A_466 = vector.multi_reduction <add>, %mul3A_464, %reduce_sum3A_465 [1] : vector<256x8xf32> to vector<256xf32>
    %broadcast_in_dim3A_467 = vector.shape_cast %reduce_sum3A_466 : vector<256xf32> to vector<256x1xf32>
    %add3A_468 = arith.addf %convert_element_type3A_447, %convert_element_type3A_453 : vector<256x8xf32>
    %reduce_sum3A_469 = arith.constant dense<0.000000e+00> : vector<8xf32>
    %reduce_sum3A_470 = vector.multi_reduction <add>, %add3A_468, %reduce_sum3A_469 [0] : vector<256x8xf32> to vector<8xf32>
    %broadcast_in_dim3A_471 = vector.shape_cast %reduce_sum3A_470 : vector<8xf32> to vector<1x8xf32>
    %add3A_472 = arith.addf %add3A_438, %broadcast_in_dim3A_471 : vector<1x8xf32>
    %get3A_473 = arith.constant 3584 : index
    %get3A_474 = arith.constant 0 : index
    %get3A_475 = vector.load %arg0[%get3A_473, %get3A_474] : memref<4096x2xi32, #tpu.memory_space<vmem>>, vector<256x2xi32>
    %slice3A_476 = vector.extract_strided_slice %get3A_475 {offsets = [0, 0], sizes = [256, 1], strides = [1, 1]} : vector<256x2xi32> to vector<256x1xi32>
    %eq3A_477 = vector.broadcast %slice3A_476 : vector<256x1xi32> to vector<256x8xi32>
    %eq3A_478 = vector.broadcast %iota3A : vector<1x8xi32> to vector<256x8xi32>
    %eq3A_479 = arith.cmpi eq, %eq3A_477, %eq3A_478 : vector<256x8xi32>
    %convert_element_type3A_480 = arith.extui %eq3A_479 : vector<256x8xi1> to vector<256x8xi32>
    %convert_element_type3A_481 = arith.sitofp %convert_element_type3A_480 : vector<256x8xi32> to vector<256x8xf32>
    %slice3A_482 = vector.extract_strided_slice %get3A_475 {offsets = [0, 1], sizes = [256, 1], strides = [1, 1]} : vector<256x2xi32> to vector<256x1xi32>
    %eq3A_483 = vector.broadcast %slice3A_482 : vector<256x1xi32> to vector<256x8xi32>
    %eq3A_484 = vector.broadcast %iota3A : vector<1x8xi32> to vector<256x8xi32>
    %eq3A_485 = arith.cmpi eq, %eq3A_483, %eq3A_484 : vector<256x8xi32>
    %convert_element_type3A_486 = arith.extui %eq3A_485 : vector<256x8xi1> to vector<256x8xi32>
    %convert_element_type3A_487 = arith.sitofp %convert_element_type3A_486 : vector<256x8xi32> to vector<256x8xf32>
    %add3A_488 = arith.addf %convert_element_type3A_481, %convert_element_type3A_487 : vector<256x8xf32>
    %dot_general3A_489 = arith.constant dense<0.000000e+00> : vector<256x8xf32>
    %dot_general3A_490 = tpu.matmul %convert_element_type3A_2, %add3A_488, %dot_general3A_489 {dimension_numbers = #tpu.dot_dimension_numbers<[1], [0], [0], [1], [0, 0, 1, 1], [], []>, transpose_lhs_hint = false} : vector<256x256xf32>, vector<256x8xf32>, vector<256x8xf32> -> vector<256x8xf32>
    %add3A_491 = vector.broadcast %add3A_472 : vector<1x8xf32> to vector<256x8xf32>
    %add3A_492 = arith.addf %dot_general3A_490, %add3A_491 : vector<256x8xf32>
    %add3A_493 = arith.addf %add3A_492, %convert_element_type3A_481 : vector<256x8xf32>
    %mul3A_494 = arith.mulf %add3A_492, %convert_element_type3A_481 : vector<256x8xf32>
    %reduce_sum3A_495 = arith.constant dense<0.000000e+00> : vector<256xf32>
    %reduce_sum3A_496 = vector.multi_reduction <add>, %mul3A_494, %reduce_sum3A_495 [1] : vector<256x8xf32> to vector<256xf32>
    %broadcast_in_dim3A_497 = vector.shape_cast %reduce_sum3A_496 : vector<256xf32> to vector<256x1xf32>
    %mul3A_498 = arith.mulf %add3A_493, %convert_element_type3A_487 : vector<256x8xf32>
    %reduce_sum3A_499 = arith.constant dense<0.000000e+00> : vector<256xf32>
    %reduce_sum3A_500 = vector.multi_reduction <add>, %mul3A_498, %reduce_sum3A_499 [1] : vector<256x8xf32> to vector<256xf32>
    %broadcast_in_dim3A_501 = vector.shape_cast %reduce_sum3A_500 : vector<256xf32> to vector<256x1xf32>
    %add3A_502 = arith.addf %convert_element_type3A_481, %convert_element_type3A_487 : vector<256x8xf32>
    %reduce_sum3A_503 = arith.constant dense<0.000000e+00> : vector<8xf32>
    %reduce_sum3A_504 = vector.multi_reduction <add>, %add3A_502, %reduce_sum3A_503 [0] : vector<256x8xf32> to vector<8xf32>
    %broadcast_in_dim3A_505 = vector.shape_cast %reduce_sum3A_504 : vector<8xf32> to vector<1x8xf32>
    %add3A_506 = arith.addf %add3A_472, %broadcast_in_dim3A_505 : vector<1x8xf32>
    %get3A_507 = arith.constant 3840 : index
    %get3A_508 = arith.constant 0 : index
    %get3A_509 = vector.load %arg0[%get3A_507, %get3A_508] : memref<4096x2xi32, #tpu.memory_space<vmem>>, vector<256x2xi32>
    %slice3A_510 = vector.extract_strided_slice %get3A_509 {offsets = [0, 0], sizes = [256, 1], strides = [1, 1]} : vector<256x2xi32> to vector<256x1xi32>
    %eq3A_511 = vector.broadcast %slice3A_510 : vector<256x1xi32> to vector<256x8xi32>
    %eq3A_512 = vector.broadcast %iota3A : vector<1x8xi32> to vector<256x8xi32>
    %eq3A_513 = arith.cmpi eq, %eq3A_511, %eq3A_512 : vector<256x8xi32>
    %convert_element_type3A_514 = arith.extui %eq3A_513 : vector<256x8xi1> to vector<256x8xi32>
    %convert_element_type3A_515 = arith.sitofp %convert_element_type3A_514 : vector<256x8xi32> to vector<256x8xf32>
    %slice3A_516 = vector.extract_strided_slice %get3A_509 {offsets = [0, 1], sizes = [256, 1], strides = [1, 1]} : vector<256x2xi32> to vector<256x1xi32>
    %eq3A_517 = vector.broadcast %slice3A_516 : vector<256x1xi32> to vector<256x8xi32>
    %eq3A_518 = vector.broadcast %iota3A : vector<1x8xi32> to vector<256x8xi32>
    %eq3A_519 = arith.cmpi eq, %eq3A_517, %eq3A_518 : vector<256x8xi32>
    %convert_element_type3A_520 = arith.extui %eq3A_519 : vector<256x8xi1> to vector<256x8xi32>
    %convert_element_type3A_521 = arith.sitofp %convert_element_type3A_520 : vector<256x8xi32> to vector<256x8xf32>
    %add3A_522 = arith.addf %convert_element_type3A_515, %convert_element_type3A_521 : vector<256x8xf32>
    %dot_general3A_523 = arith.constant dense<0.000000e+00> : vector<256x8xf32>
    %dot_general3A_524 = tpu.matmul %convert_element_type3A_2, %add3A_522, %dot_general3A_523 {dimension_numbers = #tpu.dot_dimension_numbers<[1], [0], [0], [1], [0, 0, 1, 1], [], []>, transpose_lhs_hint = false} : vector<256x256xf32>, vector<256x8xf32>, vector<256x8xf32> -> vector<256x8xf32>
    %add3A_525 = vector.broadcast %add3A_506 : vector<1x8xf32> to vector<256x8xf32>
    %add3A_526 = arith.addf %dot_general3A_524, %add3A_525 : vector<256x8xf32>
    %add3A_527 = arith.addf %add3A_526, %convert_element_type3A_515 : vector<256x8xf32>
    %mul3A_528 = arith.mulf %add3A_526, %convert_element_type3A_515 : vector<256x8xf32>
    %reduce_sum3A_529 = arith.constant dense<0.000000e+00> : vector<256xf32>
    %reduce_sum3A_530 = vector.multi_reduction <add>, %mul3A_528, %reduce_sum3A_529 [1] : vector<256x8xf32> to vector<256xf32>
    %broadcast_in_dim3A_531 = vector.shape_cast %reduce_sum3A_530 : vector<256xf32> to vector<256x1xf32>
    %mul3A_532 = arith.mulf %add3A_527, %convert_element_type3A_521 : vector<256x8xf32>
    %reduce_sum3A_533 = arith.constant dense<0.000000e+00> : vector<256xf32>
    %reduce_sum3A_534 = vector.multi_reduction <add>, %mul3A_532, %reduce_sum3A_533 [1] : vector<256x8xf32> to vector<256xf32>
    %broadcast_in_dim3A_535 = vector.shape_cast %reduce_sum3A_534 : vector<256xf32> to vector<256x1xf32>
    %add3A_536 = arith.addf %convert_element_type3A_515, %convert_element_type3A_521 : vector<256x8xf32>
    %reduce_sum3A_537 = arith.constant dense<0.000000e+00> : vector<8xf32>
    %reduce_sum3A_538 = vector.multi_reduction <add>, %add3A_536, %reduce_sum3A_537 [0] : vector<256x8xf32> to vector<8xf32>
    %broadcast_in_dim3A_539 = vector.shape_cast %reduce_sum3A_538 : vector<8xf32> to vector<1x8xf32>
    %add3A_540 = arith.addf %add3A_506, %broadcast_in_dim3A_539 : vector<1x8xf32>
    %div3A = arith.constant 2.560000e+02 : f32
    %div3A_541 = vector.broadcast %div3A : f32 to vector<1x8xf32>
    %div3A_542 = arith.divf %add3A_540, %div3A_541 : vector<1x8xf32>
    %ceil3A = math.ceil %div3A_542 : vector<1x8xf32>
    %iota3A_543 = tpu.iota {dimensions = array<i32: 0>} : vector<8x8xi32>
    %iota3A_544 = tpu.iota {dimensions = array<i32: 1>} : vector<8x8xi32>
    %lt3A = arith.cmpi slt, %iota3A_543, %iota3A_544 : vector<8x8xi32>
    %convert_element_type3A_545 = arith.extui %lt3A : vector<8x8xi1> to vector<8x8xi32>
    %convert_element_type3A_546 = arith.sitofp %convert_element_type3A_545 : vector<8x8xi32> to vector<8x8xf32>
    %dot_general3A_547 = arith.constant dense<0.000000e+00> : vector<1x8xf32>
    %dot_general3A_548 = tpu.matmul %ceil3A, %convert_element_type3A_546, %dot_general3A_547 {dimension_numbers = #tpu.dot_dimension_numbers<[1], [0], [0], [1], [0, 0, 1, 1], [], []>, transpose_lhs_hint = false} : vector<1x8xf32>, vector<8x8xf32>, vector<1x8xf32> -> vector<1x8xf32>
    %mul3A_549 = arith.constant 2.560000e+02 : f32
    %mul3A_550 = vector.broadcast %mul3A_549 : f32 to vector<1x8xf32>
    %mul3A_551 = arith.mulf %dot_general3A_548, %mul3A_550 : vector<1x8xf32>
    %add3A_552 = arith.addf %dot_general3A_548, %ceil3A : vector<1x8xf32>
    %iota3A_553 = tpu.iota {dimensions = array<i32: 0>} : vector<40x8xi32>
    %convert_element_type3A_554 = arith.sitofp %iota3A_553 : vector<40x8xi32> to vector<40x8xf32>
    %ge3A = vector.broadcast %add3A_552 : vector<1x8xf32> to vector<40x8xf32>
    %ge3A_555 = arith.cmpf oge, %convert_element_type3A_554, %ge3A : vector<40x8xf32>
    %convert_element_type3A_556 = arith.extui %ge3A_555 : vector<40x8xi1> to vector<40x8xi32>
    %reduce_sum3A_557 = arith.constant dense<0> : vector<40xi32>
    %reduce_sum3A_558 = vector.multi_reduction <add>, %convert_element_type3A_556, %reduce_sum3A_557 [1] : vector<40x8xi32> to vector<40xi32>
    %broadcast_in_dim3A_559 = vector.shape_cast %reduce_sum3A_558 : vector<40xi32> to vector<40x1xi32>
    %min3A = arith.constant 7 : i32
    %min3A_560 = vector.broadcast %min3A : i32 to vector<40x1xi32>
    %min3A_561 = arith.minsi %broadcast_in_dim3A_559, %min3A_560 : vector<40x1xi32>
    %swap3A = arith.constant 0 : index
    %swap3A_562 = arith.constant 0 : index
    %swap3A_563 = vector.load %arg2[%swap3A, %swap3A_562] : memref<40x1xi32, #tpu.memory_space<vmem>>, vector<40x1xi32>
    tpu.vector_store %arg2[%swap3A, %swap3A_562], %min3A_561 {strides = array<i32>} : memref<40x1xi32, #tpu.memory_space<vmem>>, vector<40x1xi32>,
    %mul3A_564 = vector.broadcast %mul3A_551 : vector<1x8xf32> to vector<256x8xf32>
    %mul3A_565 = arith.mulf %mul3A_564, %convert_element_type3A_9 : vector<256x8xf32>
    %reduce_sum3A_566 = arith.constant dense<0.000000e+00> : vector<256xf32>
    %reduce_sum3A_567 = vector.multi_reduction <add>, %mul3A_565, %reduce_sum3A_566 [1] : vector<256x8xf32> to vector<256xf32>
    %broadcast_in_dim3A_568 = vector.shape_cast %reduce_sum3A_567 : vector<256xf32> to vector<256x1xf32>
    %mul3A_569 = vector.broadcast %mul3A_551 : vector<1x8xf32> to vector<256x8xf32>
    %mul3A_570 = arith.mulf %mul3A_569, %convert_element_type3A_15 : vector<256x8xf32>
    %reduce_sum3A_571 = arith.constant dense<0.000000e+00> : vector<256xf32>
    %reduce_sum3A_572 = vector.multi_reduction <add>, %mul3A_570, %reduce_sum3A_571 [1] : vector<256x8xf32> to vector<256xf32>
    %broadcast_in_dim3A_573 = vector.shape_cast %reduce_sum3A_572 : vector<256xf32> to vector<256x1xf32>
    %add3A_574 = arith.addf %broadcast_in_dim3A_568, %broadcast_in_dim3A_21 : vector<256x1xf32>
    %convert_element_type3A_575 = arith.fptosi %add3A_574 : vector<256x1xf32> to vector<256x1xi32>
    %add3A_576 = arith.addf %broadcast_in_dim3A_573, %broadcast_in_dim3A_25 : vector<256x1xf32>
    %convert_element_type3A_577 = arith.fptosi %add3A_576 : vector<256x1xf32> to vector<256x1xi32>
    %concatenate3A = tpu.concatenate %convert_element_type3A_575, %convert_element_type3A_577 in 1 : vector<256x1xi32>, vector<256x1xi32> -> vector<256x2xi32>
    %swap3A_578 = arith.constant 0 : index
    %swap3A_579 = arith.constant 0 : index
    %swap3A_580 = vector.load %arg1[%swap3A_578, %swap3A_579] : memref<4096x2xi32, #tpu.memory_space<vmem>>, vector<256x2xi32>
    tpu.vector_store %arg1[%swap3A_578, %swap3A_579], %concatenate3A {strides = array<i32>} : memref<4096x2xi32, #tpu.memory_space<vmem>>, vector<256x2xi32>,
    %mul3A_581 = vector.broadcast %mul3A_551 : vector<1x8xf32> to vector<256x8xf32>
    %mul3A_582 = arith.mulf %mul3A_581, %convert_element_type3A_39 : vector<256x8xf32>
    %reduce_sum3A_583 = arith.constant dense<0.000000e+00> : vector<256xf32>
    %reduce_sum3A_584 = vector.multi_reduction <add>, %mul3A_582, %reduce_sum3A_583 [1] : vector<256x8xf32> to vector<256xf32>
    %broadcast_in_dim3A_585 = vector.shape_cast %reduce_sum3A_584 : vector<256xf32> to vector<256x1xf32>
    %mul3A_586 = vector.broadcast %mul3A_551 : vector<1x8xf32> to vector<256x8xf32>
    %mul3A_587 = arith.mulf %mul3A_586, %convert_element_type3A_45 : vector<256x8xf32>
    %reduce_sum3A_588 = arith.constant dense<0.000000e+00> : vector<256xf32>
    %reduce_sum3A_589 = vector.multi_reduction <add>, %mul3A_587, %reduce_sum3A_588 [1] : vector<256x8xf32> to vector<256xf32>
    %broadcast_in_dim3A_590 = vector.shape_cast %reduce_sum3A_589 : vector<256xf32> to vector<256x1xf32>
    %add3A_591 = arith.addf %broadcast_in_dim3A_585, %broadcast_in_dim3A_55 : vector<256x1xf32>
    %convert_element_type3A_592 = arith.fptosi %add3A_591 : vector<256x1xf32> to vector<256x1xi32>
    %add3A_593 = arith.addf %broadcast_in_dim3A_590, %broadcast_in_dim3A_59 : vector<256x1xf32>
    %convert_element_type3A_594 = arith.fptosi %add3A_593 : vector<256x1xf32> to vector<256x1xi32>
    %concatenate3A_595 = tpu.concatenate %convert_element_type3A_592, %convert_element_type3A_594 in 1 : vector<256x1xi32>, vector<256x1xi32> -> vector<256x2xi32>
    %swap3A_596 = arith.constant 256 : index
    %swap3A_597 = arith.constant 0 : index
    %swap3A_598 = vector.load %arg1[%swap3A_596, %swap3A_597] : memref<4096x2xi32, #tpu.memory_space<vmem>>, vector<256x2xi32>
    tpu.vector_store %arg1[%swap3A_596, %swap3A_597], %concatenate3A_595 {strides = array<i32>} : memref<4096x2xi32, #tpu.memory_space<vmem>>, vector<256x2xi32>,
    %mul3A_599 = vector.broadcast %mul3A_551 : vector<1x8xf32> to vector<256x8xf32>
    %mul3A_600 = arith.mulf %mul3A_599, %convert_element_type3A_73 : vector<256x8xf32>
    %reduce_sum3A_601 = arith.constant dense<0.000000e+00> : vector<256xf32>
    %reduce_sum3A_602 = vector.multi_reduction <add>, %mul3A_600, %reduce_sum3A_601 [1] : vector<256x8xf32> to vector<256xf32>
    %broadcast_in_dim3A_603 = vector.shape_cast %reduce_sum3A_602 : vector<256xf32> to vector<256x1xf32>
    %mul3A_604 = vector.broadcast %mul3A_551 : vector<1x8xf32> to vector<256x8xf32>
    %mul3A_605 = arith.mulf %mul3A_604, %convert_element_type3A_79 : vector<256x8xf32>
    %reduce_sum3A_606 = arith.constant dense<0.000000e+00> : vector<256xf32>
    %reduce_sum3A_607 = vector.multi_reduction <add>, %mul3A_605, %reduce_sum3A_606 [1] : vector<256x8xf32> to vector<256xf32>
    %broadcast_in_dim3A_608 = vector.shape_cast %reduce_sum3A_607 : vector<256xf32> to vector<256x1xf32>
    %add3A_609 = arith.addf %broadcast_in_dim3A_603, %broadcast_in_dim3A_89 : vector<256x1xf32>
    %convert_element_type3A_610 = arith.fptosi %add3A_609 : vector<256x1xf32> to vector<256x1xi32>
    %add3A_611 = arith.addf %broadcast_in_dim3A_608, %broadcast_in_dim3A_93 : vector<256x1xf32>
    %convert_element_type3A_612 = arith.fptosi %add3A_611 : vector<256x1xf32> to vector<256x1xi32>
    %concatenate3A_613 = tpu.concatenate %convert_element_type3A_610, %convert_element_type3A_612 in 1 : vector<256x1xi32>, vector<256x1xi32> -> vector<256x2xi32>
    %swap3A_614 = arith.constant 512 : index
    %swap3A_615 = arith.constant 0 : index
    %swap3A_616 = vector.load %arg1[%swap3A_614, %swap3A_615] : memref<4096x2xi32, #tpu.memory_space<vmem>>, vector<256x2xi32>
    tpu.vector_store %arg1[%swap3A_614, %swap3A_615], %concatenate3A_613 {strides = array<i32>} : memref<4096x2xi32, #tpu.memory_space<vmem>>, vector<256x2xi32>,
    %mul3A_617 = vector.broadcast %mul3A_551 : vector<1x8xf32> to vector<256x8xf32>
    %mul3A_618 = arith.mulf %mul3A_617, %convert_element_type3A_107 : vector<256x8xf32>
    %reduce_sum3A_619 = arith.constant dense<0.000000e+00> : vector<256xf32>
    %reduce_sum3A_620 = vector.multi_reduction <add>, %mul3A_618, %reduce_sum3A_619 [1] : vector<256x8xf32> to vector<256xf32>
    %broadcast_in_dim3A_621 = vector.shape_cast %reduce_sum3A_620 : vector<256xf32> to vector<256x1xf32>
    %mul3A_622 = vector.broadcast %mul3A_551 : vector<1x8xf32> to vector<256x8xf32>
    %mul3A_623 = arith.mulf %mul3A_622, %convert_element_type3A_113 : vector<256x8xf32>
    %reduce_sum3A_624 = arith.constant dense<0.000000e+00> : vector<256xf32>
    %reduce_sum3A_625 = vector.multi_reduction <add>, %mul3A_623, %reduce_sum3A_624 [1] : vector<256x8xf32> to vector<256xf32>
    %broadcast_in_dim3A_626 = vector.shape_cast %reduce_sum3A_625 : vector<256xf32> to vector<256x1xf32>
    %add3A_627 = arith.addf %broadcast_in_dim3A_621, %broadcast_in_dim3A_123 : vector<256x1xf32>
    %convert_element_type3A_628 = arith.fptosi %add3A_627 : vector<256x1xf32> to vector<256x1xi32>
    %add3A_629 = arith.addf %broadcast_in_dim3A_626, %broadcast_in_dim3A_127 : vector<256x1xf32>
    %convert_element_type3A_630 = arith.fptosi %add3A_629 : vector<256x1xf32> to vector<256x1xi32>
    %concatenate3A_631 = tpu.concatenate %convert_element_type3A_628, %convert_element_type3A_630 in 1 : vector<256x1xi32>, vector<256x1xi32> -> vector<256x2xi32>
    %swap3A_632 = arith.constant 768 : index
    %swap3A_633 = arith.constant 0 : index
    %swap3A_634 = vector.load %arg1[%swap3A_632, %swap3A_633] : memref<4096x2xi32, #tpu.memory_space<vmem>>, vector<256x2xi32>
    tpu.vector_store %arg1[%swap3A_632, %swap3A_633], %concatenate3A_631 {strides = array<i32>} : memref<4096x2xi32, #tpu.memory_space<vmem>>, vector<256x2xi32>,
    %mul3A_635 = vector.broadcast %mul3A_551 : vector<1x8xf32> to vector<256x8xf32>
    %mul3A_636 = arith.mulf %mul3A_635, %convert_element_type3A_141 : vector<256x8xf32>
    %reduce_sum3A_637 = arith.constant dense<0.000000e+00> : vector<256xf32>
    %reduce_sum3A_638 = vector.multi_reduction <add>, %mul3A_636, %reduce_sum3A_637 [1] : vector<256x8xf32> to vector<256xf32>
    %broadcast_in_dim3A_639 = vector.shape_cast %reduce_sum3A_638 : vector<256xf32> to vector<256x1xf32>
    %mul3A_640 = vector.broadcast %mul3A_551 : vector<1x8xf32> to vector<256x8xf32>
    %mul3A_641 = arith.mulf %mul3A_640, %convert_element_type3A_147 : vector<256x8xf32>
    %reduce_sum3A_642 = arith.constant dense<0.000000e+00> : vector<256xf32>
    %reduce_sum3A_643 = vector.multi_reduction <add>, %mul3A_641, %reduce_sum3A_642 [1] : vector<256x8xf32> to vector<256xf32>
    %broadcast_in_dim3A_644 = vector.shape_cast %reduce_sum3A_643 : vector<256xf32> to vector<256x1xf32>
    %add3A_645 = arith.addf %broadcast_in_dim3A_639, %broadcast_in_dim3A_157 : vector<256x1xf32>
    %convert_element_type3A_646 = arith.fptosi %add3A_645 : vector<256x1xf32> to vector<256x1xi32>
    %add3A_647 = arith.addf %broadcast_in_dim3A_644, %broadcast_in_dim3A_161 : vector<256x1xf32>
    %convert_element_type3A_648 = arith.fptosi %add3A_647 : vector<256x1xf32> to vector<256x1xi32>
    %concatenate3A_649 = tpu.concatenate %convert_element_type3A_646, %convert_element_type3A_648 in 1 : vector<256x1xi32>, vector<256x1xi32> -> vector<256x2xi32>
    %swap3A_650 = arith.constant 1024 : index
    %swap3A_651 = arith.constant 0 : index
    %swap3A_652 = vector.load %arg1[%swap3A_650, %swap3A_651] : memref<4096x2xi32, #tpu.memory_space<vmem>>, vector<256x2xi32>
    tpu.vector_store %arg1[%swap3A_650, %swap3A_651], %concatenate3A_649 {strides = array<i32>} : memref<4096x2xi32, #tpu.memory_space<vmem>>, vector<256x2xi32>,
    %mul3A_653 = vector.broadcast %mul3A_551 : vector<1x8xf32> to vector<256x8xf32>
    %mul3A_654 = arith.mulf %mul3A_653, %convert_element_type3A_175 : vector<256x8xf32>
    %reduce_sum3A_655 = arith.constant dense<0.000000e+00> : vector<256xf32>
    %reduce_sum3A_656 = vector.multi_reduction <add>, %mul3A_654, %reduce_sum3A_655 [1] : vector<256x8xf32> to vector<256xf32>
    %broadcast_in_dim3A_657 = vector.shape_cast %reduce_sum3A_656 : vector<256xf32> to vector<256x1xf32>
    %mul3A_658 = vector.broadcast %mul3A_551 : vector<1x8xf32> to vector<256x8xf32>
    %mul3A_659 = arith.mulf %mul3A_658, %convert_element_type3A_181 : vector<256x8xf32>
    %reduce_sum3A_660 = arith.constant dense<0.000000e+00> : vector<256xf32>
    %reduce_sum3A_661 = vector.multi_reduction <add>, %mul3A_659, %reduce_sum3A_660 [1] : vector<256x8xf32> to vector<256xf32>
    %broadcast_in_dim3A_662 = vector.shape_cast %reduce_sum3A_661 : vector<256xf32> to vector<256x1xf32>
    %add3A_663 = arith.addf %broadcast_in_dim3A_657, %broadcast_in_dim3A_191 : vector<256x1xf32>
    %convert_element_type3A_664 = arith.fptosi %add3A_663 : vector<256x1xf32> to vector<256x1xi32>
    %add3A_665 = arith.addf %broadcast_in_dim3A_662, %broadcast_in_dim3A_195 : vector<256x1xf32>
    %convert_element_type3A_666 = arith.fptosi %add3A_665 : vector<256x1xf32> to vector<256x1xi32>
    %concatenate3A_667 = tpu.concatenate %convert_element_type3A_664, %convert_element_type3A_666 in 1 : vector<256x1xi32>, vector<256x1xi32> -> vector<256x2xi32>
    %swap3A_668 = arith.constant 1280 : index
    %swap3A_669 = arith.constant 0 : index
    %swap3A_670 = vector.load %arg1[%swap3A_668, %swap3A_669] : memref<4096x2xi32, #tpu.memory_space<vmem>>, vector<256x2xi32>
    tpu.vector_store %arg1[%swap3A_668, %swap3A_669], %concatenate3A_667 {strides = array<i32>} : memref<4096x2xi32, #tpu.memory_space<vmem>>, vector<256x2xi32>,
    %mul3A_671 = vector.broadcast %mul3A_551 : vector<1x8xf32> to vector<256x8xf32>
    %mul3A_672 = arith.mulf %mul3A_671, %convert_element_type3A_209 : vector<256x8xf32>
    %reduce_sum3A_673 = arith.constant dense<0.000000e+00> : vector<256xf32>
    %reduce_sum3A_674 = vector.multi_reduction <add>, %mul3A_672, %reduce_sum3A_673 [1] : vector<256x8xf32> to vector<256xf32>
    %broadcast_in_dim3A_675 = vector.shape_cast %reduce_sum3A_674 : vector<256xf32> to vector<256x1xf32>
    %mul3A_676 = vector.broadcast %mul3A_551 : vector<1x8xf32> to vector<256x8xf32>
    %mul3A_677 = arith.mulf %mul3A_676, %convert_element_type3A_215 : vector<256x8xf32>
    %reduce_sum3A_678 = arith.constant dense<0.000000e+00> : vector<256xf32>
    %reduce_sum3A_679 = vector.multi_reduction <add>, %mul3A_677, %reduce_sum3A_678 [1] : vector<256x8xf32> to vector<256xf32>
    %broadcast_in_dim3A_680 = vector.shape_cast %reduce_sum3A_679 : vector<256xf32> to vector<256x1xf32>
    %add3A_681 = arith.addf %broadcast_in_dim3A_675, %broadcast_in_dim3A_225 : vector<256x1xf32>
    %convert_element_type3A_682 = arith.fptosi %add3A_681 : vector<256x1xf32> to vector<256x1xi32>
    %add3A_683 = arith.addf %broadcast_in_dim3A_680, %broadcast_in_dim3A_229 : vector<256x1xf32>
    %convert_element_type3A_684 = arith.fptosi %add3A_683 : vector<256x1xf32> to vector<256x1xi32>
    %concatenate3A_685 = tpu.concatenate %convert_element_type3A_682, %convert_element_type3A_684 in 1 : vector<256x1xi32>, vector<256x1xi32> -> vector<256x2xi32>
    %swap3A_686 = arith.constant 1536 : index
    %swap3A_687 = arith.constant 0 : index
    %swap3A_688 = vector.load %arg1[%swap3A_686, %swap3A_687] : memref<4096x2xi32, #tpu.memory_space<vmem>>, vector<256x2xi32>
    tpu.vector_store %arg1[%swap3A_686, %swap3A_687], %concatenate3A_685 {strides = array<i32>} : memref<4096x2xi32, #tpu.memory_space<vmem>>, vector<256x2xi32>,
    %mul3A_689 = vector.broadcast %mul3A_551 : vector<1x8xf32> to vector<256x8xf32>
    %mul3A_690 = arith.mulf %mul3A_689, %convert_element_type3A_243 : vector<256x8xf32>
    %reduce_sum3A_691 = arith.constant dense<0.000000e+00> : vector<256xf32>
    %reduce_sum3A_692 = vector.multi_reduction <add>, %mul3A_690, %reduce_sum3A_691 [1] : vector<256x8xf32> to vector<256xf32>
    %broadcast_in_dim3A_693 = vector.shape_cast %reduce_sum3A_692 : vector<256xf32> to vector<256x1xf32>
    %mul3A_694 = vector.broadcast %mul3A_551 : vector<1x8xf32> to vector<256x8xf32>
    %mul3A_695 = arith.mulf %mul3A_694, %convert_element_type3A_249 : vector<256x8xf32>
    %reduce_sum3A_696 = arith.constant dense<0.000000e+00> : vector<256xf32>
    %reduce_sum3A_697 = vector.multi_reduction <add>, %mul3A_695, %reduce_sum3A_696 [1] : vector<256x8xf32> to vector<256xf32>
    %broadcast_in_dim3A_698 = vector.shape_cast %reduce_sum3A_697 : vector<256xf32> to vector<256x1xf32>
    %add3A_699 = arith.addf %broadcast_in_dim3A_693, %broadcast_in_dim3A_259 : vector<256x1xf32>
    %convert_element_type3A_700 = arith.fptosi %add3A_699 : vector<256x1xf32> to vector<256x1xi32>
    %add3A_701 = arith.addf %broadcast_in_dim3A_698, %broadcast_in_dim3A_263 : vector<256x1xf32>
    %convert_element_type3A_702 = arith.fptosi %add3A_701 : vector<256x1xf32> to vector<256x1xi32>
    %concatenate3A_703 = tpu.concatenate %convert_element_type3A_700, %convert_element_type3A_702 in 1 : vector<256x1xi32>, vector<256x1xi32> -> vector<256x2xi32>
    %swap3A_704 = arith.constant 1792 : index
    %swap3A_705 = arith.constant 0 : index
    %swap3A_706 = vector.load %arg1[%swap3A_704, %swap3A_705] : memref<4096x2xi32, #tpu.memory_space<vmem>>, vector<256x2xi32>
    tpu.vector_store %arg1[%swap3A_704, %swap3A_705], %concatenate3A_703 {strides = array<i32>} : memref<4096x2xi32, #tpu.memory_space<vmem>>, vector<256x2xi32>,
    %mul3A_707 = vector.broadcast %mul3A_551 : vector<1x8xf32> to vector<256x8xf32>
    %mul3A_708 = arith.mulf %mul3A_707, %convert_element_type3A_277 : vector<256x8xf32>
    %reduce_sum3A_709 = arith.constant dense<0.000000e+00> : vector<256xf32>
    %reduce_sum3A_710 = vector.multi_reduction <add>, %mul3A_708, %reduce_sum3A_709 [1] : vector<256x8xf32> to vector<256xf32>
    %broadcast_in_dim3A_711 = vector.shape_cast %reduce_sum3A_710 : vector<256xf32> to vector<256x1xf32>
    %mul3A_712 = vector.broadcast %mul3A_551 : vector<1x8xf32> to vector<256x8xf32>
    %mul3A_713 = arith.mulf %mul3A_712, %convert_element_type3A_283 : vector<256x8xf32>
    %reduce_sum3A_714 = arith.constant dense<0.000000e+00> : vector<256xf32>
    %reduce_sum3A_715 = vector.multi_reduction <add>, %mul3A_713, %reduce_sum3A_714 [1] : vector<256x8xf32> to vector<256xf32>
    %broadcast_in_dim3A_716 = vector.shape_cast %reduce_sum3A_715 : vector<256xf32> to vector<256x1xf32>
    %add3A_717 = arith.addf %broadcast_in_dim3A_711, %broadcast_in_dim3A_293 : vector<256x1xf32>
    %convert_element_type3A_718 = arith.fptosi %add3A_717 : vector<256x1xf32> to vector<256x1xi32>
    %add3A_719 = arith.addf %broadcast_in_dim3A_716, %broadcast_in_dim3A_297 : vector<256x1xf32>
    %convert_element_type3A_720 = arith.fptosi %add3A_719 : vector<256x1xf32> to vector<256x1xi32>
    %concatenate3A_721 = tpu.concatenate %convert_element_type3A_718, %convert_element_type3A_720 in 1 : vector<256x1xi32>, vector<256x1xi32> -> vector<256x2xi32>
    %swap3A_722 = arith.constant 2048 : index
    %swap3A_723 = arith.constant 0 : index
    %swap3A_724 = vector.load %arg1[%swap3A_722, %swap3A_723] : memref<4096x2xi32, #tpu.memory_space<vmem>>, vector<256x2xi32>
    tpu.vector_store %arg1[%swap3A_722, %swap3A_723], %concatenate3A_721 {strides = array<i32>} : memref<4096x2xi32, #tpu.memory_space<vmem>>, vector<256x2xi32>,
    %mul3A_725 = vector.broadcast %mul3A_551 : vector<1x8xf32> to vector<256x8xf32>
    %mul3A_726 = arith.mulf %mul3A_725, %convert_element_type3A_311 : vector<256x8xf32>
    %reduce_sum3A_727 = arith.constant dense<0.000000e+00> : vector<256xf32>
    %reduce_sum3A_728 = vector.multi_reduction <add>, %mul3A_726, %reduce_sum3A_727 [1] : vector<256x8xf32> to vector<256xf32>
    %broadcast_in_dim3A_729 = vector.shape_cast %reduce_sum3A_728 : vector<256xf32> to vector<256x1xf32>
    %mul3A_730 = vector.broadcast %mul3A_551 : vector<1x8xf32> to vector<256x8xf32>
    %mul3A_731 = arith.mulf %mul3A_730, %convert_element_type3A_317 : vector<256x8xf32>
    %reduce_sum3A_732 = arith.constant dense<0.000000e+00> : vector<256xf32>
    %reduce_sum3A_733 = vector.multi_reduction <add>, %mul3A_731, %reduce_sum3A_732 [1] : vector<256x8xf32> to vector<256xf32>
    %broadcast_in_dim3A_734 = vector.shape_cast %reduce_sum3A_733 : vector<256xf32> to vector<256x1xf32>
    %add3A_735 = arith.addf %broadcast_in_dim3A_729, %broadcast_in_dim3A_327 : vector<256x1xf32>
    %convert_element_type3A_736 = arith.fptosi %add3A_735 : vector<256x1xf32> to vector<256x1xi32>
    %add3A_737 = arith.addf %broadcast_in_dim3A_734, %broadcast_in_dim3A_331 : vector<256x1xf32>
    %convert_element_type3A_738 = arith.fptosi %add3A_737 : vector<256x1xf32> to vector<256x1xi32>
    %concatenate3A_739 = tpu.concatenate %convert_element_type3A_736, %convert_element_type3A_738 in 1 : vector<256x1xi32>, vector<256x1xi32> -> vector<256x2xi32>
    %swap3A_740 = arith.constant 2304 : index
    %swap3A_741 = arith.constant 0 : index
    %swap3A_742 = vector.load %arg1[%swap3A_740, %swap3A_741] : memref<4096x2xi32, #tpu.memory_space<vmem>>, vector<256x2xi32>
    tpu.vector_store %arg1[%swap3A_740, %swap3A_741], %concatenate3A_739 {strides = array<i32>} : memref<4096x2xi32, #tpu.memory_space<vmem>>, vector<256x2xi32>,
    %mul3A_743 = vector.broadcast %mul3A_551 : vector<1x8xf32> to vector<256x8xf32>
    %mul3A_744 = arith.mulf %mul3A_743, %convert_element_type3A_345 : vector<256x8xf32>
    %reduce_sum3A_745 = arith.constant dense<0.000000e+00> : vector<256xf32>
    %reduce_sum3A_746 = vector.multi_reduction <add>, %mul3A_744, %reduce_sum3A_745 [1] : vector<256x8xf32> to vector<256xf32>
    %broadcast_in_dim3A_747 = vector.shape_cast %reduce_sum3A_746 : vector<256xf32> to vector<256x1xf32>
    %mul3A_748 = vector.broadcast %mul3A_551 : vector<1x8xf32> to vector<256x8xf32>
    %mul3A_749 = arith.mulf %mul3A_748, %convert_element_type3A_351 : vector<256x8xf32>
    %reduce_sum3A_750 = arith.constant dense<0.000000e+00> : vector<256xf32>
    %reduce_sum3A_751 = vector.multi_reduction <add>, %mul3A_749, %reduce_sum3A_750 [1] : vector<256x8xf32> to vector<256xf32>
    %broadcast_in_dim3A_752 = vector.shape_cast %reduce_sum3A_751 : vector<256xf32> to vector<256x1xf32>
    %add3A_753 = arith.addf %broadcast_in_dim3A_747, %broadcast_in_dim3A_361 : vector<256x1xf32>
    %convert_element_type3A_754 = arith.fptosi %add3A_753 : vector<256x1xf32> to vector<256x1xi32>
    %add3A_755 = arith.addf %broadcast_in_dim3A_752, %broadcast_in_dim3A_365 : vector<256x1xf32>
    %convert_element_type3A_756 = arith.fptosi %add3A_755 : vector<256x1xf32> to vector<256x1xi32>
    %concatenate3A_757 = tpu.concatenate %convert_element_type3A_754, %convert_element_type3A_756 in 1 : vector<256x1xi32>, vector<256x1xi32> -> vector<256x2xi32>
    %swap3A_758 = arith.constant 2560 : index
    %swap3A_759 = arith.constant 0 : index
    %swap3A_760 = vector.load %arg1[%swap3A_758, %swap3A_759] : memref<4096x2xi32, #tpu.memory_space<vmem>>, vector<256x2xi32>
    tpu.vector_store %arg1[%swap3A_758, %swap3A_759], %concatenate3A_757 {strides = array<i32>} : memref<4096x2xi32, #tpu.memory_space<vmem>>, vector<256x2xi32>,
    %mul3A_761 = vector.broadcast %mul3A_551 : vector<1x8xf32> to vector<256x8xf32>
    %mul3A_762 = arith.mulf %mul3A_761, %convert_element_type3A_379 : vector<256x8xf32>
    %reduce_sum3A_763 = arith.constant dense<0.000000e+00> : vector<256xf32>
    %reduce_sum3A_764 = vector.multi_reduction <add>, %mul3A_762, %reduce_sum3A_763 [1] : vector<256x8xf32> to vector<256xf32>
    %broadcast_in_dim3A_765 = vector.shape_cast %reduce_sum3A_764 : vector<256xf32> to vector<256x1xf32>
    %mul3A_766 = vector.broadcast %mul3A_551 : vector<1x8xf32> to vector<256x8xf32>
    %mul3A_767 = arith.mulf %mul3A_766, %convert_element_type3A_385 : vector<256x8xf32>
    %reduce_sum3A_768 = arith.constant dense<0.000000e+00> : vector<256xf32>
    %reduce_sum3A_769 = vector.multi_reduction <add>, %mul3A_767, %reduce_sum3A_768 [1] : vector<256x8xf32> to vector<256xf32>
    %broadcast_in_dim3A_770 = vector.shape_cast %reduce_sum3A_769 : vector<256xf32> to vector<256x1xf32>
    %add3A_771 = arith.addf %broadcast_in_dim3A_765, %broadcast_in_dim3A_395 : vector<256x1xf32>
    %convert_element_type3A_772 = arith.fptosi %add3A_771 : vector<256x1xf32> to vector<256x1xi32>
    %add3A_773 = arith.addf %broadcast_in_dim3A_770, %broadcast_in_dim3A_399 : vector<256x1xf32>
    %convert_element_type3A_774 = arith.fptosi %add3A_773 : vector<256x1xf32> to vector<256x1xi32>
    %concatenate3A_775 = tpu.concatenate %convert_element_type3A_772, %convert_element_type3A_774 in 1 : vector<256x1xi32>, vector<256x1xi32> -> vector<256x2xi32>
    %swap3A_776 = arith.constant 2816 : index
    %swap3A_777 = arith.constant 0 : index
    %swap3A_778 = vector.load %arg1[%swap3A_776, %swap3A_777] : memref<4096x2xi32, #tpu.memory_space<vmem>>, vector<256x2xi32>
    tpu.vector_store %arg1[%swap3A_776, %swap3A_777], %concatenate3A_775 {strides = array<i32>} : memref<4096x2xi32, #tpu.memory_space<vmem>>, vector<256x2xi32>,
    %mul3A_779 = vector.broadcast %mul3A_551 : vector<1x8xf32> to vector<256x8xf32>
    %mul3A_780 = arith.mulf %mul3A_779, %convert_element_type3A_413 : vector<256x8xf32>
    %reduce_sum3A_781 = arith.constant dense<0.000000e+00> : vector<256xf32>
    %reduce_sum3A_782 = vector.multi_reduction <add>, %mul3A_780, %reduce_sum3A_781 [1] : vector<256x8xf32> to vector<256xf32>
    %broadcast_in_dim3A_783 = vector.shape_cast %reduce_sum3A_782 : vector<256xf32> to vector<256x1xf32>
    %mul3A_784 = vector.broadcast %mul3A_551 : vector<1x8xf32> to vector<256x8xf32>
    %mul3A_785 = arith.mulf %mul3A_784, %convert_element_type3A_419 : vector<256x8xf32>
    %reduce_sum3A_786 = arith.constant dense<0.000000e+00> : vector<256xf32>
    %reduce_sum3A_787 = vector.multi_reduction <add>, %mul3A_785, %reduce_sum3A_786 [1] : vector<256x8xf32> to vector<256xf32>
    %broadcast_in_dim3A_788 = vector.shape_cast %reduce_sum3A_787 : vector<256xf32> to vector<256x1xf32>
    %add3A_789 = arith.addf %broadcast_in_dim3A_783, %broadcast_in_dim3A_429 : vector<256x1xf32>
    %convert_element_type3A_790 = arith.fptosi %add3A_789 : vector<256x1xf32> to vector<256x1xi32>
    %add3A_791 = arith.addf %broadcast_in_dim3A_788, %broadcast_in_dim3A_433 : vector<256x1xf32>
    %convert_element_type3A_792 = arith.fptosi %add3A_791 : vector<256x1xf32> to vector<256x1xi32>
    %concatenate3A_793 = tpu.concatenate %convert_element_type3A_790, %convert_element_type3A_792 in 1 : vector<256x1xi32>, vector<256x1xi32> -> vector<256x2xi32>
    %swap3A_794 = arith.constant 3072 : index
    %swap3A_795 = arith.constant 0 : index
    %swap3A_796 = vector.load %arg1[%swap3A_794, %swap3A_795] : memref<4096x2xi32, #tpu.memory_space<vmem>>, vector<256x2xi32>
    tpu.vector_store %arg1[%swap3A_794, %swap3A_795], %concatenate3A_793 {strides = array<i32>} : memref<4096x2xi32, #tpu.memory_space<vmem>>, vector<256x2xi32>,
    %mul3A_797 = vector.broadcast %mul3A_551 : vector<1x8xf32> to vector<256x8xf32>
    %mul3A_798 = arith.mulf %mul3A_797, %convert_element_type3A_447 : vector<256x8xf32>
    %reduce_sum3A_799 = arith.constant dense<0.000000e+00> : vector<256xf32>
    %reduce_sum3A_800 = vector.multi_reduction <add>, %mul3A_798, %reduce_sum3A_799 [1] : vector<256x8xf32> to vector<256xf32>
    %broadcast_in_dim3A_801 = vector.shape_cast %reduce_sum3A_800 : vector<256xf32> to vector<256x1xf32>
    %mul3A_802 = vector.broadcast %mul3A_551 : vector<1x8xf32> to vector<256x8xf32>
    %mul3A_803 = arith.mulf %mul3A_802, %convert_element_type3A_453 : vector<256x8xf32>
    %reduce_sum3A_804 = arith.constant dense<0.000000e+00> : vector<256xf32>
    %reduce_sum3A_805 = vector.multi_reduction <add>, %mul3A_803, %reduce_sum3A_804 [1] : vector<256x8xf32> to vector<256xf32>
    %broadcast_in_dim3A_806 = vector.shape_cast %reduce_sum3A_805 : vector<256xf32> to vector<256x1xf32>
    %add3A_807 = arith.addf %broadcast_in_dim3A_801, %broadcast_in_dim3A_463 : vector<256x1xf32>
    %convert_element_type3A_808 = arith.fptosi %add3A_807 : vector<256x1xf32> to vector<256x1xi32>
    %add3A_809 = arith.addf %broadcast_in_dim3A_806, %broadcast_in_dim3A_467 : vector<256x1xf32>
    %convert_element_type3A_810 = arith.fptosi %add3A_809 : vector<256x1xf32> to vector<256x1xi32>
    %concatenate3A_811 = tpu.concatenate %convert_element_type3A_808, %convert_element_type3A_810 in 1 : vector<256x1xi32>, vector<256x1xi32> -> vector<256x2xi32>
    %swap3A_812 = arith.constant 3328 : index
    %swap3A_813 = arith.constant 0 : index
    %swap3A_814 = vector.load %arg1[%swap3A_812, %swap3A_813] : memref<4096x2xi32, #tpu.memory_space<vmem>>, vector<256x2xi32>
    tpu.vector_store %arg1[%swap3A_812, %swap3A_813], %concatenate3A_811 {strides = array<i32>} : memref<4096x2xi32, #tpu.memory_space<vmem>>, vector<256x2xi32>,
    %mul3A_815 = vector.broadcast %mul3A_551 : vector<1x8xf32> to vector<256x8xf32>
    %mul3A_816 = arith.mulf %mul3A_815, %convert_element_type3A_481 : vector<256x8xf32>
    %reduce_sum3A_817 = arith.constant dense<0.000000e+00> : vector<256xf32>
    %reduce_sum3A_818 = vector.multi_reduction <add>, %mul3A_816, %reduce_sum3A_817 [1] : vector<256x8xf32> to vector<256xf32>
    %broadcast_in_dim3A_819 = vector.shape_cast %reduce_sum3A_818 : vector<256xf32> to vector<256x1xf32>
    %mul3A_820 = vector.broadcast %mul3A_551 : vector<1x8xf32> to vector<256x8xf32>
    %mul3A_821 = arith.mulf %mul3A_820, %convert_element_type3A_487 : vector<256x8xf32>
    %reduce_sum3A_822 = arith.constant dense<0.000000e+00> : vector<256xf32>
    %reduce_sum3A_823 = vector.multi_reduction <add>, %mul3A_821, %reduce_sum3A_822 [1] : vector<256x8xf32> to vector<256xf32>
    %broadcast_in_dim3A_824 = vector.shape_cast %reduce_sum3A_823 : vector<256xf32> to vector<256x1xf32>
    %add3A_825 = arith.addf %broadcast_in_dim3A_819, %broadcast_in_dim3A_497 : vector<256x1xf32>
    %convert_element_type3A_826 = arith.fptosi %add3A_825 : vector<256x1xf32> to vector<256x1xi32>
    %add3A_827 = arith.addf %broadcast_in_dim3A_824, %broadcast_in_dim3A_501 : vector<256x1xf32>
    %convert_element_type3A_828 = arith.fptosi %add3A_827 : vector<256x1xf32> to vector<256x1xi32>
    %concatenate3A_829 = tpu.concatenate %convert_element_type3A_826, %convert_element_type3A_828 in 1 : vector<256x1xi32>, vector<256x1xi32> -> vector<256x2xi32>
    %swap3A_830 = arith.constant 3584 : index
    %swap3A_831 = arith.constant 0 : index
    %swap3A_832 = vector.load %arg1[%swap3A_830, %swap3A_831] : memref<4096x2xi32, #tpu.memory_space<vmem>>, vector<256x2xi32>
    tpu.vector_store %arg1[%swap3A_830, %swap3A_831], %concatenate3A_829 {strides = array<i32>} : memref<4096x2xi32, #tpu.memory_space<vmem>>, vector<256x2xi32>,
    %mul3A_833 = vector.broadcast %mul3A_551 : vector<1x8xf32> to vector<256x8xf32>
    %mul3A_834 = arith.mulf %mul3A_833, %convert_element_type3A_515 : vector<256x8xf32>
    %reduce_sum3A_835 = arith.constant dense<0.000000e+00> : vector<256xf32>
    %reduce_sum3A_836 = vector.multi_reduction <add>, %mul3A_834, %reduce_sum3A_835 [1] : vector<256x8xf32> to vector<256xf32>
    %broadcast_in_dim3A_837 = vector.shape_cast %reduce_sum3A_836 : vector<256xf32> to vector<256x1xf32>
    %mul3A_838 = vector.broadcast %mul3A_551 : vector<1x8xf32> to vector<256x8xf32>
    %mul3A_839 = arith.mulf %mul3A_838, %convert_element_type3A_521 : vector<256x8xf32>
    %reduce_sum3A_840 = arith.constant dense<0.000000e+00> : vector<256xf32>
    %reduce_sum3A_841 = vector.multi_reduction <add>, %mul3A_839, %reduce_sum3A_840 [1] : vector<256x8xf32> to vector<256xf32>
    %broadcast_in_dim3A_842 = vector.shape_cast %reduce_sum3A_841 : vector<256xf32> to vector<256x1xf32>
    %add3A_843 = arith.addf %broadcast_in_dim3A_837, %broadcast_in_dim3A_531 : vector<256x1xf32>
    %convert_element_type3A_844 = arith.fptosi %add3A_843 : vector<256x1xf32> to vector<256x1xi32>
    %add3A_845 = arith.addf %broadcast_in_dim3A_842, %broadcast_in_dim3A_535 : vector<256x1xf32>
    %convert_element_type3A_846 = arith.fptosi %add3A_845 : vector<256x1xf32> to vector<256x1xi32>
    %concatenate3A_847 = tpu.concatenate %convert_element_type3A_844, %convert_element_type3A_846 in 1 : vector<256x1xi32>, vector<256x1xi32> -> vector<256x2xi32>
    %swap3A_848 = arith.constant 3840 : index
    %swap3A_849 = arith.constant 0 : index
    %swap3A_850 = vector.load %arg1[%swap3A_848, %swap3A_849] : memref<4096x2xi32, #tpu.memory_space<vmem>>, vector<256x2xi32>
    tpu.vector_store %arg1[%swap3A_848, %swap3A_849], %concatenate3A_847 {strides = array<i32>} : memref<4096x2xi32, #tpu.memory_space<vmem>>, vector<256x2xi32>,
    return
  }
}

module attributes {stable_mosaic.version = 14 : i64} {
  func.func @_router_kernel(%arg0: i32, %arg1: memref<256x1024xf32, #tpu.memory_space<vmem>>, %arg2: memref<1024x8xf32, #tpu.memory_space<vmem>>, %arg3: memref<1x8xf32, #tpu.memory_space<vmem>>, %arg4: memref<256x8xf32, #tpu.memory_space<vmem>>, %arg5: memref<256x2xi32, #tpu.memory_space<vmem>>, %arg6: memref<256x2xf32, #tpu.memory_space<vmem>>) attributes {dimension_semantics = [#tpu.dimension_semantics<arbitrary>], iteration_bounds = array<i64: 16>, scalar_prefetch = 0 : i64, scratch_operands = 0 : i64, tpu.core_type = #tpu.core_type<tc>, window_params = [{transform_indices = @transform_0, window_bounds = array<i64: 256, 1024>}, {pipeline_mode = #tpu.pipeline_mode<synchronous>, transform_indices = @transform_1, window_bounds = array<i64: 1024, 8>}, {pipeline_mode = #tpu.pipeline_mode<synchronous>, transform_indices = @transform_2, window_bounds = array<i64: 1, 8>}, {transform_indices = @transform_3, window_bounds = array<i64: 256, 8>}, {transform_indices = @transform_4, window_bounds = array<i64: 256, 2>}, {transform_indices = @transform_5, window_bounds = array<i64: 256, 2>}]} {
    %get3A = arith.constant 0 : index
    %get3A_0 = arith.constant 0 : index
    %get3A_1 = vector.load %arg1[%get3A, %get3A_0] : memref<256x1024xf32, #tpu.memory_space<vmem>>, vector<256x1024xf32>
    %get3A_2 = arith.constant 0 : index
    %get3A_3 = arith.constant 0 : index
    %get3A_4 = vector.load %arg2[%get3A_2, %get3A_3] : memref<1024x8xf32, #tpu.memory_space<vmem>>, vector<1024x8xf32>
    %dot_general3A = arith.constant dense<0.000000e+00> : vector<256x8xf32>
    %dot_general3A_5 = tpu.matmul %get3A_1, %get3A_4, %dot_general3A {dimension_numbers = #tpu.dot_dimension_numbers<[1], [0], [0], [1], [0, 0, 1, 1], [], []>, transpose_lhs_hint = false} : vector<256x1024xf32>, vector<1024x8xf32>, vector<256x8xf32> -> vector<256x8xf32>
    %get3A_6 = arith.constant 0 : index
    %get3A_7 = arith.constant 0 : index
    %get3A_8 = vector.load %arg3[%get3A_6, %get3A_7] : memref<1x8xf32, #tpu.memory_space<vmem>>, vector<1x8xf32>
    %add3A = vector.broadcast %get3A_8 : vector<1x8xf32> to vector<256x8xf32>
    %add3A_9 = arith.addf %dot_general3A_5, %add3A : vector<256x8xf32>
    %get3A_10 = arith.constant 0 : index
    %get3A_11 = arith.constant 0 : index
    %get3A_12 = vector.load %arg4[%get3A_10, %get3A_11] : memref<256x8xf32, #tpu.memory_space<vmem>>, vector<256x8xf32>
    %add3A_13 = arith.addf %add3A_9, %get3A_12 : vector<256x8xf32>
    %reduce_max3A = arith.constant dense<0xFF800000> : vector<256xf32>
    %reduce_max3A_14 = vector.multi_reduction <maximumf>, %add3A_13, %reduce_max3A [1] : vector<256x8xf32> to vector<256xf32>
    %broadcast_in_dim3A = vector.shape_cast %reduce_max3A_14 : vector<256xf32> to vector<256x1xf32>
    %sub3A = vector.broadcast %broadcast_in_dim3A : vector<256x1xf32> to vector<256x8xf32>
    %sub3A_15 = arith.subf %add3A_13, %sub3A : vector<256x8xf32>
    %exp3A = math.exp %sub3A_15 : vector<256x8xf32>
    %reduce_sum3A = arith.constant dense<0.000000e+00> : vector<256xf32>
    %reduce_sum3A_16 = vector.multi_reduction <add>, %exp3A, %reduce_sum3A [1] : vector<256x8xf32> to vector<256xf32>
    %broadcast_in_dim3A_17 = vector.shape_cast %reduce_sum3A_16 : vector<256xf32> to vector<256x1xf32>
    %div3A = vector.broadcast %broadcast_in_dim3A_17 : vector<256x1xf32> to vector<256x8xf32>
    %div3A_18 = arith.divf %exp3A, %div3A : vector<256x8xf32>
    %iota3A = tpu.iota {dimensions = array<i32: 1>} : vector<256x8xi32>
    %reduce_max3A_19 = arith.constant dense<0xFF800000> : vector<256xf32>
    %reduce_max3A_20 = vector.multi_reduction <maximumf>, %div3A_18, %reduce_max3A_19 [1] : vector<256x8xf32> to vector<256xf32>
    %broadcast_in_dim3A_21 = vector.shape_cast %reduce_max3A_20 : vector<256xf32> to vector<256x1xf32>
    %eq3A = vector.broadcast %broadcast_in_dim3A_21 : vector<256x1xf32> to vector<256x8xf32>
    %eq3A_22 = arith.cmpf oeq, %div3A_18, %eq3A : vector<256x8xf32>
    %jit3A = arith.constant 8 : i32
    %broadcast_in_dim3A_23 = vector.broadcast %jit3A : i32 to vector<256x8xi32>
    %select_n3A = arith.select %eq3A_22, %iota3A, %broadcast_in_dim3A_23 : vector<256x8xi1>, vector<256x8xi32>
    %reduce_min3A = arith.constant dense<2147483647> : vector<256xi32>
    %reduce_min3A_24 = vector.multi_reduction <minsi>, %select_n3A, %reduce_min3A [1] : vector<256x8xi32> to vector<256xi32>
    %broadcast_in_dim3A_25 = vector.shape_cast %reduce_min3A_24 : vector<256xi32> to vector<256x1xi32>
    %eq3A_26 = vector.broadcast %broadcast_in_dim3A_25 : vector<256x1xi32> to vector<256x8xi32>
    %eq3A_27 = arith.cmpi eq, %iota3A, %eq3A_26 : vector<256x8xi32>
    %jit3A_28 = arith.constant 0xFF800000 : f32
    %broadcast_in_dim3A_29 = vector.broadcast %jit3A_28 : f32 to vector<256x8xf32>
    %select_n3A_30 = arith.select %eq3A_27, %broadcast_in_dim3A_29, %div3A_18 : vector<256x8xi1>, vector<256x8xf32>
    %reduce_max3A_31 = arith.constant dense<0xFF800000> : vector<256xf32>
    %reduce_max3A_32 = vector.multi_reduction <maximumf>, %select_n3A_30, %reduce_max3A_31 [1] : vector<256x8xf32> to vector<256xf32>
    %broadcast_in_dim3A_33 = vector.shape_cast %reduce_max3A_32 : vector<256xf32> to vector<256x1xf32>
    %eq3A_34 = vector.broadcast %broadcast_in_dim3A_33 : vector<256x1xf32> to vector<256x8xf32>
    %eq3A_35 = arith.cmpf oeq, %select_n3A_30, %eq3A_34 : vector<256x8xf32>
    %jit3A_36 = arith.constant 8 : i32
    %broadcast_in_dim3A_37 = vector.broadcast %jit3A_36 : i32 to vector<256x8xi32>
    %select_n3A_38 = arith.select %eq3A_35, %iota3A, %broadcast_in_dim3A_37 : vector<256x8xi1>, vector<256x8xi32>
    %reduce_min3A_39 = arith.constant dense<2147483647> : vector<256xi32>
    %reduce_min3A_40 = vector.multi_reduction <minsi>, %select_n3A_38, %reduce_min3A_39 [1] : vector<256x8xi32> to vector<256xi32>
    %broadcast_in_dim3A_41 = vector.shape_cast %reduce_min3A_40 : vector<256xi32> to vector<256x1xi32>
    %concatenate3A = tpu.concatenate %broadcast_in_dim3A_25, %broadcast_in_dim3A_41 in 1 : vector<256x1xi32>, vector<256x1xi32> -> vector<256x2xi32>
    %swap3A = arith.constant 0 : index
    %swap3A_42 = arith.constant 0 : index
    %swap3A_43 = vector.load %arg5[%swap3A, %swap3A_42] : memref<256x2xi32, #tpu.memory_space<vmem>>, vector<256x2xi32>
    tpu.vector_store %arg5[%swap3A, %swap3A_42], %concatenate3A {strides = array<i32>} : memref<256x2xi32, #tpu.memory_space<vmem>>, vector<256x2xi32>,
    %concatenate3A_44 = tpu.concatenate %broadcast_in_dim3A_21, %broadcast_in_dim3A_33 in 1 : vector<256x1xf32>, vector<256x1xf32> -> vector<256x2xf32>
    %swap3A_45 = arith.constant 0 : index
    %swap3A_46 = arith.constant 0 : index
    %swap3A_47 = vector.load %arg6[%swap3A_45, %swap3A_46] : memref<256x2xf32, #tpu.memory_space<vmem>>, vector<256x2xf32>
    tpu.vector_store %arg6[%swap3A_45, %swap3A_46], %concatenate3A_44 {strides = array<i32>} : memref<256x2xf32, #tpu.memory_space<vmem>>, vector<256x2xf32>,
    return
  }
  func.func @transform_0(%arg0: i32) -> (i32, i32) {
    %c0_i32 = arith.constant 0 : i32
    %c0_i32_0 = arith.constant 0 : i32
    return %arg0, %c0_i32 : i32, i32
  }
  func.func @transform_1(%arg0: i32) -> (i32, i32) {
    %c0_i32 = arith.constant 0 : i32
    %c0_i32_0 = arith.constant 0 : i32
    %c0_i32_1 = arith.constant 0 : i32
    return %c0_i32, %c0_i32_0 : i32, i32
  }
  func.func @transform_2(%arg0: i32) -> (i32, i32) {
    %c0_i32 = arith.constant 0 : i32
    %c0_i32_0 = arith.constant 0 : i32
    %c0_i32_1 = arith.constant 0 : i32
    return %c0_i32, %c0_i32_0 : i32, i32
  }
  func.func @transform_3(%arg0: i32) -> (i32, i32) {
    %c0_i32 = arith.constant 0 : i32
    %c0_i32_0 = arith.constant 0 : i32
    return %arg0, %c0_i32 : i32, i32
  }
  func.func @transform_4(%arg0: i32) -> (i32, i32) {
    %c0_i32 = arith.constant 0 : i32
    %c0_i32_0 = arith.constant 0 : i32
    return %arg0, %c0_i32 : i32, i32
  }
  func.func @transform_5(%arg0: i32) -> (i32, i32) {
    %c0_i32 = arith.constant 0 : i32
    %c0_i32_0 = arith.constant 0 : i32
    return %arg0, %c0_i32 : i32, i32
  }
}

module attributes {stable_mosaic.version = 14 : i64} {
  func.func @_ffn_kernel(%arg0: i32, %arg1: memref<40xi32, #tpu.memory_space<smem>>, %arg2: memref<256x1024xf32, #tpu.memory_space<vmem>>, %arg3: memref<1x1024x2048xf32, #tpu.memory_space<vmem>>, %arg4: memref<1x1x2048xf32, #tpu.memory_space<vmem>>, %arg5: memref<1x2048x1024xf32, #tpu.memory_space<vmem>>, %arg6: memref<1x1x1024xf32, #tpu.memory_space<vmem>>, %arg7: memref<256x1024xf32, #tpu.memory_space<vmem>>) attributes {dimension_semantics = [#tpu.dimension_semantics<arbitrary>], iteration_bounds = array<i64: 40>, scalar_prefetch = 1 : i64, scratch_operands = 0 : i64, tpu.core_type = #tpu.core_type<tc>, window_params = [{transform_indices = @transform_0, window_bounds = array<i64: 256, 1024>}, {transform_indices = @transform_1, window_bounds = array<i64: 1, 1024, 2048>}, {transform_indices = @transform_2, window_bounds = array<i64: 1, 1, 2048>}, {transform_indices = @transform_3, window_bounds = array<i64: 1, 2048, 1024>}, {transform_indices = @transform_4, window_bounds = array<i64: 1, 1, 1024>}, {transform_indices = @transform_5, window_bounds = array<i64: 256, 1024>}]} {
    %get3A = arith.constant 0 : index
    %get3A_0 = arith.constant 0 : index
    %get3A_1 = vector.load %arg2[%get3A, %get3A_0] : memref<256x1024xf32, #tpu.memory_space<vmem>>, vector<256x1024xf32>
    %convert_element_type3A = arith.truncf %get3A_1 : vector<256x1024xf32> to vector<256x1024xbf16>
    %get3A_2 = arith.constant 0 : index
    %get3A_3 = arith.constant 0 : index
    %get3A_4 = arith.constant 0 : index
    %get3A_5 = vector.load %arg3[%get3A_2, %get3A_3, %get3A_4] : memref<1x1024x2048xf32, #tpu.memory_space<vmem>>, vector<1x1024x2048xf32>
    %get3A_6 = vector.shape_cast %get3A_5 : vector<1x1024x2048xf32> to vector<1024x2048xf32>
    %convert_element_type3A_7 = arith.truncf %get3A_6 : vector<1024x2048xf32> to vector<1024x2048xbf16>
    %dot_general3A = arith.constant dense<0.000000e+00> : vector<256x2048xf32>
    %dot_general3A_8 = tpu.matmul %convert_element_type3A, %convert_element_type3A_7, %dot_general3A {dimension_numbers = #tpu.dot_dimension_numbers<[1], [0], [0], [1], [0, 0, 1, 1], [], []>, transpose_lhs_hint = false} : vector<256x1024xbf16>, vector<1024x2048xbf16>, vector<256x2048xf32> -> vector<256x2048xf32>
    %get3A_9 = arith.constant 0 : index
    %get3A_10 = arith.constant 0 : index
    %get3A_11 = arith.constant 0 : index
    %get3A_12 = vector.load %arg4[%get3A_9, %get3A_10, %get3A_11] : memref<1x1x2048xf32, #tpu.memory_space<vmem>>, vector<1x1x2048xf32>
    %get3A_13 = vector.shape_cast %get3A_12 : vector<1x1x2048xf32> to vector<1x2048xf32>
    %add3A = vector.broadcast %get3A_13 : vector<1x2048xf32> to vector<256x2048xf32>
    %add3A_14 = arith.addf %dot_general3A_8, %add3A : vector<256x2048xf32>
    %mul3A = arith.constant 5.000000e-01 : f32
    %mul3A_15 = vector.broadcast %mul3A : f32 to vector<256x2048xf32>
    %mul3A_16 = arith.mulf %mul3A_15, %add3A_14 : vector<256x2048xf32>
    %mul3A_17 = arith.constant 0.707106769 : f32
    %mul3A_18 = vector.broadcast %mul3A_17 : f32 to vector<256x2048xf32>
    %mul3A_19 = arith.mulf %add3A_14, %mul3A_18 : vector<256x2048xf32>
    %erf3A = math.erf %mul3A_19 : vector<256x2048xf32>
    %add3A_20 = arith.constant 1.000000e+00 : f32
    %add3A_21 = vector.broadcast %add3A_20 : f32 to vector<256x2048xf32>
    %add3A_22 = arith.addf %add3A_21, %erf3A : vector<256x2048xf32>
    %mul3A_23 = arith.mulf %mul3A_16, %add3A_22 : vector<256x2048xf32>
    %convert_element_type3A_24 = arith.truncf %mul3A_23 : vector<256x2048xf32> to vector<256x2048xbf16>
    %get3A_25 = arith.constant 0 : index
    %get3A_26 = arith.constant 0 : index
    %get3A_27 = arith.constant 0 : index
    %get3A_28 = vector.load %arg5[%get3A_25, %get3A_26, %get3A_27] : memref<1x2048x1024xf32, #tpu.memory_space<vmem>>, vector<1x2048x1024xf32>
    %get3A_29 = vector.shape_cast %get3A_28 : vector<1x2048x1024xf32> to vector<2048x1024xf32>
    %convert_element_type3A_30 = arith.truncf %get3A_29 : vector<2048x1024xf32> to vector<2048x1024xbf16>
    %dot_general3A_31 = arith.constant dense<0.000000e+00> : vector<256x1024xf32>
    %dot_general3A_32 = tpu.matmul %convert_element_type3A_24, %convert_element_type3A_30, %dot_general3A_31 {dimension_numbers = #tpu.dot_dimension_numbers<[1], [0], [0], [1], [0, 0, 1, 1], [], []>, transpose_lhs_hint = false} : vector<256x2048xbf16>, vector<2048x1024xbf16>, vector<256x1024xf32> -> vector<256x1024xf32>
    %get3A_33 = arith.constant 0 : index
    %get3A_34 = arith.constant 0 : index
    %get3A_35 = arith.constant 0 : index
    %get3A_36 = vector.load %arg6[%get3A_33, %get3A_34, %get3A_35] : memref<1x1x1024xf32, #tpu.memory_space<vmem>>, vector<1x1x1024xf32>
    %get3A_37 = vector.shape_cast %get3A_36 : vector<1x1x1024xf32> to vector<1x1024xf32>
    %add3A_38 = vector.broadcast %get3A_37 : vector<1x1024xf32> to vector<256x1024xf32>
    %add3A_39 = arith.addf %dot_general3A_32, %add3A_38 : vector<256x1024xf32>
    %swap3A = arith.constant 0 : index
    %swap3A_40 = arith.constant 0 : index
    %swap3A_41 = vector.load %arg7[%swap3A, %swap3A_40] : memref<256x1024xf32, #tpu.memory_space<vmem>>, vector<256x1024xf32>
    tpu.vector_store %arg7[%swap3A, %swap3A_40], %add3A_39 {strides = array<i32>} : memref<256x1024xf32, #tpu.memory_space<vmem>>, vector<256x1024xf32>,
    return
  }
  func.func @transform_0(%arg0: i32, %arg1: memref<40xi32, #tpu.memory_space<smem>>) -> (i32, i32) {
    %c0_i32 = arith.constant 0 : i32
    %c0_i32_0 = arith.constant 0 : i32
    return %arg0, %c0_i32 : i32, i32
  }
  func.func @transform_1(%arg0: i32, %arg1: memref<40xi32, #tpu.memory_space<smem>>) -> (i32, i32, i32) {
    %get3A = arith.index_cast %arg0 : i32 to index
    %get3A_0 = memref.load %arg1[%get3A] : memref<40xi32, #tpu.memory_space<smem>>
    %c0_i32 = arith.constant 0 : i32
    %c0_i32_1 = arith.constant 0 : i32
    %c0_i32_2 = arith.constant 0 : i32
    return %get3A_0, %c0_i32, %c0_i32_1 : i32, i32, i32
  }
  func.func @transform_2(%arg0: i32, %arg1: memref<40xi32, #tpu.memory_space<smem>>) -> (i32, i32, i32) {
    %get3A = arith.index_cast %arg0 : i32 to index
    %get3A_0 = memref.load %arg1[%get3A] : memref<40xi32, #tpu.memory_space<smem>>
    %c0_i32 = arith.constant 0 : i32
    %c0_i32_1 = arith.constant 0 : i32
    %c0_i32_2 = arith.constant 0 : i32
    return %get3A_0, %c0_i32, %c0_i32_1 : i32, i32, i32
  }
  func.func @transform_3(%arg0: i32, %arg1: memref<40xi32, #tpu.memory_space<smem>>) -> (i32, i32, i32) {
    %get3A = arith.index_cast %arg0 : i32 to index
    %get3A_0 = memref.load %arg1[%get3A] : memref<40xi32, #tpu.memory_space<smem>>
    %c0_i32 = arith.constant 0 : i32
    %c0_i32_1 = arith.constant 0 : i32
    %c0_i32_2 = arith.constant 0 : i32
    return %get3A_0, %c0_i32, %c0_i32_1 : i32, i32, i32
  }
  func.func @transform_4(%arg0: i32, %arg1: memref<40xi32, #tpu.memory_space<smem>>) -> (i32, i32, i32) {
    %get3A = arith.index_cast %arg0 : i32 to index
    %get3A_0 = memref.load %arg1[%get3A] : memref<40xi32, #tpu.memory_space<smem>>
    %c0_i32 = arith.constant 0 : i32
    %c0_i32_1 = arith.constant 0 : i32
    %c0_i32_2 = arith.constant 0 : i32
    return %get3A_0, %c0_i32, %c0_i32_1 : i32, i32, i32
  }
  func.func @transform_5(%arg0: i32, %arg1: memref<40xi32, #tpu.memory_space<smem>>) -> (i32, i32) {
    %c0_i32 = arith.constant 0 : i32
    %c0_i32_0 = arith.constant 0 : i32
    return %arg0, %c0_i32 : i32, i32
  }
}

module attributes {stable_mosaic.version = 14 : i64} {
  func.func @_ln_kernel(%arg0: i32, %arg1: memref<256x2048xf32, #tpu.memory_space<vmem>>, %arg2: memref<256x2xf32, #tpu.memory_space<vmem>>, %arg3: memref<256x1024xf32, #tpu.memory_space<vmem>>, %arg4: memref<1x1024xf32, #tpu.memory_space<vmem>>, %arg5: memref<1x1024xf32, #tpu.memory_space<vmem>>, %arg6: memref<256x1024xf32, #tpu.memory_space<vmem>>) attributes {dimension_semantics = [#tpu.dimension_semantics<arbitrary>], iteration_bounds = array<i64: 16>, scalar_prefetch = 0 : i64, scratch_operands = 0 : i64, tpu.core_type = #tpu.core_type<tc>, window_params = [{transform_indices = @transform_0, window_bounds = array<i64: 256, 2048>}, {transform_indices = @transform_1, window_bounds = array<i64: 256, 2>}, {transform_indices = @transform_2, window_bounds = array<i64: 256, 1024>}, {pipeline_mode = #tpu.pipeline_mode<synchronous>, transform_indices = @transform_3, window_bounds = array<i64: 1, 1024>}, {pipeline_mode = #tpu.pipeline_mode<synchronous>, transform_indices = @transform_4, window_bounds = array<i64: 1, 1024>}, {transform_indices = @transform_5, window_bounds = array<i64: 256, 1024>}]} {
    %get3A = arith.constant 0 : index
    %get3A_0 = arith.constant 0 : index
    %get3A_1 = vector.load %arg1[%get3A, %get3A_0] : memref<256x2048xf32, #tpu.memory_space<vmem>>, vector<256x2048xf32>
    %get3A_2 = arith.constant 0 : index
    %get3A_3 = arith.constant 0 : index
    %get3A_4 = vector.load %arg2[%get3A_2, %get3A_3] : memref<256x2xf32, #tpu.memory_space<vmem>>, vector<256x2xf32>
    %slice3A = vector.extract_strided_slice %get3A_1 {offsets = [0, 0], sizes = [256, 1024], strides = [1, 1]} : vector<256x2048xf32> to vector<256x1024xf32>
    %slice3A_5 = vector.extract_strided_slice %get3A_4 {offsets = [0, 0], sizes = [256, 1], strides = [1, 1]} : vector<256x2xf32> to vector<256x1xf32>
    %mul3A = vector.broadcast %slice3A_5 : vector<256x1xf32> to vector<256x1024xf32>
    %mul3A_6 = arith.mulf %slice3A, %mul3A : vector<256x1024xf32>
    %slice3A_7 = vector.extract_strided_slice %get3A_1 {offsets = [0, 1024], sizes = [256, 1024], strides = [1, 1]} : vector<256x2048xf32> to vector<256x1024xf32>
    %slice3A_8 = vector.extract_strided_slice %get3A_4 {offsets = [0, 1], sizes = [256, 1], strides = [1, 1]} : vector<256x2xf32> to vector<256x1xf32>
    %mul3A_9 = vector.broadcast %slice3A_8 : vector<256x1xf32> to vector<256x1024xf32>
    %mul3A_10 = arith.mulf %slice3A_7, %mul3A_9 : vector<256x1024xf32>
    %add3A = arith.addf %mul3A_6, %mul3A_10 : vector<256x1024xf32>
    %get3A_11 = arith.constant 0 : index
    %get3A_12 = arith.constant 0 : index
    %get3A_13 = vector.load %arg3[%get3A_11, %get3A_12] : memref<256x1024xf32, #tpu.memory_space<vmem>>, vector<256x1024xf32>
    %add3A_14 = arith.addf %add3A, %get3A_13 : vector<256x1024xf32>
    %reduce_sum3A = arith.constant dense<0.000000e+00> : vector<256xf32>
    %reduce_sum3A_15 = vector.multi_reduction <add>, %add3A_14, %reduce_sum3A [1] : vector<256x1024xf32> to vector<256xf32>
    %broadcast_in_dim3A = vector.shape_cast %reduce_sum3A_15 : vector<256xf32> to vector<256x1xf32>
    %div3A = arith.constant 1.024000e+03 : f32
    %div3A_16 = vector.broadcast %div3A : f32 to vector<256x1xf32>
    %div3A_17 = arith.divf %broadcast_in_dim3A, %div3A_16 : vector<256x1xf32>
    %sub3A = vector.broadcast %div3A_17 : vector<256x1xf32> to vector<256x1024xf32>
    %sub3A_18 = arith.subf %add3A_14, %sub3A : vector<256x1024xf32>
    %mul3A_19 = arith.mulf %sub3A_18, %sub3A_18 : vector<256x1024xf32>
    %reduce_sum3A_20 = arith.constant dense<0.000000e+00> : vector<256xf32>
    %reduce_sum3A_21 = vector.multi_reduction <add>, %mul3A_19, %reduce_sum3A_20 [1] : vector<256x1024xf32> to vector<256xf32>
    %broadcast_in_dim3A_22 = vector.shape_cast %reduce_sum3A_21 : vector<256xf32> to vector<256x1xf32>
    %div3A_23 = arith.constant 1.024000e+03 : f32
    %div3A_24 = vector.broadcast %div3A_23 : f32 to vector<256x1xf32>
    %div3A_25 = arith.divf %broadcast_in_dim3A_22, %div3A_24 : vector<256x1xf32>
    %add3A_26 = arith.constant 9.99999974E-6 : f32
    %add3A_27 = vector.broadcast %add3A_26 : f32 to vector<256x1xf32>
    %add3A_28 = arith.addf %div3A_25, %add3A_27 : vector<256x1xf32>
    %rsqrt3A = math.rsqrt %add3A_28 : vector<256x1xf32>
    %mul3A_29 = vector.broadcast %rsqrt3A : vector<256x1xf32> to vector<256x1024xf32>
    %mul3A_30 = arith.mulf %sub3A_18, %mul3A_29 : vector<256x1024xf32>
    %get3A_31 = arith.constant 0 : index
    %get3A_32 = arith.constant 0 : index
    %get3A_33 = vector.load %arg4[%get3A_31, %get3A_32] : memref<1x1024xf32, #tpu.memory_space<vmem>>, vector<1x1024xf32>
    %mul3A_34 = vector.broadcast %get3A_33 : vector<1x1024xf32> to vector<256x1024xf32>
    %mul3A_35 = arith.mulf %mul3A_30, %mul3A_34 : vector<256x1024xf32>
    %get3A_36 = arith.constant 0 : index
    %get3A_37 = arith.constant 0 : index
    %get3A_38 = vector.load %arg5[%get3A_36, %get3A_37] : memref<1x1024xf32, #tpu.memory_space<vmem>>, vector<1x1024xf32>
    %add3A_39 = vector.broadcast %get3A_38 : vector<1x1024xf32> to vector<256x1024xf32>
    %add3A_40 = arith.addf %mul3A_35, %add3A_39 : vector<256x1024xf32>
    %swap3A = arith.constant 0 : index
    %swap3A_41 = arith.constant 0 : index
    %swap3A_42 = vector.load %arg6[%swap3A, %swap3A_41] : memref<256x1024xf32, #tpu.memory_space<vmem>>, vector<256x1024xf32>
    tpu.vector_store %arg6[%swap3A, %swap3A_41], %add3A_40 {strides = array<i32>} : memref<256x1024xf32, #tpu.memory_space<vmem>>, vector<256x1024xf32>,
    return
  }
  func.func @transform_0(%arg0: i32) -> (i32, i32) {
    %c0_i32 = arith.constant 0 : i32
    %c0_i32_0 = arith.constant 0 : i32
    return %arg0, %c0_i32 : i32, i32
  }
  func.func @transform_1(%arg0: i32) -> (i32, i32) {
    %c0_i32 = arith.constant 0 : i32
    %c0_i32_0 = arith.constant 0 : i32
    return %arg0, %c0_i32 : i32, i32
  }
  func.func @transform_2(%arg0: i32) -> (i32, i32) {
    %c0_i32 = arith.constant 0 : i32
    %c0_i32_0 = arith.constant 0 : i32
    return %arg0, %c0_i32 : i32, i32
  }
  func.func @transform_3(%arg0: i32) -> (i32, i32) {
    %c0_i32 = arith.constant 0 : i32
    %c0_i32_0 = arith.constant 0 : i32
    %c0_i32_1 = arith.constant 0 : i32
    return %c0_i32, %c0_i32_0 : i32, i32
  }
  func.func @transform_4(%arg0: i32) -> (i32, i32) {
    %c0_i32 = arith.constant 0 : i32
    %c0_i32_0 = arith.constant 0 : i32
    %c0_i32_1 = arith.constant 0 : i32
    return %c0_i32, %c0_i32_0 : i32, i32
  }
  func.func @transform_5(%arg0: i32) -> (i32, i32) {
    %c0_i32 = arith.constant 0 : i32
    %c0_i32_0 = arith.constant 0 : i32
    return %arg0, %c0_i32 : i32, i32
  }
}

</mosaic_0001>

<sc_bundles>
// kernel: kernel.11.cloned.1.call-start
scs
__scs_entry_jumppad:
0x0: {  	(pc) =	sbr.rel $0x88, $3  }
0x1: {  	(tag) =	ssettag $0x0;
	lr =	simm.s32 $0x1  }
0x2: {  	[smem:$0x3F98] =	sst lr;
	_ =	strace $0xD0000000  }
0x3: {  	_ = 	snop  }
0x4: {  	_ = 	snop  }
0x5: {  	_ = 	snop  }
0x6: {  	_ = 	snop  }
0x7: {  	_ = 	snop  }
__scs_overlays_trampoline_lowered:
0x8: {  	[smem:$0x3FA7] =	sst s0  }
0x9: {  	[smem:$0x3FA8] =	sst s1  }
0xa: {  	[smem:$0x3FA9] =	sst s2  }
0xb: {  	[smem:$0x3FAA] =	sst s3  }
0xc: {  	[smem:$0x3FAB] =	sst s4  }
0xd: {  	[smem:$0x3FAC] =	sst s5  }
0xe: {  	[smem:$0x3FAD] =	sst s6  }
0xf: {  	[smem:$0x3FAE] =	sst s7  }
0x10: {  	[smem:$0x3FAF] =	sst s8  }
0x11: {  	[smem:$0x3FB0] =	sst s9;
	s0 =	simm.s32 @!p0 $0x0  }
0x12: {  	s1 =	sld [smem:$0x3F96];
	s0 =	simm.s32 @p0 $0x1  }
0x13: {  	[smem:$0x3FB1] =	sst s0;
	s0 =	simm.s32 @!p1 $0x0  }
0x14: {  	s2 =	sld [smem:$0x3F95];
	s0 =	simm.s32 @p1 $0x1  }
0x15: {  	[smem:$0x3FB2] =	sst s0;
	s0 =	simm.s32 @!p2 $0x0  }
0x16: {  	s3 =	sld [smem:$0x3FDB];
	s0 =	simm.s32 @p2 $0x1  }
0x17: {  	s4 =	simm.s32 $0x1BF5;
	[smem:$0x3FB4] =	sst s0  }
0x18: {  	s0 =	sld [smem:$0x3F97];
	_ =	swait.ge [sflag:s4], $0x0  }
0x19: {  	s7 =	sld [smem:$0x3F98]  }
0x1a: {  	s8 =	sadd.s32 $0xFFFFE003, lr  }
0x1b: {  	s9 =	sadd.s32 $0xFFFFFEF7, lr;
	s5 =	simm.s32 $0xFFFFFFFF;
	p2 =	slt.u32 s8, $0xFFFFF086  }
0x1c: {  	p1 =	slt.u32 s9, $0xF7A;
	s5 =	simm.s32 @!p2 $0x0  }
0x1d: {  	s5 =	simm.s32 @p1 $0x1;
	p0 =	seq.s32 s7, s2  }
0x1e: {  	s7 =	smul.u32 @!p0 $0xF7A, s2;
	p2 =	seq.s32 @!p0 s5, $0x0  }
0x1f: {  	s9 =	smul.u32 $0xF7A, s1;
	s8 =	simm.s32 @!p0 $0x1BF5;
	p2 =	por !p2, p0  }
0x20: {  	[sflag:s8] =	ssyncset.s32 @!p0 $0xFFFFF086;
	s6 =	sadd.s32 @!p0 s3, s7;
	s7 =	simm.s32 @!p0 $0x108  }
0x21: {  	s3 =	sadd.s32 s3, s9;
	s6 =	sadd.s32 @!p0 $0x88, s6;
	s7 =	simm.s32 @p2 $0x1082  }
0x22: {  	[simem:s7], [sflag:s8] =	dma.local @!p0 [hbm:s6], $0xF7A  }
0x23: {  	s9 =	sor.u32 $0xD0000000, s2;
	s6 =	simm.s32 $0x108;
	_ =	swait.ge @!p0 [sflag:s8], $0x0  }
0x24: {  	s3 =	sadd.s32 $0x88, s3;
	s6 =	simm.s32 @!p1 $0x1082;
	[sflag:s4] =	ssyncset.s32 $0xFFFFF086  }
0x25: {  	[simem:s6], [sflag:s4] =	dma.local [hbm:s3], $0xF7A  }
0x26: {  	[smem:$0x3F98] =	sst s1;
	(tag) =	ssettag s2;
	_ =	strace s9  }
0x27: {  	s1 =	sld [smem:$0x3FA8]  }
0x28: {  	s2 =	sld [smem:$0x3FA9]  }
0x29: {  	s4 =	sld [smem:$0x3FAB]  }
0x2a: {  	p0 =	seq.s32 s5, $0x0;
	s5 =	sld [smem:$0x3FAC]  }
0x2b: {  	s6 =	sld [smem:$0x3FAD]  }
0x2c: {  	s7 =	sld [smem:$0x3FAE]  }
0x2d: {  	s3 =	simm.s32 $0x108;
	s8 =	sld [smem:$0x3FAF]  }
0x2e: {  	s3 =	simm.s32 @!p0 $0x1082;
	s9 =	sld [smem:$0x3FB0]  }
0x2f: {  	lr =	sadd.s32 s0, s3;
	s0 =	sld [smem:$0x3FA7]  }
0x30: {  	s3 =	sld [smem:$0x3FAA]  }
0x31: {  	[smem:$0x3FB3] =	sst s10  }
0x32: {  	s10 =	sld [smem:$0x3FB1];
	_ =	sdelay $0x3  }
0x33: {  	p0 =	seq.s32 s10, $0x1;
	s10 =	sld [smem:$0x3FB3];
	_ =	sdelay $0x3  }
0x34: {  	[smem:$0x3FB3] =	sst s10  }
0x35: {  	s10 =	sld [smem:$0x3FB2];
	_ =	sdelay $0x3  }
0x36: {  	p1 =	seq.s32 s10, $0x1;
	s10 =	sld [smem:$0x3FB3];
	_ =	sdelay $0x3  }
0x37: {  	[smem:$0x3FB3] =	sst s10  }
0x38: {  	s10 =	sld [smem:$0x3FB4]  }
0x39: {  	_ = 	snop;
	(pc) =	sbr.ind lr, $3  }
0x3a: {  	_ = 	snop  }
0x3b: {  	_ = 	snop  }
0x3c: {  	p2 =	seq.s32 s10, $0x1;
	s10 =	sld [smem:$0x3FB3]  }
0x3d: {  	_ =	shalt  }
0x3e: {  	_ =	shalt  }
0x3f: {  	_ =	shalt  }
0x40: {  	_ =	shalt  }
0x41: {  	_ =	shalt  }
0x42: {  	_ =	shalt  }
0x43: {  	_ =	shalt  }
0x44: {  	_ =	shalt  }
0x45: {  	_ =	shalt  }
0x46: {  	_ =	shalt  }
0x47: {  	_ =	shalt  }
0x48: {  	_ =	shalt  }
0x49: {  	_ =	shalt  }
0x4a: {  	_ =	shalt  }
0x4b: {  	_ =	shalt  }
0x4c: {  	_ =	shalt  }
0x4d: {  	_ =	shalt  }
0x4e: {  	_ =	shalt  }
0x4f: {  	_ =	shalt  }
0x50: {  	_ =	shalt  }
0x51: {  	_ =	shalt  }
0x52: {  	_ =	shalt  }
0x53: {  	_ =	shalt  }
0x54: {  	_ =	shalt  }
0x55: {  	_ =	shalt  }
0x56: {  	_ =	shalt  }
0x57: {  	_ =	shalt  }
0x58: {  	_ =	shalt  }
0x59: {  	_ =	shalt  }
0x5a: {  	_ =	shalt  }
0x5b: {  	_ =	shalt  }
0x5c: {  	_ =	shalt  }
0x5d: {  	_ =	shalt  }
0x5e: {  	_ =	shalt  }
0x5f: {  	_ =	shalt  }
0x60: {  	_ =	shalt  }
0x61: {  	_ =	shalt  }
0x62: {  	_ =	shalt  }
0x63: {  	_ =	shalt  }
0x64: {  	_ =	shalt  }
0x65: {  	_ =	shalt  }
0x66: {  	_ =	shalt  }
0x67: {  	_ =	shalt  }
0x68: {  	_ =	shalt  }
0x69: {  	_ =	shalt  }
0x6a: {  	_ =	shalt  }
0x6b: {  	_ =	shalt  }
0x6c: {  	_ =	shalt  }
0x6d: {  	_ =	shalt  }
0x6e: {  	_ =	shalt  }
0x6f: {  	_ =	shalt  }
0x70: {  	_ =	shalt  }
0x71: {  	_ =	shalt  }
0x72: {  	_ =	shalt  }
0x73: {  	_ =	shalt  }
0x74: {  	_ =	shalt  }
0x75: {  	_ =	shalt  }
0x76: {  	_ =	shalt  }
0x77: {  	_ =	shalt  }
0x78: {  	_ =	shalt  }
0x79: {  	_ =	shalt  }
0x7a: {  	_ =	shalt  }
0x7b: {  	_ =	shalt  }
0x7c: {  	_ =	shalt  }
0x7d: {  	_ =	shalt  }
0x7e: {  	_ =	shalt  }
0x7f: {  	_ =	shalt  }
0x80: {  	_ =	shalt  }
0x81: {  	_ =	shalt  }
0x82: {  	_ =	shalt  }
0x83: {  	_ =	shalt  }
0x84: {  	_ =	shalt  }
0x85: {  	_ =	shalt  }
0x86: {  	_ =	shalt  }
0x87: {  	_ =	shalt  }
.Lfunc_end0:
.L_simem_size_0:
called_computation.1_lowered:
.L_overlay_start_0:
0x88: {  	s2 =	sld [smem:$0x3FD9]  }
0x89: {  	s3 =	sld [smem:$0x3FFE];
	_ =	sdelay $0x1  }
0x8a: {  	s1 =	srdreg.scid  }
0x8b: {  	s0 =	sand.u32 $0x1, s1  }
0x8c: {  	s16 =	sshll.u32 s0, $0xA;
	s2 =	sadd.s32 s3, s2  }
0x8d: {  	s2 =	sadd.s32 s2, s16  }
0x8e: {  	[smem:$0x3FBF] =	sst s2  }
0x8f: {  	_ = 	snop  }
0x90: {  	(tm) =	ssettm $0x1  }
0x91: {  	s17 =	sld [smem:$0x3FFB];
	_ =	sdelay $0x3  }
0x92: {  	_ =	strace s17  }
0x93: {  	s2 =	sld [smem:$0x3FFC];
	_ =	sdelay $0x3  }
0x94: {  	_ =	strace s2  }
0x95: {  	s2 =	sld [smem:$0x3FFD];
	_ =	sdelay $0x3  }
0x96: {  	_ =	strace s2  }
0x97: {  	_ =	strace $0x8FFFFFFF  }
0x98: {  	s18 =	sld [smem:$0x3FDB];
	_ =	sdelay $0x1  }
0x99: {  	s19 =	simm.s32 $_scs_section_size  }
0x9a: {  	s4 =	simm.s32 $_size__tile_overlayer_lowered;
	s5 =	simm.s32 $_tile_overlayer_lowered  }
0x9b: {  	s22 =	simm.s32 $0x1BFF;
	s21 =	sshll.u32 s5, $0x1;
	s2 =	sadd.s32 s19, s18  }
0x9c: {  	s6 =	simm.s32 $0x0;
	s20 =	sshll.u32 s4, $0x1;
	s4 =	sadd.s32 s21, s2  }
0x9d: {  	[timem:s6], [sflag:s22] =	dma.local [hbm:s4], s20  }
0x9e: {  	_ =	swait.ge [sflag:s22], s20  }
0x9f: {  	s3 =	ssub.s32 $0x0, s20;
	[sflag:s22] =	ssyncset.done $0x0  }
0xa0: {  	[sflag:s22] =	ssyncadd.s32 s3;
	_ =	sdelay $0x1  }
0xa1: {  	s23 =	simm.s32 $0x1B8B  }
0xa2: {  	_ =	swait.ge [sflag:s23], $0x1  }
0xa3: {  	[sflag:s23] =	ssyncset.done $0x0  }
0xa4: {  	s25 =	simm.s32 $0x1B8E;
	s24 =	sld [smem:$0x3FFE];
	[sflag:s23] =	ssyncadd.s32 $0xFFFFFFFF  }
0xa5: {  	s26 =	simm.s32 $execute0_lowered;
	[smem:$0x3FD2] =	sst s25  }
0xa6: {  	s4 =	sshll.u32 s26, $0x1;
	_ =	strace $0x80000049;
	[dreg:$0x1] =	wrdreg $0xFFFFFFFF  }
0xa7: {  	s28 =	simm.s32 $_size_execute0_lowered;
	s2 =	sadd.s32 s2, s4;
	[dreg:$0x0] =	wrdreg $0x0  }
0xa8: {  	s4 =	sshll.u32 s28, $0x1;
	[dreg:$0x2] =	wrdreg s2  }
0xa9: {  	[dreg:$0x3] =	wrdreg s4  }
0xaa: {  	[dreg:$0x4] =	wrdreg $0xC0  }
0xab: {  	_ =	task [dreg:s6], $0x5FFFF  }
0xac: {  	[dreg:$0x1] =	wrdreg $0xFFFFFFFF  }
0xad: {  	[dreg:$0x0] =	wrdreg $0x60  }
0xae: {  	[dreg:$0x2] =	wrdreg s24  }
0xaf: {  	[dreg:$0x3] =	wrdreg $0x9  }
0xb0: {  	_ =	task.clear_ibuf [dreg:s6], $0x4FFFF;
	_ =	strace $0x90000049  }
0xb1: {  	s29 =	simm.s32 $0x9;
	_ =	strace $0x8000004B  }
0xb2: {  	_ =	swait.ge [sflag:s29], $0x1  }
0xb3: {  	[sflag:s29] =	ssyncadd.s32 $0xFFFFFFFF  }
0xb4: {  	_ =	strace $0x9000004B  }
0xb5: {  	_ =	sfence  }
0xb6: {  	s30 =	sld [smem:$0x0];
	_ =	sdelay $0x2  }
0xb7: {  	s31 =	sshll.u32 s1, $0xD;
	s1 =	sshrl.u32 s1, $0x2  }
0xb8: {  	s3 =	sand.u32 $0x4000, s31;
	s1 =	sadd.s32 s1, s30  }
0xb9: {  	s0 =	sor.u32 s3, s0;
	s1 =	sshll.u32 s1, $0x11  }
0xba: {  	s0 =	sor.u32 s1, s0  }
0xbb: {  	s0 =	sadd.s32 $0x8F2B, s0  }
0xbc: {  	[sflag:s0] =	ssyncadd.remote.s32 $0x1  }
0xbd: {  	_ =	sfence.sel $0xFFFF  }
0xbe: {  	[dreg:$0x0] =	wrdreg $0xFFFFFFFF;
	(pc) =	sbr.abs _section_cstart, $3  }
0xbf: {  	[dreg:$0x1] =	wrdreg $0xFFFFFFFF  }
0xc0: {  	_ =	task.clear_ibuf [dreg:s6], $0x2FFFF;
	_ =	strace $0x9FFFFFFF  }
0xc1: {  	(tm) =	ssettm $0x7FFFFFFF  }
tec
execute0_lowered:
.L_overlay_start_1:
0x0: {  	(tag) =	ssettag $0x1  }
0x1: {  	s0 =	srdreg.scid  }
0x2: {  	s1 =	stileid.u32;
	s0 =	sand.u32 $0x1, s0  }
0x3: {  	s1 =	sshll.u32 s1, $0x9;
	s2 =	sshll.u32 s0, $0x8  }
0x4: {  	s1 =	sor.u32 s2, s1  }
0x5: {  	s6 =	rddreg [dreg:$0x0];
	s3 =	sshrl.u32 s1, $0x3  }
0x6: {  	s2 =	simm.s32 $0x0;
	s1 =	sshll.u32 s1, $0x7;
	s3 =	sadd.s32 s3, s6  }
0x7: {  	[smem:$0x7FF] =	sst s2;
	s1 =	sadd.s32 s1, s6;
	s3 =	sadd.s32 $0x141C00, s3  }
0x8: {  	_ =	strace $0x8000004A;
	s14 =	sadd.s32 $0x1600, s1;
	[dreg:$0x2] =	wrdreg s3  }
0x9: {  	s15 =	sadd.s32 $0x1E00, s1;
	[dreg:$0x3] =	wrdreg s14  }
0xa: {  	s16 =	sadd.s32 $0x2600, s1;
	[dreg:$0x4] =	wrdreg s15  }
0xb: {  	s17 =	sadd.s32 $0x2E00, s1;
	[dreg:$0x5] =	wrdreg s16  }
0xc: {  	s8 =	simm.s32 $0x5;
	s18 =	sadd.s32 $0x3600, s1;
	[dreg:$0x6] =	wrdreg s17  }
0xd: {  	s10 =	simm.s32 $0xC100;
	s19 =	sadd.s32 $0x3E00, s1;
	[dreg:$0x7] =	wrdreg s18  }
0xe: {  	s28 =	simm.s32 $0x1900;
	s20 =	sadd.s32 $0x4600, s1;
	[dreg:$0x8] =	wrdreg s19  }
0xf: {  	s29 =	simm.s32 $0x2100;
	s21 =	sadd.s32 $0x4E00, s1;
	[dreg:$0x9] =	wrdreg s20  }
0x10: {  	s30 =	simm.s32 $0x2900;
	s4 =	sadd.s32 $0x5600, s1;
	[dreg:$0xa] =	wrdreg s21  }
0x11: {  	s31 =	simm.s32 $0x3100;
	s22 =	sadd.s32 $0x5E00, s1;
	[dreg:$0xb] =	wrdreg s4  }
0x12: {  	s0 =	ssub.s32 $0x2, s0;
	s23 =	sadd.s32 $0x6600, s1;
	[dreg:$0xc] =	wrdreg s22  }
0x13: {  	s5 =	sshrl.u32 s0, $0x1;
	s24 =	sadd.s32 $0x6E00, s1;
	[dreg:$0xd] =	wrdreg s23  }
0x14: {  	s0 =	ssub.s32 s0, s5;
	s25 =	sadd.s32 $0x7600, s1;
	[dreg:$0xe] =	wrdreg s24  }
0x15: {  	s5 =	sadd.s32 $0x143000, s6;
	s7 =	sadd.s32 $0x7E00, s1;
	[dreg:$0xf] =	wrdreg s25  }
0x16: {  	s26 =	sadd.s32 $0x8600, s1;
	s1 =	sadd.s32 $0x8E00, s1;
	[dreg:$0x10] =	wrdreg s7  }
0x17: {  	s3 =	sadd.s32 $0x142E00, s6;
	s4 =	sadd.s32 $0x142F00, s6;
	[dreg:$0x11] =	wrdreg s26  }
0x18: {  	s6 =	sadd.s32 $0x143100, s6;
	[dreg:$0x12] =	wrdreg s1;
	s7 =	smax.u32 s0, $0x1  }
0x19: {  	v2 =	vlaneseq.u32;
	s15 =	simm.s32 $0x100;
	s17 =	simm.s32 $0x4100;
	s25 =	simm.s32 $0x8100  }
0x1a: {  	vm0 =	vmmov $0xffff;
	v1 =	vshrl.u32 v2, $0x3;
	s19 =	simm.s32 $0x1;
	s20 =	simm.s32 $0x2;
	s21 =	simm.s32 $0x3  }
0x1b: {  	v0 =	vand.u32 $0x7, v2;
	v2 =	vor.u32 $0x8, v2;
	v1 =	vmul.u32 $0x8, v1;
	s22 =	simm.s32 $0x4;
	s24 =	simm.s32 $0x900;
	s26 =	simm.s32 $0x1100  }
.LBB2_1:
0x1c: {  	s23 =	rddreg [dreg:$0x2]  }
0x1d: {  	[tilespmem:s2], [sflag:$0x5] =	stream.linear.gather [hbm4b:s23+s2], $0x100, $0x38;
	[tilespmem:$0x10100] =	vst v63  }
0x1e: {  	_ =	swait.ge [sflag:s8], $0x100  }
0x1f: {  	[sflag:s8] =	ssyncset.done $0x0  }
0x20: {  	[sflag:s8] =	ssyncadd.s32 $0xFFFFFF00  }
0x21: {  	v3 =	vld [tilespmem:$0x0];
	_ =	sdelay $0x4  }
0x22: {  	v4 =	vshll.u32 v3, $0x3  }
0x23: {  	v3 =	vand.u32 $0x7, v3;
	v4 =	vand.u32 $0xFFFFFFC0, v4  }
0x24: {  	v3 =	vor.u32 v3, v4  }
0x25: {  	v4 =	vperm.xlane v3, v0;
	_ =	sdelay $0x1  }
0x26: {  	v4 =	vadd.s32 v1, v4;
	_ =	sdelay $0x4  }
0x27: {  	[tilespmem:s15], [sflag:$0x1] =	stream.indirect_vreg.gather [hbm4b:s3+s2], $0x80, v4, vm0, $0xb8;
	[tilespmem:$0x10100] =	vst v63  }
0x28: {  	v3 =	vperm.xlane v3, v2  }
0x29: {  	[tilespmem:s24], [sflag:$0x1] =	stream.indirect_vreg.gather [hbm4b:s4+s2], $0x80, v4, vm0, $0xb8;
	[tilespmem:$0x10100] =	vst v63  }
0x2a: {  	v3 =	vadd.s32 v1, v3  }
0x2b: {  	[tilespmem:s26], [sflag:$0x1] =	stream.indirect_vreg.gather [hbm4b:s5+s2], $0x80, v4, vm0, $0xb8;
	[tilespmem:$0x10100] =	vst v63  }
0x2c: {  	_ = 	snop  }
0x2d: {  	[tilespmem:s28], [sflag:$0x1] =	stream.indirect_vreg.gather [hbm4b:s6+s2], $0x80, v4, vm0, $0xb8;
	[tilespmem:$0x10100] =	vst v63  }
0x2e: {  	_ = 	snop  }
0x2f: {  	[tilespmem:s29], [sflag:$0x1] =	stream.indirect_vreg.gather [hbm4b:s3+s2], $0x80, v3, vm0, $0xb8;
	[tilespmem:$0x10100] =	vst v63  }
0x30: {  	_ = 	snop  }
0x31: {  	[tilespmem:s30], [sflag:$0x1] =	stream.indirect_vreg.gather [hbm4b:s4+s2], $0x80, v3, vm0, $0xb8;
	[tilespmem:$0x10100] =	vst v63  }
0x32: {  	_ = 	snop  }
0x33: {  	[tilespmem:s31], [sflag:$0x1] =	stream.indirect_vreg.gather [hbm4b:s5+s2], $0x80, v3, vm0, $0xb8;
	[tilespmem:$0x10100] =	vst v63  }
0x34: {  	s0 =	simm.s32 $0x3900  }
0x35: {  	[tilespmem:s0], [sflag:$0x1] =	stream.indirect_vreg.gather [hbm4b:s6+s2], $0x80, v3, vm0, $0xb8;
	[tilespmem:$0x10100] =	vst v63  }
0x36: {  	v3 =	vld [tilespmem:$0x10];
	_ =	sdelay $0x4  }
0x37: {  	v49 =	vshll.u32 v3, $0x3  }
0x38: {  	v3 =	vand.u32 $0x7, v3;
	v4 =	vand.u32 $0xFFFFFFC0, v49  }
0x39: {  	v3 =	vor.u32 v3, v4  }
0x3a: {  	v4 =	vperm.xlane v3, v0;
	_ =	sdelay $0x1  }
0x3b: {  	v4 =	vadd.s32 v1, v4;
	_ =	sdelay $0x4  }
0x3c: {  	[tilespmem:s17], [sflag:$0x2] =	stream.indirect_vreg.gather [hbm4b:s3+s2], $0x80, v4, vm0, $0xb8;
	[tilespmem:$0x10100] =	vst v63  }
0x3d: {  	s11 =	simm.s32 $0x4900;
	v3 =	vperm.xlane v3, v2  }
0x3e: {  	[tilespmem:s11], [sflag:$0x2] =	stream.indirect_vreg.gather [hbm4b:s4+s2], $0x80, v4, vm0, $0xb8;
	[tilespmem:$0x10100] =	vst v63  }
0x3f: {  	s12 =	simm.s32 $0x5100;
	v3 =	vadd.s32 v1, v3  }
0x40: {  	[tilespmem:s12], [sflag:$0x2] =	stream.indirect_vreg.gather [hbm4b:s5+s2], $0x80, v4, vm0, $0xb8;
	[tilespmem:$0x10100] =	vst v63  }
0x41: {  	s13 =	simm.s32 $0x5900  }
0x42: {  	[tilespmem:s13], [sflag:$0x2] =	stream.indirect_vreg.gather [hbm4b:s6+s2], $0x80, v4, vm0, $0xb8;
	[tilespmem:$0x10100] =	vst v63  }
0x43: {  	s18 =	simm.s32 $0x6100  }
0x44: {  	[tilespmem:s18], [sflag:$0x2] =	stream.indirect_vreg.gather [hbm4b:s3+s2], $0x80, v3, vm0, $0xb8;
	[tilespmem:$0x10100] =	vst v63  }
0x45: {  	s23 =	simm.s32 $0x6900  }
0x46: {  	[tilespmem:s23], [sflag:$0x2] =	stream.indirect_vreg.gather [hbm4b:s4+s2], $0x80, v3, vm0, $0xb8;
	[tilespmem:$0x10100] =	vst v63  }
0x47: {  	s11 =	simm.s32 $0x7100  }
0x48: {  	[tilespmem:s11], [sflag:$0x2] =	stream.indirect_vreg.gather [hbm4b:s5+s2], $0x80, v3, vm0, $0xb8;
	[tilespmem:$0x10100] =	vst v63  }
0x49: {  	s18 =	simm.s32 $0x7900  }
0x4a: {  	[tilespmem:s18], [sflag:$0x2] =	stream.indirect_vreg.gather [hbm4b:s6+s2], $0x80, v3, vm0, $0xb8;
	[tilespmem:$0x10100] =	vst v63  }
0x4b: {  	v3 =	vld [tilespmem:$0x20];
	_ =	sdelay $0x4  }
0x4c: {  	v50 =	vshll.u32 v3, $0x3  }
0x4d: {  	v3 =	vand.u32 $0x7, v3;
	v4 =	vand.u32 $0xFFFFFFC0, v50  }
0x4e: {  	v3 =	vor.u32 v3, v4  }
0x4f: {  	v4 =	vperm.xlane v3, v0;
	_ =	sdelay $0x1  }
0x50: {  	v4 =	vadd.s32 v1, v4;
	_ =	sdelay $0x4  }
0x51: {  	[tilespmem:s25], [sflag:$0x3] =	stream.indirect_vreg.gather [hbm4b:s3+s2], $0x80, v4, vm0, $0xb8;
	[tilespmem:$0x10100] =	vst v63  }
0x52: {  	s18 =	simm.s32 $0x8900;
	v3 =	vperm.xlane v3, v2  }
0x53: {  	[tilespmem:s18], [sflag:$0x3] =	stream.indirect_vreg.gather [hbm4b:s4+s2], $0x80, v4, vm0, $0xb8;
	[tilespmem:$0x10100] =	vst v63  }
0x54: {  	s23 =	simm.s32 $0x9100;
	v3 =	vadd.s32 v1, v3  }
0x55: {  	[tilespmem:s23], [sflag:$0x3] =	stream.indirect_vreg.gather [hbm4b:s5+s2], $0x80, v4, vm0, $0xb8;
	[tilespmem:$0x10100] =	vst v63  }
0x56: {  	s11 =	simm.s32 $0x9900  }
0x57: {  	[tilespmem:s11], [sflag:$0x3] =	stream.indirect_vreg.gather [hbm4b:s6+s2], $0x80, v4, vm0, $0xb8;
	[tilespmem:$0x10100] =	vst v63  }
0x58: {  	s23 =	simm.s32 $0xA100  }
0x59: {  	[tilespmem:s23], [sflag:$0x3] =	stream.indirect_vreg.gather [hbm4b:s3+s2], $0x80, v3, vm0, $0xb8;
	[tilespmem:$0x10100] =	vst v63  }
0x5a: {  	s11 =	simm.s32 $0xA900  }
0x5b: {  	[tilespmem:s11], [sflag:$0x3] =	stream.indirect_vreg.gather [hbm4b:s4+s2], $0x80, v3, vm0, $0xb8;
	[tilespmem:$0x10100] =	vst v63  }
0x5c: {  	s23 =	simm.s32 $0xB100  }
0x5d: {  	[tilespmem:s23], [sflag:$0x3] =	stream.indirect_vreg.gather [hbm4b:s5+s2], $0x80, v3, vm0, $0xb8;
	[tilespmem:$0x10100] =	vst v63  }
0x5e: {  	s11 =	simm.s32 $0xB900  }
0x5f: {  	[tilespmem:s11], [sflag:$0x3] =	stream.indirect_vreg.gather [hbm4b:s6+s2], $0x80, v3, vm0, $0xb8;
	[tilespmem:$0x10100] =	vst v63  }
0x60: {  	v3 =	vld [tilespmem:$0x30];
	_ =	sdelay $0x4  }
0x61: {  	v51 =	vshll.u32 v3, $0x3  }
0x62: {  	v3 =	vand.u32 $0x7, v3;
	v4 =	vand.u32 $0xFFFFFFC0, v51  }
0x63: {  	v3 =	vor.u32 v3, v4  }
0x64: {  	v4 =	vperm.xlane v3, v0;
	_ =	sdelay $0x1  }
0x65: {  	v4 =	vadd.s32 v1, v4;
	_ =	sdelay $0x4  }
0x66: {  	[tilespmem:s10], [sflag:$0x4] =	stream.indirect_vreg.gather [hbm4b:s3+s2], $0x80, v4, vm0, $0xb8;
	[tilespmem:$0x10100] =	vst v63  }
0x67: {  	s18 =	simm.s32 $0xC900;
	v3 =	vperm.xlane v3, v2  }
0x68: {  	[tilespmem:s18], [sflag:$0x4] =	stream.indirect_vreg.gather [hbm4b:s4+s2], $0x80, v4, vm0, $0xb8;
	[tilespmem:$0x10100] =	vst v63  }
0x69: {  	s23 =	simm.s32 $0xD100;
	v3 =	vadd.s32 v1, v3  }
0x6a: {  	[tilespmem:s23], [sflag:$0x4] =	stream.indirect_vreg.gather [hbm4b:s5+s2], $0x80, v4, vm0, $0xb8;
	[tilespmem:$0x10100] =	vst v63  }
0x6b: {  	s23 =	simm.s32 $0xD900  }
0x6c: {  	[tilespmem:s23], [sflag:$0x4] =	stream.indirect_vreg.gather [hbm4b:s6+s2], $0x80, v4, vm0, $0xb8;
	[tilespmem:$0x10100] =	vst v63  }
0x6d: {  	s23 =	simm.s32 $0xE100  }
0x6e: {  	[tilespmem:s23], [sflag:$0x4] =	stream.indirect_vreg.gather [hbm4b:s3+s2], $0x80, v3, vm0, $0xb8;
	[tilespmem:$0x10100] =	vst v63  }
0x6f: {  	s23 =	simm.s32 $0xE900  }
0x70: {  	[tilespmem:s23], [sflag:$0x4] =	stream.indirect_vreg.gather [hbm4b:s4+s2], $0x80, v3, vm0, $0xb8;
	[tilespmem:$0x10100] =	vst v63  }
0x71: {  	s23 =	simm.s32 $0xF100  }
0x72: {  	[tilespmem:s23], [sflag:$0x4] =	stream.indirect_vreg.gather [hbm4b:s5+s2], $0x80, v3, vm0, $0xb8;
	[tilespmem:$0x10100] =	vst v63  }
0x73: {  	s23 =	simm.s32 $0xF900  }
0x74: {  	[tilespmem:s23], [sflag:$0x4] =	stream.indirect_vreg.gather [hbm4b:s6+s2], $0x80, v3, vm0, $0xb8;
	[tilespmem:$0x10100] =	vst v63  }
0x75: {  	_ =	swait.ge [sflag:s19], $0x4000  }
0x76: {  	[sflag:s19] =	ssyncset.done $0x0  }
0x77: {  	s23 =	rddreg [dreg:$0x3];
	[sflag:s19] =	ssyncadd.s32 $0xFFFFC000  }
0x78: {  	[hbm4b:s23+s2] =	stream.linear.scatter [tilespmem:s15], [sflag:$0x5], $0x4000, $0x38;
	[tilespmem:$0x10100] =	vst v63  }
0x79: {  	_ =	swait.ge [sflag:s8], $0x4000  }
0x7a: {  	[sflag:s8] =	ssyncset.done $0x0  }
0x7b: {  	[sflag:s8] =	ssyncadd.s32 $0xFFFFC000  }
0x7c: {  	v3 =	vld [tilespmem:$0x40];
	_ =	sdelay $0x4  }
0x7d: {  	v52 =	vshll.u32 v3, $0x3  }
0x7e: {  	v3 =	vand.u32 $0x7, v3;
	v4 =	vand.u32 $0xFFFFFFC0, v52  }
0x7f: {  	v3 =	vor.u32 v3, v4  }
0x80: {  	v4 =	vperm.xlane v3, v0;
	_ =	sdelay $0x1  }
0x81: {  	v4 =	vadd.s32 v1, v4;
	_ =	sdelay $0x4  }
0x82: {  	[tilespmem:s15], [sflag:$0x1] =	stream.indirect_vreg.gather [hbm4b:s3+s2], $0x80, v4, vm0, $0xb8;
	[tilespmem:$0x10100] =	vst v63  }
0x83: {  	v3 =	vperm.xlane v3, v2  }
0x84: {  	[tilespmem:s24], [sflag:$0x1] =	stream.indirect_vreg.gather [hbm4b:s4+s2], $0x80, v4, vm0, $0xb8;
	[tilespmem:$0x10100] =	vst v63  }
0x85: {  	v3 =	vadd.s32 v1, v3  }
0x86: {  	[tilespmem:s26], [sflag:$0x1] =	stream.indirect_vreg.gather [hbm4b:s5+s2], $0x80, v4, vm0, $0xb8;
	[tilespmem:$0x10100] =	vst v63  }
0x87: {  	_ = 	snop  }
0x88: {  	[tilespmem:s28], [sflag:$0x1] =	stream.indirect_vreg.gather [hbm4b:s6+s2], $0x80, v4, vm0, $0xb8;
	[tilespmem:$0x10100] =	vst v63  }
0x89: {  	_ = 	snop  }
0x8a: {  	[tilespmem:s29], [sflag:$0x1] =	stream.indirect_vreg.gather [hbm4b:s3+s2], $0x80, v3, vm0, $0xb8;
	[tilespmem:$0x10100] =	vst v63  }
0x8b: {  	_ = 	snop  }
0x8c: {  	[tilespmem:s30], [sflag:$0x1] =	stream.indirect_vreg.gather [hbm4b:s4+s2], $0x80, v3, vm0, $0xb8;
	[tilespmem:$0x10100] =	vst v63  }
0x8d: {  	_ = 	snop  }
0x8e: {  	[tilespmem:s31], [sflag:$0x1] =	stream.indirect_vreg.gather [hbm4b:s5+s2], $0x80, v3, vm0, $0xb8;
	[tilespmem:$0x10100] =	vst v63  }
0x8f: {  	s16 =	simm.s32 $0x3900  }
0x90: {  	[tilespmem:s16], [sflag:$0x1] =	stream.indirect_vreg.gather [hbm4b:s6+s2], $0x80, v3, vm0, $0xb8;
	[tilespmem:$0x10100] =	vst v63  }
0x91: {  	_ =	swait.ge [sflag:s20], $0x4000  }
0x92: {  	[sflag:s20] =	ssyncset.done $0x0  }
0x93: {  	s16 =	rddreg [dreg:$0x4];
	[sflag:s20] =	ssyncadd.s32 $0xFFFFC000  }
0x94: {  	[hbm4b:s16+s2] =	stream.linear.scatter [tilespmem:s17], [sflag:$0x5], $0x4000, $0x38;
	[tilespmem:$0x10100] =	vst v63  }
0x95: {  	_ =	swait.ge [sflag:s8], $0x4000  }
0x96: {  	[sflag:s8] =	ssyncset.done $0x0  }
0x97: {  	[sflag:s8] =	ssyncadd.s32 $0xFFFFC000  }
0x98: {  	v3 =	vld [tilespmem:$0x50];
	_ =	sdelay $0x4  }
0x99: {  	v53 =	vshll.u32 v3, $0x3  }
0x9a: {  	v3 =	vand.u32 $0x7, v3;
	v4 =	vand.u32 $0xFFFFFFC0, v53  }
0x9b: {  	v3 =	vor.u32 v3, v4  }
0x9c: {  	v4 =	vperm.xlane v3, v0;
	_ =	sdelay $0x1  }
0x9d: {  	v4 =	vadd.s32 v1, v4;
	_ =	sdelay $0x4  }
0x9e: {  	[tilespmem:s17], [sflag:$0x2] =	stream.indirect_vreg.gather [hbm4b:s3+s2], $0x80, v4, vm0, $0xb8;
	[tilespmem:$0x10100] =	vst v63  }
0x9f: {  	s14 =	simm.s32 $0x4900;
	v3 =	vperm.xlane v3, v2  }
0xa0: {  	[tilespmem:s14], [sflag:$0x2] =	stream.indirect_vreg.gather [hbm4b:s4+s2], $0x80, v4, vm0, $0xb8;
	[tilespmem:$0x10100] =	vst v63  }
0xa1: {  	s1 =	simm.s32 $0x5100;
	v3 =	vadd.s32 v1, v3  }
0xa2: {  	[tilespmem:s1], [sflag:$0x2] =	stream.indirect_vreg.gather [hbm4b:s5+s2], $0x80, v4, vm0, $0xb8;
	[tilespmem:$0x10100] =	vst v63  }
0xa3: {  	s9 =	simm.s32 $0x5900  }
0xa4: {  	[tilespmem:s9], [sflag:$0x2] =	stream.indirect_vreg.gather [hbm4b:s6+s2], $0x80, v4, vm0, $0xb8;
	[tilespmem:$0x10100] =	vst v63  }
0xa5: {  	s12 =	simm.s32 $0x6100  }
0xa6: {  	[tilespmem:s12], [sflag:$0x2] =	stream.indirect_vreg.gather [hbm4b:s3+s2], $0x80, v3, vm0, $0xb8;
	[tilespmem:$0x10100] =	vst v63  }
0xa7: {  	s13 =	simm.s32 $0x6900  }
0xa8: {  	[tilespmem:s13], [sflag:$0x2] =	stream.indirect_vreg.gather [hbm4b:s4+s2], $0x80, v3, vm0, $0xb8;
	[tilespmem:$0x10100] =	vst v63  }
0xa9: {  	s14 =	simm.s32 $0x7100  }
0xaa: {  	[tilespmem:s14], [sflag:$0x2] =	stream.indirect_vreg.gather [hbm4b:s5+s2], $0x80, v3, vm0, $0xb8;
	[tilespmem:$0x10100] =	vst v63  }
0xab: {  	s16 =	simm.s32 $0x7900  }
0xac: {  	[tilespmem:s16], [sflag:$0x2] =	stream.indirect_vreg.gather [hbm4b:s6+s2], $0x80, v3, vm0, $0xb8;
	[tilespmem:$0x10100] =	vst v63  }
0xad: {  	_ =	swait.ge [sflag:s21], $0x4000  }
0xae: {  	[sflag:s21] =	ssyncset.done $0x0  }
0xaf: {  	s9 =	rddreg [dreg:$0x5];
	[sflag:s21] =	ssyncadd.s32 $0xFFFFC000  }
0xb0: {  	[hbm4b:s9+s2] =	stream.linear.scatter [tilespmem:s25], [sflag:$0x5], $0x4000, $0x38;
	[tilespmem:$0x10100] =	vst v63  }
0xb1: {  	_ =	swait.ge [sflag:s8], $0x4000  }
0xb2: {  	[sflag:s8] =	ssyncset.done $0x0  }
0xb3: {  	[sflag:s8] =	ssyncadd.s32 $0xFFFFC000  }
0xb4: {  	v3 =	vld [tilespmem:$0x60];
	_ =	sdelay $0x4  }
0xb5: {  	v54 =	vshll.u32 v3, $0x3  }
0xb6: {  	v3 =	vand.u32 $0x7, v3;
	v4 =	vand.u32 $0xFFFFFFC0, v54  }
0xb7: {  	v3 =	vor.u32 v3, v4  }
0xb8: {  	v4 =	vperm.xlane v3, v0;
	_ =	sdelay $0x1  }
0xb9: {  	v4 =	vadd.s32 v1, v4;
	_ =	sdelay $0x4  }
0xba: {  	[tilespmem:s25], [sflag:$0x3] =	stream.indirect_vreg.gather [hbm4b:s3+s2], $0x80, v4, vm0, $0xb8;
	[tilespmem:$0x10100] =	vst v63  }
0xbb: {  	s0 =	simm.s32 $0x8900;
	v3 =	vperm.xlane v3, v2  }
0xbc: {  	[tilespmem:s0], [sflag:$0x3] =	stream.indirect_vreg.gather [hbm4b:s4+s2], $0x80, v4, vm0, $0xb8;
	[tilespmem:$0x10100] =	vst v63  }
0xbd: {  	v3 =	vadd.s32 v1, v3;
	s0 =	simm.s32 $0x9100  }
0xbe: {  	[tilespmem:s0], [sflag:$0x3] =	stream.indirect_vreg.gather [hbm4b:s5+s2], $0x80, v4, vm0, $0xb8;
	[tilespmem:$0x10100] =	vst v63  }
0xbf: {  	s1 =	simm.s32 $0x9900  }
0xc0: {  	[tilespmem:s1], [sflag:$0x3] =	stream.indirect_vreg.gather [hbm4b:s6+s2], $0x80, v4, vm0, $0xb8;
	[tilespmem:$0x10100] =	vst v63  }
0xc1: {  	s9 =	simm.s32 $0xA100  }
0xc2: {  	[tilespmem:s9], [sflag:$0x3] =	stream.indirect_vreg.gather [hbm4b:s3+s2], $0x80, v3, vm0, $0xb8;
	[tilespmem:$0x10100] =	vst v63  }
0xc3: {  	s12 =	simm.s32 $0xA900  }
0xc4: {  	[tilespmem:s12], [sflag:$0x3] =	stream.indirect_vreg.gather [hbm4b:s4+s2], $0x80, v3, vm0, $0xb8;
	[tilespmem:$0x10100] =	vst v63  }
0xc5: {  	s13 =	simm.s32 $0xB100  }
0xc6: {  	[tilespmem:s13], [sflag:$0x3] =	stream.indirect_vreg.gather [hbm4b:s5+s2], $0x80, v3, vm0, $0xb8;
	[tilespmem:$0x10100] =	vst v63  }
0xc7: {  	s11 =	simm.s32 $0xB900  }
0xc8: {  	[tilespmem:s11], [sflag:$0x3] =	stream.indirect_vreg.gather [hbm4b:s6+s2], $0x80, v3, vm0, $0xb8;
	[tilespmem:$0x10100] =	vst v63  }
0xc9: {  	_ =	swait.ge [sflag:s22], $0x4000  }
0xca: {  	[sflag:s22] =	ssyncset.done $0x0  }
0xcb: {  	s11 =	rddreg [dreg:$0x6];
	[sflag:s22] =	ssyncadd.s32 $0xFFFFC000  }
0xcc: {  	[hbm4b:s11+s2] =	stream.linear.scatter [tilespmem:s10], [sflag:$0x5], $0x4000, $0x38;
	[tilespmem:$0x10100] =	vst v63  }
0xcd: {  	_ =	swait.ge [sflag:s8], $0x4000  }
0xce: {  	[sflag:s8] =	ssyncset.done $0x0  }
0xcf: {  	[sflag:s8] =	ssyncadd.s32 $0xFFFFC000  }
0xd0: {  	v3 =	vld [tilespmem:$0x70];
	_ =	sdelay $0x4  }
0xd1: {  	v55 =	vshll.u32 v3, $0x3  }
0xd2: {  	v3 =	vand.u32 $0x7, v3;
	v4 =	vand.u32 $0xFFFFFFC0, v55  }
0xd3: {  	v3 =	vor.u32 v3, v4  }
0xd4: {  	v4 =	vperm.xlane v3, v0;
	_ =	sdelay $0x1  }
0xd5: {  	v4 =	vadd.s32 v1, v4;
	_ =	sdelay $0x4  }
0xd6: {  	[tilespmem:s10], [sflag:$0x4] =	stream.indirect_vreg.gather [hbm4b:s3+s2], $0x80, v4, vm0, $0xb8;
	[tilespmem:$0x10100] =	vst v63  }
0xd7: {  	s18 =	simm.s32 $0xC900;
	v3 =	vperm.xlane v3, v2  }
0xd8: {  	[tilespmem:s18], [sflag:$0x4] =	stream.indirect_vreg.gather [hbm4b:s4+s2], $0x80, v4, vm0, $0xb8;
	[tilespmem:$0x10100] =	vst v63  }
0xd9: {  	v3 =	vadd.s32 v1, v3;
	s18 =	simm.s32 $0xD100  }
0xda: {  	[tilespmem:s18], [sflag:$0x4] =	stream.indirect_vreg.gather [hbm4b:s5+s2], $0x80, v4, vm0, $0xb8;
	[tilespmem:$0x10100] =	vst v63  }
0xdb: {  	s23 =	simm.s32 $0xD900  }
0xdc: {  	[tilespmem:s23], [sflag:$0x4] =	stream.indirect_vreg.gather [hbm4b:s6+s2], $0x80, v4, vm0, $0xb8;
	[tilespmem:$0x10100] =	vst v63  }
0xdd: {  	s23 =	simm.s32 $0xE100  }
0xde: {  	[tilespmem:s23], [sflag:$0x4] =	stream.indirect_vreg.gather [hbm4b:s3+s2], $0x80, v3, vm0, $0xb8;
	[tilespmem:$0x10100] =	vst v63  }
0xdf: {  	s23 =	simm.s32 $0xE900  }
0xe0: {  	[tilespmem:s23], [sflag:$0x4] =	stream.indirect_vreg.gather [hbm4b:s4+s2], $0x80, v3, vm0, $0xb8;
	[tilespmem:$0x10100] =	vst v63  }
0xe1: {  	s23 =	simm.s32 $0xF100  }
0xe2: {  	[tilespmem:s23], [sflag:$0x4] =	stream.indirect_vreg.gather [hbm4b:s5+s2], $0x80, v3, vm0, $0xb8;
	[tilespmem:$0x10100] =	vst v63  }
0xe3: {  	s23 =	simm.s32 $0xF900  }
0xe4: {  	[tilespmem:s23], [sflag:$0x4] =	stream.indirect_vreg.gather [hbm4b:s6+s2], $0x80, v3, vm0, $0xb8;
	[tilespmem:$0x10100] =	vst v63  }
0xe5: {  	_ =	swait.ge [sflag:s19], $0x4000  }
0xe6: {  	[sflag:s19] =	ssyncset.done $0x0  }
0xe7: {  	s11 =	rddreg [dreg:$0x7];
	[sflag:s19] =	ssyncadd.s32 $0xFFFFC000  }
0xe8: {  	[hbm4b:s11+s2] =	stream.linear.scatter [tilespmem:s15], [sflag:$0x5], $0x4000, $0x38;
	[tilespmem:$0x10100] =	vst v63  }
0xe9: {  	_ =	swait.ge [sflag:s8], $0x4000  }
0xea: {  	[sflag:s8] =	ssyncset.done $0x0  }
0xeb: {  	[sflag:s8] =	ssyncadd.s32 $0xFFFFC000  }
0xec: {  	v3 =	vld [tilespmem:$0x80];
	_ =	sdelay $0x4  }
0xed: {  	v56 =	vshll.u32 v3, $0x3  }
0xee: {  	v3 =	vand.u32 $0x7, v3;
	v4 =	vand.u32 $0xFFFFFFC0, v56  }
0xef: {  	v3 =	vor.u32 v3, v4  }
0xf0: {  	v4 =	vperm.xlane v3, v0;
	_ =	sdelay $0x1  }
0xf1: {  	v4 =	vadd.s32 v1, v4;
	_ =	sdelay $0x4  }
0xf2: {  	[tilespmem:s15], [sflag:$0x1] =	stream.indirect_vreg.gather [hbm4b:s3+s2], $0x80, v4, vm0, $0xb8;
	[tilespmem:$0x10100] =	vst v63  }
0xf3: {  	v3 =	vperm.xlane v3, v2  }
0xf4: {  	[tilespmem:s24], [sflag:$0x1] =	stream.indirect_vreg.gather [hbm4b:s4+s2], $0x80, v4, vm0, $0xb8;
	[tilespmem:$0x10100] =	vst v63  }
0xf5: {  	v3 =	vadd.s32 v1, v3  }
0xf6: {  	[tilespmem:s26], [sflag:$0x1] =	stream.indirect_vreg.gather [hbm4b:s5+s2], $0x80, v4, vm0, $0xb8;
	[tilespmem:$0x10100] =	vst v63  }
0xf7: {  	_ = 	snop  }
0xf8: {  	[tilespmem:s28], [sflag:$0x1] =	stream.indirect_vreg.gather [hbm4b:s6+s2], $0x80, v4, vm0, $0xb8;
	[tilespmem:$0x10100] =	vst v63  }
0xf9: {  	_ = 	snop  }
0xfa: {  	[tilespmem:s29], [sflag:$0x1] =	stream.indirect_vreg.gather [hbm4b:s3+s2], $0x80, v3, vm0, $0xb8;
	[tilespmem:$0x10100] =	vst v63  }
0xfb: {  	_ = 	snop  }
0xfc: {  	[tilespmem:s30], [sflag:$0x1] =	stream.indirect_vreg.gather [hbm4b:s4+s2], $0x80, v3, vm0, $0xb8;
	[tilespmem:$0x10100] =	vst v63  }
0xfd: {  	_ = 	snop  }
0xfe: {  	[tilespmem:s31], [sflag:$0x1] =	stream.indirect_vreg.gather [hbm4b:s5+s2], $0x80, v3, vm0, $0xb8;
	[tilespmem:$0x10100] =	vst v63  }
0xff: {  	s23 =	simm.s32 $0x3900  }
0x100: {  	[tilespmem:s23], [sflag:$0x1] =	stream.indirect_vreg.gather [hbm4b:s6+s2], $0x80, v3, vm0, $0xb8;
	[tilespmem:$0x10100] =	vst v63  }
0x101: {  	_ =	swait.ge [sflag:s20], $0x4000  }
0x102: {  	[sflag:s20] =	ssyncset.done $0x0  }
0x103: {  	s11 =	rddreg [dreg:$0x8];
	[sflag:s20] =	ssyncadd.s32 $0xFFFFC000  }
0x104: {  	[hbm4b:s11+s2] =	stream.linear.scatter [tilespmem:s17], [sflag:$0x5], $0x4000, $0x38;
	[tilespmem:$0x10100] =	vst v63  }
0x105: {  	_ =	swait.ge [sflag:s8], $0x4000  }
0x106: {  	[sflag:s8] =	ssyncset.done $0x0  }
0x107: {  	[sflag:s8] =	ssyncadd.s32 $0xFFFFC000  }
0x108: {  	v3 =	vld [tilespmem:$0x90];
	_ =	sdelay $0x4  }
0x109: {  	v57 =	vshll.u32 v3, $0x3  }
0x10a: {  	v3 =	vand.u32 $0x7, v3;
	v4 =	vand.u32 $0xFFFFFFC0, v57  }
0x10b: {  	v3 =	vor.u32 v3, v4  }
0x10c: {  	v4 =	vperm.xlane v3, v0;
	_ =	sdelay $0x1  }
0x10d: {  	v4 =	vadd.s32 v1, v4;
	_ =	sdelay $0x4  }
0x10e: {  	[tilespmem:s17], [sflag:$0x2] =	stream.indirect_vreg.gather [hbm4b:s3+s2], $0x80, v4, vm0, $0xb8;
	[tilespmem:$0x10100] =	vst v63  }
0x10f: {  	s23 =	simm.s32 $0x4900;
	v3 =	vperm.xlane v3, v2  }
0x110: {  	[tilespmem:s23], [sflag:$0x2] =	stream.indirect_vreg.gather [hbm4b:s4+s2], $0x80, v4, vm0, $0xb8;
	[tilespmem:$0x10100] =	vst v63  }
0x111: {  	v3 =	vadd.s32 v1, v3;
	s23 =	simm.s32 $0x5100  }
0x112: {  	[tilespmem:s23], [sflag:$0x2] =	stream.indirect_vreg.gather [hbm4b:s5+s2], $0x80, v4, vm0, $0xb8;
	[tilespmem:$0x10100] =	vst v63  }
0x113: {  	s23 =	simm.s32 $0x5900  }
0x114: {  	[tilespmem:s23], [sflag:$0x2] =	stream.indirect_vreg.gather [hbm4b:s6+s2], $0x80, v4, vm0, $0xb8;
	[tilespmem:$0x10100] =	vst v63  }
0x115: {  	s23 =	simm.s32 $0x6100  }
0x116: {  	[tilespmem:s23], [sflag:$0x2] =	stream.indirect_vreg.gather [hbm4b:s3+s2], $0x80, v3, vm0, $0xb8;
	[tilespmem:$0x10100] =	vst v63  }
0x117: {  	s23 =	simm.s32 $0x6900  }
0x118: {  	[tilespmem:s23], [sflag:$0x2] =	stream.indirect_vreg.gather [hbm4b:s4+s2], $0x80, v3, vm0, $0xb8;
	[tilespmem:$0x10100] =	vst v63  }
0x119: {  	_ = 	snop  }
0x11a: {  	[tilespmem:s14], [sflag:$0x2] =	stream.indirect_vreg.gather [hbm4b:s5+s2], $0x80, v3, vm0, $0xb8;
	[tilespmem:$0x10100] =	vst v63  }
0x11b: {  	_ = 	snop  }
0x11c: {  	[tilespmem:s16], [sflag:$0x2] =	stream.indirect_vreg.gather [hbm4b:s6+s2], $0x80, v3, vm0, $0xb8;
	[tilespmem:$0x10100] =	vst v63  }
0x11d: {  	_ =	swait.ge [sflag:s21], $0x4000  }
0x11e: {  	[sflag:s21] =	ssyncset.done $0x0  }
0x11f: {  	s16 =	rddreg [dreg:$0x9];
	[sflag:s21] =	ssyncadd.s32 $0xFFFFC000  }
0x120: {  	[hbm4b:s16+s2] =	stream.linear.scatter [tilespmem:s25], [sflag:$0x5], $0x4000, $0x38;
	[tilespmem:$0x10100] =	vst v63  }
0x121: {  	_ =	swait.ge [sflag:s8], $0x4000  }
0x122: {  	[sflag:s8] =	ssyncset.done $0x0  }
0x123: {  	[sflag:s8] =	ssyncadd.s32 $0xFFFFC000  }
0x124: {  	v3 =	vld [tilespmem:$0xA0];
	_ =	sdelay $0x4  }
0x125: {  	v58 =	vshll.u32 v3, $0x3  }
0x126: {  	v3 =	vand.u32 $0x7, v3;
	v4 =	vand.u32 $0xFFFFFFC0, v58  }
0x127: {  	v3 =	vor.u32 v3, v4  }
0x128: {  	v4 =	vperm.xlane v3, v0;
	_ =	sdelay $0x1  }
0x129: {  	v4 =	vadd.s32 v1, v4;
	_ =	sdelay $0x4  }
0x12a: {  	[tilespmem:s25], [sflag:$0x3] =	stream.indirect_vreg.gather [hbm4b:s3+s2], $0x80, v4, vm0, $0xb8;
	[tilespmem:$0x10100] =	vst v63  }
0x12b: {  	s23 =	simm.s32 $0x8900;
	v3 =	vperm.xlane v3, v2  }
0x12c: {  	[tilespmem:s23], [sflag:$0x3] =	stream.indirect_vreg.gather [hbm4b:s4+s2], $0x80, v4, vm0, $0xb8;
	[tilespmem:$0x10100] =	vst v63  }
0x12d: {  	v3 =	vadd.s32 v1, v3  }
0x12e: {  	[tilespmem:s0], [sflag:$0x3] =	stream.indirect_vreg.gather [hbm4b:s5+s2], $0x80, v4, vm0, $0xb8;
	[tilespmem:$0x10100] =	vst v63  }
0x12f: {  	_ = 	snop  }
0x130: {  	[tilespmem:s1], [sflag:$0x3] =	stream.indirect_vreg.gather [hbm4b:s6+s2], $0x80, v4, vm0, $0xb8;
	[tilespmem:$0x10100] =	vst v63  }
0x131: {  	_ = 	snop  }
0x132: {  	[tilespmem:s9], [sflag:$0x3] =	stream.indirect_vreg.gather [hbm4b:s3+s2], $0x80, v3, vm0, $0xb8;
	[tilespmem:$0x10100] =	vst v63  }
0x133: {  	_ = 	snop  }
0x134: {  	[tilespmem:s12], [sflag:$0x3] =	stream.indirect_vreg.gather [hbm4b:s4+s2], $0x80, v3, vm0, $0xb8;
	[tilespmem:$0x10100] =	vst v63  }
0x135: {  	_ = 	snop  }
0x136: {  	[tilespmem:s13], [sflag:$0x3] =	stream.indirect_vreg.gather [hbm4b:s5+s2], $0x80, v3, vm0, $0xb8;
	[tilespmem:$0x10100] =	vst v63  }
0x137: {  	s23 =	simm.s32 $0xB900  }
0x138: {  	[tilespmem:s23], [sflag:$0x3] =	stream.indirect_vreg.gather [hbm4b:s6+s2], $0x80, v3, vm0, $0xb8;
	[tilespmem:$0x10100] =	vst v63  }
0x139: {  	_ =	swait.ge [sflag:s22], $0x4000  }
0x13a: {  	[sflag:s22] =	ssyncset.done $0x0  }
0x13b: {  	s16 =	rddreg [dreg:$0xa];
	[sflag:s22] =	ssyncadd.s32 $0xFFFFC000  }
0x13c: {  	[hbm4b:s16+s2] =	stream.linear.scatter [tilespmem:s10], [sflag:$0x5], $0x4000, $0x38;
	[tilespmem:$0x10100] =	vst v63  }
0x13d: {  	_ =	swait.ge [sflag:s8], $0x4000  }
0x13e: {  	[sflag:s8] =	ssyncset.done $0x0  }
0x13f: {  	[sflag:s8] =	ssyncadd.s32 $0xFFFFC000  }
0x140: {  	v3 =	vld [tilespmem:$0xB0];
	_ =	sdelay $0x4  }
0x141: {  	v59 =	vshll.u32 v3, $0x3  }
0x142: {  	v3 =	vand.u32 $0x7, v3;
	v4 =	vand.u32 $0xFFFFFFC0, v59  }
0x143: {  	v3 =	vor.u32 v3, v4  }
0x144: {  	v4 =	vperm.xlane v3, v0;
	_ =	sdelay $0x1  }
0x145: {  	v4 =	vadd.s32 v1, v4;
	_ =	sdelay $0x4  }
0x146: {  	[tilespmem:s10], [sflag:$0x4] =	stream.indirect_vreg.gather [hbm4b:s3+s2], $0x80, v4, vm0, $0xb8;
	[tilespmem:$0x10100] =	vst v63  }
0x147: {  	s23 =	simm.s32 $0xC900;
	v3 =	vperm.xlane v3, v2  }
0x148: {  	[tilespmem:s23], [sflag:$0x4] =	stream.indirect_vreg.gather [hbm4b:s4+s2], $0x80, v4, vm0, $0xb8;
	[tilespmem:$0x10100] =	vst v63  }
0x149: {  	s18 =	simm.s32 $0xD100;
	v3 =	vadd.s32 v1, v3  }
0x14a: {  	[tilespmem:s18], [sflag:$0x4] =	stream.indirect_vreg.gather [hbm4b:s5+s2], $0x80, v4, vm0, $0xb8;
	[tilespmem:$0x10100] =	vst v63  }
0x14b: {  	s23 =	simm.s32 $0xD900  }
0x14c: {  	[tilespmem:s23], [sflag:$0x4] =	stream.indirect_vreg.gather [hbm4b:s6+s2], $0x80, v4, vm0, $0xb8;
	[tilespmem:$0x10100] =	vst v63  }
0x14d: {  	s23 =	simm.s32 $0xE100  }
0x14e: {  	[tilespmem:s23], [sflag:$0x4] =	stream.indirect_vreg.gather [hbm4b:s3+s2], $0x80, v3, vm0, $0xb8;
	[tilespmem:$0x10100] =	vst v63  }
0x14f: {  	s23 =	simm.s32 $0xE900  }
0x150: {  	[tilespmem:s23], [sflag:$0x4] =	stream.indirect_vreg.gather [hbm4b:s4+s2], $0x80, v3, vm0, $0xb8;
	[tilespmem:$0x10100] =	vst v63  }
0x151: {  	s23 =	simm.s32 $0xF100  }
0x152: {  	[tilespmem:s23], [sflag:$0x4] =	stream.indirect_vreg.gather [hbm4b:s5+s2], $0x80, v3, vm0, $0xb8;
	[tilespmem:$0x10100] =	vst v63  }
0x153: {  	s23 =	simm.s32 $0xF900  }
0x154: {  	[tilespmem:s23], [sflag:$0x4] =	stream.indirect_vreg.gather [hbm4b:s6+s2], $0x80, v3, vm0, $0xb8;
	[tilespmem:$0x10100] =	vst v63  }
0x155: {  	_ =	swait.ge [sflag:s19], $0x4000  }
0x156: {  	[sflag:s19] =	ssyncset.done $0x0  }
0x157: {  	s23 =	rddreg [dreg:$0xb];
	[sflag:s19] =	ssyncadd.s32 $0xFFFFC000  }
0x158: {  	[hbm4b:s23+s2] =	stream.linear.scatter [tilespmem:s15], [sflag:$0x5], $0x4000, $0x38;
	[tilespmem:$0x10100] =	vst v63  }
0x159: {  	_ =	swait.ge [sflag:s8], $0x4000  }
0x15a: {  	[sflag:s8] =	ssyncset.done $0x0  }
0x15b: {  	[sflag:s8] =	ssyncadd.s32 $0xFFFFC000  }
0x15c: {  	v3 =	vld [tilespmem:$0xC0];
	_ =	sdelay $0x4  }
0x15d: {  	v60 =	vshll.u32 v3, $0x3  }
0x15e: {  	v3 =	vand.u32 $0x7, v3;
	v4 =	vand.u32 $0xFFFFFFC0, v60  }
0x15f: {  	v3 =	vor.u32 v3, v4  }
0x160: {  	v4 =	vperm.xlane v3, v0;
	_ =	sdelay $0x1  }
0x161: {  	v4 =	vadd.s32 v1, v4;
	_ =	sdelay $0x4  }
0x162: {  	[tilespmem:s15], [sflag:$0x1] =	stream.indirect_vreg.gather [hbm4b:s3+s2], $0x80, v4, vm0, $0xb8;
	[tilespmem:$0x10100] =	vst v63  }
0x163: {  	v3 =	vperm.xlane v3, v2  }
0x164: {  	[tilespmem:s24], [sflag:$0x1] =	stream.indirect_vreg.gather [hbm4b:s4+s2], $0x80, v4, vm0, $0xb8;
	[tilespmem:$0x10100] =	vst v63  }
0x165: {  	v3 =	vadd.s32 v1, v3  }
0x166: {  	[tilespmem:s26], [sflag:$0x1] =	stream.indirect_vreg.gather [hbm4b:s5+s2], $0x80, v4, vm0, $0xb8;
	[tilespmem:$0x10100] =	vst v63  }
0x167: {  	_ = 	snop  }
0x168: {  	[tilespmem:s28], [sflag:$0x1] =	stream.indirect_vreg.gather [hbm4b:s6+s2], $0x80, v4, vm0, $0xb8;
	[tilespmem:$0x10100] =	vst v63  }
0x169: {  	_ = 	snop  }
0x16a: {  	[tilespmem:s29], [sflag:$0x1] =	stream.indirect_vreg.gather [hbm4b:s3+s2], $0x80, v3, vm0, $0xb8;
	[tilespmem:$0x10100] =	vst v63  }
0x16b: {  	_ = 	snop  }
0x16c: {  	[tilespmem:s30], [sflag:$0x1] =	stream.indirect_vreg.gather [hbm4b:s4+s2], $0x80, v3, vm0, $0xb8;
	[tilespmem:$0x10100] =	vst v63  }
0x16d: {  	_ = 	snop  }
0x16e: {  	[tilespmem:s31], [sflag:$0x1] =	stream.indirect_vreg.gather [hbm4b:s5+s2], $0x80, v3, vm0, $0xb8;
	[tilespmem:$0x10100] =	vst v63  }
0x16f: {  	s23 =	simm.s32 $0x3900  }
0x170: {  	[tilespmem:s23], [sflag:$0x1] =	stream.indirect_vreg.gather [hbm4b:s6+s2], $0x80, v3, vm0, $0xb8;
	[tilespmem:$0x10100] =	vst v63  }
0x171: {  	_ =	swait.ge [sflag:s20], $0x4000  }
0x172: {  	[sflag:s20] =	ssyncset.done $0x0  }
0x173: {  	s23 =	rddreg [dreg:$0xc];
	[sflag:s20] =	ssyncadd.s32 $0xFFFFC000  }
0x174: {  	[hbm4b:s23+s2] =	stream.linear.scatter [tilespmem:s17], [sflag:$0x5], $0x4000, $0x38;
	[tilespmem:$0x10100] =	vst v63  }
0x175: {  	_ =	swait.ge [sflag:s8], $0x4000  }
0x176: {  	[sflag:s8] =	ssyncset.done $0x0  }
0x177: {  	[sflag:s8] =	ssyncadd.s32 $0xFFFFC000  }
0x178: {  	v3 =	vld [tilespmem:$0xD0];
	_ =	sdelay $0x4  }
0x179: {  	v61 =	vshll.u32 v3, $0x3  }
0x17a: {  	v3 =	vand.u32 $0x7, v3;
	v4 =	vand.u32 $0xFFFFFFC0, v61  }
0x17b: {  	v3 =	vor.u32 v3, v4  }
0x17c: {  	v4 =	vperm.xlane v3, v0;
	_ =	sdelay $0x1  }
0x17d: {  	v4 =	vadd.s32 v1, v4;
	_ =	sdelay $0x4  }
0x17e: {  	[tilespmem:s17], [sflag:$0x2] =	stream.indirect_vreg.gather [hbm4b:s3+s2], $0x80, v4, vm0, $0xb8;
	[tilespmem:$0x10100] =	vst v63  }
0x17f: {  	s23 =	simm.s32 $0x4900;
	v3 =	vperm.xlane v3, v2  }
0x180: {  	[tilespmem:s23], [sflag:$0x2] =	stream.indirect_vreg.gather [hbm4b:s4+s2], $0x80, v4, vm0, $0xb8;
	[tilespmem:$0x10100] =	vst v63  }
0x181: {  	v3 =	vadd.s32 v1, v3;
	s23 =	simm.s32 $0x5100  }
0x182: {  	[tilespmem:s23], [sflag:$0x2] =	stream.indirect_vreg.gather [hbm4b:s5+s2], $0x80, v4, vm0, $0xb8;
	[tilespmem:$0x10100] =	vst v63  }
0x183: {  	s23 =	simm.s32 $0x5900  }
0x184: {  	[tilespmem:s23], [sflag:$0x2] =	stream.indirect_vreg.gather [hbm4b:s6+s2], $0x80, v4, vm0, $0xb8;
	[tilespmem:$0x10100] =	vst v63  }
0x185: {  	s23 =	simm.s32 $0x6100  }
0x186: {  	[tilespmem:s23], [sflag:$0x2] =	stream.indirect_vreg.gather [hbm4b:s3+s2], $0x80, v3, vm0, $0xb8;
	[tilespmem:$0x10100] =	vst v63  }
0x187: {  	s23 =	simm.s32 $0x6900  }
0x188: {  	[tilespmem:s23], [sflag:$0x2] =	stream.indirect_vreg.gather [hbm4b:s4+s2], $0x80, v3, vm0, $0xb8;
	[tilespmem:$0x10100] =	vst v63  }
0x189: {  	s11 =	simm.s32 $0x7100  }
0x18a: {  	[tilespmem:s11], [sflag:$0x2] =	stream.indirect_vreg.gather [hbm4b:s5+s2], $0x80, v3, vm0, $0xb8;
	[tilespmem:$0x10100] =	vst v63  }
0x18b: {  	s14 =	simm.s32 $0x7900  }
0x18c: {  	[tilespmem:s14], [sflag:$0x2] =	stream.indirect_vreg.gather [hbm4b:s6+s2], $0x80, v3, vm0, $0xb8;
	[tilespmem:$0x10100] =	vst v63  }
0x18d: {  	_ =	swait.ge [sflag:s21], $0x4000  }
0x18e: {  	[sflag:s21] =	ssyncset.done $0x0  }
0x18f: {  	s14 =	rddreg [dreg:$0xd];
	[sflag:s21] =	ssyncadd.s32 $0xFFFFC000  }
0x190: {  	[hbm4b:s14+s2] =	stream.linear.scatter [tilespmem:s25], [sflag:$0x5], $0x4000, $0x38;
	[tilespmem:$0x10100] =	vst v63  }
0x191: {  	_ =	swait.ge [sflag:s8], $0x4000  }
0x192: {  	[sflag:s8] =	ssyncset.done $0x0  }
0x193: {  	[sflag:s8] =	ssyncadd.s32 $0xFFFFC000  }
0x194: {  	v3 =	vld [tilespmem:$0xE0];
	_ =	sdelay $0x4  }
0x195: {  	v62 =	vshll.u32 v3, $0x3  }
0x196: {  	v3 =	vand.u32 $0x7, v3;
	v4 =	vand.u32 $0xFFFFFFC0, v62  }
0x197: {  	v3 =	vor.u32 v3, v4  }
0x198: {  	v4 =	vperm.xlane v3, v0;
	_ =	sdelay $0x1  }
0x199: {  	v4 =	vadd.s32 v1, v4;
	_ =	sdelay $0x4  }
0x19a: {  	[tilespmem:s25], [sflag:$0x3] =	stream.indirect_vreg.gather [hbm4b:s3+s2], $0x80, v4, vm0, $0xb8;
	[tilespmem:$0x10100] =	vst v63  }
0x19b: {  	s23 =	simm.s32 $0x8900;
	v3 =	vperm.xlane v3, v2  }
0x19c: {  	[tilespmem:s23], [sflag:$0x3] =	stream.indirect_vreg.gather [hbm4b:s4+s2], $0x80, v4, vm0, $0xb8;
	[tilespmem:$0x10100] =	vst v63  }
0x19d: {  	s0 =	simm.s32 $0x9100;
	v3 =	vadd.s32 v1, v3  }
0x19e: {  	[tilespmem:s0], [sflag:$0x3] =	stream.indirect_vreg.gather [hbm4b:s5+s2], $0x80, v4, vm0, $0xb8;
	[tilespmem:$0x10100] =	vst v63  }
0x19f: {  	s1 =	simm.s32 $0x9900  }
0x1a0: {  	[tilespmem:s1], [sflag:$0x3] =	stream.indirect_vreg.gather [hbm4b:s6+s2], $0x80, v4, vm0, $0xb8;
	[tilespmem:$0x10100] =	vst v63  }
0x1a1: {  	s9 =	simm.s32 $0xA100  }
0x1a2: {  	[tilespmem:s9], [sflag:$0x3] =	stream.indirect_vreg.gather [hbm4b:s3+s2], $0x80, v3, vm0, $0xb8;
	[tilespmem:$0x10100] =	vst v63  }
0x1a3: {  	s12 =	simm.s32 $0xA900  }
0x1a4: {  	[tilespmem:s12], [sflag:$0x3] =	stream.indirect_vreg.gather [hbm4b:s4+s2], $0x80, v3, vm0, $0xb8;
	[tilespmem:$0x10100] =	vst v63  }
0x1a5: {  	s13 =	simm.s32 $0xB100  }
0x1a6: {  	[tilespmem:s13], [sflag:$0x3] =	stream.indirect_vreg.gather [hbm4b:s5+s2], $0x80, v3, vm0, $0xb8;
	[tilespmem:$0x10100] =	vst v63  }
0x1a7: {  	s13 =	simm.s32 $0xB900  }
0x1a8: {  	[tilespmem:s13], [sflag:$0x3] =	stream.indirect_vreg.gather [hbm4b:s6+s2], $0x80, v3, vm0, $0xb8;
	[tilespmem:$0x10100] =	vst v63  }
0x1a9: {  	_ =	swait.ge [sflag:s22], $0x4000  }
0x1aa: {  	[sflag:s22] =	ssyncset.done $0x0  }
0x1ab: {  	s14 =	rddreg [dreg:$0xe];
	[sflag:s22] =	ssyncadd.s32 $0xFFFFC000  }
0x1ac: {  	[hbm4b:s14+s2] =	stream.linear.scatter [tilespmem:s10], [sflag:$0x5], $0x4000, $0x38;
	[tilespmem:$0x10100] =	vst v63  }
0x1ad: {  	_ =	swait.ge [sflag:s8], $0x4000  }
0x1ae: {  	[sflag:s8] =	ssyncset.done $0x0  }
0x1af: {  	[sflag:s8] =	ssyncadd.s32 $0xFFFFC000  }
0x1b0: {  	v3 =	vld [tilespmem:$0xF0];
	_ =	sdelay $0x4  }
0x1b1: {  	v63 =	vshll.u32 v3, $0x3  }
0x1b2: {  	v3 =	vand.u32 $0x7, v3;
	v4 =	vand.u32 $0xFFFFFFC0, v63  }
0x1b3: {  	v3 =	vor.u32 v3, v4  }
0x1b4: {  	v4 =	vperm.xlane v3, v0;
	_ =	sdelay $0x1  }
0x1b5: {  	v4 =	vadd.s32 v1, v4;
	_ =	sdelay $0x4  }
0x1b6: {  	[tilespmem:s10], [sflag:$0x4] =	stream.indirect_vreg.gather [hbm4b:s3+s2], $0x80, v4, vm0, $0xb8;
	[tilespmem:$0x10100] =	vst v63  }
0x1b7: {  	s23 =	simm.s32 $0xC900;
	v3 =	vperm.xlane v3, v2  }
0x1b8: {  	[tilespmem:s23], [sflag:$0x4] =	stream.indirect_vreg.gather [hbm4b:s4+s2], $0x80, v4, vm0, $0xb8;
	[tilespmem:$0x10100] =	vst v63  }
0x1b9: {  	s16 =	simm.s32 $0xD100;
	v3 =	vadd.s32 v1, v3  }
0x1ba: {  	[tilespmem:s16], [sflag:$0x4] =	stream.indirect_vreg.gather [hbm4b:s5+s2], $0x80, v4, vm0, $0xb8;
	[tilespmem:$0x10100] =	vst v63  }
0x1bb: {  	s18 =	simm.s32 $0xD900  }
0x1bc: {  	[tilespmem:s18], [sflag:$0x4] =	stream.indirect_vreg.gather [hbm4b:s6+s2], $0x80, v4, vm0, $0xb8;
	[tilespmem:$0x10100] =	vst v63  }
0x1bd: {  	s1 =	simm.s32 $0xE100  }
0x1be: {  	[tilespmem:s1], [sflag:$0x4] =	stream.indirect_vreg.gather [hbm4b:s3+s2], $0x80, v3, vm0, $0xb8;
	[tilespmem:$0x10100] =	vst v63  }
0x1bf: {  	s9 =	simm.s32 $0xE900  }
0x1c0: {  	[tilespmem:s9], [sflag:$0x4] =	stream.indirect_vreg.gather [hbm4b:s4+s2], $0x80, v3, vm0, $0xb8;
	[tilespmem:$0x10100] =	vst v63  }
0x1c1: {  	s11 =	simm.s32 $0xF100  }
0x1c2: {  	[tilespmem:s11], [sflag:$0x4] =	stream.indirect_vreg.gather [hbm4b:s5+s2], $0x80, v3, vm0, $0xb8;
	[tilespmem:$0x10100] =	vst v63  }
0x1c3: {  	s12 =	simm.s32 $0xF900  }
0x1c4: {  	[tilespmem:s12], [sflag:$0x4] =	stream.indirect_vreg.gather [hbm4b:s6+s2], $0x80, v3, vm0, $0xb8;
	[tilespmem:$0x10100] =	vst v63  }
0x1c5: {  	_ =	swait.ge [sflag:s19], $0x4000  }
0x1c6: {  	[sflag:s19] =	ssyncset.done $0x0  }
0x1c7: {  	s13 =	rddreg [dreg:$0xf];
	[sflag:s19] =	ssyncadd.s32 $0xFFFFC000  }
0x1c8: {  	[hbm4b:s13+s2] =	stream.linear.scatter [tilespmem:s15], [sflag:$0x5], $0x4000, $0x38;
	[tilespmem:$0x10100] =	vst v63  }
0x1c9: {  	_ =	swait.ge [sflag:s8], $0x4000  }
0x1ca: {  	[sflag:s8] =	ssyncset.done $0x0  }
0x1cb: {  	[sflag:s8] =	ssyncadd.s32 $0xFFFFC000  }
0x1cc: {  	_ =	swait.ge [sflag:s20], $0x4000  }
0x1cd: {  	[sflag:s20] =	ssyncset.done $0x0  }
0x1ce: {  	s14 =	rddreg [dreg:$0x10];
	[sflag:s20] =	ssyncadd.s32 $0xFFFFC000  }
0x1cf: {  	[hbm4b:s14+s2] =	stream.linear.scatter [tilespmem:s17], [sflag:$0x5], $0x4000, $0x38;
	[tilespmem:$0x10100] =	vst v63  }
0x1d0: {  	_ =	swait.ge [sflag:s8], $0x4000  }
0x1d1: {  	[sflag:s8] =	ssyncset.done $0x0  }
0x1d2: {  	[sflag:s8] =	ssyncadd.s32 $0xFFFFC000  }
0x1d3: {  	_ =	swait.ge [sflag:s21], $0x4000  }
0x1d4: {  	[sflag:s21] =	ssyncset.done $0x0  }
0x1d5: {  	s16 =	rddreg [dreg:$0x11];
	[sflag:s21] =	ssyncadd.s32 $0xFFFFC000  }
0x1d6: {  	[hbm4b:s16+s2] =	stream.linear.scatter [tilespmem:s25], [sflag:$0x5], $0x4000, $0x38;
	[tilespmem:$0x10100] =	vst v63  }
0x1d7: {  	_ =	swait.ge [sflag:s8], $0x4000  }
0x1d8: {  	[sflag:s8] =	ssyncset.done $0x0  }
0x1d9: {  	[sflag:s8] =	ssyncadd.s32 $0xFFFFC000  }
0x1da: {  	_ =	swait.ge [sflag:s22], $0x4000  }
0x1db: {  	p0 =	sne.s32 s7, $0x1;
	[sflag:s22] =	ssyncset.done $0x0  }
.Ltmp0:
0x1dc: {  	s18 =	rddreg [dreg:$0x12];
	[sflag:s22] =	ssyncadd.s32 $0xFFFFC000;
	(pc) =	sbr.rel @p0 .LBB2_1-.Ltmp0, $4  }
0x1dd: {  	[hbm4b:s18+s2] =	stream.linear.scatter [tilespmem:s10], [sflag:$0x5], $0x4000, $0x38;
	[tilespmem:$0x10100] =	vst v63  }
0x1de: {  	_ =	swait.ge [sflag:s8], $0x4000  }
0x1df: {  	[sflag:s8] =	ssyncset.done $0x0  }
0x1e0: {  	s7 =	sadd.s32 $0xFFFFFFFF, s7;
	[sflag:s8] =	ssyncadd.s32 $0xFFFFC000  }
0x1e1: {  	_ =	sfence.sel $0x180000  }
0x1e2: {  	[bflag:$0x0] =	sbarrier.arrive $0xFFFF  }
0x1e3: {  	_ =	strace $0x9000004A  }
0x1e4: {  	s0 =	stileid.u32;
	[bflag:$0x2] =	sbarrier.arrive $0xFFFF  }
0x1e5: {  	p0 =	sne.s32 s0, $0x0;
	s0 =	rddreg [dreg:$0x1]  }
0x1e6: {  	s0 =	sadd.s32 @!p0 $0x100000, s0  }
0x1e7: {  	[sflag:s0] =	ssyncadd.tile.s32 @!p0 $0x1;
	_ =	shalt  }
.Lfunc_end2:
_tile_overlayer_lowered:
.L_overlay_start_2:
0x1e8: {  	(tag) =	ssettag $0x2  }
0x1e9: {  	s0 =	rddreg [dreg:$0x0];
	s2 =	stileid.u32  }
0x1ea: {  	s1 =	rddreg [dreg:$0x1];
	p0 =	sne.s32 s2, $0x0  }
0x1eb: {  	s3 =	rddreg [dreg:$0x2];
	[bflag:$0x3] =	sbarrier.arrive $0xFFFF;
	s2 =	simm.s32 @!p0 $0x1C05  }
0x1ec: {  	[timem:s3], [sflag:s2] =	dma.local @!p0 [hbm:s0], s1  }
0x1ed: {  	s0 =	simm.s32 @!p0 $0x5  }
0x1ee: {  	_ =	swait.ge @!p0 [sflag:s0], s1  }
0x1ef: {  	s1 =	ssub.s32 @!p0 $0x0, s1;
	[sflag:s0] =	ssyncset.done @!p0 $0x0  }
0x1f0: {  	[sflag:s0] =	ssyncadd.s32 @!p0 s1  }
0x1f1: {  	[bflag:$0x3] =	sbarrier.arrive $0xFFFF  }
0x1f2: {  	_ =	shalt  }

// kernel: kernel.8.cloned.1.call-start
scs
__scs_entry_jumppad:
0x0: {  	(pc) =	sbr.rel $0x88, $3  }
0x1: {  	(tag) =	ssettag $0x0;
	lr =	simm.s32 $0x1  }
0x2: {  	[smem:$0x3F98] =	sst lr;
	_ =	strace $0xD0000000  }
0x3: {  	_ = 	snop  }
0x4: {  	_ = 	snop  }
0x5: {  	_ = 	snop  }
0x6: {  	_ = 	snop  }
0x7: {  	_ = 	snop  }
__scs_overlays_trampoline_lowered:
0x8: {  	[smem:$0x3FA7] =	sst s0  }
0x9: {  	[smem:$0x3FA8] =	sst s1  }
0xa: {  	[smem:$0x3FA9] =	sst s2  }
0xb: {  	[smem:$0x3FAA] =	sst s3  }
0xc: {  	[smem:$0x3FAB] =	sst s4  }
0xd: {  	[smem:$0x3FAC] =	sst s5  }
0xe: {  	[smem:$0x3FAD] =	sst s6  }
0xf: {  	[smem:$0x3FAE] =	sst s7  }
0x10: {  	[smem:$0x3FAF] =	sst s8  }
0x11: {  	[smem:$0x3FB0] =	sst s9;
	s0 =	simm.s32 @!p0 $0x0  }
0x12: {  	s1 =	sld [smem:$0x3F96];
	s0 =	simm.s32 @p0 $0x1  }
0x13: {  	[smem:$0x3FB1] =	sst s0;
	s0 =	simm.s32 @!p1 $0x0  }
0x14: {  	s2 =	sld [smem:$0x3F95];
	s0 =	simm.s32 @p1 $0x1  }
0x15: {  	[smem:$0x3FB2] =	sst s0;
	s0 =	simm.s32 @!p2 $0x0  }
0x16: {  	s3 =	sld [smem:$0x3FDB];
	s0 =	simm.s32 @p2 $0x1  }
0x17: {  	s4 =	simm.s32 $0x1BF5;
	[smem:$0x3FB4] =	sst s0  }
0x18: {  	s0 =	sld [smem:$0x3F97];
	_ =	swait.ge [sflag:s4], $0x0  }
0x19: {  	s7 =	sld [smem:$0x3F98]  }
0x1a: {  	s8 =	sadd.s32 $0xFFFFE003, lr  }
0x1b: {  	s9 =	sadd.s32 $0xFFFFFEF7, lr;
	s5 =	simm.s32 $0xFFFFFFFF;
	p2 =	slt.u32 s8, $0xFFFFF086  }
0x1c: {  	p1 =	slt.u32 s9, $0xF7A;
	s5 =	simm.s32 @!p2 $0x0  }
0x1d: {  	s5 =	simm.s32 @p1 $0x1;
	p0 =	seq.s32 s7, s2  }
0x1e: {  	s7 =	smul.u32 @!p0 $0xF7A, s2;
	p2 =	seq.s32 @!p0 s5, $0x0  }
0x1f: {  	s9 =	smul.u32 $0xF7A, s1;
	s8 =	simm.s32 @!p0 $0x1BF5;
	p2 =	por !p2, p0  }
0x20: {  	[sflag:s8] =	ssyncset.s32 @!p0 $0xFFFFF086;
	s6 =	sadd.s32 @!p0 s3, s7;
	s7 =	simm.s32 @!p0 $0x108  }
0x21: {  	s3 =	sadd.s32 s3, s9;
	s6 =	sadd.s32 @!p0 $0x88, s6;
	s7 =	simm.s32 @p2 $0x1082  }
0x22: {  	[simem:s7], [sflag:s8] =	dma.local @!p0 [hbm:s6], $0xF7A  }
0x23: {  	s9 =	sor.u32 $0xD0000000, s2;
	s6 =	simm.s32 $0x108;
	_ =	swait.ge @!p0 [sflag:s8], $0x0  }
0x24: {  	s3 =	sadd.s32 $0x88, s3;
	s6 =	simm.s32 @!p1 $0x1082;
	[sflag:s4] =	ssyncset.s32 $0xFFFFF086  }
0x25: {  	[simem:s6], [sflag:s4] =	dma.local [hbm:s3], $0xF7A  }
0x26: {  	[smem:$0x3F98] =	sst s1;
	(tag) =	ssettag s2;
	_ =	strace s9  }
0x27: {  	s1 =	sld [smem:$0x3FA8]  }
0x28: {  	s2 =	sld [smem:$0x3FA9]  }
0x29: {  	s4 =	sld [smem:$0x3FAB]  }
0x2a: {  	p0 =	seq.s32 s5, $0x0;
	s5 =	sld [smem:$0x3FAC]  }
0x2b: {  	s6 =	sld [smem:$0x3FAD]  }
0x2c: {  	s7 =	sld [smem:$0x3FAE]  }
0x2d: {  	s3 =	simm.s32 $0x108;
	s8 =	sld [smem:$0x3FAF]  }
0x2e: {  	s3 =	simm.s32 @!p0 $0x1082;
	s9 =	sld [smem:$0x3FB0]  }
0x2f: {  	lr =	sadd.s32 s0, s3;
	s0 =	sld [smem:$0x3FA7]  }
0x30: {  	s3 =	sld [smem:$0x3FAA]  }
0x31: {  	[smem:$0x3FB3] =	sst s10  }
0x32: {  	s10 =	sld [smem:$0x3FB1];
	_ =	sdelay $0x3  }
0x33: {  	p0 =	seq.s32 s10, $0x1;
	s10 =	sld [smem:$0x3FB3];
	_ =	sdelay $0x3  }
0x34: {  	[smem:$0x3FB3] =	sst s10  }
0x35: {  	s10 =	sld [smem:$0x3FB2];
	_ =	sdelay $0x3  }
0x36: {  	p1 =	seq.s32 s10, $0x1;
	s10 =	sld [smem:$0x3FB3];
	_ =	sdelay $0x3  }
0x37: {  	[smem:$0x3FB3] =	sst s10  }
0x38: {  	s10 =	sld [smem:$0x3FB4]  }
0x39: {  	_ = 	snop;
	(pc) =	sbr.ind lr, $3  }
0x3a: {  	_ = 	snop  }
0x3b: {  	_ = 	snop  }
0x3c: {  	p2 =	seq.s32 s10, $0x1;
	s10 =	sld [smem:$0x3FB3]  }
0x3d: {  	_ =	shalt  }
0x3e: {  	_ =	shalt  }
0x3f: {  	_ =	shalt  }
0x40: {  	_ =	shalt  }
0x41: {  	_ =	shalt  }
0x42: {  	_ =	shalt  }
0x43: {  	_ =	shalt  }
0x44: {  	_ =	shalt  }
0x45: {  	_ =	shalt  }
0x46: {  	_ =	shalt  }
0x47: {  	_ =	shalt  }
0x48: {  	_ =	shalt  }
0x49: {  	_ =	shalt  }
0x4a: {  	_ =	shalt  }
0x4b: {  	_ =	shalt  }
0x4c: {  	_ =	shalt  }
0x4d: {  	_ =	shalt  }
0x4e: {  	_ =	shalt  }
0x4f: {  	_ =	shalt  }
0x50: {  	_ =	shalt  }
0x51: {  	_ =	shalt  }
0x52: {  	_ =	shalt  }
0x53: {  	_ =	shalt  }
0x54: {  	_ =	shalt  }
0x55: {  	_ =	shalt  }
0x56: {  	_ =	shalt  }
0x57: {  	_ =	shalt  }
0x58: {  	_ =	shalt  }
0x59: {  	_ =	shalt  }
0x5a: {  	_ =	shalt  }
0x5b: {  	_ =	shalt  }
0x5c: {  	_ =	shalt  }
0x5d: {  	_ =	shalt  }
0x5e: {  	_ =	shalt  }
0x5f: {  	_ =	shalt  }
0x60: {  	_ =	shalt  }
0x61: {  	_ =	shalt  }
0x62: {  	_ =	shalt  }
0x63: {  	_ =	shalt  }
0x64: {  	_ =	shalt  }
0x65: {  	_ =	shalt  }
0x66: {  	_ =	shalt  }
0x67: {  	_ =	shalt  }
0x68: {  	_ =	shalt  }
0x69: {  	_ =	shalt  }
0x6a: {  	_ =	shalt  }
0x6b: {  	_ =	shalt  }
0x6c: {  	_ =	shalt  }
0x6d: {  	_ =	shalt  }
0x6e: {  	_ =	shalt  }
0x6f: {  	_ =	shalt  }
0x70: {  	_ =	shalt  }
0x71: {  	_ =	shalt  }
0x72: {  	_ =	shalt  }
0x73: {  	_ =	shalt  }
0x74: {  	_ =	shalt  }
0x75: {  	_ =	shalt  }
0x76: {  	_ =	shalt  }
0x77: {  	_ =	shalt  }
0x78: {  	_ =	shalt  }
0x79: {  	_ =	shalt  }
0x7a: {  	_ =	shalt  }
0x7b: {  	_ =	shalt  }
0x7c: {  	_ =	shalt  }
0x7d: {  	_ =	shalt  }
0x7e: {  	_ =	shalt  }
0x7f: {  	_ =	shalt  }
0x80: {  	_ =	shalt  }
0x81: {  	_ =	shalt  }
0x82: {  	_ =	shalt  }
0x83: {  	_ =	shalt  }
0x84: {  	_ =	shalt  }
0x85: {  	_ =	shalt  }
0x86: {  	_ =	shalt  }
0x87: {  	_ =	shalt  }
.Lfunc_end0:
.L_simem_size_0:
called_computation_lowered:
.L_overlay_start_0:
0x88: {  	s2 =	sld [smem:$0x3FD9]  }
0x89: {  	s3 =	sld [smem:$0x3FFE];
	_ =	sdelay $0x1  }
0x8a: {  	s1 =	srdreg.scid  }
0x8b: {  	s0 =	sand.u32 $0x1, s1  }
0x8c: {  	s17 =	sshll.u32 s0, $0xA;
	s2 =	sadd.s32 s3, s2  }
0x8d: {  	s2 =	sadd.s32 s2, s17  }
0x8e: {  	[smem:$0x3FBF] =	sst s2  }
0x8f: {  	_ = 	snop  }
0x90: {  	s2 =	sld [smem:$0x3FC9];
	(tm) =	ssettm $0x1  }
0x91: {  	s18 =	sld [smem:$0x3FFB];
	_ =	sdelay $0x3  }
0x92: {  	_ =	strace s18  }
0x93: {  	s3 =	sld [smem:$0x3FFC];
	_ =	sdelay $0x3  }
0x94: {  	_ =	strace s3  }
0x95: {  	s3 =	sld [smem:$0x3FFD];
	_ =	sdelay $0x3  }
0x96: {  	_ =	strace s3  }
0x97: {  	_ =	strace $0x8FFFFFFF  }
0x98: {  	s19 =	sld [smem:$0x3FDB];
	_ =	sdelay $0x1  }
0x99: {  	s4 =	simm.s32 $_scs_section_size  }
0x9a: {  	s5 =	simm.s32 $_size__tile_overlayer_lowered;
	s6 =	simm.s32 $_tile_overlayer_lowered  }
0x9b: {  	s22 =	simm.s32 $0x1BFF;
	s21 =	sshll.u32 s6, $0x1;
	s3 =	sadd.s32 s4, s19  }
0x9c: {  	s7 =	simm.s32 $0x0;
	s20 =	sshll.u32 s5, $0x1;
	s5 =	sadd.s32 s21, s3  }
0x9d: {  	[timem:s7], [sflag:s22] =	dma.local [hbm:s5], s20  }
0x9e: {  	_ =	swait.ge [sflag:s22], s20  }
0x9f: {  	s4 =	ssub.s32 $0x0, s20;
	[sflag:s22] =	ssyncset.done $0x0  }
0xa0: {  	[sflag:s22] =	ssyncadd.s32 s4;
	_ =	sdelay $0x1  }
0xa1: {  	s23 =	simm.s32 $0x1B8B  }
0xa2: {  	_ =	swait.ge [sflag:s23], $0x1  }
0xa3: {  	[sflag:s23] =	ssyncset.done $0x0  }
0xa4: {  	s25 =	simm.s32 $0x1B8E;
	s24 =	sld [smem:$0x3FFE];
	[sflag:s23] =	ssyncadd.s32 $0xFFFFFFFF  }
0xa5: {  	s26 =	simm.s32 $execute0_lowered;
	[smem:$0x3FD2] =	sst s25  }
0xa6: {  	s5 =	sshll.u32 s26, $0x1;
	_ =	strace $0x80000046;
	[dreg:$0x1] =	wrdreg $0xFFFFFFFF  }
0xa7: {  	s28 =	simm.s32 $_size_execute0_lowered;
	s3 =	sadd.s32 s3, s5;
	[dreg:$0x0] =	wrdreg $0x0  }
0xa8: {  	s5 =	sshll.u32 s28, $0x1;
	[dreg:$0x2] =	wrdreg s3  }
0xa9: {  	[dreg:$0x3] =	wrdreg s5  }
0xaa: {  	[dreg:$0x4] =	wrdreg $0xC0  }
0xab: {  	_ =	task [dreg:s7], $0x5FFFF  }
0xac: {  	[dreg:$0x1] =	wrdreg $0xFFFFFFFF  }
0xad: {  	[dreg:$0x0] =	wrdreg $0x60  }
0xae: {  	[dreg:$0x2] =	wrdreg s2  }
0xaf: {  	[dreg:$0x3] =	wrdreg s24  }
0xb0: {  	[dreg:$0x4] =	wrdreg $0x9  }
0xb1: {  	_ =	task.clear_ibuf [dreg:s7], $0x5FFFF;
	_ =	strace $0x90000046  }
0xb2: {  	s29 =	simm.s32 $0x9;
	_ =	strace $0x80000048  }
0xb3: {  	_ =	swait.ge [sflag:s29], $0x1  }
0xb4: {  	[sflag:s29] =	ssyncadd.s32 $0xFFFFFFFF  }
0xb5: {  	_ =	strace $0x90000048  }
0xb6: {  	_ =	sfence  }
0xb7: {  	s30 =	sld [smem:$0x0];
	_ =	sdelay $0x2  }
0xb8: {  	s31 =	sshll.u32 s1, $0xD;
	s1 =	sshrl.u32 s1, $0x2  }
0xb9: {  	s3 =	sand.u32 $0x4000, s31;
	s1 =	sadd.s32 s1, s30  }
0xba: {  	s0 =	sor.u32 s3, s0;
	s1 =	sshll.u32 s1, $0x11  }
0xbb: {  	s0 =	sor.u32 s1, s0  }
0xbc: {  	s0 =	sadd.s32 $0x8F2B, s0  }
0xbd: {  	[sflag:s0] =	ssyncadd.remote.s32 $0x1  }
0xbe: {  	_ =	sfence.sel $0xFFFF  }
0xbf: {  	[dreg:$0x0] =	wrdreg $0xFFFFFFFF;
	(pc) =	sbr.abs _section_cstart, $3  }
0xc0: {  	[dreg:$0x1] =	wrdreg $0xFFFFFFFF  }
0xc1: {  	_ =	task.clear_ibuf [dreg:s7], $0x2FFFF;
	_ =	strace $0x9FFFFFFF  }
0xc2: {  	(tm) =	ssettm $0x7FFFFFFF  }
0xc3: {  	_ =	shalt  }
tec
execute0_lowered:
.L_overlay_start_1:
0x0: {  	(tag) =	ssettag $0x1  }
0x1: {  	s0 =	srdreg.scid;
	s1 =	stileid.u32  }
0x2: {  	s0 =	sand.u32 $0x1, s0;
	s1 =	sshll.u32 s1, $0x1  }
0x3: {  	s1 =	sor.u32 s0, s1  }
0x4: {  	s2 =	rddreg [dreg:$0x0];
	s5 =	smul.u32 $0x28, s1  }
0x5: {  	s4 =	rddreg [dreg:$0x1];
	s3 =	simm.s32 $0x0  }
0x6: {  	[smem:$0x7FF] =	sst s3;
	s6 =	smul.u32 $0xA000, s1;
	s5 =	sadd.s32 s5, s4  }
0x7: {  	_ =	strace $0x80000047;
	s4 =	sadd.s32 $0x1C00, s4;
	s5 =	sadd.s32 $0x1600, s5  }
0x8: {  	s1 =	smul.u32 $0x50000, s1;
	s6 =	sadd.s32 s4, s6;
	[dreg:$0x3] =	wrdreg s5  }
0x9: {  	s13 =	sadd.s32 $0x800, s6;
	[dreg:$0x17] =	wrdreg s6  }
0xa: {  	s1 =	sshrl.u32 s1, $0x3;
	s14 =	sadd.s32 $0x1000, s6;
	[dreg:$0x4] =	wrdreg s13  }
0xb: {  	s1 =	sadd.s32 s4, s1;
	s15 =	sadd.s32 $0x1800, s6;
	[dreg:$0x5] =	wrdreg s14  }
0xc: {  	s4 =	sadd.s32 $0x2000, s1;
	[dreg:$0x6] =	wrdreg s15  }
0xd: {  	s16 =	sadd.s32 $0x2800, s1;
	[dreg:$0x7] =	wrdreg s4  }
0xe: {  	s17 =	sadd.s32 $0x3000, s1;
	[dreg:$0x8] =	wrdreg s16  }
0xf: {  	s18 =	sadd.s32 $0x3800, s1;
	[dreg:$0x9] =	wrdreg s17  }
0x10: {  	s19 =	sadd.s32 $0x4000, s1;
	[dreg:$0xa] =	wrdreg s18  }
0x11: {  	s20 =	sadd.s32 $0x4800, s1;
	[dreg:$0xb] =	wrdreg s19  }
0x12: {  	s21 =	sadd.s32 $0x5000, s1;
	[dreg:$0xc] =	wrdreg s20  }
0x13: {  	s22 =	sadd.s32 $0x5800, s1;
	[dreg:$0xd] =	wrdreg s21  }
0x14: {  	s9 =	simm.s32 $0x5;
	s23 =	sadd.s32 $0x6000, s1;
	[dreg:$0xe] =	wrdreg s22  }
0x15: {  	s11 =	simm.s32 $0xC180;
	s24 =	sadd.s32 $0x6800, s1;
	[dreg:$0xf] =	wrdreg s23  }
0x16: {  	s7 =	sadd.s32 $0x300, s2;
	s25 =	sadd.s32 $0x7000, s1;
	[dreg:$0x10] =	wrdreg s24  }
0x17: {  	s0 =	ssub.s32 $0x2, s0;
	s28 =	sadd.s32 $0x7800, s1;
	[dreg:$0x11] =	wrdreg s25  }
0x18: {  	s26 =	sshrl.u32 s0, $0x1;
	s29 =	sadd.s32 $0x8000, s1;
	[dreg:$0x12] =	wrdreg s28  }
0x19: {  	s0 =	ssub.s32 s0, s26;
	s30 =	sadd.s32 $0x8800, s1;
	[dreg:$0x13] =	wrdreg s29  }
0x1a: {  	s26 =	simm.s32 $0x8180;
	s31 =	sadd.s32 $0x9000, s1;
	[dreg:$0x14] =	wrdreg s30  }
0x1b: {  	s8 =	smax.u32 s0, $0x1;
	s1 =	sadd.s32 $0x9800, s1;
	[dreg:$0x15] =	wrdreg s31  }
0x1c: {  	v2 =	vlaneseq.u32;
	s5 =	sadd.s32 $0x100, s2;
	s6 =	sadd.s32 $0x200, s2;
	[dreg:$0x16] =	wrdreg s1  }
0x1d: {  	vm0 =	vmmov $0xffff;
	v1 =	vshrl.u32 v2, $0x3;
	s13 =	simm.s32 $0x180;
	s18 =	simm.s32 $0x4180;
	s20 =	simm.s32 $0x1  }
0x1e: {  	v0 =	vand.u32 $0x7, v2;
	v2 =	vor.u32 $0x8, v2;
	v1 =	vmul.u32 $0x8, v1;
	s21 =	simm.s32 $0x2;
	s22 =	simm.s32 $0x3;
	s23 =	simm.s32 $0x4  }
.LBB2_1:
0x1f: {  	s24 =	rddreg [dreg:$0x3]  }
0x20: {  	[tilespmem:s3], [sflag:$0x5] =	stream.linear.gather [hbm4b:s24+s3], $0x140, $0x38;
	[tilespmem:$0x10180] =	vst v63  }
0x21: {  	_ =	swait.ge [sflag:s9], $0x140  }
0x22: {  	[sflag:s9] =	ssyncset.done $0x0  }
0x23: {  	[sflag:s9] =	ssyncadd.s32 $0xFFFFFEC0  }
0x24: {  	v3 =	vld [tilespmem:$0x0];
	_ =	sdelay $0x4  }
0x25: {  	v4 =	vshll.u32 v3, $0x3  }
0x26: {  	v3 =	vand.u32 $0x7, v3;
	v4 =	vand.u32 $0xFFFFFFC0, v4  }
0x27: {  	v3 =	vor.u32 v3, v4  }
0x28: {  	v4 =	vperm.xlane v3, v0;
	_ =	sdelay $0x1  }
0x29: {  	v4 =	vadd.s32 v1, v4;
	_ =	sdelay $0x4  }
0x2a: {  	[tilespmem:s13], [sflag:$0x1] =	stream.indirect_vreg.gather [hbm4b:s2+s3], $0x80, v4, vm0, $0xb8;
	[tilespmem:$0x10180] =	vst v63  }
0x2b: {  	s0 =	simm.s32 $0x980;
	v3 =	vperm.xlane v3, v2  }
0x2c: {  	[tilespmem:s0], [sflag:$0x1] =	stream.indirect_vreg.gather [hbm4b:s5+s3], $0x80, v4, vm0, $0xb8;
	[tilespmem:$0x10180] =	vst v63  }
0x2d: {  	s17 =	simm.s32 $0x1180;
	v3 =	vadd.s32 v1, v3  }
0x2e: {  	[tilespmem:s17], [sflag:$0x1] =	stream.indirect_vreg.gather [hbm4b:s6+s3], $0x80, v4, vm0, $0xb8;
	[tilespmem:$0x10180] =	vst v63  }
0x2f: {  	s19 =	simm.s32 $0x1980  }
0x30: {  	[tilespmem:s19], [sflag:$0x1] =	stream.indirect_vreg.gather [hbm4b:s7+s3], $0x80, v4, vm0, $0xb8;
	[tilespmem:$0x10180] =	vst v63  }
0x31: {  	s24 =	simm.s32 $0x2180  }
0x32: {  	[tilespmem:s24], [sflag:$0x1] =	stream.indirect_vreg.gather [hbm4b:s2+s3], $0x80, v3, vm0, $0xb8;
	[tilespmem:$0x10180] =	vst v63  }
0x33: {  	s25 =	simm.s32 $0x2980  }
0x34: {  	[tilespmem:s25], [sflag:$0x1] =	stream.indirect_vreg.gather [hbm4b:s5+s3], $0x80, v3, vm0, $0xb8;
	[tilespmem:$0x10180] =	vst v63  }
0x35: {  	s28 =	simm.s32 $0x3180  }
0x36: {  	[tilespmem:s28], [sflag:$0x1] =	stream.indirect_vreg.gather [hbm4b:s6+s3], $0x80, v3, vm0, $0xb8;
	[tilespmem:$0x10180] =	vst v63  }
0x37: {  	s31 =	simm.s32 $0x3980  }
0x38: {  	[tilespmem:s31], [sflag:$0x1] =	stream.indirect_vreg.gather [hbm4b:s7+s3], $0x80, v3, vm0, $0xb8;
	[tilespmem:$0x10180] =	vst v63  }
0x39: {  	v3 =	vld [tilespmem:$0x10];
	_ =	sdelay $0x4  }
0x3a: {  	v45 =	vshll.u32 v3, $0x3  }
0x3b: {  	v3 =	vand.u32 $0x7, v3;
	v4 =	vand.u32 $0xFFFFFFC0, v45  }
0x3c: {  	v3 =	vor.u32 v3, v4  }
0x3d: {  	v4 =	vperm.xlane v3, v0;
	_ =	sdelay $0x1  }
0x3e: {  	v4 =	vadd.s32 v1, v4;
	_ =	sdelay $0x4  }
0x3f: {  	[tilespmem:s18], [sflag:$0x2] =	stream.indirect_vreg.gather [hbm4b:s2+s3], $0x80, v4, vm0, $0xb8;
	[tilespmem:$0x10180] =	vst v63  }
0x40: {  	s1 =	simm.s32 $0x4980;
	v3 =	vperm.xlane v3, v2  }
0x41: {  	[tilespmem:s1], [sflag:$0x2] =	stream.indirect_vreg.gather [hbm4b:s5+s3], $0x80, v4, vm0, $0xb8;
	[tilespmem:$0x10180] =	vst v63  }
0x42: {  	s4 =	simm.s32 $0x5180;
	v3 =	vadd.s32 v1, v3  }
0x43: {  	[tilespmem:s4], [sflag:$0x2] =	stream.indirect_vreg.gather [hbm4b:s6+s3], $0x80, v4, vm0, $0xb8;
	[tilespmem:$0x10180] =	vst v63  }
0x44: {  	s10 =	simm.s32 $0x5980  }
0x45: {  	[tilespmem:s10], [sflag:$0x2] =	stream.indirect_vreg.gather [hbm4b:s7+s3], $0x80, v4, vm0, $0xb8;
	[tilespmem:$0x10180] =	vst v63  }
0x46: {  	s16 =	simm.s32 $0x6180  }
0x47: {  	[tilespmem:s16], [sflag:$0x2] =	stream.indirect_vreg.gather [hbm4b:s2+s3], $0x80, v3, vm0, $0xb8;
	[tilespmem:$0x10180] =	vst v63  }
0x48: {  	s24 =	simm.s32 $0x6980  }
0x49: {  	[tilespmem:s24], [sflag:$0x2] =	stream.indirect_vreg.gather [hbm4b:s5+s3], $0x80, v3, vm0, $0xb8;
	[tilespmem:$0x10180] =	vst v63  }
0x4a: {  	s28 =	simm.s32 $0x7180  }
0x4b: {  	[tilespmem:s28], [sflag:$0x2] =	stream.indirect_vreg.gather [hbm4b:s6+s3], $0x80, v3, vm0, $0xb8;
	[tilespmem:$0x10180] =	vst v63  }
0x4c: {  	s16 =	simm.s32 $0x7980  }
0x4d: {  	[tilespmem:s16], [sflag:$0x2] =	stream.indirect_vreg.gather [hbm4b:s7+s3], $0x80, v3, vm0, $0xb8;
	[tilespmem:$0x10180] =	vst v63  }
0x4e: {  	v3 =	vld [tilespmem:$0x20];
	_ =	sdelay $0x4  }
0x4f: {  	v46 =	vshll.u32 v3, $0x3  }
0x50: {  	v3 =	vand.u32 $0x7, v3;
	v4 =	vand.u32 $0xFFFFFFC0, v46  }
0x51: {  	v3 =	vor.u32 v3, v4  }
0x52: {  	v4 =	vperm.xlane v3, v0;
	_ =	sdelay $0x1  }
0x53: {  	v4 =	vadd.s32 v1, v4;
	_ =	sdelay $0x4  }
0x54: {  	[tilespmem:s26], [sflag:$0x3] =	stream.indirect_vreg.gather [hbm4b:s2+s3], $0x80, v4, vm0, $0xb8;
	[tilespmem:$0x10180] =	vst v63  }
0x55: {  	s24 =	simm.s32 $0x8980;
	v3 =	vperm.xlane v3, v2  }
0x56: {  	[tilespmem:s24], [sflag:$0x3] =	stream.indirect_vreg.gather [hbm4b:s5+s3], $0x80, v4, vm0, $0xb8;
	[tilespmem:$0x10180] =	vst v63  }
0x57: {  	v3 =	vadd.s32 v1, v3;
	s24 =	simm.s32 $0x9180  }
0x58: {  	[tilespmem:s24], [sflag:$0x3] =	stream.indirect_vreg.gather [hbm4b:s6+s3], $0x80, v4, vm0, $0xb8;
	[tilespmem:$0x10180] =	vst v63  }
0x59: {  	s24 =	simm.s32 $0x9980  }
0x5a: {  	[tilespmem:s24], [sflag:$0x3] =	stream.indirect_vreg.gather [hbm4b:s7+s3], $0x80, v4, vm0, $0xb8;
	[tilespmem:$0x10180] =	vst v63  }
0x5b: {  	s24 =	simm.s32 $0xA180  }
0x5c: {  	[tilespmem:s24], [sflag:$0x3] =	stream.indirect_vreg.gather [hbm4b:s2+s3], $0x80, v3, vm0, $0xb8;
	[tilespmem:$0x10180] =	vst v63  }
0x5d: {  	s24 =	simm.s32 $0xA980  }
0x5e: {  	[tilespmem:s24], [sflag:$0x3] =	stream.indirect_vreg.gather [hbm4b:s5+s3], $0x80, v3, vm0, $0xb8;
	[tilespmem:$0x10180] =	vst v63  }
0x5f: {  	s24 =	simm.s32 $0xB180  }
0x60: {  	[tilespmem:s24], [sflag:$0x3] =	stream.indirect_vreg.gather [hbm4b:s6+s3], $0x80, v3, vm0, $0xb8;
	[tilespmem:$0x10180] =	vst v63  }
0x61: {  	s24 =	simm.s32 $0xB980  }
0x62: {  	[tilespmem:s24], [sflag:$0x3] =	stream.indirect_vreg.gather [hbm4b:s7+s3], $0x80, v3, vm0, $0xb8;
	[tilespmem:$0x10180] =	vst v63  }
0x63: {  	v3 =	vld [tilespmem:$0x30];
	_ =	sdelay $0x4  }
0x64: {  	v47 =	vshll.u32 v3, $0x3  }
0x65: {  	v3 =	vand.u32 $0x7, v3;
	v4 =	vand.u32 $0xFFFFFFC0, v47  }
0x66: {  	v3 =	vor.u32 v3, v4  }
0x67: {  	v4 =	vperm.xlane v3, v0;
	_ =	sdelay $0x1  }
0x68: {  	v4 =	vadd.s32 v1, v4;
	_ =	sdelay $0x4  }
0x69: {  	[tilespmem:s11], [sflag:$0x4] =	stream.indirect_vreg.gather [hbm4b:s2+s3], $0x80, v4, vm0, $0xb8;
	[tilespmem:$0x10180] =	vst v63  }
0x6a: {  	s0 =	simm.s32 $0xC980;
	v3 =	vperm.xlane v3, v2  }
0x6b: {  	[tilespmem:s0], [sflag:$0x4] =	stream.indirect_vreg.gather [hbm4b:s5+s3], $0x80, v4, vm0, $0xb8;
	[tilespmem:$0x10180] =	vst v63  }
0x6c: {  	v3 =	vadd.s32 v1, v3;
	s0 =	simm.s32 $0xD180  }
0x6d: {  	[tilespmem:s0], [sflag:$0x4] =	stream.indirect_vreg.gather [hbm4b:s6+s3], $0x80, v4, vm0, $0xb8;
	[tilespmem:$0x10180] =	vst v63  }
0x6e: {  	s0 =	simm.s32 $0xD980  }
0x6f: {  	[tilespmem:s0], [sflag:$0x4] =	stream.indirect_vreg.gather [hbm4b:s7+s3], $0x80, v4, vm0, $0xb8;
	[tilespmem:$0x10180] =	vst v63  }
0x70: {  	s0 =	simm.s32 $0xE180  }
0x71: {  	[tilespmem:s0], [sflag:$0x4] =	stream.indirect_vreg.gather [hbm4b:s2+s3], $0x80, v3, vm0, $0xb8;
	[tilespmem:$0x10180] =	vst v63  }
0x72: {  	s0 =	simm.s32 $0xE980  }
0x73: {  	[tilespmem:s0], [sflag:$0x4] =	stream.indirect_vreg.gather [hbm4b:s5+s3], $0x80, v3, vm0, $0xb8;
	[tilespmem:$0x10180] =	vst v63  }
0x74: {  	s0 =	simm.s32 $0xF180  }
0x75: {  	[tilespmem:s0], [sflag:$0x4] =	stream.indirect_vreg.gather [hbm4b:s6+s3], $0x80, v3, vm0, $0xb8;
	[tilespmem:$0x10180] =	vst v63  }
0x76: {  	s0 =	simm.s32 $0xF980  }
0x77: {  	[tilespmem:s0], [sflag:$0x4] =	stream.indirect_vreg.gather [hbm4b:s7+s3], $0x80, v3, vm0, $0xb8;
	[tilespmem:$0x10180] =	vst v63  }
0x78: {  	_ =	swait.ge [sflag:s20], $0x4000  }
0x79: {  	[sflag:s20] =	ssyncset.done $0x0  }
0x7a: {  	s0 =	rddreg [dreg:$0x17];
	[sflag:s20] =	ssyncadd.s32 $0xFFFFC000  }
0x7b: {  	[hbm4b:s0+s3] =	stream.linear.scatter [tilespmem:s13], [sflag:$0x5], $0x4000, $0x38;
	[tilespmem:$0x10180] =	vst v63  }
0x7c: {  	_ =	swait.ge [sflag:s9], $0x4000  }
0x7d: {  	[sflag:s9] =	ssyncset.done $0x0  }
0x7e: {  	[sflag:s9] =	ssyncadd.s32 $0xFFFFC000  }
0x7f: {  	v3 =	vld [tilespmem:$0x40];
	_ =	sdelay $0x4  }
0x80: {  	v48 =	vshll.u32 v3, $0x3  }
0x81: {  	v3 =	vand.u32 $0x7, v3;
	v4 =	vand.u32 $0xFFFFFFC0, v48  }
0x82: {  	v3 =	vor.u32 v3, v4  }
0x83: {  	v4 =	vperm.xlane v3, v0;
	_ =	sdelay $0x1  }
0x84: {  	v4 =	vadd.s32 v1, v4;
	_ =	sdelay $0x4  }
0x85: {  	[tilespmem:s13], [sflag:$0x1] =	stream.indirect_vreg.gather [hbm4b:s2+s3], $0x80, v4, vm0, $0xb8;
	[tilespmem:$0x10180] =	vst v63  }
0x86: {  	s15 =	simm.s32 $0x980;
	v3 =	vperm.xlane v3, v2  }
0x87: {  	[tilespmem:s15], [sflag:$0x1] =	stream.indirect_vreg.gather [hbm4b:s5+s3], $0x80, v4, vm0, $0xb8;
	[tilespmem:$0x10180] =	vst v63  }
0x88: {  	s17 =	simm.s32 $0x1180;
	v3 =	vadd.s32 v1, v3  }
0x89: {  	[tilespmem:s17], [sflag:$0x1] =	stream.indirect_vreg.gather [hbm4b:s6+s3], $0x80, v4, vm0, $0xb8;
	[tilespmem:$0x10180] =	vst v63  }
0x8a: {  	s19 =	simm.s32 $0x1980  }
0x8b: {  	[tilespmem:s19], [sflag:$0x1] =	stream.indirect_vreg.gather [hbm4b:s7+s3], $0x80, v4, vm0, $0xb8;
	[tilespmem:$0x10180] =	vst v63  }
0x8c: {  	s29 =	simm.s32 $0x2180  }
0x8d: {  	[tilespmem:s29], [sflag:$0x1] =	stream.indirect_vreg.gather [hbm4b:s2+s3], $0x80, v3, vm0, $0xb8;
	[tilespmem:$0x10180] =	vst v63  }
0x8e: {  	s30 =	simm.s32 $0x2980  }
0x8f: {  	[tilespmem:s30], [sflag:$0x1] =	stream.indirect_vreg.gather [hbm4b:s5+s3], $0x80, v3, vm0, $0xb8;
	[tilespmem:$0x10180] =	vst v63  }
0x90: {  	s14 =	simm.s32 $0x3180  }
0x91: {  	[tilespmem:s14], [sflag:$0x1] =	stream.indirect_vreg.gather [hbm4b:s6+s3], $0x80, v3, vm0, $0xb8;
	[tilespmem:$0x10180] =	vst v63  }
0x92: {  	s12 =	simm.s32 $0x3980  }
0x93: {  	[tilespmem:s12], [sflag:$0x1] =	stream.indirect_vreg.gather [hbm4b:s7+s3], $0x80, v3, vm0, $0xb8;
	[tilespmem:$0x10180] =	vst v63  }
0x94: {  	_ =	swait.ge [sflag:s21], $0x4000  }
0x95: {  	[sflag:s21] =	ssyncset.done $0x0  }
0x96: {  	s14 =	rddreg [dreg:$0x4];
	[sflag:s21] =	ssyncadd.s32 $0xFFFFC000  }
0x97: {  	[hbm4b:s14+s3] =	stream.linear.scatter [tilespmem:s18], [sflag:$0x5], $0x4000, $0x38;
	[tilespmem:$0x10180] =	vst v63  }
0x98: {  	_ =	swait.ge [sflag:s9], $0x4000  }
0x99: {  	[sflag:s9] =	ssyncset.done $0x0  }
0x9a: {  	[sflag:s9] =	ssyncadd.s32 $0xFFFFC000  }
0x9b: {  	v3 =	vld [tilespmem:$0x50];
	_ =	sdelay $0x4  }
0x9c: {  	v49 =	vshll.u32 v3, $0x3  }
0x9d: {  	v3 =	vand.u32 $0x7, v3;
	v4 =	vand.u32 $0xFFFFFFC0, v49  }
0x9e: {  	v3 =	vor.u32 v3, v4  }
0x9f: {  	v4 =	vperm.xlane v3, v0;
	_ =	sdelay $0x1  }
0xa0: {  	v4 =	vadd.s32 v1, v4;
	_ =	sdelay $0x4  }
0xa1: {  	[tilespmem:s18], [sflag:$0x2] =	stream.indirect_vreg.gather [hbm4b:s2+s3], $0x80, v4, vm0, $0xb8;
	[tilespmem:$0x10180] =	vst v63  }
0xa2: {  	s31 =	simm.s32 $0x4980;
	v3 =	vperm.xlane v3, v2  }
0xa3: {  	[tilespmem:s31], [sflag:$0x2] =	stream.indirect_vreg.gather [hbm4b:s5+s3], $0x80, v4, vm0, $0xb8;
	[tilespmem:$0x10180] =	vst v63  }
0xa4: {  	s4 =	simm.s32 $0x5180;
	v3 =	vadd.s32 v1, v3  }
0xa5: {  	[tilespmem:s4], [sflag:$0x2] =	stream.indirect_vreg.gather [hbm4b:s6+s3], $0x80, v4, vm0, $0xb8;
	[tilespmem:$0x10180] =	vst v63  }
0xa6: {  	s10 =	simm.s32 $0x5980  }
0xa7: {  	[tilespmem:s10], [sflag:$0x2] =	stream.indirect_vreg.gather [hbm4b:s7+s3], $0x80, v4, vm0, $0xb8;
	[tilespmem:$0x10180] =	vst v63  }
0xa8: {  	s25 =	simm.s32 $0x6180  }
0xa9: {  	[tilespmem:s25], [sflag:$0x2] =	stream.indirect_vreg.gather [hbm4b:s2+s3], $0x80, v3, vm0, $0xb8;
	[tilespmem:$0x10180] =	vst v63  }
0xaa: {  	s1 =	simm.s32 $0x6980  }
0xab: {  	[tilespmem:s1], [sflag:$0x2] =	stream.indirect_vreg.gather [hbm4b:s5+s3], $0x80, v3, vm0, $0xb8;
	[tilespmem:$0x10180] =	vst v63  }
0xac: {  	s28 =	simm.s32 $0x7180  }
0xad: {  	[tilespmem:s28], [sflag:$0x2] =	stream.indirect_vreg.gather [hbm4b:s6+s3], $0x80, v3, vm0, $0xb8;
	[tilespmem:$0x10180] =	vst v63  }
0xae: {  	s16 =	simm.s32 $0x7980  }
0xaf: {  	[tilespmem:s16], [sflag:$0x2] =	stream.indirect_vreg.gather [hbm4b:s7+s3], $0x80, v3, vm0, $0xb8;
	[tilespmem:$0x10180] =	vst v63  }
0xb0: {  	_ =	swait.ge [sflag:s22], $0x4000  }
0xb1: {  	[sflag:s22] =	ssyncset.done $0x0  }
0xb2: {  	s15 =	rddreg [dreg:$0x5];
	[sflag:s22] =	ssyncadd.s32 $0xFFFFC000  }
0xb3: {  	[hbm4b:s15+s3] =	stream.linear.scatter [tilespmem:s26], [sflag:$0x5], $0x4000, $0x38;
	[tilespmem:$0x10180] =	vst v63  }
0xb4: {  	_ =	swait.ge [sflag:s9], $0x4000  }
0xb5: {  	[sflag:s9] =	ssyncset.done $0x0  }
0xb6: {  	[sflag:s9] =	ssyncadd.s32 $0xFFFFC000  }
0xb7: {  	v3 =	vld [tilespmem:$0x60];
	_ =	sdelay $0x4  }
0xb8: {  	v50 =	vshll.u32 v3, $0x3  }
0xb9: {  	v3 =	vand.u32 $0x7, v3;
	v4 =	vand.u32 $0xFFFFFFC0, v50  }
0xba: {  	v3 =	vor.u32 v3, v4  }
0xbb: {  	v4 =	vperm.xlane v3, v0;
	_ =	sdelay $0x1  }
0xbc: {  	v4 =	vadd.s32 v1, v4;
	_ =	sdelay $0x4  }
0xbd: {  	[tilespmem:s26], [sflag:$0x3] =	stream.indirect_vreg.gather [hbm4b:s2+s3], $0x80, v4, vm0, $0xb8;
	[tilespmem:$0x10180] =	vst v63  }
0xbe: {  	s16 =	simm.s32 $0x8980;
	v3 =	vperm.xlane v3, v2  }
0xbf: {  	[tilespmem:s16], [sflag:$0x3] =	stream.indirect_vreg.gather [hbm4b:s5+s3], $0x80, v4, vm0, $0xb8;
	[tilespmem:$0x10180] =	vst v63  }
0xc0: {  	s0 =	simm.s32 $0x9180;
	v3 =	vadd.s32 v1, v3  }
0xc1: {  	[tilespmem:s0], [sflag:$0x3] =	stream.indirect_vreg.gather [hbm4b:s6+s3], $0x80, v4, vm0, $0xb8;
	[tilespmem:$0x10180] =	vst v63  }
0xc2: {  	s1 =	simm.s32 $0x9980  }
0xc3: {  	[tilespmem:s1], [sflag:$0x3] =	stream.indirect_vreg.gather [hbm4b:s7+s3], $0x80, v4, vm0, $0xb8;
	[tilespmem:$0x10180] =	vst v63  }
0xc4: {  	s4 =	simm.s32 $0xA180  }
0xc5: {  	[tilespmem:s4], [sflag:$0x3] =	stream.indirect_vreg.gather [hbm4b:s2+s3], $0x80, v3, vm0, $0xb8;
	[tilespmem:$0x10180] =	vst v63  }
0xc6: {  	s10 =	simm.s32 $0xA980  }
0xc7: {  	[tilespmem:s10], [sflag:$0x3] =	stream.indirect_vreg.gather [hbm4b:s5+s3], $0x80, v3, vm0, $0xb8;
	[tilespmem:$0x10180] =	vst v63  }
0xc8: {  	s25 =	simm.s32 $0xB180  }
0xc9: {  	[tilespmem:s25], [sflag:$0x3] =	stream.indirect_vreg.gather [hbm4b:s6+s3], $0x80, v3, vm0, $0xb8;
	[tilespmem:$0x10180] =	vst v63  }
0xca: {  	s17 =	simm.s32 $0xB980  }
0xcb: {  	[tilespmem:s17], [sflag:$0x3] =	stream.indirect_vreg.gather [hbm4b:s7+s3], $0x80, v3, vm0, $0xb8;
	[tilespmem:$0x10180] =	vst v63  }
0xcc: {  	_ =	swait.ge [sflag:s23], $0x4000  }
0xcd: {  	[sflag:s23] =	ssyncset.done $0x0  }
0xce: {  	s19 =	rddreg [dreg:$0x6];
	[sflag:s23] =	ssyncadd.s32 $0xFFFFC000  }
0xcf: {  	[hbm4b:s19+s3] =	stream.linear.scatter [tilespmem:s11], [sflag:$0x5], $0x4000, $0x38;
	[tilespmem:$0x10180] =	vst v63  }
0xd0: {  	_ =	swait.ge [sflag:s9], $0x4000  }
0xd1: {  	[sflag:s9] =	ssyncset.done $0x0  }
0xd2: {  	[sflag:s9] =	ssyncadd.s32 $0xFFFFC000  }
0xd3: {  	v3 =	vld [tilespmem:$0x70];
	_ =	sdelay $0x4  }
0xd4: {  	v51 =	vshll.u32 v3, $0x3  }
0xd5: {  	v3 =	vand.u32 $0x7, v3;
	v4 =	vand.u32 $0xFFFFFFC0, v51  }
0xd6: {  	v3 =	vor.u32 v3, v4  }
0xd7: {  	v4 =	vperm.xlane v3, v0;
	_ =	sdelay $0x1  }
0xd8: {  	v4 =	vadd.s32 v1, v4;
	_ =	sdelay $0x4  }
0xd9: {  	[tilespmem:s11], [sflag:$0x4] =	stream.indirect_vreg.gather [hbm4b:s2+s3], $0x80, v4, vm0, $0xb8;
	[tilespmem:$0x10180] =	vst v63  }
0xda: {  	s24 =	simm.s32 $0xC980;
	v3 =	vperm.xlane v3, v2  }
0xdb: {  	[tilespmem:s24], [sflag:$0x4] =	stream.indirect_vreg.gather [hbm4b:s5+s3], $0x80, v4, vm0, $0xb8;
	[tilespmem:$0x10180] =	vst v63  }
0xdc: {  	s31 =	simm.s32 $0xD180;
	v3 =	vadd.s32 v1, v3  }
0xdd: {  	[tilespmem:s31], [sflag:$0x4] =	stream.indirect_vreg.gather [hbm4b:s6+s3], $0x80, v4, vm0, $0xb8;
	[tilespmem:$0x10180] =	vst v63  }
0xde: {  	s15 =	simm.s32 $0xD980  }
0xdf: {  	[tilespmem:s15], [sflag:$0x4] =	stream.indirect_vreg.gather [hbm4b:s7+s3], $0x80, v4, vm0, $0xb8;
	[tilespmem:$0x10180] =	vst v63  }
0xe0: {  	s16 =	simm.s32 $0xE180  }
0xe1: {  	[tilespmem:s16], [sflag:$0x4] =	stream.indirect_vreg.gather [hbm4b:s2+s3], $0x80, v3, vm0, $0xb8;
	[tilespmem:$0x10180] =	vst v63  }
0xe2: {  	s17 =	simm.s32 $0xE980  }
0xe3: {  	[tilespmem:s17], [sflag:$0x4] =	stream.indirect_vreg.gather [hbm4b:s5+s3], $0x80, v3, vm0, $0xb8;
	[tilespmem:$0x10180] =	vst v63  }
0xe4: {  	s19 =	simm.s32 $0xF180  }
0xe5: {  	[tilespmem:s19], [sflag:$0x4] =	stream.indirect_vreg.gather [hbm4b:s6+s3], $0x80, v3, vm0, $0xb8;
	[tilespmem:$0x10180] =	vst v63  }
0xe6: {  	s24 =	simm.s32 $0xF980  }
0xe7: {  	[tilespmem:s24], [sflag:$0x4] =	stream.indirect_vreg.gather [hbm4b:s7+s3], $0x80, v3, vm0, $0xb8;
	[tilespmem:$0x10180] =	vst v63  }
0xe8: {  	_ =	swait.ge [sflag:s20], $0x4000  }
0xe9: {  	[sflag:s20] =	ssyncset.done $0x0  }
0xea: {  	s24 =	rddreg [dreg:$0x7];
	[sflag:s20] =	ssyncadd.s32 $0xFFFFC000  }
0xeb: {  	[hbm4b:s24+s3] =	stream.linear.scatter [tilespmem:s13], [sflag:$0x5], $0x4000, $0x38;
	[tilespmem:$0x10180] =	vst v63  }
0xec: {  	_ =	swait.ge [sflag:s9], $0x4000  }
0xed: {  	[sflag:s9] =	ssyncset.done $0x0  }
0xee: {  	[sflag:s9] =	ssyncadd.s32 $0xFFFFC000  }
0xef: {  	v3 =	vld [tilespmem:$0x80];
	_ =	sdelay $0x4  }
0xf0: {  	v52 =	vshll.u32 v3, $0x3  }
0xf1: {  	v3 =	vand.u32 $0x7, v3;
	v4 =	vand.u32 $0xFFFFFFC0, v52  }
0xf2: {  	v3 =	vor.u32 v3, v4  }
0xf3: {  	v4 =	vperm.xlane v3, v0;
	_ =	sdelay $0x1  }
0xf4: {  	v4 =	vadd.s32 v1, v4;
	_ =	sdelay $0x4  }
0xf5: {  	[tilespmem:s13], [sflag:$0x1] =	stream.indirect_vreg.gather [hbm4b:s2+s3], $0x80, v4, vm0, $0xb8;
	[tilespmem:$0x10180] =	vst v63  }
0xf6: {  	s24 =	simm.s32 $0x980;
	v3 =	vperm.xlane v3, v2  }
0xf7: {  	[tilespmem:s24], [sflag:$0x1] =	stream.indirect_vreg.gather [hbm4b:s5+s3], $0x80, v4, vm0, $0xb8;
	[tilespmem:$0x10180] =	vst v63  }
0xf8: {  	v3 =	vadd.s32 v1, v3;
	s24 =	simm.s32 $0x1180  }
0xf9: {  	[tilespmem:s24], [sflag:$0x1] =	stream.indirect_vreg.gather [hbm4b:s6+s3], $0x80, v4, vm0, $0xb8;
	[tilespmem:$0x10180] =	vst v63  }
0xfa: {  	s24 =	simm.s32 $0x1980  }
0xfb: {  	[tilespmem:s24], [sflag:$0x1] =	stream.indirect_vreg.gather [hbm4b:s7+s3], $0x80, v4, vm0, $0xb8;
	[tilespmem:$0x10180] =	vst v63  }
0xfc: {  	s24 =	simm.s32 $0x2180  }
0xfd: {  	[tilespmem:s24], [sflag:$0x1] =	stream.indirect_vreg.gather [hbm4b:s2+s3], $0x80, v3, vm0, $0xb8;
	[tilespmem:$0x10180] =	vst v63  }
0xfe: {  	s24 =	simm.s32 $0x2980  }
0xff: {  	[tilespmem:s24], [sflag:$0x1] =	stream.indirect_vreg.gather [hbm4b:s5+s3], $0x80, v3, vm0, $0xb8;
	[tilespmem:$0x10180] =	vst v63  }
0x100: {  	s24 =	simm.s32 $0x3180  }
0x101: {  	[tilespmem:s24], [sflag:$0x1] =	stream.indirect_vreg.gather [hbm4b:s6+s3], $0x80, v3, vm0, $0xb8;
	[tilespmem:$0x10180] =	vst v63  }
0x102: {  	s24 =	simm.s32 $0x3980  }
0x103: {  	[tilespmem:s24], [sflag:$0x1] =	stream.indirect_vreg.gather [hbm4b:s7+s3], $0x80, v3, vm0, $0xb8;
	[tilespmem:$0x10180] =	vst v63  }
0x104: {  	_ =	swait.ge [sflag:s21], $0x4000  }
0x105: {  	[sflag:s21] =	ssyncset.done $0x0  }
0x106: {  	s24 =	rddreg [dreg:$0x8];
	[sflag:s21] =	ssyncadd.s32 $0xFFFFC000  }
0x107: {  	[hbm4b:s24+s3] =	stream.linear.scatter [tilespmem:s18], [sflag:$0x5], $0x4000, $0x38;
	[tilespmem:$0x10180] =	vst v63  }
0x108: {  	_ =	swait.ge [sflag:s9], $0x4000  }
0x109: {  	[sflag:s9] =	ssyncset.done $0x0  }
0x10a: {  	[sflag:s9] =	ssyncadd.s32 $0xFFFFC000  }
0x10b: {  	v3 =	vld [tilespmem:$0x90];
	_ =	sdelay $0x4  }
0x10c: {  	v53 =	vshll.u32 v3, $0x3  }
0x10d: {  	v3 =	vand.u32 $0x7, v3;
	v4 =	vand.u32 $0xFFFFFFC0, v53  }
0x10e: {  	v3 =	vor.u32 v3, v4  }
0x10f: {  	v4 =	vperm.xlane v3, v0;
	_ =	sdelay $0x1  }
0x110: {  	v4 =	vadd.s32 v1, v4;
	_ =	sdelay $0x4  }
0x111: {  	[tilespmem:s18], [sflag:$0x2] =	stream.indirect_vreg.gather [hbm4b:s2+s3], $0x80, v4, vm0, $0xb8;
	[tilespmem:$0x10180] =	vst v63  }
0x112: {  	s24 =	simm.s32 $0x4980;
	v3 =	vperm.xlane v3, v2  }
0x113: {  	[tilespmem:s24], [sflag:$0x2] =	stream.indirect_vreg.gather [hbm4b:s5+s3], $0x80, v4, vm0, $0xb8;
	[tilespmem:$0x10180] =	vst v63  }
0x114: {  	s30 =	simm.s32 $0x5180;
	v3 =	vadd.s32 v1, v3  }
0x115: {  	[tilespmem:s30], [sflag:$0x2] =	stream.indirect_vreg.gather [hbm4b:s6+s3], $0x80, v4, vm0, $0xb8;
	[tilespmem:$0x10180] =	vst v63  }
0x116: {  	s24 =	simm.s32 $0x5980  }
0x117: {  	[tilespmem:s24], [sflag:$0x2] =	stream.indirect_vreg.gather [hbm4b:s7+s3], $0x80, v4, vm0, $0xb8;
	[tilespmem:$0x10180] =	vst v63  }
0x118: {  	s24 =	simm.s32 $0x6180  }
0x119: {  	[tilespmem:s24], [sflag:$0x2] =	stream.indirect_vreg.gather [hbm4b:s2+s3], $0x80, v3, vm0, $0xb8;
	[tilespmem:$0x10180] =	vst v63  }
0x11a: {  	s24 =	simm.s32 $0x6980  }
0x11b: {  	[tilespmem:s24], [sflag:$0x2] =	stream.indirect_vreg.gather [hbm4b:s5+s3], $0x80, v3, vm0, $0xb8;
	[tilespmem:$0x10180] =	vst v63  }
0x11c: {  	s24 =	simm.s32 $0x7180  }
0x11d: {  	[tilespmem:s24], [sflag:$0x2] =	stream.indirect_vreg.gather [hbm4b:s6+s3], $0x80, v3, vm0, $0xb8;
	[tilespmem:$0x10180] =	vst v63  }
0x11e: {  	s24 =	simm.s32 $0x7980  }
0x11f: {  	[tilespmem:s24], [sflag:$0x2] =	stream.indirect_vreg.gather [hbm4b:s7+s3], $0x80, v3, vm0, $0xb8;
	[tilespmem:$0x10180] =	vst v63  }
0x120: {  	_ =	swait.ge [sflag:s22], $0x4000  }
0x121: {  	[sflag:s22] =	ssyncset.done $0x0  }
0x122: {  	s24 =	rddreg [dreg:$0x9];
	[sflag:s22] =	ssyncadd.s32 $0xFFFFC000  }
0x123: {  	[hbm4b:s24+s3] =	stream.linear.scatter [tilespmem:s26], [sflag:$0x5], $0x4000, $0x38;
	[tilespmem:$0x10180] =	vst v63  }
0x124: {  	_ =	swait.ge [sflag:s9], $0x4000  }
0x125: {  	[sflag:s9] =	ssyncset.done $0x0  }
0x126: {  	[sflag:s9] =	ssyncadd.s32 $0xFFFFC000  }
0x127: {  	v3 =	vld [tilespmem:$0xA0];
	_ =	sdelay $0x4  }
0x128: {  	v54 =	vshll.u32 v3, $0x3  }
0x129: {  	v3 =	vand.u32 $0x7, v3;
	v4 =	vand.u32 $0xFFFFFFC0, v54  }
0x12a: {  	v3 =	vor.u32 v3, v4  }
0x12b: {  	v4 =	vperm.xlane v3, v0;
	_ =	sdelay $0x1  }
0x12c: {  	v4 =	vadd.s32 v1, v4;
	_ =	sdelay $0x4  }
0x12d: {  	[tilespmem:s26], [sflag:$0x3] =	stream.indirect_vreg.gather [hbm4b:s2+s3], $0x80, v4, vm0, $0xb8;
	[tilespmem:$0x10180] =	vst v63  }
0x12e: {  	s28 =	simm.s32 $0x8980;
	v3 =	vperm.xlane v3, v2  }
0x12f: {  	[tilespmem:s28], [sflag:$0x3] =	stream.indirect_vreg.gather [hbm4b:s5+s3], $0x80, v4, vm0, $0xb8;
	[tilespmem:$0x10180] =	vst v63  }
0x130: {  	v3 =	vadd.s32 v1, v3  }
0x131: {  	[tilespmem:s0], [sflag:$0x3] =	stream.indirect_vreg.gather [hbm4b:s6+s3], $0x80, v4, vm0, $0xb8;
	[tilespmem:$0x10180] =	vst v63  }
0x132: {  	_ = 	snop  }
0x133: {  	[tilespmem:s1], [sflag:$0x3] =	stream.indirect_vreg.gather [hbm4b:s7+s3], $0x80, v4, vm0, $0xb8;
	[tilespmem:$0x10180] =	vst v63  }
0x134: {  	_ = 	snop  }
0x135: {  	[tilespmem:s4], [sflag:$0x3] =	stream.indirect_vreg.gather [hbm4b:s2+s3], $0x80, v3, vm0, $0xb8;
	[tilespmem:$0x10180] =	vst v63  }
0x136: {  	_ = 	snop  }
0x137: {  	[tilespmem:s10], [sflag:$0x3] =	stream.indirect_vreg.gather [hbm4b:s5+s3], $0x80, v3, vm0, $0xb8;
	[tilespmem:$0x10180] =	vst v63  }
0x138: {  	_ = 	snop  }
0x139: {  	[tilespmem:s25], [sflag:$0x3] =	stream.indirect_vreg.gather [hbm4b:s6+s3], $0x80, v3, vm0, $0xb8;
	[tilespmem:$0x10180] =	vst v63  }
0x13a: {  	s29 =	simm.s32 $0xB980  }
0x13b: {  	[tilespmem:s29], [sflag:$0x3] =	stream.indirect_vreg.gather [hbm4b:s7+s3], $0x80, v3, vm0, $0xb8;
	[tilespmem:$0x10180] =	vst v63  }
0x13c: {  	_ =	swait.ge [sflag:s23], $0x4000  }
0x13d: {  	[sflag:s23] =	ssyncset.done $0x0  }
0x13e: {  	s29 =	rddreg [dreg:$0xa];
	[sflag:s23] =	ssyncadd.s32 $0xFFFFC000  }
0x13f: {  	[hbm4b:s29+s3] =	stream.linear.scatter [tilespmem:s11], [sflag:$0x5], $0x4000, $0x38;
	[tilespmem:$0x10180] =	vst v63  }
0x140: {  	_ =	swait.ge [sflag:s9], $0x4000  }
0x141: {  	[sflag:s9] =	ssyncset.done $0x0  }
0x142: {  	[sflag:s9] =	ssyncadd.s32 $0xFFFFC000  }
0x143: {  	v3 =	vld [tilespmem:$0xB0];
	_ =	sdelay $0x4  }
0x144: {  	v55 =	vshll.u32 v3, $0x3  }
0x145: {  	v3 =	vand.u32 $0x7, v3;
	v4 =	vand.u32 $0xFFFFFFC0, v55  }
0x146: {  	v3 =	vor.u32 v3, v4  }
0x147: {  	v4 =	vperm.xlane v3, v0;
	_ =	sdelay $0x1  }
0x148: {  	v4 =	vadd.s32 v1, v4;
	_ =	sdelay $0x4  }
0x149: {  	[tilespmem:s11], [sflag:$0x4] =	stream.indirect_vreg.gather [hbm4b:s2+s3], $0x80, v4, vm0, $0xb8;
	[tilespmem:$0x10180] =	vst v63  }
0x14a: {  	s14 =	simm.s32 $0xC980;
	v3 =	vperm.xlane v3, v2  }
0x14b: {  	[tilespmem:s14], [sflag:$0x4] =	stream.indirect_vreg.gather [hbm4b:s5+s3], $0x80, v4, vm0, $0xb8;
	[tilespmem:$0x10180] =	vst v63  }
0x14c: {  	s31 =	simm.s32 $0xD180;
	v3 =	vadd.s32 v1, v3  }
0x14d: {  	[tilespmem:s31], [sflag:$0x4] =	stream.indirect_vreg.gather [hbm4b:s6+s3], $0x80, v4, vm0, $0xb8;
	[tilespmem:$0x10180] =	vst v63  }
0x14e: {  	s15 =	simm.s32 $0xD980  }
0x14f: {  	[tilespmem:s15], [sflag:$0x4] =	stream.indirect_vreg.gather [hbm4b:s7+s3], $0x80, v4, vm0, $0xb8;
	[tilespmem:$0x10180] =	vst v63  }
0x150: {  	s16 =	simm.s32 $0xE180  }
0x151: {  	[tilespmem:s16], [sflag:$0x4] =	stream.indirect_vreg.gather [hbm4b:s2+s3], $0x80, v3, vm0, $0xb8;
	[tilespmem:$0x10180] =	vst v63  }
0x152: {  	s17 =	simm.s32 $0xE980  }
0x153: {  	[tilespmem:s17], [sflag:$0x4] =	stream.indirect_vreg.gather [hbm4b:s5+s3], $0x80, v3, vm0, $0xb8;
	[tilespmem:$0x10180] =	vst v63  }
0x154: {  	s12 =	simm.s32 $0xF180  }
0x155: {  	[tilespmem:s12], [sflag:$0x4] =	stream.indirect_vreg.gather [hbm4b:s6+s3], $0x80, v3, vm0, $0xb8;
	[tilespmem:$0x10180] =	vst v63  }
0x156: {  	s19 =	simm.s32 $0xF980  }
0x157: {  	[tilespmem:s19], [sflag:$0x4] =	stream.indirect_vreg.gather [hbm4b:s7+s3], $0x80, v3, vm0, $0xb8;
	[tilespmem:$0x10180] =	vst v63  }
0x158: {  	_ =	swait.ge [sflag:s20], $0x4000  }
0x159: {  	[sflag:s20] =	ssyncset.done $0x0  }
0x15a: {  	s19 =	rddreg [dreg:$0xb];
	[sflag:s20] =	ssyncadd.s32 $0xFFFFC000  }
0x15b: {  	[hbm4b:s19+s3] =	stream.linear.scatter [tilespmem:s13], [sflag:$0x5], $0x4000, $0x38;
	[tilespmem:$0x10180] =	vst v63  }
0x15c: {  	_ =	swait.ge [sflag:s9], $0x4000  }
0x15d: {  	[sflag:s9] =	ssyncset.done $0x0  }
0x15e: {  	[sflag:s9] =	ssyncadd.s32 $0xFFFFC000  }
0x15f: {  	v3 =	vld [tilespmem:$0xC0];
	_ =	sdelay $0x4  }
0x160: {  	v56 =	vshll.u32 v3, $0x3  }
0x161: {  	v3 =	vand.u32 $0x7, v3;
	v4 =	vand.u32 $0xFFFFFFC0, v56  }
0x162: {  	v3 =	vor.u32 v3, v4  }
0x163: {  	v4 =	vperm.xlane v3, v0;
	_ =	sdelay $0x1  }
0x164: {  	v4 =	vadd.s32 v1, v4;
	_ =	sdelay $0x4  }
0x165: {  	[tilespmem:s13], [sflag:$0x1] =	stream.indirect_vreg.gather [hbm4b:s2+s3], $0x80, v4, vm0, $0xb8;
	[tilespmem:$0x10180] =	vst v63  }
0x166: {  	s24 =	simm.s32 $0x980;
	v3 =	vperm.xlane v3, v2  }
0x167: {  	[tilespmem:s24], [sflag:$0x1] =	stream.indirect_vreg.gather [hbm4b:s5+s3], $0x80, v4, vm0, $0xb8;
	[tilespmem:$0x10180] =	vst v63  }
0x168: {  	s16 =	simm.s32 $0x1180;
	v3 =	vadd.s32 v1, v3  }
0x169: {  	[tilespmem:s16], [sflag:$0x1] =	stream.indirect_vreg.gather [hbm4b:s6+s3], $0x80, v4, vm0, $0xb8;
	[tilespmem:$0x10180] =	vst v63  }
0x16a: {  	s19 =	simm.s32 $0x1980  }
0x16b: {  	[tilespmem:s19], [sflag:$0x1] =	stream.indirect_vreg.gather [hbm4b:s7+s3], $0x80, v4, vm0, $0xb8;
	[tilespmem:$0x10180] =	vst v63  }
0x16c: {  	s24 =	simm.s32 $0x2180  }
0x16d: {  	[tilespmem:s24], [sflag:$0x1] =	stream.indirect_vreg.gather [hbm4b:s2+s3], $0x80, v3, vm0, $0xb8;
	[tilespmem:$0x10180] =	vst v63  }
0x16e: {  	s16 =	simm.s32 $0x2980  }
0x16f: {  	[tilespmem:s16], [sflag:$0x1] =	stream.indirect_vreg.gather [hbm4b:s5+s3], $0x80, v3, vm0, $0xb8;
	[tilespmem:$0x10180] =	vst v63  }
0x170: {  	s19 =	simm.s32 $0x3180  }
0x171: {  	[tilespmem:s19], [sflag:$0x1] =	stream.indirect_vreg.gather [hbm4b:s6+s3], $0x80, v3, vm0, $0xb8;
	[tilespmem:$0x10180] =	vst v63  }
0x172: {  	s24 =	simm.s32 $0x3980  }
0x173: {  	[tilespmem:s24], [sflag:$0x1] =	stream.indirect_vreg.gather [hbm4b:s7+s3], $0x80, v3, vm0, $0xb8;
	[tilespmem:$0x10180] =	vst v63  }
0x174: {  	_ =	swait.ge [sflag:s21], $0x4000  }
0x175: {  	[sflag:s21] =	ssyncset.done $0x0  }
0x176: {  	s16 =	rddreg [dreg:$0xc];
	[sflag:s21] =	ssyncadd.s32 $0xFFFFC000  }
0x177: {  	[hbm4b:s16+s3] =	stream.linear.scatter [tilespmem:s18], [sflag:$0x5], $0x4000, $0x38;
	[tilespmem:$0x10180] =	vst v63  }
0x178: {  	_ =	swait.ge [sflag:s9], $0x4000  }
0x179: {  	[sflag:s9] =	ssyncset.done $0x0  }
0x17a: {  	[sflag:s9] =	ssyncadd.s32 $0xFFFFC000  }
0x17b: {  	v3 =	vld [tilespmem:$0xD0];
	_ =	sdelay $0x4  }
0x17c: {  	v57 =	vshll.u32 v3, $0x3  }
0x17d: {  	v3 =	vand.u32 $0x7, v3;
	v4 =	vand.u32 $0xFFFFFFC0, v57  }
0x17e: {  	v3 =	vor.u32 v3, v4  }
0x17f: {  	v4 =	vperm.xlane v3, v0;
	_ =	sdelay $0x1  }
0x180: {  	v4 =	vadd.s32 v1, v4;
	_ =	sdelay $0x4  }
0x181: {  	[tilespmem:s18], [sflag:$0x2] =	stream.indirect_vreg.gather [hbm4b:s2+s3], $0x80, v4, vm0, $0xb8;
	[tilespmem:$0x10180] =	vst v63  }
0x182: {  	s19 =	simm.s32 $0x4980;
	v3 =	vperm.xlane v3, v2  }
0x183: {  	[tilespmem:s19], [sflag:$0x2] =	stream.indirect_vreg.gather [hbm4b:s5+s3], $0x80, v4, vm0, $0xb8;
	[tilespmem:$0x10180] =	vst v63  }
0x184: {  	s30 =	simm.s32 $0x5180;
	v3 =	vadd.s32 v1, v3  }
0x185: {  	[tilespmem:s30], [sflag:$0x2] =	stream.indirect_vreg.gather [hbm4b:s6+s3], $0x80, v4, vm0, $0xb8;
	[tilespmem:$0x10180] =	vst v63  }
0x186: {  	s24 =	simm.s32 $0x5980  }
0x187: {  	[tilespmem:s24], [sflag:$0x2] =	stream.indirect_vreg.gather [hbm4b:s7+s3], $0x80, v4, vm0, $0xb8;
	[tilespmem:$0x10180] =	vst v63  }
0x188: {  	s30 =	simm.s32 $0x6180  }
0x189: {  	[tilespmem:s30], [sflag:$0x2] =	stream.indirect_vreg.gather [hbm4b:s2+s3], $0x80, v3, vm0, $0xb8;
	[tilespmem:$0x10180] =	vst v63  }
0x18a: {  	s16 =	simm.s32 $0x6980  }
0x18b: {  	[tilespmem:s16], [sflag:$0x2] =	stream.indirect_vreg.gather [hbm4b:s5+s3], $0x80, v3, vm0, $0xb8;
	[tilespmem:$0x10180] =	vst v63  }
0x18c: {  	s24 =	simm.s32 $0x7180  }
0x18d: {  	[tilespmem:s24], [sflag:$0x2] =	stream.indirect_vreg.gather [hbm4b:s6+s3], $0x80, v3, vm0, $0xb8;
	[tilespmem:$0x10180] =	vst v63  }
0x18e: {  	s30 =	simm.s32 $0x7980  }
0x18f: {  	[tilespmem:s30], [sflag:$0x2] =	stream.indirect_vreg.gather [hbm4b:s7+s3], $0x80, v3, vm0, $0xb8;
	[tilespmem:$0x10180] =	vst v63  }
0x190: {  	_ =	swait.ge [sflag:s22], $0x4000  }
0x191: {  	[sflag:s22] =	ssyncset.done $0x0  }
0x192: {  	s12 =	rddreg [dreg:$0xd];
	[sflag:s22] =	ssyncadd.s32 $0xFFFFC000  }
0x193: {  	[hbm4b:s12+s3] =	stream.linear.scatter [tilespmem:s26], [sflag:$0x5], $0x4000, $0x38;
	[tilespmem:$0x10180] =	vst v63  }
0x194: {  	_ =	swait.ge [sflag:s9], $0x4000  }
0x195: {  	[sflag:s9] =	ssyncset.done $0x0  }
0x196: {  	[sflag:s9] =	ssyncadd.s32 $0xFFFFC000  }
0x197: {  	v3 =	vld [tilespmem:$0xE0];
	_ =	sdelay $0x4  }
0x198: {  	v58 =	vshll.u32 v3, $0x3  }
0x199: {  	v3 =	vand.u32 $0x7, v3;
	v4 =	vand.u32 $0xFFFFFFC0, v58  }
0x19a: {  	v3 =	vor.u32 v3, v4  }
0x19b: {  	v4 =	vperm.xlane v3, v0;
	_ =	sdelay $0x1  }
0x19c: {  	v4 =	vadd.s32 v1, v4;
	_ =	sdelay $0x4  }
0x19d: {  	[tilespmem:s26], [sflag:$0x3] =	stream.indirect_vreg.gather [hbm4b:s2+s3], $0x80, v4, vm0, $0xb8;
	[tilespmem:$0x10180] =	vst v63  }
0x19e: {  	s16 =	simm.s32 $0x8980;
	v3 =	vperm.xlane v3, v2  }
0x19f: {  	[tilespmem:s16], [sflag:$0x3] =	stream.indirect_vreg.gather [hbm4b:s5+s3], $0x80, v4, vm0, $0xb8;
	[tilespmem:$0x10180] =	vst v63  }
0x1a0: {  	s0 =	simm.s32 $0x9180;
	v3 =	vadd.s32 v1, v3  }
0x1a1: {  	[tilespmem:s0], [sflag:$0x3] =	stream.indirect_vreg.gather [hbm4b:s6+s3], $0x80, v4, vm0, $0xb8;
	[tilespmem:$0x10180] =	vst v63  }
0x1a2: {  	s1 =	simm.s32 $0x9980  }
0x1a3: {  	[tilespmem:s1], [sflag:$0x3] =	stream.indirect_vreg.gather [hbm4b:s7+s3], $0x80, v4, vm0, $0xb8;
	[tilespmem:$0x10180] =	vst v63  }
0x1a4: {  	s4 =	simm.s32 $0xA180  }
0x1a5: {  	[tilespmem:s4], [sflag:$0x3] =	stream.indirect_vreg.gather [hbm4b:s2+s3], $0x80, v3, vm0, $0xb8;
	[tilespmem:$0x10180] =	vst v63  }
0x1a6: {  	s10 =	simm.s32 $0xA980  }
0x1a7: {  	[tilespmem:s10], [sflag:$0x3] =	stream.indirect_vreg.gather [hbm4b:s5+s3], $0x80, v3, vm0, $0xb8;
	[tilespmem:$0x10180] =	vst v63  }
0x1a8: {  	s25 =	simm.s32 $0xB180  }
0x1a9: {  	[tilespmem:s25], [sflag:$0x3] =	stream.indirect_vreg.gather [hbm4b:s6+s3], $0x80, v3, vm0, $0xb8;
	[tilespmem:$0x10180] =	vst v63  }
0x1aa: {  	s24 =	simm.s32 $0xB980  }
0x1ab: {  	[tilespmem:s24], [sflag:$0x3] =	stream.indirect_vreg.gather [hbm4b:s7+s3], $0x80, v3, vm0, $0xb8;
	[tilespmem:$0x10180] =	vst v63  }
0x1ac: {  	_ =	swait.ge [sflag:s23], $0x4000  }
0x1ad: {  	[sflag:s23] =	ssyncset.done $0x0  }
0x1ae: {  	s25 =	rddreg [dreg:$0xe];
	[sflag:s23] =	ssyncadd.s32 $0xFFFFC000  }
0x1af: {  	[hbm4b:s25+s3] =	stream.linear.scatter [tilespmem:s11], [sflag:$0x5], $0x4000, $0x38;
	[tilespmem:$0x10180] =	vst v63  }
0x1b0: {  	_ =	swait.ge [sflag:s9], $0x4000  }
0x1b1: {  	[sflag:s9] =	ssyncset.done $0x0  }
0x1b2: {  	[sflag:s9] =	ssyncadd.s32 $0xFFFFC000  }
0x1b3: {  	v3 =	vld [tilespmem:$0xF0];
	_ =	sdelay $0x4  }
0x1b4: {  	v59 =	vshll.u32 v3, $0x3  }
0x1b5: {  	v3 =	vand.u32 $0x7, v3;
	v4 =	vand.u32 $0xFFFFFFC0, v59  }
0x1b6: {  	v3 =	vor.u32 v3, v4  }
0x1b7: {  	v4 =	vperm.xlane v3, v0;
	_ =	sdelay $0x1  }
0x1b8: {  	v4 =	vadd.s32 v1, v4;
	_ =	sdelay $0x4  }
0x1b9: {  	[tilespmem:s11], [sflag:$0x4] =	stream.indirect_vreg.gather [hbm4b:s2+s3], $0x80, v4, vm0, $0xb8;
	[tilespmem:$0x10180] =	vst v63  }
0x1ba: {  	s28 =	simm.s32 $0xC980;
	v3 =	vperm.xlane v3, v2  }
0x1bb: {  	[tilespmem:s28], [sflag:$0x4] =	stream.indirect_vreg.gather [hbm4b:s5+s3], $0x80, v4, vm0, $0xb8;
	[tilespmem:$0x10180] =	vst v63  }
0x1bc: {  	s14 =	simm.s32 $0xD180;
	v3 =	vadd.s32 v1, v3  }
0x1bd: {  	[tilespmem:s14], [sflag:$0x4] =	stream.indirect_vreg.gather [hbm4b:s6+s3], $0x80, v4, vm0, $0xb8;
	[tilespmem:$0x10180] =	vst v63  }
0x1be: {  	s29 =	simm.s32 $0xD980  }
0x1bf: {  	[tilespmem:s29], [sflag:$0x4] =	stream.indirect_vreg.gather [hbm4b:s7+s3], $0x80, v4, vm0, $0xb8;
	[tilespmem:$0x10180] =	vst v63  }
0x1c0: {  	s31 =	simm.s32 $0xE180  }
0x1c1: {  	[tilespmem:s31], [sflag:$0x4] =	stream.indirect_vreg.gather [hbm4b:s2+s3], $0x80, v3, vm0, $0xb8;
	[tilespmem:$0x10180] =	vst v63  }
0x1c2: {  	s31 =	simm.s32 $0xE980  }
0x1c3: {  	[tilespmem:s31], [sflag:$0x4] =	stream.indirect_vreg.gather [hbm4b:s5+s3], $0x80, v3, vm0, $0xb8;
	[tilespmem:$0x10180] =	vst v63  }
0x1c4: {  	s17 =	simm.s32 $0xF180  }
0x1c5: {  	[tilespmem:s17], [sflag:$0x4] =	stream.indirect_vreg.gather [hbm4b:s6+s3], $0x80, v3, vm0, $0xb8;
	[tilespmem:$0x10180] =	vst v63  }
0x1c6: {  	s15 =	simm.s32 $0xF980  }
0x1c7: {  	[tilespmem:s15], [sflag:$0x4] =	stream.indirect_vreg.gather [hbm4b:s7+s3], $0x80, v3, vm0, $0xb8;
	[tilespmem:$0x10180] =	vst v63  }
0x1c8: {  	_ =	swait.ge [sflag:s20], $0x4000  }
0x1c9: {  	[sflag:s20] =	ssyncset.done $0x0  }
0x1ca: {  	s17 =	rddreg [dreg:$0xf];
	[sflag:s20] =	ssyncadd.s32 $0xFFFFC000  }
0x1cb: {  	[hbm4b:s17+s3] =	stream.linear.scatter [tilespmem:s13], [sflag:$0x5], $0x4000, $0x38;
	[tilespmem:$0x10180] =	vst v63  }
0x1cc: {  	_ =	swait.ge [sflag:s9], $0x4000  }
0x1cd: {  	[sflag:s9] =	ssyncset.done $0x0  }
0x1ce: {  	[sflag:s9] =	ssyncadd.s32 $0xFFFFC000  }
0x1cf: {  	v3 =	vld [tilespmem:$0x100];
	_ =	sdelay $0x4  }
0x1d0: {  	v60 =	vshll.u32 v3, $0x3  }
0x1d1: {  	v3 =	vand.u32 $0x7, v3;
	v4 =	vand.u32 $0xFFFFFFC0, v60  }
0x1d2: {  	v3 =	vor.u32 v3, v4  }
0x1d3: {  	v4 =	vperm.xlane v3, v0;
	_ =	sdelay $0x1  }
0x1d4: {  	v4 =	vadd.s32 v1, v4;
	_ =	sdelay $0x4  }
0x1d5: {  	[tilespmem:s13], [sflag:$0x1] =	stream.indirect_vreg.gather [hbm4b:s2+s3], $0x80, v4, vm0, $0xb8;
	[tilespmem:$0x10180] =	vst v63  }
0x1d6: {  	s24 =	simm.s32 $0x980;
	v3 =	vperm.xlane v3, v2  }
0x1d7: {  	[tilespmem:s24], [sflag:$0x1] =	stream.indirect_vreg.gather [hbm4b:s5+s3], $0x80, v4, vm0, $0xb8;
	[tilespmem:$0x10180] =	vst v63  }
0x1d8: {  	s17 =	simm.s32 $0x1180;
	v3 =	vadd.s32 v1, v3  }
0x1d9: {  	[tilespmem:s17], [sflag:$0x1] =	stream.indirect_vreg.gather [hbm4b:s6+s3], $0x80, v4, vm0, $0xb8;
	[tilespmem:$0x10180] =	vst v63  }
0x1da: {  	s24 =	simm.s32 $0x1980  }
0x1db: {  	[tilespmem:s24], [sflag:$0x1] =	stream.indirect_vreg.gather [hbm4b:s7+s3], $0x80, v4, vm0, $0xb8;
	[tilespmem:$0x10180] =	vst v63  }
0x1dc: {  	s17 =	simm.s32 $0x2180  }
0x1dd: {  	[tilespmem:s17], [sflag:$0x1] =	stream.indirect_vreg.gather [hbm4b:s2+s3], $0x80, v3, vm0, $0xb8;
	[tilespmem:$0x10180] =	vst v63  }
0x1de: {  	s24 =	simm.s32 $0x2980  }
0x1df: {  	[tilespmem:s24], [sflag:$0x1] =	stream.indirect_vreg.gather [hbm4b:s5+s3], $0x80, v3, vm0, $0xb8;
	[tilespmem:$0x10180] =	vst v63  }
0x1e0: {  	s17 =	simm.s32 $0x3180  }
0x1e1: {  	[tilespmem:s17], [sflag:$0x1] =	stream.indirect_vreg.gather [hbm4b:s6+s3], $0x80, v3, vm0, $0xb8;
	[tilespmem:$0x10180] =	vst v63  }
0x1e2: {  	s24 =	simm.s32 $0x3980  }
0x1e3: {  	[tilespmem:s24], [sflag:$0x1] =	stream.indirect_vreg.gather [hbm4b:s7+s3], $0x80, v3, vm0, $0xb8;
	[tilespmem:$0x10180] =	vst v63  }
0x1e4: {  	_ =	swait.ge [sflag:s21], $0x4000  }
0x1e5: {  	[sflag:s21] =	ssyncset.done $0x0  }
0x1e6: {  	s15 =	rddreg [dreg:$0x10];
	[sflag:s21] =	ssyncadd.s32 $0xFFFFC000  }
0x1e7: {  	[hbm4b:s15+s3] =	stream.linear.scatter [tilespmem:s18], [sflag:$0x5], $0x4000, $0x38;
	[tilespmem:$0x10180] =	vst v63  }
0x1e8: {  	_ =	swait.ge [sflag:s9], $0x4000  }
0x1e9: {  	[sflag:s9] =	ssyncset.done $0x0  }
0x1ea: {  	[sflag:s9] =	ssyncadd.s32 $0xFFFFC000  }
0x1eb: {  	v3 =	vld [tilespmem:$0x110];
	_ =	sdelay $0x4  }
0x1ec: {  	v61 =	vshll.u32 v3, $0x3  }
0x1ed: {  	v3 =	vand.u32 $0x7, v3;
	v4 =	vand.u32 $0xFFFFFFC0, v61  }
0x1ee: {  	v3 =	vor.u32 v3, v4  }
0x1ef: {  	v4 =	vperm.xlane v3, v0;
	_ =	sdelay $0x1  }
0x1f0: {  	v4 =	vadd.s32 v1, v4;
	_ =	sdelay $0x4  }
0x1f1: {  	[tilespmem:s18], [sflag:$0x2] =	stream.indirect_vreg.gather [hbm4b:s2+s3], $0x80, v4, vm0, $0xb8;
	[tilespmem:$0x10180] =	vst v63  }
0x1f2: {  	s17 =	simm.s32 $0x4980;
	v3 =	vperm.xlane v3, v2  }
0x1f3: {  	[tilespmem:s17], [sflag:$0x2] =	stream.indirect_vreg.gather [hbm4b:s5+s3], $0x80, v4, vm0, $0xb8;
	[tilespmem:$0x10180] =	vst v63  }
0x1f4: {  	s19 =	simm.s32 $0x5180;
	v3 =	vadd.s32 v1, v3  }
0x1f5: {  	[tilespmem:s19], [sflag:$0x2] =	stream.indirect_vreg.gather [hbm4b:s6+s3], $0x80, v4, vm0, $0xb8;
	[tilespmem:$0x10180] =	vst v63  }
0x1f6: {  	s19 =	simm.s32 $0x5980  }
0x1f7: {  	[tilespmem:s19], [sflag:$0x2] =	stream.indirect_vreg.gather [hbm4b:s7+s3], $0x80, v4, vm0, $0xb8;
	[tilespmem:$0x10180] =	vst v63  }
0x1f8: {  	s24 =	simm.s32 $0x6180  }
0x1f9: {  	[tilespmem:s24], [sflag:$0x2] =	stream.indirect_vreg.gather [hbm4b:s2+s3], $0x80, v3, vm0, $0xb8;
	[tilespmem:$0x10180] =	vst v63  }
0x1fa: {  	s17 =	simm.s32 $0x6980  }
0x1fb: {  	[tilespmem:s17], [sflag:$0x2] =	stream.indirect_vreg.gather [hbm4b:s5+s3], $0x80, v3, vm0, $0xb8;
	[tilespmem:$0x10180] =	vst v63  }
0x1fc: {  	s19 =	simm.s32 $0x7180  }
0x1fd: {  	[tilespmem:s19], [sflag:$0x2] =	stream.indirect_vreg.gather [hbm4b:s6+s3], $0x80, v3, vm0, $0xb8;
	[tilespmem:$0x10180] =	vst v63  }
0x1fe: {  	s24 =	simm.s32 $0x7980  }
0x1ff: {  	[tilespmem:s24], [sflag:$0x2] =	stream.indirect_vreg.gather [hbm4b:s7+s3], $0x80, v3, vm0, $0xb8;
	[tilespmem:$0x10180] =	vst v63  }
0x200: {  	_ =	swait.ge [sflag:s22], $0x4000  }
0x201: {  	[sflag:s22] =	ssyncset.done $0x0  }
0x202: {  	s15 =	rddreg [dreg:$0x11];
	[sflag:s22] =	ssyncadd.s32 $0xFFFFC000  }
0x203: {  	[hbm4b:s15+s3] =	stream.linear.scatter [tilespmem:s26], [sflag:$0x5], $0x4000, $0x38;
	[tilespmem:$0x10180] =	vst v63  }
0x204: {  	_ =	swait.ge [sflag:s9], $0x4000  }
0x205: {  	[sflag:s9] =	ssyncset.done $0x0  }
0x206: {  	[sflag:s9] =	ssyncadd.s32 $0xFFFFC000  }
0x207: {  	v3 =	vld [tilespmem:$0x120];
	_ =	sdelay $0x4  }
0x208: {  	v62 =	vshll.u32 v3, $0x3  }
0x209: {  	v3 =	vand.u32 $0x7, v3;
	v4 =	vand.u32 $0xFFFFFFC0, v62  }
0x20a: {  	v3 =	vor.u32 v3, v4  }
0x20b: {  	v4 =	vperm.xlane v3, v0;
	_ =	sdelay $0x1  }
0x20c: {  	v4 =	vadd.s32 v1, v4;
	_ =	sdelay $0x4  }
0x20d: {  	[tilespmem:s26], [sflag:$0x3] =	stream.indirect_vreg.gather [hbm4b:s2+s3], $0x80, v4, vm0, $0xb8;
	[tilespmem:$0x10180] =	vst v63  }
0x20e: {  	s16 =	simm.s32 $0x8980;
	v3 =	vperm.xlane v3, v2  }
0x20f: {  	[tilespmem:s16], [sflag:$0x3] =	stream.indirect_vreg.gather [hbm4b:s5+s3], $0x80, v4, vm0, $0xb8;
	[tilespmem:$0x10180] =	vst v63  }
0x210: {  	s30 =	simm.s32 $0x9180;
	v3 =	vadd.s32 v1, v3  }
0x211: {  	[tilespmem:s30], [sflag:$0x3] =	stream.indirect_vreg.gather [hbm4b:s6+s3], $0x80, v4, vm0, $0xb8;
	[tilespmem:$0x10180] =	vst v63  }
0x212: {  	s0 =	simm.s32 $0x9980  }
0x213: {  	[tilespmem:s0], [sflag:$0x3] =	stream.indirect_vreg.gather [hbm4b:s7+s3], $0x80, v4, vm0, $0xb8;
	[tilespmem:$0x10180] =	vst v63  }
0x214: {  	s1 =	simm.s32 $0xA180  }
0x215: {  	[tilespmem:s1], [sflag:$0x3] =	stream.indirect_vreg.gather [hbm4b:s2+s3], $0x80, v3, vm0, $0xb8;
	[tilespmem:$0x10180] =	vst v63  }
0x216: {  	s4 =	simm.s32 $0xA980  }
0x217: {  	[tilespmem:s4], [sflag:$0x3] =	stream.indirect_vreg.gather [hbm4b:s5+s3], $0x80, v3, vm0, $0xb8;
	[tilespmem:$0x10180] =	vst v63  }
0x218: {  	s10 =	simm.s32 $0xB180  }
0x219: {  	[tilespmem:s10], [sflag:$0x3] =	stream.indirect_vreg.gather [hbm4b:s6+s3], $0x80, v3, vm0, $0xb8;
	[tilespmem:$0x10180] =	vst v63  }
0x21a: {  	s17 =	simm.s32 $0xB980  }
0x21b: {  	[tilespmem:s17], [sflag:$0x3] =	stream.indirect_vreg.gather [hbm4b:s7+s3], $0x80, v3, vm0, $0xb8;
	[tilespmem:$0x10180] =	vst v63  }
0x21c: {  	_ =	swait.ge [sflag:s23], $0x4000  }
0x21d: {  	[sflag:s23] =	ssyncset.done $0x0  }
0x21e: {  	s19 =	rddreg [dreg:$0x12];
	[sflag:s23] =	ssyncadd.s32 $0xFFFFC000  }
0x21f: {  	[hbm4b:s19+s3] =	stream.linear.scatter [tilespmem:s11], [sflag:$0x5], $0x4000, $0x38;
	[tilespmem:$0x10180] =	vst v63  }
0x220: {  	_ =	swait.ge [sflag:s9], $0x4000  }
0x221: {  	[sflag:s9] =	ssyncset.done $0x0  }
0x222: {  	[sflag:s9] =	ssyncadd.s32 $0xFFFFC000  }
0x223: {  	v3 =	vld [tilespmem:$0x130];
	_ =	sdelay $0x4  }
0x224: {  	v63 =	vshll.u32 v3, $0x3  }
0x225: {  	v3 =	vand.u32 $0x7, v3;
	v4 =	vand.u32 $0xFFFFFFC0, v63  }
0x226: {  	v3 =	vor.u32 v3, v4  }
0x227: {  	v4 =	vperm.xlane v3, v0;
	_ =	sdelay $0x1  }
0x228: {  	v4 =	vadd.s32 v1, v4;
	_ =	sdelay $0x4  }
0x229: {  	[tilespmem:s11], [sflag:$0x4] =	stream.indirect_vreg.gather [hbm4b:s2+s3], $0x80, v4, vm0, $0xb8;
	[tilespmem:$0x10180] =	vst v63  }
0x22a: {  	s12 =	simm.s32 $0xC980;
	v3 =	vperm.xlane v3, v2  }
0x22b: {  	[tilespmem:s12], [sflag:$0x4] =	stream.indirect_vreg.gather [hbm4b:s5+s3], $0x80, v4, vm0, $0xb8;
	[tilespmem:$0x10180] =	vst v63  }
0x22c: {  	s25 =	simm.s32 $0xD180;
	v3 =	vadd.s32 v1, v3  }
0x22d: {  	[tilespmem:s25], [sflag:$0x4] =	stream.indirect_vreg.gather [hbm4b:s6+s3], $0x80, v4, vm0, $0xb8;
	[tilespmem:$0x10180] =	vst v63  }
0x22e: {  	s28 =	simm.s32 $0xD980  }
0x22f: {  	[tilespmem:s28], [sflag:$0x4] =	stream.indirect_vreg.gather [hbm4b:s7+s3], $0x80, v4, vm0, $0xb8;
	[tilespmem:$0x10180] =	vst v63  }
0x230: {  	s29 =	simm.s32 $0xE180  }
0x231: {  	[tilespmem:s29], [sflag:$0x4] =	stream.indirect_vreg.gather [hbm4b:s2+s3], $0x80, v3, vm0, $0xb8;
	[tilespmem:$0x10180] =	vst v63  }
0x232: {  	s25 =	simm.s32 $0xE980  }
0x233: {  	[tilespmem:s25], [sflag:$0x4] =	stream.indirect_vreg.gather [hbm4b:s5+s3], $0x80, v3, vm0, $0xb8;
	[tilespmem:$0x10180] =	vst v63  }
0x234: {  	s31 =	simm.s32 $0xF180  }
0x235: {  	[tilespmem:s31], [sflag:$0x4] =	stream.indirect_vreg.gather [hbm4b:s6+s3], $0x80, v3, vm0, $0xb8;
	[tilespmem:$0x10180] =	vst v63  }
0x236: {  	s14 =	simm.s32 $0xF980  }
0x237: {  	[tilespmem:s14], [sflag:$0x4] =	stream.indirect_vreg.gather [hbm4b:s7+s3], $0x80, v3, vm0, $0xb8;
	[tilespmem:$0x10180] =	vst v63  }
0x238: {  	_ =	swait.ge [sflag:s20], $0x4000  }
0x239: {  	[sflag:s20] =	ssyncset.done $0x0  }
0x23a: {  	s28 =	rddreg [dreg:$0x13];
	[sflag:s20] =	ssyncadd.s32 $0xFFFFC000  }
0x23b: {  	[hbm4b:s28+s3] =	stream.linear.scatter [tilespmem:s13], [sflag:$0x5], $0x4000, $0x38;
	[tilespmem:$0x10180] =	vst v63  }
0x23c: {  	_ =	swait.ge [sflag:s9], $0x4000  }
0x23d: {  	[sflag:s9] =	ssyncset.done $0x0  }
0x23e: {  	[sflag:s9] =	ssyncadd.s32 $0xFFFFC000  }
0x23f: {  	_ =	swait.ge [sflag:s21], $0x4000  }
0x240: {  	[sflag:s21] =	ssyncset.done $0x0  }
0x241: {  	s29 =	rddreg [dreg:$0x14];
	[sflag:s21] =	ssyncadd.s32 $0xFFFFC000  }
0x242: {  	[hbm4b:s29+s3] =	stream.linear.scatter [tilespmem:s18], [sflag:$0x5], $0x4000, $0x38;
	[tilespmem:$0x10180] =	vst v63  }
0x243: {  	_ =	swait.ge [sflag:s9], $0x4000  }
0x244: {  	[sflag:s9] =	ssyncset.done $0x0  }
0x245: {  	[sflag:s9] =	ssyncadd.s32 $0xFFFFC000  }
0x246: {  	_ =	swait.ge [sflag:s22], $0x4000  }
0x247: {  	[sflag:s22] =	ssyncset.done $0x0  }
0x248: {  	s30 =	rddreg [dreg:$0x15];
	[sflag:s22] =	ssyncadd.s32 $0xFFFFC000  }
0x249: {  	[hbm4b:s30+s3] =	stream.linear.scatter [tilespmem:s26], [sflag:$0x5], $0x4000, $0x38;
	[tilespmem:$0x10180] =	vst v63  }
0x24a: {  	_ =	swait.ge [sflag:s9], $0x4000  }
0x24b: {  	[sflag:s9] =	ssyncset.done $0x0  }
0x24c: {  	[sflag:s9] =	ssyncadd.s32 $0xFFFFC000  }
0x24d: {  	_ =	swait.ge [sflag:s23], $0x4000  }
0x24e: {  	p0 =	sne.s32 s8, $0x1;
	[sflag:s23] =	ssyncset.done $0x0  }
.Ltmp0:
0x24f: {  	s31 =	rddreg [dreg:$0x16];
	[sflag:s23] =	ssyncadd.s32 $0xFFFFC000;
	(pc) =	sbr.rel @p0 .LBB2_1-.Ltmp0, $4  }
0x250: {  	[hbm4b:s31+s3] =	stream.linear.scatter [tilespmem:s11], [sflag:$0x5], $0x4000, $0x38;
	[tilespmem:$0x10180] =	vst v63  }
0x251: {  	_ =	swait.ge [sflag:s9], $0x4000  }
0x252: {  	[sflag:s9] =	ssyncset.done $0x0  }
0x253: {  	s8 =	sadd.s32 $0xFFFFFFFF, s8;
	[sflag:s9] =	ssyncadd.s32 $0xFFFFC000  }
0x254: {  	_ =	sfence.sel $0x180000  }
0x255: {  	[bflag:$0x0] =	sbarrier.arrive $0xFFFF  }
0x256: {  	_ =	strace $0x90000047  }
0x257: {  	s0 =	stileid.u32;
	[bflag:$0x2] =	sbarrier.arrive $0xFFFF  }
0x258: {  	p0 =	sne.s32 s0, $0x0;
	s0 =	rddreg [dreg:$0x2]  }
0x259: {  	s0 =	sadd.s32 @!p0 $0x100000, s0  }
0x25a: {  	[sflag:s0] =	ssyncadd.tile.s32 @!p0 $0x1;
	_ =	shalt  }
.Lfunc_end2:
_tile_overlayer_lowered:
.L_overlay_start_2:
0x25b: {  	(tag) =	ssettag $0x2  }
0x25c: {  	s0 =	rddreg [dreg:$0x0];
	s2 =	stileid.u32  }
0x25d: {  	s1 =	rddreg [dreg:$0x1];
	p0 =	sne.s32 s2, $0x0  }
0x25e: {  	s3 =	rddreg [dreg:$0x2];
	[bflag:$0x3] =	sbarrier.arrive $0xFFFF;
	s2 =	simm.s32 @!p0 $0x1C05  }
0x25f: {  	[timem:s3], [sflag:s2] =	dma.local @!p0 [hbm:s0], s1  }
0x260: {  	s0 =	simm.s32 @!p0 $0x5  }
0x261: {  	_ =	swait.ge @!p0 [sflag:s0], s1  }
0x262: {  	s1 =	ssub.s32 @!p0 $0x0, s1;
	[sflag:s0] =	ssyncset.done @!p0 $0x0  }
0x263: {  	[sflag:s0] =	ssyncadd.s32 @!p0 s1  }
0x264: {  	[bflag:$0x3] =	sbarrier.arrive $0xFFFF  }
0x265: {  	_ =	shalt  }

</sc_bundles>
